<compile_context>
chip_gen: v7x
topology: tpu7x:2x2x1
jax: 0.10.2.dev20260603
libtpu: 0.0.44.dev20260713+nightly
codegen_flags: <defaults>
</compile_context>

<pallas_src>
import functools

import jax
import jax.numpy as jnp
from jax import lax
from jax.experimental import pallas as pl
from jax.experimental.pallas import tpu as pltpu
from jax.experimental.pallas import tpu_sc as plsc

N_NODES = 10000
N_EDGES = 160000
F_DIM = 256
DE_DIM = 16

NC = 2
NS = 16
NW = NC * NS


_ROWS_BLK = 1000


def _rne16(x):
    b = jax.lax.bitcast_convert_type(x, jnp.int32)
    r = b + 0x7FFF + jax.lax.shift_right_logical(b, 16) % 2
    return jax.lax.shift_right_logical(r, 16)


def _pack2(gate_f32, core_f32):
    return _rne16(gate_f32) | (_rne16(core_f32) << 16)


def _unpack_lo(w):
    return jax.lax.bitcast_convert_type(w << 16, jnp.float32)


def _unpack_hi(w):
    return jax.lax.bitcast_convert_type(w & jnp.int32(-65536), jnp.float32)


def _tables_body(x_ref, wfd_ref, wsd_ref, wfs_ref, wss_ref, d_ref, s_ref):
    xb = x_ref[...]
    d_ref[...] = _pack2(
        jnp.dot(xb, wfd_ref[...], preferred_element_type=jnp.float32),
        jnp.dot(xb, wsd_ref[...], preferred_element_type=jnp.float32))
    s_ref[...] = _pack2(
        jnp.dot(xb, wfs_ref[...], preferred_element_type=jnp.float32),
        jnp.dot(xb, wss_ref[...], preferred_element_type=jnp.float32))


def _node_tables(x, wfd, wsd, wfs, wss):
    grid = (N_NODES // _ROWS_BLK,)
    wspec = pl.BlockSpec((F_DIM, F_DIM), lambda i: (0, 0))
    return pl.pallas_call(
        _tables_body,
        grid=grid,
        in_specs=[
            pl.BlockSpec((_ROWS_BLK, F_DIM), lambda i: (i, 0)),
            wspec, wspec, wspec, wspec,
        ],
        out_specs=[
            pl.BlockSpec((_ROWS_BLK, F_DIM), lambda i: (i, 0)),
            pl.BlockSpec((_ROWS_BLK, F_DIM), lambda i: (i, 0)),
        ],
        out_shape=[
            jax.ShapeDtypeStruct((N_NODES, F_DIM), jnp.int32),
            jax.ShapeDtypeStruct((N_NODES, F_DIM), jnp.int32),
        ],
    )(x, wfd, wsd, wfs, wss)



def _make_edge_gather(n_edges, gch):
    ew = n_edges // NS
    git = ew // gch

    def _gather_kernel(d_hbm, s_hbm, dst_hbm, src_hbm, rd_hbm, rs_hbm,
                       idxv, buf0, buf1, sem0, sem1):
        c = lax.axis_index("c")
        s = lax.axis_index("s")
        base = s * ew
        bufs = (buf0, buf1)
        sems = (sem0, sem1)

        def run(tab_hbm, idx_hbm, out_hbm):
            pltpu.sync_copy(idx_hbm.at[pl.ds(base, ew)], idxv)

            def start(b, i):
                pltpu.async_copy(tab_hbm.at[idxv.at[pl.ds(i * gch, gch)]],
                                 bufs[b], sems[b])

            def finish(b, i):
                pltpu.make_async_copy(
                    tab_hbm.at[idxv.at[pl.ds(i * gch, gch)]],
                    bufs[b], sems[b]).wait()
                pltpu.sync_copy(bufs[b],
                                out_hbm.at[pl.ds(base + i * gch, gch)])

            start(0, 0)
            start(1, 1)

            def body(g, carry):
                for b in range(2):
                    i = 2 * g + b
                    finish(b, i)

                    @pl.when(i + 2 < git)
                    def _():
                        start(b, i + 2)
                return carry

            lax.fori_loop(0, git // 2, body, 0)
            if git % 2:
                finish(0, git - 1)

        @pl.when(c == 0)
        def _():
            run(d_hbm, dst_hbm, rd_hbm)

        @pl.when(c == 1)
        def _():
            run(s_hbm, src_hbm, rs_hbm)

    def call(d, s, dst, src):
        k = functools.partial(
            pl.kernel,
            mesh=plsc.VectorSubcoreMesh(core_axis_name="c",
                                        subcore_axis_name="s"),
            out_type=[
                jax.ShapeDtypeStruct((n_edges, F_DIM), jnp.int32),
                jax.ShapeDtypeStruct((n_edges, F_DIM), jnp.int32),
            ],
            scratch_types=[
                pltpu.VMEM((ew,), jnp.int32),
                pltpu.VMEM((gch, F_DIM), jnp.int32),
                pltpu.VMEM((gch, F_DIM), jnp.int32),
                pltpu.SemaphoreType.DMA,
                pltpu.SemaphoreType.DMA,
            ],
        )(_gather_kernel)
        return k(d, s, dst, src)

    return call


_EHALF = N_EDGES // 2
_edge_gather_half = _make_edge_gather(_EHALF, 200)



_EDGE_BLK = 2000


def _msg_body(rd_ref, rs_ref, ea_ref, weg_ref, wec_ref, bg_ref, bc_ref,
              m0_ref, m1_ref):
    wd = rd_ref[...]
    ws = rs_ref[...]
    ea = ea_ref[...]
    g = (_unpack_lo(wd) + _unpack_lo(ws)
         + jnp.dot(ea, weg_ref[...], preferred_element_type=jnp.float32)
         + bg_ref[...])
    c = (_unpack_hi(wd) + _unpack_hi(ws)
         + jnp.dot(ea, wec_ref[...], preferred_element_type=jnp.float32)
         + bc_ref[...])
    gate = 1.0 / (1.0 + jnp.exp(-g))
    sp = jnp.maximum(c, 0.0) + jnp.log(1.0 + jnp.exp(-jnp.abs(c)))
    msg = gate * sp
    m0_ref[...] = msg[:, : F_DIM // 2]
    m1_ref[...] = msg[:, F_DIM // 2:]


def _edge_messages_half(rd, rs, ea, weg, wec, bg, bc, half):
    grid = (_EHALF // _EDGE_BLK,)
    off = half * (_EHALF // _EDGE_BLK)
    wspec = pl.BlockSpec((DE_DIM, F_DIM), lambda i: (0, 0))
    bspec = pl.BlockSpec((1, F_DIM), lambda i: (0, 0))
    return pl.pallas_call(
        _msg_body,
        grid=grid,
        in_specs=[
            pl.BlockSpec((_EDGE_BLK, F_DIM), lambda i: (i, 0)),
            pl.BlockSpec((_EDGE_BLK, F_DIM), lambda i: (i, 0)),
            pl.BlockSpec((_EDGE_BLK, DE_DIM), lambda i: (i + off, 0)),
            wspec, wspec, bspec, bspec,
        ],
        out_specs=[
            pl.BlockSpec((_EDGE_BLK, F_DIM // 2), lambda i: (i, 0)),
            pl.BlockSpec((_EDGE_BLK, F_DIM // 2), lambda i: (i, 0)),
        ],
        out_shape=[
            jax.ShapeDtypeStruct((_EHALF, F_DIM // 2), jnp.float32),
            jax.ShapeDtypeStruct((_EHALF, F_DIM // 2), jnp.float32),
        ],
    )(rd, rs, ea, weg, wec, bg, bc)



_ZROWS = 1000
_ZTILES = N_NODES // _ZROWS
_HF = F_DIM // 2


def _make_scatter_add(n_edges, sch):
    et = n_edges // NS
    sit = et // sch

    def _scatter_kernel(m0_hbm, m1_hbm, dst3d_hbm, z0_hbm, z1_hbm,
                        a0_hbm, a1_hbm,
                        idxv, mbuf0, mbuf1, acc_sh,
                        seml0, seml1, semc0, semc1):
        c = lax.axis_index("c")
        s = lax.axis_index("s")

        @pl.when(jnp.logical_and(c == 0, s < _ZTILES))
        def _():
            pltpu.sync_copy(z0_hbm.at[pl.ds(s * _ZROWS, _ZROWS)],
                            acc_sh.at[pl.ds(s * _ZROWS, _ZROWS)])

        @pl.when(jnp.logical_and(c == 1, s < _ZTILES))
        def _():
            pltpu.sync_copy(z1_hbm.at[pl.ds(s * _ZROWS, _ZROWS)],
                            acc_sh.at[pl.ds(s * _ZROWS, _ZROWS)])

        plsc.subcore_barrier()
        pltpu.sync_copy(dst3d_hbm.at[s], idxv)

        mbufs = (mbuf0, mbuf1)
        semls = (seml0, seml1)
        semcs = (semc0, semc1)

        def run(m_hbm):
            def startload(b, i):
                pltpu.async_copy(m_hbm.at[pl.ds(s * et + i * sch, sch)],
                                 mbufs[b], semls[b])

            def finish(b, i):
                pltpu.make_async_copy(
                    m_hbm.at[pl.ds(s * et + i * sch, sch)],
                    mbufs[b], semls[b]).wait()
                pltpu.async_copy(mbufs[b], acc_sh.at[idxv.at[i]], semcs[b],
                                 add=True)
                pltpu.make_async_copy(mbufs[b], acc_sh.at[idxv.at[i]],
                                      semcs[b]).wait()

            startload(0, 0)
            startload(1, 1)

            def body(g, carry):
                for b in range(2):
                    i = 2 * g + b
                    finish(b, i)

                    @pl.when(i + 2 < sit)
                    def _():
                        startload(b, i + 2)
                return carry

            lax.fori_loop(0, sit // 2, body, 0)
            if sit % 2:
                finish(0, sit - 1)

        @pl.when(c == 0)
        def _():
            run(m0_hbm)

        @pl.when(c == 1)
        def _():
            run(m1_hbm)

        plsc.subcore_barrier()

        @pl.when(jnp.logical_and(c == 0, s < _ZTILES))
        def _():
            pltpu.sync_copy(acc_sh.at[pl.ds(s * _ZROWS, _ZROWS)],
                            a0_hbm.at[pl.ds(s * _ZROWS, _ZROWS)])

        @pl.when(jnp.logical_and(c == 1, s < _ZTILES))
        def _():
            pltpu.sync_copy(acc_sh.at[pl.ds(s * _ZROWS, _ZROWS)],
                            a1_hbm.at[pl.ds(s * _ZROWS, _ZROWS)])

    def call(m0, m1, dst3d, z0, z1):
        k = functools.partial(
            pl.kernel,
            mesh=plsc.VectorSubcoreMesh(core_axis_name="c",
                                        subcore_axis_name="s"),
            out_type=[
                jax.ShapeDtypeStruct((N_NODES, _HF), jnp.float32),
                jax.ShapeDtypeStruct((N_NODES, _HF), jnp.float32),
            ],
            scratch_types=[
                pltpu.VMEM((sit, sch), jnp.int32),
                pltpu.VMEM((sch, _HF), jnp.float32),
                pltpu.VMEM((sch, _HF), jnp.float32),
                pltpu.VMEM_SHARED((N_NODES, _HF), jnp.float32),
                pltpu.SemaphoreType.DMA,
                pltpu.SemaphoreType.DMA,
                pltpu.SemaphoreType.DMA,
                pltpu.SemaphoreType.DMA,
            ],
        )(_scatter_kernel)
        return k(m0, m1, dst3d, z0, z1)

    return call


_SCH = 40
_scatter_add_half = _make_scatter_add(_EHALF, _SCH)




def _mlp_body(x_ref, a0_ref, a1_ref, wffw_ref, bffw_ref, wproj_ref,
              bproj_ref, o_ref):
    h = x_ref[...] + jnp.concatenate([a0_ref[...], a1_ref[...]], axis=1)
    h = jnp.maximum(
        jnp.dot(h, wffw_ref[...], preferred_element_type=jnp.float32)
        + bffw_ref[...], 0.0)
    o_ref[...] = (jnp.dot(h, wproj_ref[...], preferred_element_type=jnp.float32)
                  + bproj_ref[...])


def _out_mlp(x, a0, a1, wffw, bffw, wproj, bproj):
    grid = (N_NODES // _ROWS_BLK,)
    return pl.pallas_call(
        _mlp_body,
        grid=grid,
        in_specs=[
            pl.BlockSpec((_ROWS_BLK, F_DIM), lambda i: (i, 0)),
            pl.BlockSpec((_ROWS_BLK, _HF), lambda i: (i, 0)),
            pl.BlockSpec((_ROWS_BLK, _HF), lambda i: (i, 0)),
            pl.BlockSpec((F_DIM, F_DIM), lambda i: (0, 0)),
            pl.BlockSpec((1, F_DIM), lambda i: (0, 0)),
            pl.BlockSpec((F_DIM, F_DIM), lambda i: (0, 0)),
            pl.BlockSpec((1, F_DIM), lambda i: (0, 0)),
        ],
        out_specs=pl.BlockSpec((_ROWS_BLK, F_DIM), lambda i: (i, 0)),
        out_shape=jax.ShapeDtypeStruct((N_NODES, F_DIM), jnp.float32),
    )(x, a0, a1, wffw, bffw, wproj, bproj)




def kernel(x, edge_index, edge_attr, Wf, bf, Ws, bs, Wffw, bffw, Wproj, bproj):
    src = edge_index[0]
    dst = edge_index[1]
    d_tab, s_tab = _node_tables(x, Wf[:F_DIM], Ws[:F_DIM],
                                Wf[F_DIM:2 * F_DIM], Ws[F_DIM:2 * F_DIM])
    weg, wec = Wf[2 * F_DIM:], Ws[2 * F_DIM:]
    bg, bc = bf.reshape(1, F_DIM), bs.reshape(1, F_DIM)
    rd0, rs0 = _edge_gather_half(d_tab, s_tab, dst[:_EHALF], src[:_EHALF])
    rd1, rs1 = _edge_gather_half(d_tab, s_tab, dst[_EHALF:], src[_EHALF:])
    m0a, m1a = _edge_messages_half(rd0, rs0, edge_attr, weg, wec, bg, bc, 0)
    m0b, m1b = _edge_messages_half(rd1, rs1, edge_attr, weg, wec, bg, bc, 1)
    sit = (_EHALF // NS) // _SCH
    dst3d_a = dst[:_EHALF].reshape(NS, sit, _SCH)
    dst3d_b = dst[_EHALF:].reshape(NS, sit, _SCH)
    zeros_full = jnp.zeros((N_NODES, _HF), jnp.float32)
    a0p, a1p = _scatter_add_half(m0a, m1a, dst3d_a, zeros_full, zeros_full)
    a0, a1 = _scatter_add_half(m0b, m1b, dst3d_b, a0p, a1p)
    return _out_mlp(x, a0, a1, bffw=bffw.reshape(1, F_DIM), wffw=Wffw,
                    wproj=Wproj, bproj=bproj.reshape(1, F_DIM))

# --- scband reference (transcript-rebuilt; emitter-appended) ---
"""Pipeline reference for scband-crystal-graph-encoder-51127290692123 (READ-ONLY COPY).

The authoritative reference and input builder live on the scoring server;
editing this copy changes nothing except your own understanding.
"""

import jax, jax.numpy as jnp
import numpy as np

N = 10000
E = 160000
F = 256
DE = 16


def setup_inputs(seed: int = 0) -> dict:
    key = jax.random.key(seed)
    ks = jax.random.split(key, 12)
    x = jax.random.normal(ks[0], (N, F), dtype=jnp.float32)
    edge_index = jax.random.randint(ks[1], (2, E), 0, N, dtype=jnp.int32)
    edge_attr = jax.random.normal(ks[2], (E, DE), dtype=jnp.float32)
    zin = 2 * F + DE
    s1 = 1.0 / np.sqrt(zin)
    s2 = 1.0 / np.sqrt(F)
    Wf = jax.random.normal(ks[3], (zin, F), dtype=jnp.float32) * s1
    bf = jnp.zeros((F,), dtype=jnp.float32)
    Ws = jax.random.normal(ks[4], (zin, F), dtype=jnp.float32) * s1
    bs = jnp.zeros((F,), dtype=jnp.float32)
    Wffw = jax.random.normal(ks[5], (F, F), dtype=jnp.float32) * s2
    bffw = jnp.zeros((F,), dtype=jnp.float32)
    Wproj = jax.random.normal(ks[6], (F, F), dtype=jnp.float32) * s2
    bproj = jnp.zeros((F,), dtype=jnp.float32)
    return {"x": x, "edge_index": edge_index, "edge_attr": edge_attr,
            "Wf": Wf, "bf": bf, "Ws": Ws, "bs": bs,
            "Wffw": Wffw, "bffw": bffw, "Wproj": Wproj, "bproj": bproj}


def reference(x, edge_index, edge_attr, Wf, bf, Ws, bs, Wffw, bffw, Wproj, bproj):
    # CGConv (PyG): message from src j to dst i; z_ij = [x_i, x_j, e_ij]
    src = edge_index[0]
    dst = edge_index[1]
    x_i = jnp.take(x, dst, axis=0)
    x_j = jnp.take(x, src, axis=0)
    z = jnp.concatenate([x_i, x_j, edge_attr], axis=1)
    gate = jax.nn.sigmoid(z @ Wf + bf)
    core = jax.nn.softplus(z @ Ws + bs)
    msg = gate * core
    agg = jax.ops.segment_sum(msg, dst, num_segments=N)
    h = x + agg  # CGConv residual
    # MultiLayerPercetronLayer: Linear + ReLU
    h = jax.nn.relu(h @ Wffw + bffw)
    # final projection
    out = h @ Wproj + bproj
    return out

if __name__ == "__main__":
    import jax
    _d = setup_inputs()
    print(jax.jit(kernel)(*tuple(_d.values())))

</pallas_src>

<mosaic_0001>
#map = affine_map<(d0, d1) -> (0, 0)>
#map1 = affine_map<(d0, d1) -> (0)>
module attributes {stable_mosaic.version = 14 : i64} {
  func.func @_gather_kernel(%arg0: i32, %arg1: i32, %arg2: memref<10000x256xi32, #tpu.memory_space<hbm>>, %arg3: memref<10000x256xi32, #tpu.memory_space<hbm>>, %arg4: memref<80000xi32, #tpu.memory_space<hbm>>, %arg5: memref<80000xi32, #tpu.memory_space<hbm>>, %arg6: memref<80000x256xi32, #tpu.memory_space<hbm>>, %arg7: memref<80000x256xi32, #tpu.memory_space<hbm>>, %arg8: memref<5000xi32, #tpu.memory_space<vmem>>, %arg9: memref<200x256xi32, #tpu.memory_space<vmem>>, %arg10: memref<200x256xi32, #tpu.memory_space<vmem>>, %arg11: memref<!tpu.dma_semaphore, #tpu.memory_space<semaphore_mem>>, %arg12: memref<!tpu.dma_semaphore, #tpu.memory_space<semaphore_mem>>) attributes {dimension_semantics = [#tpu.dimension_semantics<core_parallel>, #tpu.dimension_semantics<subcore_parallel>], iteration_bounds = array<i64: 2, 16>, scalar_prefetch = 0 : i64, scratch_operands = 5 : i64, tpu.core_type = #tpu.core_type<sc_vector_subcore>, window_params = [{transform_indices = #map}, {transform_indices = #map}, {transform_indices = #map1}, {transform_indices = #map1}, {transform_indices = #map}, {transform_indices = #map}]} {
    %mul3A = arith.constant 5000 : i32
    %mul3A_0 = arith.muli %arg1, %mul3A : i32
    %eq3A = arith.constant 0 : i32
    %eq3A_1 = arith.cmpi eq, %arg0, %eq3A : i32
    %convert_element_type3A = arith.extui %eq3A_1 : i1 to i32
    %cond3A = arith.constant 0 : i32
    %cond3A_2 = arith.cmpi ne, %convert_element_type3A, %cond3A : i32
    scf.if %cond3A_2 {
      "tpu.region"() ({
        %run_scoped3A = tpu.sem_alloc : memref<!tpu.dma_semaphore, #tpu.memory_space<semaphore_mem>>
        %dma_start3A_27 = tpu.memref_slice %arg4[%mul3A_0] : memref<80000xi32, #tpu.memory_space<hbm>> -> memref<5000xi32, #tpu.memory_space<hbm>>
        %dma_start3A_28 = tpu.memref_slice %arg4[%mul3A_0] : memref<80000xi32, #tpu.memory_space<hbm>> -> memref<5000xi32, #tpu.memory_space<hbm>>
        tpu.enqueue_dma source(%dma_start3A_28 : memref<5000xi32, #tpu.memory_space<hbm>>) target(%arg8 : memref<5000xi32, #tpu.memory_space<vmem>>) target_semaphore(%run_scoped3A : memref<!tpu.dma_semaphore, #tpu.memory_space<semaphore_mem>>)
        %dma_wait3A_29 = tpu.memref_slice %arg4[%mul3A_0] : memref<80000xi32, #tpu.memory_space<hbm>> -> memref<5000xi32, #tpu.memory_space<hbm>>
        %dma_wait3A_30 = tpu.memref_slice %arg4[%mul3A_0] : memref<80000xi32, #tpu.memory_space<hbm>> -> memref<5000xi32, #tpu.memory_space<hbm>>
        tpu.wait_dma2 semaphore(%run_scoped3A : memref<!tpu.dma_semaphore, #tpu.memory_space<semaphore_mem>>) src(%dma_wait3A_30 : memref<5000xi32, #tpu.memory_space<hbm>>) dst(%arg8 : memref<5000xi32, #tpu.memory_space<vmem>>)
        tpu.yield
      }) : () -> ()
      %dma_start3A = arith.constant 0 : i32
      %dma_start3A_8 = tpu.memref_slice %arg8[%dma_start3A] : memref<5000xi32, #tpu.memory_space<vmem>> -> memref<200xi32, #tpu.memory_space<vmem>>
      %dma_start3A_9 = arith.constant 0 : i32
      %dma_start3A_10 = arith.constant 0 : i32
      %dma_start3A_11 = tpu.memref_slice %arg2[%dma_start3A_9, %dma_start3A_10] : memref<10000x256xi32, #tpu.memory_space<hbm>> -> memref<10000x256xi32, #tpu.memory_space<hbm>>
      tpu.enqueue_indirect_dma source(%dma_start3A_11 : memref<10000x256xi32, #tpu.memory_space<hbm>>) target(%arg9 : memref<200x256xi32, #tpu.memory_space<vmem>>) offsets(%dma_start3A_8 : memref<200xi32, #tpu.memory_space<vmem>>) semaphore(%arg11 : memref<!tpu.dma_semaphore, #tpu.memory_space<semaphore_mem>>)
      %dma_start3A_12 = arith.constant 200 : i32
      %dma_start3A_13 = tpu.memref_slice %arg8[%dma_start3A_12] : memref<5000xi32, #tpu.memory_space<vmem>> -> memref<200xi32, #tpu.memory_space<vmem>>
      %dma_start3A_14 = arith.constant 0 : i32
      %dma_start3A_15 = arith.constant 0 : i32
      %dma_start3A_16 = tpu.memref_slice %arg2[%dma_start3A_14, %dma_start3A_15] : memref<10000x256xi32, #tpu.memory_space<hbm>> -> memref<10000x256xi32, #tpu.memory_space<hbm>>
      tpu.enqueue_indirect_dma source(%dma_start3A_16 : memref<10000x256xi32, #tpu.memory_space<hbm>>) target(%arg10 : memref<200x256xi32, #tpu.memory_space<vmem>>) offsets(%dma_start3A_13 : memref<200xi32, #tpu.memory_space<vmem>>) semaphore(%arg12 : memref<!tpu.dma_semaphore, #tpu.memory_space<semaphore_mem>>)
      %scan3A = arith.constant 0 : i32
      %scan3A_17 = arith.constant 0 : i32
      %scan3A_18 = arith.constant 12 : i32
      %scan3A_19 = arith.addi %scan3A_17, %scan3A_18 : i32
      %scan3A_20 = arith.constant 1 : i32
      scf.for %scan3A_27 = %scan3A_17 to %scan3A_19 step %scan3A_20  : i32 {
        %mul3A_28 = arith.constant 2 : i32
        %mul3A_29 = arith.muli %mul3A_28, %scan3A_27 : i32
        %add3A_30 = arith.constant 0 : i32
        %add3A_31 = arith.addi %mul3A_29, %add3A_30 : i32
        %mul3A_32 = arith.constant 200 : i32
        %mul3A_33 = arith.muli %add3A_31, %mul3A_32 : i32
        %dma_wait3A_34 = tpu.memref_slice %arg8[%mul3A_33] : memref<5000xi32, #tpu.memory_space<vmem>> -> memref<200xi32, #tpu.memory_space<vmem>>
        %dma_wait3A_35 = arith.constant 0 : i32
        %dma_wait3A_36 = arith.constant 0 : i32
        %dma_wait3A_37 = tpu.memref_slice %arg2[%dma_wait3A_35, %dma_wait3A_36] : memref<10000x256xi32, #tpu.memory_space<hbm>> -> memref<10000x256xi32, #tpu.memory_space<hbm>>
        tpu.wait_indirect_dma semaphore(%arg11 : memref<!tpu.dma_semaphore, #tpu.memory_space<semaphore_mem>>) src(%dma_wait3A_37 : memref<10000x256xi32, #tpu.memory_space<hbm>>) dst(%arg9 : memref<200x256xi32, #tpu.memory_space<vmem>>)
        %mul3A_38 = arith.constant 200 : i32
        %mul3A_39 = arith.muli %add3A_31, %mul3A_38 : i32
        %add3A_40 = arith.addi %mul3A_0, %mul3A_39 : i32
        "tpu.region"() ({
          %run_scoped3A = tpu.sem_alloc : memref<!tpu.dma_semaphore, #tpu.memory_space<semaphore_mem>>
          %dma_start3A_67 = arith.constant 0 : i32
          %dma_start3A_68 = tpu.memref_slice %arg6[%add3A_40, %dma_start3A_67] : memref<80000x256xi32, #tpu.memory_space<hbm>> -> memref<200x256xi32, #tpu.memory_space<hbm>>
          %dma_start3A_69 = arith.constant 0 : i32
          %dma_start3A_70 = tpu.memref_slice %arg6[%add3A_40, %dma_start3A_69] : memref<80000x256xi32, #tpu.memory_space<hbm>> -> memref<200x256xi32, #tpu.memory_space<hbm>>
          tpu.enqueue_dma source(%arg9 : memref<200x256xi32, #tpu.memory_space<vmem>>) target(%dma_start3A_70 : memref<200x256xi32, #tpu.memory_space<hbm>>) target_semaphore(%run_scoped3A : memref<!tpu.dma_semaphore, #tpu.memory_space<semaphore_mem>>)
          %dma_wait3A_71 = arith.constant 0 : i32
          %dma_wait3A_72 = tpu.memref_slice %arg6[%add3A_40, %dma_wait3A_71] : memref<80000x256xi32, #tpu.memory_space<hbm>> -> memref<200x256xi32, #tpu.memory_space<hbm>>
          %dma_wait3A_73 = arith.constant 0 : i32
          %dma_wait3A_74 = tpu.memref_slice %arg6[%add3A_40, %dma_wait3A_73] : memref<80000x256xi32, #tpu.memory_space<hbm>> -> memref<200x256xi32, #tpu.memory_space<hbm>>
          tpu.wait_dma2 semaphore(%run_scoped3A : memref<!tpu.dma_semaphore, #tpu.memory_space<semaphore_mem>>) src(%arg9 : memref<200x256xi32, #tpu.memory_space<vmem>>) dst(%dma_wait3A_74 : memref<200x256xi32, #tpu.memory_space<hbm>>)
          tpu.yield
        }) : () -> ()
        %add3A_41 = arith.constant 2 : i32
        %add3A_42 = arith.addi %add3A_31, %add3A_41 : i32
        %lt3A = arith.constant 25 : i32
        %lt3A_43 = arith.cmpi slt, %add3A_42, %lt3A : i32
        %convert_element_type3A_44 = arith.extui %lt3A_43 : i1 to i32
        %cond3A_45 = arith.constant 0 : i32
        %cond3A_46 = arith.cmpi ne, %convert_element_type3A_44, %cond3A_45 : i32
        scf.if %cond3A_46 {
          %add3A_67 = arith.constant 2 : i32
          %add3A_68 = arith.addi %add3A_31, %add3A_67 : i32
          %mul3A_69 = arith.constant 200 : i32
          %mul3A_70 = arith.muli %add3A_68, %mul3A_69 : i32
          %dma_start3A_71 = tpu.memref_slice %arg8[%mul3A_70] : memref<5000xi32, #tpu.memory_space<vmem>> -> memref<200xi32, #tpu.memory_space<vmem>>
          %dma_start3A_72 = arith.constant 0 : i32
          %dma_start3A_73 = arith.constant 0 : i32
          %dma_start3A_74 = tpu.memref_slice %arg2[%dma_start3A_72, %dma_start3A_73] : memref<10000x256xi32, #tpu.memory_space<hbm>> -> memref<10000x256xi32, #tpu.memory_space<hbm>>
          tpu.enqueue_indirect_dma source(%dma_start3A_74 : memref<10000x256xi32, #tpu.memory_space<hbm>>) target(%arg9 : memref<200x256xi32, #tpu.memory_space<vmem>>) offsets(%dma_start3A_71 : memref<200xi32, #tpu.memory_space<vmem>>) semaphore(%arg11 : memref<!tpu.dma_semaphore, #tpu.memory_space<semaphore_mem>>)
        } else {
        }
        %mul3A_47 = arith.constant 2 : i32
        %mul3A_48 = arith.muli %mul3A_47, %scan3A_27 : i32
        %add3A_49 = arith.constant 1 : i32
        %add3A_50 = arith.addi %mul3A_48, %add3A_49 : i32
        %mul3A_51 = arith.constant 200 : i32
        %mul3A_52 = arith.muli %add3A_50, %mul3A_51 : i32
        %dma_wait3A_53 = tpu.memref_slice %arg8[%mul3A_52] : memref<5000xi32, #tpu.memory_space<vmem>> -> memref<200xi32, #tpu.memory_space<vmem>>
        %dma_wait3A_54 = arith.constant 0 : i32
        %dma_wait3A_55 = arith.constant 0 : i32
        %dma_wait3A_56 = tpu.memref_slice %arg2[%dma_wait3A_54, %dma_wait3A_55] : memref<10000x256xi32, #tpu.memory_space<hbm>> -> memref<10000x256xi32, #tpu.memory_space<hbm>>
        tpu.wait_indirect_dma semaphore(%arg12 : memref<!tpu.dma_semaphore, #tpu.memory_space<semaphore_mem>>) src(%dma_wait3A_56 : memref<10000x256xi32, #tpu.memory_space<hbm>>) dst(%arg10 : memref<200x256xi32, #tpu.memory_space<vmem>>)
        %mul3A_57 = arith.constant 200 : i32
        %mul3A_58 = arith.muli %add3A_50, %mul3A_57 : i32
        %add3A_59 = arith.addi %mul3A_0, %mul3A_58 : i32
        "tpu.region"() ({
          %run_scoped3A = tpu.sem_alloc : memref<!tpu.dma_semaphore, #tpu.memory_space<semaphore_mem>>
          %dma_start3A_67 = arith.constant 0 : i32
          %dma_start3A_68 = tpu.memref_slice %arg6[%add3A_59, %dma_start3A_67] : memref<80000x256xi32, #tpu.memory_space<hbm>> -> memref<200x256xi32, #tpu.memory_space<hbm>>
          %dma_start3A_69 = arith.constant 0 : i32
          %dma_start3A_70 = tpu.memref_slice %arg6[%add3A_59, %dma_start3A_69] : memref<80000x256xi32, #tpu.memory_space<hbm>> -> memref<200x256xi32, #tpu.memory_space<hbm>>
          tpu.enqueue_dma source(%arg10 : memref<200x256xi32, #tpu.memory_space<vmem>>) target(%dma_start3A_70 : memref<200x256xi32, #tpu.memory_space<hbm>>) target_semaphore(%run_scoped3A : memref<!tpu.dma_semaphore, #tpu.memory_space<semaphore_mem>>)
          %dma_wait3A_71 = arith.constant 0 : i32
          %dma_wait3A_72 = tpu.memref_slice %arg6[%add3A_59, %dma_wait3A_71] : memref<80000x256xi32, #tpu.memory_space<hbm>> -> memref<200x256xi32, #tpu.memory_space<hbm>>
          %dma_wait3A_73 = arith.constant 0 : i32
          %dma_wait3A_74 = tpu.memref_slice %arg6[%add3A_59, %dma_wait3A_73] : memref<80000x256xi32, #tpu.memory_space<hbm>> -> memref<200x256xi32, #tpu.memory_space<hbm>>
          tpu.wait_dma2 semaphore(%run_scoped3A : memref<!tpu.dma_semaphore, #tpu.memory_space<semaphore_mem>>) src(%arg10 : memref<200x256xi32, #tpu.memory_space<vmem>>) dst(%dma_wait3A_74 : memref<200x256xi32, #tpu.memory_space<hbm>>)
          tpu.yield
        }) : () -> ()
        %add3A_60 = arith.constant 2 : i32
        %add3A_61 = arith.addi %add3A_50, %add3A_60 : i32
        %lt3A_62 = arith.constant 25 : i32
        %lt3A_63 = arith.cmpi slt, %add3A_61, %lt3A_62 : i32
        %convert_element_type3A_64 = arith.extui %lt3A_63 : i1 to i32
        %cond3A_65 = arith.constant 0 : i32
        %cond3A_66 = arith.cmpi ne, %convert_element_type3A_64, %cond3A_65 : i32
        scf.if %cond3A_66 {
          %add3A_67 = arith.constant 2 : i32
          %add3A_68 = arith.addi %add3A_50, %add3A_67 : i32
          %mul3A_69 = arith.constant 200 : i32
          %mul3A_70 = arith.muli %add3A_68, %mul3A_69 : i32
          %dma_start3A_71 = tpu.memref_slice %arg8[%mul3A_70] : memref<5000xi32, #tpu.memory_space<vmem>> -> memref<200xi32, #tpu.memory_space<vmem>>
          %dma_start3A_72 = arith.constant 0 : i32
          %dma_start3A_73 = arith.constant 0 : i32
          %dma_start3A_74 = tpu.memref_slice %arg2[%dma_start3A_72, %dma_start3A_73] : memref<10000x256xi32, #tpu.memory_space<hbm>> -> memref<10000x256xi32, #tpu.memory_space<hbm>>
          tpu.enqueue_indirect_dma source(%dma_start3A_74 : memref<10000x256xi32, #tpu.memory_space<hbm>>) target(%arg10 : memref<200x256xi32, #tpu.memory_space<vmem>>) offsets(%dma_start3A_71 : memref<200xi32, #tpu.memory_space<vmem>>) semaphore(%arg12 : memref<!tpu.dma_semaphore, #tpu.memory_space<semaphore_mem>>)
        } else {
        }
      }
      %scan3A_21 = arith.constant 12 : i32
      %dma_wait3A = arith.constant 4800 : i32
      %dma_wait3A_22 = tpu.memref_slice %arg8[%dma_wait3A] : memref<5000xi32, #tpu.memory_space<vmem>> -> memref<200xi32, #tpu.memory_space<vmem>>
      %dma_wait3A_23 = arith.constant 0 : i32
      %dma_wait3A_24 = arith.constant 0 : i32
      %dma_wait3A_25 = tpu.memref_slice %arg2[%dma_wait3A_23, %dma_wait3A_24] : memref<10000x256xi32, #tpu.memory_space<hbm>> -> memref<10000x256xi32, #tpu.memory_space<hbm>>
      tpu.wait_indirect_dma semaphore(%arg11 : memref<!tpu.dma_semaphore, #tpu.memory_space<semaphore_mem>>) src(%dma_wait3A_25 : memref<10000x256xi32, #tpu.memory_space<hbm>>) dst(%arg9 : memref<200x256xi32, #tpu.memory_space<vmem>>)
      %add3A = arith.constant 4800 : i32
      %add3A_26 = arith.addi %mul3A_0, %add3A : i32
      "tpu.region"() ({
        %run_scoped3A = tpu.sem_alloc : memref<!tpu.dma_semaphore, #tpu.memory_space<semaphore_mem>>
        %dma_start3A_27 = arith.constant 0 : i32
        %dma_start3A_28 = tpu.memref_slice %arg6[%add3A_26, %dma_start3A_27] : memref<80000x256xi32, #tpu.memory_space<hbm>> -> memref<200x256xi32, #tpu.memory_space<hbm>>
        %dma_start3A_29 = arith.constant 0 : i32
        %dma_start3A_30 = tpu.memref_slice %arg6[%add3A_26, %dma_start3A_29] : memref<80000x256xi32, #tpu.memory_space<hbm>> -> memref<200x256xi32, #tpu.memory_space<hbm>>
        tpu.enqueue_dma source(%arg9 : memref<200x256xi32, #tpu.memory_space<vmem>>) target(%dma_start3A_30 : memref<200x256xi32, #tpu.memory_space<hbm>>) target_semaphore(%run_scoped3A : memref<!tpu.dma_semaphore, #tpu.memory_space<semaphore_mem>>)
        %dma_wait3A_31 = arith.constant 0 : i32
        %dma_wait3A_32 = tpu.memref_slice %arg6[%add3A_26, %dma_wait3A_31] : memref<80000x256xi32, #tpu.memory_space<hbm>> -> memref<200x256xi32, #tpu.memory_space<hbm>>
        %dma_wait3A_33 = arith.constant 0 : i32
        %dma_wait3A_34 = tpu.memref_slice %arg6[%add3A_26, %dma_wait3A_33] : memref<80000x256xi32, #tpu.memory_space<hbm>> -> memref<200x256xi32, #tpu.memory_space<hbm>>
        tpu.wait_dma2 semaphore(%run_scoped3A : memref<!tpu.dma_semaphore, #tpu.memory_space<semaphore_mem>>) src(%arg9 : memref<200x256xi32, #tpu.memory_space<vmem>>) dst(%dma_wait3A_34 : memref<200x256xi32, #tpu.memory_space<hbm>>)
        tpu.yield
      }) : () -> ()
    } else {
    }
    %eq3A_3 = arith.constant 1 : i32
    %eq3A_4 = arith.cmpi eq, %arg0, %eq3A_3 : i32
    %convert_element_type3A_5 = arith.extui %eq3A_4 : i1 to i32
    %cond3A_6 = arith.constant 0 : i32
    %cond3A_7 = arith.cmpi ne, %convert_element_type3A_5, %cond3A_6 : i32
    scf.if %cond3A_7 {
      "tpu.region"() ({
        %run_scoped3A = tpu.sem_alloc : memref<!tpu.dma_semaphore, #tpu.memory_space<semaphore_mem>>
        %dma_start3A_27 = tpu.memref_slice %arg5[%mul3A_0] : memref<80000xi32, #tpu.memory_space<hbm>> -> memref<5000xi32, #tpu.memory_space<hbm>>
        %dma_start3A_28 = tpu.memref_slice %arg5[%mul3A_0] : memref<80000xi32, #tpu.memory_space<hbm>> -> memref<5000xi32, #tpu.memory_space<hbm>>
        tpu.enqueue_dma source(%dma_start3A_28 : memref<5000xi32, #tpu.memory_space<hbm>>) target(%arg8 : memref<5000xi32, #tpu.memory_space<vmem>>) target_semaphore(%run_scoped3A : memref<!tpu.dma_semaphore, #tpu.memory_space<semaphore_mem>>)
        %dma_wait3A_29 = tpu.memref_slice %arg5[%mul3A_0] : memref<80000xi32, #tpu.memory_space<hbm>> -> memref<5000xi32, #tpu.memory_space<hbm>>
        %dma_wait3A_30 = tpu.memref_slice %arg5[%mul3A_0] : memref<80000xi32, #tpu.memory_space<hbm>> -> memref<5000xi32, #tpu.memory_space<hbm>>
        tpu.wait_dma2 semaphore(%run_scoped3A : memref<!tpu.dma_semaphore, #tpu.memory_space<semaphore_mem>>) src(%dma_wait3A_30 : memref<5000xi32, #tpu.memory_space<hbm>>) dst(%arg8 : memref<5000xi32, #tpu.memory_space<vmem>>)
        tpu.yield
      }) : () -> ()
      %dma_start3A = arith.constant 0 : i32
      %dma_start3A_8 = tpu.memref_slice %arg8[%dma_start3A] : memref<5000xi32, #tpu.memory_space<vmem>> -> memref<200xi32, #tpu.memory_space<vmem>>
      %dma_start3A_9 = arith.constant 0 : i32
      %dma_start3A_10 = arith.constant 0 : i32
      %dma_start3A_11 = tpu.memref_slice %arg3[%dma_start3A_9, %dma_start3A_10] : memref<10000x256xi32, #tpu.memory_space<hbm>> -> memref<10000x256xi32, #tpu.memory_space<hbm>>
      tpu.enqueue_indirect_dma source(%dma_start3A_11 : memref<10000x256xi32, #tpu.memory_space<hbm>>) target(%arg9 : memref<200x256xi32, #tpu.memory_space<vmem>>) offsets(%dma_start3A_8 : memref<200xi32, #tpu.memory_space<vmem>>) semaphore(%arg11 : memref<!tpu.dma_semaphore, #tpu.memory_space<semaphore_mem>>)
      %dma_start3A_12 = arith.constant 200 : i32
      %dma_start3A_13 = tpu.memref_slice %arg8[%dma_start3A_12] : memref<5000xi32, #tpu.memory_space<vmem>> -> memref<200xi32, #tpu.memory_space<vmem>>
      %dma_start3A_14 = arith.constant 0 : i32
      %dma_start3A_15 = arith.constant 0 : i32
      %dma_start3A_16 = tpu.memref_slice %arg3[%dma_start3A_14, %dma_start3A_15] : memref<10000x256xi32, #tpu.memory_space<hbm>> -> memref<10000x256xi32, #tpu.memory_space<hbm>>
      tpu.enqueue_indirect_dma source(%dma_start3A_16 : memref<10000x256xi32, #tpu.memory_space<hbm>>) target(%arg10 : memref<200x256xi32, #tpu.memory_space<vmem>>) offsets(%dma_start3A_13 : memref<200xi32, #tpu.memory_space<vmem>>) semaphore(%arg12 : memref<!tpu.dma_semaphore, #tpu.memory_space<semaphore_mem>>)
      %scan3A = arith.constant 0 : i32
      %scan3A_17 = arith.constant 0 : i32
      %scan3A_18 = arith.constant 12 : i32
      %scan3A_19 = arith.addi %scan3A_17, %scan3A_18 : i32
      %scan3A_20 = arith.constant 1 : i32
      scf.for %scan3A_27 = %scan3A_17 to %scan3A_19 step %scan3A_20  : i32 {
        %mul3A_28 = arith.constant 2 : i32
        %mul3A_29 = arith.muli %mul3A_28, %scan3A_27 : i32
        %add3A_30 = arith.constant 0 : i32
        %add3A_31 = arith.addi %mul3A_29, %add3A_30 : i32
        %mul3A_32 = arith.constant 200 : i32
        %mul3A_33 = arith.muli %add3A_31, %mul3A_32 : i32
        %dma_wait3A_34 = tpu.memref_slice %arg8[%mul3A_33] : memref<5000xi32, #tpu.memory_space<vmem>> -> memref<200xi32, #tpu.memory_space<vmem>>
        %dma_wait3A_35 = arith.constant 0 : i32
        %dma_wait3A_36 = arith.constant 0 : i32
        %dma_wait3A_37 = tpu.memref_slice %arg3[%dma_wait3A_35, %dma_wait3A_36] : memref<10000x256xi32, #tpu.memory_space<hbm>> -> memref<10000x256xi32, #tpu.memory_space<hbm>>
        tpu.wait_indirect_dma semaphore(%arg11 : memref<!tpu.dma_semaphore, #tpu.memory_space<semaphore_mem>>) src(%dma_wait3A_37 : memref<10000x256xi32, #tpu.memory_space<hbm>>) dst(%arg9 : memref<200x256xi32, #tpu.memory_space<vmem>>)
        %mul3A_38 = arith.constant 200 : i32
        %mul3A_39 = arith.muli %add3A_31, %mul3A_38 : i32
        %add3A_40 = arith.addi %mul3A_0, %mul3A_39 : i32
        "tpu.region"() ({
          %run_scoped3A = tpu.sem_alloc : memref<!tpu.dma_semaphore, #tpu.memory_space<semaphore_mem>>
          %dma_start3A_67 = arith.constant 0 : i32
          %dma_start3A_68 = tpu.memref_slice %arg7[%add3A_40, %dma_start3A_67] : memref<80000x256xi32, #tpu.memory_space<hbm>> -> memref<200x256xi32, #tpu.memory_space<hbm>>
          %dma_start3A_69 = arith.constant 0 : i32
          %dma_start3A_70 = tpu.memref_slice %arg7[%add3A_40, %dma_start3A_69] : memref<80000x256xi32, #tpu.memory_space<hbm>> -> memref<200x256xi32, #tpu.memory_space<hbm>>
          tpu.enqueue_dma source(%arg9 : memref<200x256xi32, #tpu.memory_space<vmem>>) target(%dma_start3A_70 : memref<200x256xi32, #tpu.memory_space<hbm>>) target_semaphore(%run_scoped3A : memref<!tpu.dma_semaphore, #tpu.memory_space<semaphore_mem>>)
          %dma_wait3A_71 = arith.constant 0 : i32
          %dma_wait3A_72 = tpu.memref_slice %arg7[%add3A_40, %dma_wait3A_71] : memref<80000x256xi32, #tpu.memory_space<hbm>> -> memref<200x256xi32, #tpu.memory_space<hbm>>
          %dma_wait3A_73 = arith.constant 0 : i32
          %dma_wait3A_74 = tpu.memref_slice %arg7[%add3A_40, %dma_wait3A_73] : memref<80000x256xi32, #tpu.memory_space<hbm>> -> memref<200x256xi32, #tpu.memory_space<hbm>>
          tpu.wait_dma2 semaphore(%run_scoped3A : memref<!tpu.dma_semaphore, #tpu.memory_space<semaphore_mem>>) src(%arg9 : memref<200x256xi32, #tpu.memory_space<vmem>>) dst(%dma_wait3A_74 : memref<200x256xi32, #tpu.memory_space<hbm>>)
          tpu.yield
        }) : () -> ()
        %add3A_41 = arith.constant 2 : i32
        %add3A_42 = arith.addi %add3A_31, %add3A_41 : i32
        %lt3A = arith.constant 25 : i32
        %lt3A_43 = arith.cmpi slt, %add3A_42, %lt3A : i32
        %convert_element_type3A_44 = arith.extui %lt3A_43 : i1 to i32
        %cond3A_45 = arith.constant 0 : i32
        %cond3A_46 = arith.cmpi ne, %convert_element_type3A_44, %cond3A_45 : i32
        scf.if %cond3A_46 {
          %add3A_67 = arith.constant 2 : i32
          %add3A_68 = arith.addi %add3A_31, %add3A_67 : i32
          %mul3A_69 = arith.constant 200 : i32
          %mul3A_70 = arith.muli %add3A_68, %mul3A_69 : i32
          %dma_start3A_71 = tpu.memref_slice %arg8[%mul3A_70] : memref<5000xi32, #tpu.memory_space<vmem>> -> memref<200xi32, #tpu.memory_space<vmem>>
          %dma_start3A_72 = arith.constant 0 : i32
          %dma_start3A_73 = arith.constant 0 : i32
          %dma_start3A_74 = tpu.memref_slice %arg3[%dma_start3A_72, %dma_start3A_73] : memref<10000x256xi32, #tpu.memory_space<hbm>> -> memref<10000x256xi32, #tpu.memory_space<hbm>>
          tpu.enqueue_indirect_dma source(%dma_start3A_74 : memref<10000x256xi32, #tpu.memory_space<hbm>>) target(%arg9 : memref<200x256xi32, #tpu.memory_space<vmem>>) offsets(%dma_start3A_71 : memref<200xi32, #tpu.memory_space<vmem>>) semaphore(%arg11 : memref<!tpu.dma_semaphore, #tpu.memory_space<semaphore_mem>>)
        } else {
        }
        %mul3A_47 = arith.constant 2 : i32
        %mul3A_48 = arith.muli %mul3A_47, %scan3A_27 : i32
        %add3A_49 = arith.constant 1 : i32
        %add3A_50 = arith.addi %mul3A_48, %add3A_49 : i32
        %mul3A_51 = arith.constant 200 : i32
        %mul3A_52 = arith.muli %add3A_50, %mul3A_51 : i32
        %dma_wait3A_53 = tpu.memref_slice %arg8[%mul3A_52] : memref<5000xi32, #tpu.memory_space<vmem>> -> memref<200xi32, #tpu.memory_space<vmem>>
        %dma_wait3A_54 = arith.constant 0 : i32
        %dma_wait3A_55 = arith.constant 0 : i32
        %dma_wait3A_56 = tpu.memref_slice %arg3[%dma_wait3A_54, %dma_wait3A_55] : memref<10000x256xi32, #tpu.memory_space<hbm>> -> memref<10000x256xi32, #tpu.memory_space<hbm>>
        tpu.wait_indirect_dma semaphore(%arg12 : memref<!tpu.dma_semaphore, #tpu.memory_space<semaphore_mem>>) src(%dma_wait3A_56 : memref<10000x256xi32, #tpu.memory_space<hbm>>) dst(%arg10 : memref<200x256xi32, #tpu.memory_space<vmem>>)
        %mul3A_57 = arith.constant 200 : i32
        %mul3A_58 = arith.muli %add3A_50, %mul3A_57 : i32
        %add3A_59 = arith.addi %mul3A_0, %mul3A_58 : i32
        "tpu.region"() ({
          %run_scoped3A = tpu.sem_alloc : memref<!tpu.dma_semaphore, #tpu.memory_space<semaphore_mem>>
          %dma_start3A_67 = arith.constant 0 : i32
          %dma_start3A_68 = tpu.memref_slice %arg7[%add3A_59, %dma_start3A_67] : memref<80000x256xi32, #tpu.memory_space<hbm>> -> memref<200x256xi32, #tpu.memory_space<hbm>>
          %dma_start3A_69 = arith.constant 0 : i32
          %dma_start3A_70 = tpu.memref_slice %arg7[%add3A_59, %dma_start3A_69] : memref<80000x256xi32, #tpu.memory_space<hbm>> -> memref<200x256xi32, #tpu.memory_space<hbm>>
          tpu.enqueue_dma source(%arg10 : memref<200x256xi32, #tpu.memory_space<vmem>>) target(%dma_start3A_70 : memref<200x256xi32, #tpu.memory_space<hbm>>) target_semaphore(%run_scoped3A : memref<!tpu.dma_semaphore, #tpu.memory_space<semaphore_mem>>)
          %dma_wait3A_71 = arith.constant 0 : i32
          %dma_wait3A_72 = tpu.memref_slice %arg7[%add3A_59, %dma_wait3A_71] : memref<80000x256xi32, #tpu.memory_space<hbm>> -> memref<200x256xi32, #tpu.memory_space<hbm>>
          %dma_wait3A_73 = arith.constant 0 : i32
          %dma_wait3A_74 = tpu.memref_slice %arg7[%add3A_59, %dma_wait3A_73] : memref<80000x256xi32, #tpu.memory_space<hbm>> -> memref<200x256xi32, #tpu.memory_space<hbm>>
          tpu.wait_dma2 semaphore(%run_scoped3A : memref<!tpu.dma_semaphore, #tpu.memory_space<semaphore_mem>>) src(%arg10 : memref<200x256xi32, #tpu.memory_space<vmem>>) dst(%dma_wait3A_74 : memref<200x256xi32, #tpu.memory_space<hbm>>)
          tpu.yield
        }) : () -> ()
        %add3A_60 = arith.constant 2 : i32
        %add3A_61 = arith.addi %add3A_50, %add3A_60 : i32
        %lt3A_62 = arith.constant 25 : i32
        %lt3A_63 = arith.cmpi slt, %add3A_61, %lt3A_62 : i32
        %convert_element_type3A_64 = arith.extui %lt3A_63 : i1 to i32
        %cond3A_65 = arith.constant 0 : i32
        %cond3A_66 = arith.cmpi ne, %convert_element_type3A_64, %cond3A_65 : i32
        scf.if %cond3A_66 {
          %add3A_67 = arith.constant 2 : i32
          %add3A_68 = arith.addi %add3A_50, %add3A_67 : i32
          %mul3A_69 = arith.constant 200 : i32
          %mul3A_70 = arith.muli %add3A_68, %mul3A_69 : i32
          %dma_start3A_71 = tpu.memref_slice %arg8[%mul3A_70] : memref<5000xi32, #tpu.memory_space<vmem>> -> memref<200xi32, #tpu.memory_space<vmem>>
          %dma_start3A_72 = arith.constant 0 : i32
          %dma_start3A_73 = arith.constant 0 : i32
          %dma_start3A_74 = tpu.memref_slice %arg3[%dma_start3A_72, %dma_start3A_73] : memref<10000x256xi32, #tpu.memory_space<hbm>> -> memref<10000x256xi32, #tpu.memory_space<hbm>>
          tpu.enqueue_indirect_dma source(%dma_start3A_74 : memref<10000x256xi32, #tpu.memory_space<hbm>>) target(%arg10 : memref<200x256xi32, #tpu.memory_space<vmem>>) offsets(%dma_start3A_71 : memref<200xi32, #tpu.memory_space<vmem>>) semaphore(%arg12 : memref<!tpu.dma_semaphore, #tpu.memory_space<semaphore_mem>>)
        } else {
        }
      }
      %scan3A_21 = arith.constant 12 : i32
      %dma_wait3A = arith.constant 4800 : i32
      %dma_wait3A_22 = tpu.memref_slice %arg8[%dma_wait3A] : memref<5000xi32, #tpu.memory_space<vmem>> -> memref<200xi32, #tpu.memory_space<vmem>>
      %dma_wait3A_23 = arith.constant 0 : i32
      %dma_wait3A_24 = arith.constant 0 : i32
      %dma_wait3A_25 = tpu.memref_slice %arg3[%dma_wait3A_23, %dma_wait3A_24] : memref<10000x256xi32, #tpu.memory_space<hbm>> -> memref<10000x256xi32, #tpu.memory_space<hbm>>
      tpu.wait_indirect_dma semaphore(%arg11 : memref<!tpu.dma_semaphore, #tpu.memory_space<semaphore_mem>>) src(%dma_wait3A_25 : memref<10000x256xi32, #tpu.memory_space<hbm>>) dst(%arg9 : memref<200x256xi32, #tpu.memory_space<vmem>>)
      %add3A = arith.constant 4800 : i32
      %add3A_26 = arith.addi %mul3A_0, %add3A : i32
      "tpu.region"() ({
        %run_scoped3A = tpu.sem_alloc : memref<!tpu.dma_semaphore, #tpu.memory_space<semaphore_mem>>
        %dma_start3A_27 = arith.constant 0 : i32
        %dma_start3A_28 = tpu.memref_slice %arg7[%add3A_26, %dma_start3A_27] : memref<80000x256xi32, #tpu.memory_space<hbm>> -> memref<200x256xi32, #tpu.memory_space<hbm>>
        %dma_start3A_29 = arith.constant 0 : i32
        %dma_start3A_30 = tpu.memref_slice %arg7[%add3A_26, %dma_start3A_29] : memref<80000x256xi32, #tpu.memory_space<hbm>> -> memref<200x256xi32, #tpu.memory_space<hbm>>
        tpu.enqueue_dma source(%arg9 : memref<200x256xi32, #tpu.memory_space<vmem>>) target(%dma_start3A_30 : memref<200x256xi32, #tpu.memory_space<hbm>>) target_semaphore(%run_scoped3A : memref<!tpu.dma_semaphore, #tpu.memory_space<semaphore_mem>>)
        %dma_wait3A_31 = arith.constant 0 : i32
        %dma_wait3A_32 = tpu.memref_slice %arg7[%add3A_26, %dma_wait3A_31] : memref<80000x256xi32, #tpu.memory_space<hbm>> -> memref<200x256xi32, #tpu.memory_space<hbm>>
        %dma_wait3A_33 = arith.constant 0 : i32
        %dma_wait3A_34 = tpu.memref_slice %arg7[%add3A_26, %dma_wait3A_33] : memref<80000x256xi32, #tpu.memory_space<hbm>> -> memref<200x256xi32, #tpu.memory_space<hbm>>
        tpu.wait_dma2 semaphore(%run_scoped3A : memref<!tpu.dma_semaphore, #tpu.memory_space<semaphore_mem>>) src(%arg9 : memref<200x256xi32, #tpu.memory_space<vmem>>) dst(%dma_wait3A_34 : memref<200x256xi32, #tpu.memory_space<hbm>>)
        tpu.yield
      }) : () -> ()
    } else {
    }
    return
  }
}

#map = affine_map<(d0, d1) -> (0, 0)>
#map1 = affine_map<(d0, d1) -> (0)>
module attributes {stable_mosaic.version = 14 : i64} {
  func.func @_gather_kernel(%arg0: i32, %arg1: i32, %arg2: memref<10000x256xi32, #tpu.memory_space<hbm>>, %arg3: memref<10000x256xi32, #tpu.memory_space<hbm>>, %arg4: memref<80000xi32, #tpu.memory_space<hbm>>, %arg5: memref<80000xi32, #tpu.memory_space<hbm>>, %arg6: memref<80000x256xi32, #tpu.memory_space<hbm>>, %arg7: memref<80000x256xi32, #tpu.memory_space<hbm>>, %arg8: memref<5000xi32, #tpu.memory_space<vmem>>, %arg9: memref<200x256xi32, #tpu.memory_space<vmem>>, %arg10: memref<200x256xi32, #tpu.memory_space<vmem>>, %arg11: memref<!tpu.dma_semaphore, #tpu.memory_space<semaphore_mem>>, %arg12: memref<!tpu.dma_semaphore, #tpu.memory_space<semaphore_mem>>) attributes {dimension_semantics = [#tpu.dimension_semantics<core_parallel>, #tpu.dimension_semantics<subcore_parallel>], iteration_bounds = array<i64: 2, 16>, scalar_prefetch = 0 : i64, scratch_operands = 5 : i64, tpu.core_type = #tpu.core_type<sc_vector_subcore>, window_params = [{transform_indices = #map}, {transform_indices = #map}, {transform_indices = #map1}, {transform_indices = #map1}, {transform_indices = #map}, {transform_indices = #map}]} {
    %mul3A = arith.constant 5000 : i32
    %mul3A_0 = arith.muli %arg1, %mul3A : i32
    %eq3A = arith.constant 0 : i32
    %eq3A_1 = arith.cmpi eq, %arg0, %eq3A : i32
    %convert_element_type3A = arith.extui %eq3A_1 : i1 to i32
    %cond3A = arith.constant 0 : i32
    %cond3A_2 = arith.cmpi ne, %convert_element_type3A, %cond3A : i32
    scf.if %cond3A_2 {
      "tpu.region"() ({
        %run_scoped3A = tpu.sem_alloc : memref<!tpu.dma_semaphore, #tpu.memory_space<semaphore_mem>>
        %dma_start3A_27 = tpu.memref_slice %arg4[%mul3A_0] : memref<80000xi32, #tpu.memory_space<hbm>> -> memref<5000xi32, #tpu.memory_space<hbm>>
        %dma_start3A_28 = tpu.memref_slice %arg4[%mul3A_0] : memref<80000xi32, #tpu.memory_space<hbm>> -> memref<5000xi32, #tpu.memory_space<hbm>>
        tpu.enqueue_dma source(%dma_start3A_28 : memref<5000xi32, #tpu.memory_space<hbm>>) target(%arg8 : memref<5000xi32, #tpu.memory_space<vmem>>) target_semaphore(%run_scoped3A : memref<!tpu.dma_semaphore, #tpu.memory_space<semaphore_mem>>)
        %dma_wait3A_29 = tpu.memref_slice %arg4[%mul3A_0] : memref<80000xi32, #tpu.memory_space<hbm>> -> memref<5000xi32, #tpu.memory_space<hbm>>
        %dma_wait3A_30 = tpu.memref_slice %arg4[%mul3A_0] : memref<80000xi32, #tpu.memory_space<hbm>> -> memref<5000xi32, #tpu.memory_space<hbm>>
        tpu.wait_dma2 semaphore(%run_scoped3A : memref<!tpu.dma_semaphore, #tpu.memory_space<semaphore_mem>>) src(%dma_wait3A_30 : memref<5000xi32, #tpu.memory_space<hbm>>) dst(%arg8 : memref<5000xi32, #tpu.memory_space<vmem>>)
        tpu.yield
      }) : () -> ()
      %dma_start3A = arith.constant 0 : i32
      %dma_start3A_8 = tpu.memref_slice %arg8[%dma_start3A] : memref<5000xi32, #tpu.memory_space<vmem>> -> memref<200xi32, #tpu.memory_space<vmem>>
      %dma_start3A_9 = arith.constant 0 : i32
      %dma_start3A_10 = arith.constant 0 : i32
      %dma_start3A_11 = tpu.memref_slice %arg2[%dma_start3A_9, %dma_start3A_10] : memref<10000x256xi32, #tpu.memory_space<hbm>> -> memref<10000x256xi32, #tpu.memory_space<hbm>>
      tpu.enqueue_indirect_dma source(%dma_start3A_11 : memref<10000x256xi32, #tpu.memory_space<hbm>>) target(%arg9 : memref<200x256xi32, #tpu.memory_space<vmem>>) offsets(%dma_start3A_8 : memref<200xi32, #tpu.memory_space<vmem>>) semaphore(%arg11 : memref<!tpu.dma_semaphore, #tpu.memory_space<semaphore_mem>>)
      %dma_start3A_12 = arith.constant 200 : i32
      %dma_start3A_13 = tpu.memref_slice %arg8[%dma_start3A_12] : memref<5000xi32, #tpu.memory_space<vmem>> -> memref<200xi32, #tpu.memory_space<vmem>>
      %dma_start3A_14 = arith.constant 0 : i32
      %dma_start3A_15 = arith.constant 0 : i32
      %dma_start3A_16 = tpu.memref_slice %arg2[%dma_start3A_14, %dma_start3A_15] : memref<10000x256xi32, #tpu.memory_space<hbm>> -> memref<10000x256xi32, #tpu.memory_space<hbm>>
      tpu.enqueue_indirect_dma source(%dma_start3A_16 : memref<10000x256xi32, #tpu.memory_space<hbm>>) target(%arg10 : memref<200x256xi32, #tpu.memory_space<vmem>>) offsets(%dma_start3A_13 : memref<200xi32, #tpu.memory_space<vmem>>) semaphore(%arg12 : memref<!tpu.dma_semaphore, #tpu.memory_space<semaphore_mem>>)
      %scan3A = arith.constant 0 : i32
      %scan3A_17 = arith.constant 0 : i32
      %scan3A_18 = arith.constant 12 : i32
      %scan3A_19 = arith.addi %scan3A_17, %scan3A_18 : i32
      %scan3A_20 = arith.constant 1 : i32
      scf.for %scan3A_27 = %scan3A_17 to %scan3A_19 step %scan3A_20  : i32 {
        %mul3A_28 = arith.constant 2 : i32
        %mul3A_29 = arith.muli %mul3A_28, %scan3A_27 : i32
        %add3A_30 = arith.constant 0 : i32
        %add3A_31 = arith.addi %mul3A_29, %add3A_30 : i32
        %mul3A_32 = arith.constant 200 : i32
        %mul3A_33 = arith.muli %add3A_31, %mul3A_32 : i32
        %dma_wait3A_34 = tpu.memref_slice %arg8[%mul3A_33] : memref<5000xi32, #tpu.memory_space<vmem>> -> memref<200xi32, #tpu.memory_space<vmem>>
        %dma_wait3A_35 = arith.constant 0 : i32
        %dma_wait3A_36 = arith.constant 0 : i32
        %dma_wait3A_37 = tpu.memref_slice %arg2[%dma_wait3A_35, %dma_wait3A_36] : memref<10000x256xi32, #tpu.memory_space<hbm>> -> memref<10000x256xi32, #tpu.memory_space<hbm>>
        tpu.wait_indirect_dma semaphore(%arg11 : memref<!tpu.dma_semaphore, #tpu.memory_space<semaphore_mem>>) src(%dma_wait3A_37 : memref<10000x256xi32, #tpu.memory_space<hbm>>) dst(%arg9 : memref<200x256xi32, #tpu.memory_space<vmem>>)
        %mul3A_38 = arith.constant 200 : i32
        %mul3A_39 = arith.muli %add3A_31, %mul3A_38 : i32
        %add3A_40 = arith.addi %mul3A_0, %mul3A_39 : i32
        "tpu.region"() ({
          %run_scoped3A = tpu.sem_alloc : memref<!tpu.dma_semaphore, #tpu.memory_space<semaphore_mem>>
          %dma_start3A_67 = arith.constant 0 : i32
          %dma_start3A_68 = tpu.memref_slice %arg6[%add3A_40, %dma_start3A_67] : memref<80000x256xi32, #tpu.memory_space<hbm>> -> memref<200x256xi32, #tpu.memory_space<hbm>>
          %dma_start3A_69 = arith.constant 0 : i32
          %dma_start3A_70 = tpu.memref_slice %arg6[%add3A_40, %dma_start3A_69] : memref<80000x256xi32, #tpu.memory_space<hbm>> -> memref<200x256xi32, #tpu.memory_space<hbm>>
          tpu.enqueue_dma source(%arg9 : memref<200x256xi32, #tpu.memory_space<vmem>>) target(%dma_start3A_70 : memref<200x256xi32, #tpu.memory_space<hbm>>) target_semaphore(%run_scoped3A : memref<!tpu.dma_semaphore, #tpu.memory_space<semaphore_mem>>)
          %dma_wait3A_71 = arith.constant 0 : i32
          %dma_wait3A_72 = tpu.memref_slice %arg6[%add3A_40, %dma_wait3A_71] : memref<80000x256xi32, #tpu.memory_space<hbm>> -> memref<200x256xi32, #tpu.memory_space<hbm>>
          %dma_wait3A_73 = arith.constant 0 : i32
          %dma_wait3A_74 = tpu.memref_slice %arg6[%add3A_40, %dma_wait3A_73] : memref<80000x256xi32, #tpu.memory_space<hbm>> -> memref<200x256xi32, #tpu.memory_space<hbm>>
          tpu.wait_dma2 semaphore(%run_scoped3A : memref<!tpu.dma_semaphore, #tpu.memory_space<semaphore_mem>>) src(%arg9 : memref<200x256xi32, #tpu.memory_space<vmem>>) dst(%dma_wait3A_74 : memref<200x256xi32, #tpu.memory_space<hbm>>)
          tpu.yield
        }) : () -> ()
        %add3A_41 = arith.constant 2 : i32
        %add3A_42 = arith.addi %add3A_31, %add3A_41 : i32
        %lt3A = arith.constant 25 : i32
        %lt3A_43 = arith.cmpi slt, %add3A_42, %lt3A : i32
        %convert_element_type3A_44 = arith.extui %lt3A_43 : i1 to i32
        %cond3A_45 = arith.constant 0 : i32
        %cond3A_46 = arith.cmpi ne, %convert_element_type3A_44, %cond3A_45 : i32
        scf.if %cond3A_46 {
          %add3A_67 = arith.constant 2 : i32
          %add3A_68 = arith.addi %add3A_31, %add3A_67 : i32
          %mul3A_69 = arith.constant 200 : i32
          %mul3A_70 = arith.muli %add3A_68, %mul3A_69 : i32
          %dma_start3A_71 = tpu.memref_slice %arg8[%mul3A_70] : memref<5000xi32, #tpu.memory_space<vmem>> -> memref<200xi32, #tpu.memory_space<vmem>>
          %dma_start3A_72 = arith.constant 0 : i32
          %dma_start3A_73 = arith.constant 0 : i32
          %dma_start3A_74 = tpu.memref_slice %arg2[%dma_start3A_72, %dma_start3A_73] : memref<10000x256xi32, #tpu.memory_space<hbm>> -> memref<10000x256xi32, #tpu.memory_space<hbm>>
          tpu.enqueue_indirect_dma source(%dma_start3A_74 : memref<10000x256xi32, #tpu.memory_space<hbm>>) target(%arg9 : memref<200x256xi32, #tpu.memory_space<vmem>>) offsets(%dma_start3A_71 : memref<200xi32, #tpu.memory_space<vmem>>) semaphore(%arg11 : memref<!tpu.dma_semaphore, #tpu.memory_space<semaphore_mem>>)
        } else {
        }
        %mul3A_47 = arith.constant 2 : i32
        %mul3A_48 = arith.muli %mul3A_47, %scan3A_27 : i32
        %add3A_49 = arith.constant 1 : i32
        %add3A_50 = arith.addi %mul3A_48, %add3A_49 : i32
        %mul3A_51 = arith.constant 200 : i32
        %mul3A_52 = arith.muli %add3A_50, %mul3A_51 : i32
        %dma_wait3A_53 = tpu.memref_slice %arg8[%mul3A_52] : memref<5000xi32, #tpu.memory_space<vmem>> -> memref<200xi32, #tpu.memory_space<vmem>>
        %dma_wait3A_54 = arith.constant 0 : i32
        %dma_wait3A_55 = arith.constant 0 : i32
        %dma_wait3A_56 = tpu.memref_slice %arg2[%dma_wait3A_54, %dma_wait3A_55] : memref<10000x256xi32, #tpu.memory_space<hbm>> -> memref<10000x256xi32, #tpu.memory_space<hbm>>
        tpu.wait_indirect_dma semaphore(%arg12 : memref<!tpu.dma_semaphore, #tpu.memory_space<semaphore_mem>>) src(%dma_wait3A_56 : memref<10000x256xi32, #tpu.memory_space<hbm>>) dst(%arg10 : memref<200x256xi32, #tpu.memory_space<vmem>>)
        %mul3A_57 = arith.constant 200 : i32
        %mul3A_58 = arith.muli %add3A_50, %mul3A_57 : i32
        %add3A_59 = arith.addi %mul3A_0, %mul3A_58 : i32
        "tpu.region"() ({
          %run_scoped3A = tpu.sem_alloc : memref<!tpu.dma_semaphore, #tpu.memory_space<semaphore_mem>>
          %dma_start3A_67 = arith.constant 0 : i32
          %dma_start3A_68 = tpu.memref_slice %arg6[%add3A_59, %dma_start3A_67] : memref<80000x256xi32, #tpu.memory_space<hbm>> -> memref<200x256xi32, #tpu.memory_space<hbm>>
          %dma_start3A_69 = arith.constant 0 : i32
          %dma_start3A_70 = tpu.memref_slice %arg6[%add3A_59, %dma_start3A_69] : memref<80000x256xi32, #tpu.memory_space<hbm>> -> memref<200x256xi32, #tpu.memory_space<hbm>>
          tpu.enqueue_dma source(%arg10 : memref<200x256xi32, #tpu.memory_space<vmem>>) target(%dma_start3A_70 : memref<200x256xi32, #tpu.memory_space<hbm>>) target_semaphore(%run_scoped3A : memref<!tpu.dma_semaphore, #tpu.memory_space<semaphore_mem>>)
          %dma_wait3A_71 = arith.constant 0 : i32
          %dma_wait3A_72 = tpu.memref_slice %arg6[%add3A_59, %dma_wait3A_71] : memref<80000x256xi32, #tpu.memory_space<hbm>> -> memref<200x256xi32, #tpu.memory_space<hbm>>
          %dma_wait3A_73 = arith.constant 0 : i32
          %dma_wait3A_74 = tpu.memref_slice %arg6[%add3A_59, %dma_wait3A_73] : memref<80000x256xi32, #tpu.memory_space<hbm>> -> memref<200x256xi32, #tpu.memory_space<hbm>>
          tpu.wait_dma2 semaphore(%run_scoped3A : memref<!tpu.dma_semaphore, #tpu.memory_space<semaphore_mem>>) src(%arg10 : memref<200x256xi32, #tpu.memory_space<vmem>>) dst(%dma_wait3A_74 : memref<200x256xi32, #tpu.memory_space<hbm>>)
          tpu.yield
        }) : () -> ()
        %add3A_60 = arith.constant 2 : i32
        %add3A_61 = arith.addi %add3A_50, %add3A_60 : i32
        %lt3A_62 = arith.constant 25 : i32
        %lt3A_63 = arith.cmpi slt, %add3A_61, %lt3A_62 : i32
        %convert_element_type3A_64 = arith.extui %lt3A_63 : i1 to i32
        %cond3A_65 = arith.constant 0 : i32
        %cond3A_66 = arith.cmpi ne, %convert_element_type3A_64, %cond3A_65 : i32
        scf.if %cond3A_66 {
          %add3A_67 = arith.constant 2 : i32
          %add3A_68 = arith.addi %add3A_50, %add3A_67 : i32
          %mul3A_69 = arith.constant 200 : i32
          %mul3A_70 = arith.muli %add3A_68, %mul3A_69 : i32
          %dma_start3A_71 = tpu.memref_slice %arg8[%mul3A_70] : memref<5000xi32, #tpu.memory_space<vmem>> -> memref<200xi32, #tpu.memory_space<vmem>>
          %dma_start3A_72 = arith.constant 0 : i32
          %dma_start3A_73 = arith.constant 0 : i32
          %dma_start3A_74 = tpu.memref_slice %arg2[%dma_start3A_72, %dma_start3A_73] : memref<10000x256xi32, #tpu.memory_space<hbm>> -> memref<10000x256xi32, #tpu.memory_space<hbm>>
          tpu.enqueue_indirect_dma source(%dma_start3A_74 : memref<10000x256xi32, #tpu.memory_space<hbm>>) target(%arg10 : memref<200x256xi32, #tpu.memory_space<vmem>>) offsets(%dma_start3A_71 : memref<200xi32, #tpu.memory_space<vmem>>) semaphore(%arg12 : memref<!tpu.dma_semaphore, #tpu.memory_space<semaphore_mem>>)
        } else {
        }
      }
      %scan3A_21 = arith.constant 12 : i32
      %dma_wait3A = arith.constant 4800 : i32
      %dma_wait3A_22 = tpu.memref_slice %arg8[%dma_wait3A] : memref<5000xi32, #tpu.memory_space<vmem>> -> memref<200xi32, #tpu.memory_space<vmem>>
      %dma_wait3A_23 = arith.constant 0 : i32
      %dma_wait3A_24 = arith.constant 0 : i32
      %dma_wait3A_25 = tpu.memref_slice %arg2[%dma_wait3A_23, %dma_wait3A_24] : memref<10000x256xi32, #tpu.memory_space<hbm>> -> memref<10000x256xi32, #tpu.memory_space<hbm>>
      tpu.wait_indirect_dma semaphore(%arg11 : memref<!tpu.dma_semaphore, #tpu.memory_space<semaphore_mem>>) src(%dma_wait3A_25 : memref<10000x256xi32, #tpu.memory_space<hbm>>) dst(%arg9 : memref<200x256xi32, #tpu.memory_space<vmem>>)
      %add3A = arith.constant 4800 : i32
      %add3A_26 = arith.addi %mul3A_0, %add3A : i32
      "tpu.region"() ({
        %run_scoped3A = tpu.sem_alloc : memref<!tpu.dma_semaphore, #tpu.memory_space<semaphore_mem>>
        %dma_start3A_27 = arith.constant 0 : i32
        %dma_start3A_28 = tpu.memref_slice %arg6[%add3A_26, %dma_start3A_27] : memref<80000x256xi32, #tpu.memory_space<hbm>> -> memref<200x256xi32, #tpu.memory_space<hbm>>
        %dma_start3A_29 = arith.constant 0 : i32
        %dma_start3A_30 = tpu.memref_slice %arg6[%add3A_26, %dma_start3A_29] : memref<80000x256xi32, #tpu.memory_space<hbm>> -> memref<200x256xi32, #tpu.memory_space<hbm>>
        tpu.enqueue_dma source(%arg9 : memref<200x256xi32, #tpu.memory_space<vmem>>) target(%dma_start3A_30 : memref<200x256xi32, #tpu.memory_space<hbm>>) target_semaphore(%run_scoped3A : memref<!tpu.dma_semaphore, #tpu.memory_space<semaphore_mem>>)
        %dma_wait3A_31 = arith.constant 0 : i32
        %dma_wait3A_32 = tpu.memref_slice %arg6[%add3A_26, %dma_wait3A_31] : memref<80000x256xi32, #tpu.memory_space<hbm>> -> memref<200x256xi32, #tpu.memory_space<hbm>>
        %dma_wait3A_33 = arith.constant 0 : i32
        %dma_wait3A_34 = tpu.memref_slice %arg6[%add3A_26, %dma_wait3A_33] : memref<80000x256xi32, #tpu.memory_space<hbm>> -> memref<200x256xi32, #tpu.memory_space<hbm>>
        tpu.wait_dma2 semaphore(%run_scoped3A : memref<!tpu.dma_semaphore, #tpu.memory_space<semaphore_mem>>) src(%arg9 : memref<200x256xi32, #tpu.memory_space<vmem>>) dst(%dma_wait3A_34 : memref<200x256xi32, #tpu.memory_space<hbm>>)
        tpu.yield
      }) : () -> ()
    } else {
    }
    %eq3A_3 = arith.constant 1 : i32
    %eq3A_4 = arith.cmpi eq, %arg0, %eq3A_3 : i32
    %convert_element_type3A_5 = arith.extui %eq3A_4 : i1 to i32
    %cond3A_6 = arith.constant 0 : i32
    %cond3A_7 = arith.cmpi ne, %convert_element_type3A_5, %cond3A_6 : i32
    scf.if %cond3A_7 {
      "tpu.region"() ({
        %run_scoped3A = tpu.sem_alloc : memref<!tpu.dma_semaphore, #tpu.memory_space<semaphore_mem>>
        %dma_start3A_27 = tpu.memref_slice %arg5[%mul3A_0] : memref<80000xi32, #tpu.memory_space<hbm>> -> memref<5000xi32, #tpu.memory_space<hbm>>
        %dma_start3A_28 = tpu.memref_slice %arg5[%mul3A_0] : memref<80000xi32, #tpu.memory_space<hbm>> -> memref<5000xi32, #tpu.memory_space<hbm>>
        tpu.enqueue_dma source(%dma_start3A_28 : memref<5000xi32, #tpu.memory_space<hbm>>) target(%arg8 : memref<5000xi32, #tpu.memory_space<vmem>>) target_semaphore(%run_scoped3A : memref<!tpu.dma_semaphore, #tpu.memory_space<semaphore_mem>>)
        %dma_wait3A_29 = tpu.memref_slice %arg5[%mul3A_0] : memref<80000xi32, #tpu.memory_space<hbm>> -> memref<5000xi32, #tpu.memory_space<hbm>>
        %dma_wait3A_30 = tpu.memref_slice %arg5[%mul3A_0] : memref<80000xi32, #tpu.memory_space<hbm>> -> memref<5000xi32, #tpu.memory_space<hbm>>
        tpu.wait_dma2 semaphore(%run_scoped3A : memref<!tpu.dma_semaphore, #tpu.memory_space<semaphore_mem>>) src(%dma_wait3A_30 : memref<5000xi32, #tpu.memory_space<hbm>>) dst(%arg8 : memref<5000xi32, #tpu.memory_space<vmem>>)
        tpu.yield
      }) : () -> ()
      %dma_start3A = arith.constant 0 : i32
      %dma_start3A_8 = tpu.memref_slice %arg8[%dma_start3A] : memref<5000xi32, #tpu.memory_space<vmem>> -> memref<200xi32, #tpu.memory_space<vmem>>
      %dma_start3A_9 = arith.constant 0 : i32
      %dma_start3A_10 = arith.constant 0 : i32
      %dma_start3A_11 = tpu.memref_slice %arg3[%dma_start3A_9, %dma_start3A_10] : memref<10000x256xi32, #tpu.memory_space<hbm>> -> memref<10000x256xi32, #tpu.memory_space<hbm>>
      tpu.enqueue_indirect_dma source(%dma_start3A_11 : memref<10000x256xi32, #tpu.memory_space<hbm>>) target(%arg9 : memref<200x256xi32, #tpu.memory_space<vmem>>) offsets(%dma_start3A_8 : memref<200xi32, #tpu.memory_space<vmem>>) semaphore(%arg11 : memref<!tpu.dma_semaphore, #tpu.memory_space<semaphore_mem>>)
      %dma_start3A_12 = arith.constant 200 : i32
      %dma_start3A_13 = tpu.memref_slice %arg8[%dma_start3A_12] : memref<5000xi32, #tpu.memory_space<vmem>> -> memref<200xi32, #tpu.memory_space<vmem>>
      %dma_start3A_14 = arith.constant 0 : i32
      %dma_start3A_15 = arith.constant 0 : i32
      %dma_start3A_16 = tpu.memref_slice %arg3[%dma_start3A_14, %dma_start3A_15] : memref<10000x256xi32, #tpu.memory_space<hbm>> -> memref<10000x256xi32, #tpu.memory_space<hbm>>
      tpu.enqueue_indirect_dma source(%dma_start3A_16 : memref<10000x256xi32, #tpu.memory_space<hbm>>) target(%arg10 : memref<200x256xi32, #tpu.memory_space<vmem>>) offsets(%dma_start3A_13 : memref<200xi32, #tpu.memory_space<vmem>>) semaphore(%arg12 : memref<!tpu.dma_semaphore, #tpu.memory_space<semaphore_mem>>)
      %scan3A = arith.constant 0 : i32
      %scan3A_17 = arith.constant 0 : i32
      %scan3A_18 = arith.constant 12 : i32
      %scan3A_19 = arith.addi %scan3A_17, %scan3A_18 : i32
      %scan3A_20 = arith.constant 1 : i32
      scf.for %scan3A_27 = %scan3A_17 to %scan3A_19 step %scan3A_20  : i32 {
        %mul3A_28 = arith.constant 2 : i32
        %mul3A_29 = arith.muli %mul3A_28, %scan3A_27 : i32
        %add3A_30 = arith.constant 0 : i32
        %add3A_31 = arith.addi %mul3A_29, %add3A_30 : i32
        %mul3A_32 = arith.constant 200 : i32
        %mul3A_33 = arith.muli %add3A_31, %mul3A_32 : i32
        %dma_wait3A_34 = tpu.memref_slice %arg8[%mul3A_33] : memref<5000xi32, #tpu.memory_space<vmem>> -> memref<200xi32, #tpu.memory_space<vmem>>
        %dma_wait3A_35 = arith.constant 0 : i32
        %dma_wait3A_36 = arith.constant 0 : i32
        %dma_wait3A_37 = tpu.memref_slice %arg3[%dma_wait3A_35, %dma_wait3A_36] : memref<10000x256xi32, #tpu.memory_space<hbm>> -> memref<10000x256xi32, #tpu.memory_space<hbm>>
        tpu.wait_indirect_dma semaphore(%arg11 : memref<!tpu.dma_semaphore, #tpu.memory_space<semaphore_mem>>) src(%dma_wait3A_37 : memref<10000x256xi32, #tpu.memory_space<hbm>>) dst(%arg9 : memref<200x256xi32, #tpu.memory_space<vmem>>)
        %mul3A_38 = arith.constant 200 : i32
        %mul3A_39 = arith.muli %add3A_31, %mul3A_38 : i32
        %add3A_40 = arith.addi %mul3A_0, %mul3A_39 : i32
        "tpu.region"() ({
          %run_scoped3A = tpu.sem_alloc : memref<!tpu.dma_semaphore, #tpu.memory_space<semaphore_mem>>
          %dma_start3A_67 = arith.constant 0 : i32
          %dma_start3A_68 = tpu.memref_slice %arg7[%add3A_40, %dma_start3A_67] : memref<80000x256xi32, #tpu.memory_space<hbm>> -> memref<200x256xi32, #tpu.memory_space<hbm>>
          %dma_start3A_69 = arith.constant 0 : i32
          %dma_start3A_70 = tpu.memref_slice %arg7[%add3A_40, %dma_start3A_69] : memref<80000x256xi32, #tpu.memory_space<hbm>> -> memref<200x256xi32, #tpu.memory_space<hbm>>
          tpu.enqueue_dma source(%arg9 : memref<200x256xi32, #tpu.memory_space<vmem>>) target(%dma_start3A_70 : memref<200x256xi32, #tpu.memory_space<hbm>>) target_semaphore(%run_scoped3A : memref<!tpu.dma_semaphore, #tpu.memory_space<semaphore_mem>>)
          %dma_wait3A_71 = arith.constant 0 : i32
          %dma_wait3A_72 = tpu.memref_slice %arg7[%add3A_40, %dma_wait3A_71] : memref<80000x256xi32, #tpu.memory_space<hbm>> -> memref<200x256xi32, #tpu.memory_space<hbm>>
          %dma_wait3A_73 = arith.constant 0 : i32
          %dma_wait3A_74 = tpu.memref_slice %arg7[%add3A_40, %dma_wait3A_73] : memref<80000x256xi32, #tpu.memory_space<hbm>> -> memref<200x256xi32, #tpu.memory_space<hbm>>
          tpu.wait_dma2 semaphore(%run_scoped3A : memref<!tpu.dma_semaphore, #tpu.memory_space<semaphore_mem>>) src(%arg9 : memref<200x256xi32, #tpu.memory_space<vmem>>) dst(%dma_wait3A_74 : memref<200x256xi32, #tpu.memory_space<hbm>>)
          tpu.yield
        }) : () -> ()
        %add3A_41 = arith.constant 2 : i32
        %add3A_42 = arith.addi %add3A_31, %add3A_41 : i32
        %lt3A = arith.constant 25 : i32
        %lt3A_43 = arith.cmpi slt, %add3A_42, %lt3A : i32
        %convert_element_type3A_44 = arith.extui %lt3A_43 : i1 to i32
        %cond3A_45 = arith.constant 0 : i32
        %cond3A_46 = arith.cmpi ne, %convert_element_type3A_44, %cond3A_45 : i32
        scf.if %cond3A_46 {
          %add3A_67 = arith.constant 2 : i32
          %add3A_68 = arith.addi %add3A_31, %add3A_67 : i32
          %mul3A_69 = arith.constant 200 : i32
          %mul3A_70 = arith.muli %add3A_68, %mul3A_69 : i32
          %dma_start3A_71 = tpu.memref_slice %arg8[%mul3A_70] : memref<5000xi32, #tpu.memory_space<vmem>> -> memref<200xi32, #tpu.memory_space<vmem>>
          %dma_start3A_72 = arith.constant 0 : i32
          %dma_start3A_73 = arith.constant 0 : i32
          %dma_start3A_74 = tpu.memref_slice %arg3[%dma_start3A_72, %dma_start3A_73] : memref<10000x256xi32, #tpu.memory_space<hbm>> -> memref<10000x256xi32, #tpu.memory_space<hbm>>
          tpu.enqueue_indirect_dma source(%dma_start3A_74 : memref<10000x256xi32, #tpu.memory_space<hbm>>) target(%arg9 : memref<200x256xi32, #tpu.memory_space<vmem>>) offsets(%dma_start3A_71 : memref<200xi32, #tpu.memory_space<vmem>>) semaphore(%arg11 : memref<!tpu.dma_semaphore, #tpu.memory_space<semaphore_mem>>)
        } else {
        }
        %mul3A_47 = arith.constant 2 : i32
        %mul3A_48 = arith.muli %mul3A_47, %scan3A_27 : i32
        %add3A_49 = arith.constant 1 : i32
        %add3A_50 = arith.addi %mul3A_48, %add3A_49 : i32
        %mul3A_51 = arith.constant 200 : i32
        %mul3A_52 = arith.muli %add3A_50, %mul3A_51 : i32
        %dma_wait3A_53 = tpu.memref_slice %arg8[%mul3A_52] : memref<5000xi32, #tpu.memory_space<vmem>> -> memref<200xi32, #tpu.memory_space<vmem>>
        %dma_wait3A_54 = arith.constant 0 : i32
        %dma_wait3A_55 = arith.constant 0 : i32
        %dma_wait3A_56 = tpu.memref_slice %arg3[%dma_wait3A_54, %dma_wait3A_55] : memref<10000x256xi32, #tpu.memory_space<hbm>> -> memref<10000x256xi32, #tpu.memory_space<hbm>>
        tpu.wait_indirect_dma semaphore(%arg12 : memref<!tpu.dma_semaphore, #tpu.memory_space<semaphore_mem>>) src(%dma_wait3A_56 : memref<10000x256xi32, #tpu.memory_space<hbm>>) dst(%arg10 : memref<200x256xi32, #tpu.memory_space<vmem>>)
        %mul3A_57 = arith.constant 200 : i32
        %mul3A_58 = arith.muli %add3A_50, %mul3A_57 : i32
        %add3A_59 = arith.addi %mul3A_0, %mul3A_58 : i32
        "tpu.region"() ({
          %run_scoped3A = tpu.sem_alloc : memref<!tpu.dma_semaphore, #tpu.memory_space<semaphore_mem>>
          %dma_start3A_67 = arith.constant 0 : i32
          %dma_start3A_68 = tpu.memref_slice %arg7[%add3A_59, %dma_start3A_67] : memref<80000x256xi32, #tpu.memory_space<hbm>> -> memref<200x256xi32, #tpu.memory_space<hbm>>
          %dma_start3A_69 = arith.constant 0 : i32
          %dma_start3A_70 = tpu.memref_slice %arg7[%add3A_59, %dma_start3A_69] : memref<80000x256xi32, #tpu.memory_space<hbm>> -> memref<200x256xi32, #tpu.memory_space<hbm>>
          tpu.enqueue_dma source(%arg10 : memref<200x256xi32, #tpu.memory_space<vmem>>) target(%dma_start3A_70 : memref<200x256xi32, #tpu.memory_space<hbm>>) target_semaphore(%run_scoped3A : memref<!tpu.dma_semaphore, #tpu.memory_space<semaphore_mem>>)
          %dma_wait3A_71 = arith.constant 0 : i32
          %dma_wait3A_72 = tpu.memref_slice %arg7[%add3A_59, %dma_wait3A_71] : memref<80000x256xi32, #tpu.memory_space<hbm>> -> memref<200x256xi32, #tpu.memory_space<hbm>>
          %dma_wait3A_73 = arith.constant 0 : i32
          %dma_wait3A_74 = tpu.memref_slice %arg7[%add3A_59, %dma_wait3A_73] : memref<80000x256xi32, #tpu.memory_space<hbm>> -> memref<200x256xi32, #tpu.memory_space<hbm>>
          tpu.wait_dma2 semaphore(%run_scoped3A : memref<!tpu.dma_semaphore, #tpu.memory_space<semaphore_mem>>) src(%arg10 : memref<200x256xi32, #tpu.memory_space<vmem>>) dst(%dma_wait3A_74 : memref<200x256xi32, #tpu.memory_space<hbm>>)
          tpu.yield
        }) : () -> ()
        %add3A_60 = arith.constant 2 : i32
        %add3A_61 = arith.addi %add3A_50, %add3A_60 : i32
        %lt3A_62 = arith.constant 25 : i32
        %lt3A_63 = arith.cmpi slt, %add3A_61, %lt3A_62 : i32
        %convert_element_type3A_64 = arith.extui %lt3A_63 : i1 to i32
        %cond3A_65 = arith.constant 0 : i32
        %cond3A_66 = arith.cmpi ne, %convert_element_type3A_64, %cond3A_65 : i32
        scf.if %cond3A_66 {
          %add3A_67 = arith.constant 2 : i32
          %add3A_68 = arith.addi %add3A_50, %add3A_67 : i32
          %mul3A_69 = arith.constant 200 : i32
          %mul3A_70 = arith.muli %add3A_68, %mul3A_69 : i32
          %dma_start3A_71 = tpu.memref_slice %arg8[%mul3A_70] : memref<5000xi32, #tpu.memory_space<vmem>> -> memref<200xi32, #tpu.memory_space<vmem>>
          %dma_start3A_72 = arith.constant 0 : i32
          %dma_start3A_73 = arith.constant 0 : i32
          %dma_start3A_74 = tpu.memref_slice %arg3[%dma_start3A_72, %dma_start3A_73] : memref<10000x256xi32, #tpu.memory_space<hbm>> -> memref<10000x256xi32, #tpu.memory_space<hbm>>
          tpu.enqueue_indirect_dma source(%dma_start3A_74 : memref<10000x256xi32, #tpu.memory_space<hbm>>) target(%arg10 : memref<200x256xi32, #tpu.memory_space<vmem>>) offsets(%dma_start3A_71 : memref<200xi32, #tpu.memory_space<vmem>>) semaphore(%arg12 : memref<!tpu.dma_semaphore, #tpu.memory_space<semaphore_mem>>)
        } else {
        }
      }
      %scan3A_21 = arith.constant 12 : i32
      %dma_wait3A = arith.constant 4800 : i32
      %dma_wait3A_22 = tpu.memref_slice %arg8[%dma_wait3A] : memref<5000xi32, #tpu.memory_space<vmem>> -> memref<200xi32, #tpu.memory_space<vmem>>
      %dma_wait3A_23 = arith.constant 0 : i32
      %dma_wait3A_24 = arith.constant 0 : i32
      %dma_wait3A_25 = tpu.memref_slice %arg3[%dma_wait3A_23, %dma_wait3A_24] : memref<10000x256xi32, #tpu.memory_space<hbm>> -> memref<10000x256xi32, #tpu.memory_space<hbm>>
      tpu.wait_indirect_dma semaphore(%arg11 : memref<!tpu.dma_semaphore, #tpu.memory_space<semaphore_mem>>) src(%dma_wait3A_25 : memref<10000x256xi32, #tpu.memory_space<hbm>>) dst(%arg9 : memref<200x256xi32, #tpu.memory_space<vmem>>)
      %add3A = arith.constant 4800 : i32
      %add3A_26 = arith.addi %mul3A_0, %add3A : i32
      "tpu.region"() ({
        %run_scoped3A = tpu.sem_alloc : memref<!tpu.dma_semaphore, #tpu.memory_space<semaphore_mem>>
        %dma_start3A_27 = arith.constant 0 : i32
        %dma_start3A_28 = tpu.memref_slice %arg7[%add3A_26, %dma_start3A_27] : memref<80000x256xi32, #tpu.memory_space<hbm>> -> memref<200x256xi32, #tpu.memory_space<hbm>>
        %dma_start3A_29 = arith.constant 0 : i32
        %dma_start3A_30 = tpu.memref_slice %arg7[%add3A_26, %dma_start3A_29] : memref<80000x256xi32, #tpu.memory_space<hbm>> -> memref<200x256xi32, #tpu.memory_space<hbm>>
        tpu.enqueue_dma source(%arg9 : memref<200x256xi32, #tpu.memory_space<vmem>>) target(%dma_start3A_30 : memref<200x256xi32, #tpu.memory_space<hbm>>) target_semaphore(%run_scoped3A : memref<!tpu.dma_semaphore, #tpu.memory_space<semaphore_mem>>)
        %dma_wait3A_31 = arith.constant 0 : i32
        %dma_wait3A_32 = tpu.memref_slice %arg7[%add3A_26, %dma_wait3A_31] : memref<80000x256xi32, #tpu.memory_space<hbm>> -> memref<200x256xi32, #tpu.memory_space<hbm>>
        %dma_wait3A_33 = arith.constant 0 : i32
        %dma_wait3A_34 = tpu.memref_slice %arg7[%add3A_26, %dma_wait3A_33] : memref<80000x256xi32, #tpu.memory_space<hbm>> -> memref<200x256xi32, #tpu.memory_space<hbm>>
        tpu.wait_dma2 semaphore(%run_scoped3A : memref<!tpu.dma_semaphore, #tpu.memory_space<semaphore_mem>>) src(%arg9 : memref<200x256xi32, #tpu.memory_space<vmem>>) dst(%dma_wait3A_34 : memref<200x256xi32, #tpu.memory_space<hbm>>)
        tpu.yield
      }) : () -> ()
    } else {
    }
    return
  }
}

#map = affine_map<(d0, d1) -> (0, 0)>
#map1 = affine_map<(d0, d1) -> (0, 0, 0)>
module attributes {stable_mosaic.version = 14 : i64} {
  func.func @_scatter_kernel(%arg0: i32, %arg1: i32, %arg2: memref<80000x128xf32, #tpu.memory_space<hbm>>, %arg3: memref<80000x128xf32, #tpu.memory_space<hbm>>, %arg4: memref<16x125x40xi32, #tpu.memory_space<hbm>>, %arg5: memref<10000x128xf32, #tpu.memory_space<hbm>>, %arg6: memref<10000x128xf32, #tpu.memory_space<hbm>>, %arg7: memref<10000x128xf32, #tpu.memory_space<hbm>>, %arg8: memref<10000x128xf32, #tpu.memory_space<hbm>>, %arg9: memref<125x40xi32, #tpu.memory_space<vmem>>, %arg10: memref<40x128xf32, #tpu.memory_space<vmem>>, %arg11: memref<40x128xf32, #tpu.memory_space<vmem>>, %arg12: memref<10000x128xf32, #tpu.memory_space<vmem_shared>>, %arg13: memref<!tpu.dma_semaphore, #tpu.memory_space<semaphore_mem>>, %arg14: memref<!tpu.dma_semaphore, #tpu.memory_space<semaphore_mem>>, %arg15: memref<!tpu.dma_semaphore, #tpu.memory_space<semaphore_mem>>, %arg16: memref<!tpu.dma_semaphore, #tpu.memory_space<semaphore_mem>>) attributes {dimension_semantics = [#tpu.dimension_semantics<core_parallel>, #tpu.dimension_semantics<subcore_parallel>], iteration_bounds = array<i64: 2, 16>, scalar_prefetch = 0 : i64, scratch_operands = 8 : i64, tpu.core_type = #tpu.core_type<sc_vector_subcore>, window_params = [{transform_indices = #map}, {transform_indices = #map}, {transform_indices = #map1}, {transform_indices = #map}, {transform_indices = #map}, {transform_indices = #map}, {transform_indices = #map}]} {
    %eq3A = arith.constant 0 : i32
    %eq3A_0 = arith.cmpi eq, %arg0, %eq3A : i32
    %lt3A = arith.constant 10 : i32
    %lt3A_1 = arith.cmpi slt, %arg1, %lt3A : i32
    %and3A = arith.andi %eq3A_0, %lt3A_1 : i1
    %convert_element_type3A = arith.extui %and3A : i1 to i32
    %cond3A = arith.constant 0 : i32
    %cond3A_2 = arith.cmpi ne, %convert_element_type3A, %cond3A : i32
    scf.if %cond3A_2 {
      %mul3A = arith.constant 1000 : i32
      %mul3A_38 = arith.muli %arg1, %mul3A : i32
      %mul3A_39 = arith.constant 1000 : i32
      %mul3A_40 = arith.muli %arg1, %mul3A_39 : i32
      "tpu.region"() ({
        %run_scoped3A = tpu.sem_alloc : memref<!tpu.dma_semaphore, #tpu.memory_space<semaphore_mem>>
        %dma_start3A = arith.constant 0 : i32
        %dma_start3A_41 = tpu.memref_slice %arg12[%mul3A_40, %dma_start3A] : memref<10000x128xf32, #tpu.memory_space<vmem_shared>> -> memref<1000x128xf32, #tpu.memory_space<vmem_shared>>
        %dma_start3A_42 = arith.constant 0 : i32
        %dma_start3A_43 = tpu.memref_slice %arg5[%mul3A_38, %dma_start3A_42] : memref<10000x128xf32, #tpu.memory_space<hbm>> -> memref<1000x128xf32, #tpu.memory_space<hbm>>
        tpu.enqueue_dma source(%dma_start3A_43 : memref<1000x128xf32, #tpu.memory_space<hbm>>) target(%dma_start3A_41 : memref<1000x128xf32, #tpu.memory_space<vmem_shared>>) target_semaphore(%run_scoped3A : memref<!tpu.dma_semaphore, #tpu.memory_space<semaphore_mem>>)
        %dma_wait3A = arith.constant 0 : i32
        %dma_wait3A_44 = tpu.memref_slice %arg12[%mul3A_40, %dma_wait3A] : memref<10000x128xf32, #tpu.memory_space<vmem_shared>> -> memref<1000x128xf32, #tpu.memory_space<vmem_shared>>
        %dma_wait3A_45 = arith.constant 0 : i32
        %dma_wait3A_46 = tpu.memref_slice %arg5[%mul3A_38, %dma_wait3A_45] : memref<10000x128xf32, #tpu.memory_space<hbm>> -> memref<1000x128xf32, #tpu.memory_space<hbm>>
        tpu.wait_dma2 semaphore(%run_scoped3A : memref<!tpu.dma_semaphore, #tpu.memory_space<semaphore_mem>>) src(%dma_wait3A_46 : memref<1000x128xf32, #tpu.memory_space<hbm>>) dst(%dma_wait3A_44 : memref<1000x128xf32, #tpu.memory_space<vmem_shared>>)
        tpu.yield
      }) : () -> ()
    } else {
    }
    %eq3A_3 = arith.constant 1 : i32
    %eq3A_4 = arith.cmpi eq, %arg0, %eq3A_3 : i32
    %lt3A_5 = arith.constant 10 : i32
    %lt3A_6 = arith.cmpi slt, %arg1, %lt3A_5 : i32
    %and3A_7 = arith.andi %eq3A_4, %lt3A_6 : i1
    %convert_element_type3A_8 = arith.extui %and3A_7 : i1 to i32
    %cond3A_9 = arith.constant 0 : i32
    %cond3A_10 = arith.cmpi ne, %convert_element_type3A_8, %cond3A_9 : i32
    scf.if %cond3A_10 {
      %mul3A = arith.constant 1000 : i32
      %mul3A_38 = arith.muli %arg1, %mul3A : i32
      %mul3A_39 = arith.constant 1000 : i32
      %mul3A_40 = arith.muli %arg1, %mul3A_39 : i32
      "tpu.region"() ({
        %run_scoped3A = tpu.sem_alloc : memref<!tpu.dma_semaphore, #tpu.memory_space<semaphore_mem>>
        %dma_start3A = arith.constant 0 : i32
        %dma_start3A_41 = tpu.memref_slice %arg12[%mul3A_40, %dma_start3A] : memref<10000x128xf32, #tpu.memory_space<vmem_shared>> -> memref<1000x128xf32, #tpu.memory_space<vmem_shared>>
        %dma_start3A_42 = arith.constant 0 : i32
        %dma_start3A_43 = tpu.memref_slice %arg6[%mul3A_38, %dma_start3A_42] : memref<10000x128xf32, #tpu.memory_space<hbm>> -> memref<1000x128xf32, #tpu.memory_space<hbm>>
        tpu.enqueue_dma source(%dma_start3A_43 : memref<1000x128xf32, #tpu.memory_space<hbm>>) target(%dma_start3A_41 : memref<1000x128xf32, #tpu.memory_space<vmem_shared>>) target_semaphore(%run_scoped3A : memref<!tpu.dma_semaphore, #tpu.memory_space<semaphore_mem>>)
        %dma_wait3A = arith.constant 0 : i32
        %dma_wait3A_44 = tpu.memref_slice %arg12[%mul3A_40, %dma_wait3A] : memref<10000x128xf32, #tpu.memory_space<vmem_shared>> -> memref<1000x128xf32, #tpu.memory_space<vmem_shared>>
        %dma_wait3A_45 = arith.constant 0 : i32
        %dma_wait3A_46 = tpu.memref_slice %arg6[%mul3A_38, %dma_wait3A_45] : memref<10000x128xf32, #tpu.memory_space<hbm>> -> memref<1000x128xf32, #tpu.memory_space<hbm>>
        tpu.wait_dma2 semaphore(%run_scoped3A : memref<!tpu.dma_semaphore, #tpu.memory_space<semaphore_mem>>) src(%dma_wait3A_46 : memref<1000x128xf32, #tpu.memory_space<hbm>>) dst(%dma_wait3A_44 : memref<1000x128xf32, #tpu.memory_space<vmem_shared>>)
        tpu.yield
      }) : () -> ()
    } else {
    }
    %barrier3A = arith.constant 0 : index
    tpu.barrier barrier_id(%barrier3A)
    "tpu.region"() ({
      %run_scoped3A = tpu.sem_alloc : memref<!tpu.dma_semaphore, #tpu.memory_space<semaphore_mem>>
      %dma_start3A = arith.constant 0 : i32
      %dma_start3A_38 = arith.constant 0 : i32
      %dma_start3A_39 = tpu.memref_slice %arg4[%arg1, %dma_start3A, %dma_start3A_38] : memref<16x125x40xi32, #tpu.memory_space<hbm>> -> memref<1x125x40xi32, #tpu.memory_space<hbm>>
      %dma_start3A_40 = tpu.memref_squeeze %dma_start3A_39 : memref<1x125x40xi32, #tpu.memory_space<hbm>> -> memref<125x40xi32, #tpu.memory_space<hbm>>
      %dma_start3A_41 = arith.constant 0 : i32
      %dma_start3A_42 = arith.constant 0 : i32
      %dma_start3A_43 = tpu.memref_slice %arg4[%arg1, %dma_start3A_41, %dma_start3A_42] : memref<16x125x40xi32, #tpu.memory_space<hbm>> -> memref<1x125x40xi32, #tpu.memory_space<hbm>>
      %dma_start3A_44 = tpu.memref_squeeze %dma_start3A_43 : memref<1x125x40xi32, #tpu.memory_space<hbm>> -> memref<125x40xi32, #tpu.memory_space<hbm>>
      tpu.enqueue_dma source(%dma_start3A_44 : memref<125x40xi32, #tpu.memory_space<hbm>>) target(%arg9 : memref<125x40xi32, #tpu.memory_space<vmem>>) target_semaphore(%run_scoped3A : memref<!tpu.dma_semaphore, #tpu.memory_space<semaphore_mem>>)
      %dma_wait3A = arith.constant 0 : i32
      %dma_wait3A_45 = arith.constant 0 : i32
      %dma_wait3A_46 = tpu.memref_slice %arg4[%arg1, %dma_wait3A, %dma_wait3A_45] : memref<16x125x40xi32, #tpu.memory_space<hbm>> -> memref<1x125x40xi32, #tpu.memory_space<hbm>>
      %dma_wait3A_47 = tpu.memref_squeeze %dma_wait3A_46 : memref<1x125x40xi32, #tpu.memory_space<hbm>> -> memref<125x40xi32, #tpu.memory_space<hbm>>
      %dma_wait3A_48 = arith.constant 0 : i32
      %dma_wait3A_49 = arith.constant 0 : i32
      %dma_wait3A_50 = tpu.memref_slice %arg4[%arg1, %dma_wait3A_48, %dma_wait3A_49] : memref<16x125x40xi32, #tpu.memory_space<hbm>> -> memref<1x125x40xi32, #tpu.memory_space<hbm>>
      %dma_wait3A_51 = tpu.memref_squeeze %dma_wait3A_50 : memref<1x125x40xi32, #tpu.memory_space<hbm>> -> memref<125x40xi32, #tpu.memory_space<hbm>>
      tpu.wait_dma2 semaphore(%run_scoped3A : memref<!tpu.dma_semaphore, #tpu.memory_space<semaphore_mem>>) src(%dma_wait3A_51 : memref<125x40xi32, #tpu.memory_space<hbm>>) dst(%arg9 : memref<125x40xi32, #tpu.memory_space<vmem>>)
      tpu.yield
    }) : () -> ()
    %eq3A_11 = arith.constant 0 : i32
    %eq3A_12 = arith.cmpi eq, %arg0, %eq3A_11 : i32
    %convert_element_type3A_13 = arith.extui %eq3A_12 : i1 to i32
    %cond3A_14 = arith.constant 0 : i32
    %cond3A_15 = arith.cmpi ne, %convert_element_type3A_13, %cond3A_14 : i32
    scf.if %cond3A_15 {
      %mul3A = arith.constant 5000 : i32
      %mul3A_38 = arith.muli %arg1, %mul3A : i32
      %add3A = arith.constant 0 : i32
      %add3A_39 = arith.addi %mul3A_38, %add3A : i32
      %dma_start3A = arith.constant 0 : i32
      %dma_start3A_40 = tpu.memref_slice %arg2[%add3A_39, %dma_start3A] : memref<80000x128xf32, #tpu.memory_space<hbm>> -> memref<40x128xf32, #tpu.memory_space<hbm>>
      %dma_start3A_41 = arith.constant 0 : i32
      %dma_start3A_42 = tpu.memref_slice %arg2[%add3A_39, %dma_start3A_41] : memref<80000x128xf32, #tpu.memory_space<hbm>> -> memref<40x128xf32, #tpu.memory_space<hbm>>
      tpu.enqueue_dma source(%dma_start3A_42 : memref<40x128xf32, #tpu.memory_space<hbm>>) target(%arg10 : memref<40x128xf32, #tpu.memory_space<vmem>>) target_semaphore(%arg13 : memref<!tpu.dma_semaphore, #tpu.memory_space<semaphore_mem>>)
      %mul3A_43 = arith.constant 5000 : i32
      %mul3A_44 = arith.muli %arg1, %mul3A_43 : i32
      %add3A_45 = arith.constant 40 : i32
      %add3A_46 = arith.addi %mul3A_44, %add3A_45 : i32
      %dma_start3A_47 = arith.constant 0 : i32
      %dma_start3A_48 = tpu.memref_slice %arg2[%add3A_46, %dma_start3A_47] : memref<80000x128xf32, #tpu.memory_space<hbm>> -> memref<40x128xf32, #tpu.memory_space<hbm>>
      %dma_start3A_49 = arith.constant 0 : i32
      %dma_start3A_50 = tpu.memref_slice %arg2[%add3A_46, %dma_start3A_49] : memref<80000x128xf32, #tpu.memory_space<hbm>> -> memref<40x128xf32, #tpu.memory_space<hbm>>
      tpu.enqueue_dma source(%dma_start3A_50 : memref<40x128xf32, #tpu.memory_space<hbm>>) target(%arg11 : memref<40x128xf32, #tpu.memory_space<vmem>>) target_semaphore(%arg14 : memref<!tpu.dma_semaphore, #tpu.memory_space<semaphore_mem>>)
      %scan3A = arith.constant 0 : i32
      %scan3A_51 = arith.constant 0 : i32
      %scan3A_52 = arith.constant 62 : i32
      %scan3A_53 = arith.addi %scan3A_51, %scan3A_52 : i32
      %scan3A_54 = arith.constant 1 : i32
      scf.for %scan3A_77 = %scan3A_51 to %scan3A_53 step %scan3A_54  : i32 {
        %mul3A_78 = arith.constant 2 : i32
        %mul3A_79 = arith.muli %mul3A_78, %scan3A_77 : i32
        %add3A_80 = arith.constant 0 : i32
        %add3A_81 = arith.addi %mul3A_79, %add3A_80 : i32
        %mul3A_82 = arith.constant 5000 : i32
        %mul3A_83 = arith.muli %arg1, %mul3A_82 : i32
        %mul3A_84 = arith.constant 40 : i32
        %mul3A_85 = arith.muli %add3A_81, %mul3A_84 : i32
        %add3A_86 = arith.addi %mul3A_83, %mul3A_85 : i32
        %dma_wait3A_87 = arith.constant 0 : i32
        %dma_wait3A_88 = tpu.memref_slice %arg2[%add3A_86, %dma_wait3A_87] : memref<80000x128xf32, #tpu.memory_space<hbm>> -> memref<40x128xf32, #tpu.memory_space<hbm>>
        %dma_wait3A_89 = arith.constant 0 : i32
        %dma_wait3A_90 = tpu.memref_slice %arg2[%add3A_86, %dma_wait3A_89] : memref<80000x128xf32, #tpu.memory_space<hbm>> -> memref<40x128xf32, #tpu.memory_space<hbm>>
        tpu.wait_dma2 semaphore(%arg13 : memref<!tpu.dma_semaphore, #tpu.memory_space<semaphore_mem>>) src(%dma_wait3A_90 : memref<40x128xf32, #tpu.memory_space<hbm>>) dst(%arg10 : memref<40x128xf32, #tpu.memory_space<vmem>>)
        %dma_start3A_91 = arith.constant 0 : i32
        %dma_start3A_92 = tpu.memref_slice %arg9[%add3A_81, %dma_start3A_91] : memref<125x40xi32, #tpu.memory_space<vmem>> -> memref<1x40xi32, #tpu.memory_space<vmem>>
        %dma_start3A_93 = tpu.memref_squeeze %dma_start3A_92 : memref<1x40xi32, #tpu.memory_space<vmem>> -> memref<40xi32, #tpu.memory_space<vmem>>
        %dma_start3A_94 = arith.constant 0 : i32
        %dma_start3A_95 = arith.constant 0 : i32
        %dma_start3A_96 = tpu.memref_slice %arg12[%dma_start3A_94, %dma_start3A_95] : memref<10000x128xf32, #tpu.memory_space<vmem_shared>> -> memref<10000x128xf32, #tpu.memory_space<vmem_shared>>
        tpu.enqueue_indirect_dma source(%arg10 : memref<40x128xf32, #tpu.memory_space<vmem>>) target(%dma_start3A_96 : memref<10000x128xf32, #tpu.memory_space<vmem_shared>>) offsets(%dma_start3A_93 : memref<40xi32, #tpu.memory_space<vmem>>) semaphore(%arg15 : memref<!tpu.dma_semaphore, #tpu.memory_space<semaphore_mem>>) {add = true}
        %dma_wait3A_97 = arith.constant 0 : i32
        %dma_wait3A_98 = tpu.memref_slice %arg9[%add3A_81, %dma_wait3A_97] : memref<125x40xi32, #tpu.memory_space<vmem>> -> memref<1x40xi32, #tpu.memory_space<vmem>>
        %dma_wait3A_99 = tpu.memref_squeeze %dma_wait3A_98 : memref<1x40xi32, #tpu.memory_space<vmem>> -> memref<40xi32, #tpu.memory_space<vmem>>
        %dma_wait3A_100 = arith.constant 0 : i32
        %dma_wait3A_101 = arith.constant 0 : i32
        %dma_wait3A_102 = tpu.memref_slice %arg12[%dma_wait3A_100, %dma_wait3A_101] : memref<10000x128xf32, #tpu.memory_space<vmem_shared>> -> memref<10000x128xf32, #tpu.memory_space<vmem_shared>>
        tpu.wait_indirect_dma semaphore(%arg15 : memref<!tpu.dma_semaphore, #tpu.memory_space<semaphore_mem>>) src(%arg10 : memref<40x128xf32, #tpu.memory_space<vmem>>) dst(%dma_wait3A_102 : memref<10000x128xf32, #tpu.memory_space<vmem_shared>>)
        %add3A_103 = arith.constant 2 : i32
        %add3A_104 = arith.addi %add3A_81, %add3A_103 : i32
        %lt3A_105 = arith.constant 125 : i32
        %lt3A_106 = arith.cmpi slt, %add3A_104, %lt3A_105 : i32
        %convert_element_type3A_107 = arith.extui %lt3A_106 : i1 to i32
        %cond3A_108 = arith.constant 0 : i32
        %cond3A_109 = arith.cmpi ne, %convert_element_type3A_107, %cond3A_108 : i32
        scf.if %cond3A_109 {
          %add3A_142 = arith.constant 2 : i32
          %add3A_143 = arith.addi %add3A_81, %add3A_142 : i32
          %mul3A_144 = arith.constant 5000 : i32
          %mul3A_145 = arith.muli %arg1, %mul3A_144 : i32
          %mul3A_146 = arith.constant 40 : i32
          %mul3A_147 = arith.muli %add3A_143, %mul3A_146 : i32
          %add3A_148 = arith.addi %mul3A_145, %mul3A_147 : i32
          %dma_start3A_149 = arith.constant 0 : i32
          %dma_start3A_150 = tpu.memref_slice %arg2[%add3A_148, %dma_start3A_149] : memref<80000x128xf32, #tpu.memory_space<hbm>> -> memref<40x128xf32, #tpu.memory_space<hbm>>
          %dma_start3A_151 = arith.constant 0 : i32
          %dma_start3A_152 = tpu.memref_slice %arg2[%add3A_148, %dma_start3A_151] : memref<80000x128xf32, #tpu.memory_space<hbm>> -> memref<40x128xf32, #tpu.memory_space<hbm>>
          tpu.enqueue_dma source(%dma_start3A_152 : memref<40x128xf32, #tpu.memory_space<hbm>>) target(%arg10 : memref<40x128xf32, #tpu.memory_space<vmem>>) target_semaphore(%arg13 : memref<!tpu.dma_semaphore, #tpu.memory_space<semaphore_mem>>)
        } else {
        }
        %mul3A_110 = arith.constant 2 : i32
        %mul3A_111 = arith.muli %mul3A_110, %scan3A_77 : i32
        %add3A_112 = arith.constant 1 : i32
        %add3A_113 = arith.addi %mul3A_111, %add3A_112 : i32
        %mul3A_114 = arith.constant 5000 : i32
        %mul3A_115 = arith.muli %arg1, %mul3A_114 : i32
        %mul3A_116 = arith.constant 40 : i32
        %mul3A_117 = arith.muli %add3A_113, %mul3A_116 : i32
        %add3A_118 = arith.addi %mul3A_115, %mul3A_117 : i32
        %dma_wait3A_119 = arith.constant 0 : i32
        %dma_wait3A_120 = tpu.memref_slice %arg2[%add3A_118, %dma_wait3A_119] : memref<80000x128xf32, #tpu.memory_space<hbm>> -> memref<40x128xf32, #tpu.memory_space<hbm>>
        %dma_wait3A_121 = arith.constant 0 : i32
        %dma_wait3A_122 = tpu.memref_slice %arg2[%add3A_118, %dma_wait3A_121] : memref<80000x128xf32, #tpu.memory_space<hbm>> -> memref<40x128xf32, #tpu.memory_space<hbm>>
        tpu.wait_dma2 semaphore(%arg14 : memref<!tpu.dma_semaphore, #tpu.memory_space<semaphore_mem>>) src(%dma_wait3A_122 : memref<40x128xf32, #tpu.memory_space<hbm>>) dst(%arg11 : memref<40x128xf32, #tpu.memory_space<vmem>>)
        %dma_start3A_123 = arith.constant 0 : i32
        %dma_start3A_124 = tpu.memref_slice %arg9[%add3A_113, %dma_start3A_123] : memref<125x40xi32, #tpu.memory_space<vmem>> -> memref<1x40xi32, #tpu.memory_space<vmem>>
        %dma_start3A_125 = tpu.memref_squeeze %dma_start3A_124 : memref<1x40xi32, #tpu.memory_space<vmem>> -> memref<40xi32, #tpu.memory_space<vmem>>
        %dma_start3A_126 = arith.constant 0 : i32
        %dma_start3A_127 = arith.constant 0 : i32
        %dma_start3A_128 = tpu.memref_slice %arg12[%dma_start3A_126, %dma_start3A_127] : memref<10000x128xf32, #tpu.memory_space<vmem_shared>> -> memref<10000x128xf32, #tpu.memory_space<vmem_shared>>
        tpu.enqueue_indirect_dma source(%arg11 : memref<40x128xf32, #tpu.memory_space<vmem>>) target(%dma_start3A_128 : memref<10000x128xf32, #tpu.memory_space<vmem_shared>>) offsets(%dma_start3A_125 : memref<40xi32, #tpu.memory_space<vmem>>) semaphore(%arg16 : memref<!tpu.dma_semaphore, #tpu.memory_space<semaphore_mem>>) {add = true}
        %dma_wait3A_129 = arith.constant 0 : i32
        %dma_wait3A_130 = tpu.memref_slice %arg9[%add3A_113, %dma_wait3A_129] : memref<125x40xi32, #tpu.memory_space<vmem>> -> memref<1x40xi32, #tpu.memory_space<vmem>>
        %dma_wait3A_131 = tpu.memref_squeeze %dma_wait3A_130 : memref<1x40xi32, #tpu.memory_space<vmem>> -> memref<40xi32, #tpu.memory_space<vmem>>
        %dma_wait3A_132 = arith.constant 0 : i32
        %dma_wait3A_133 = arith.constant 0 : i32
        %dma_wait3A_134 = tpu.memref_slice %arg12[%dma_wait3A_132, %dma_wait3A_133] : memref<10000x128xf32, #tpu.memory_space<vmem_shared>> -> memref<10000x128xf32, #tpu.memory_space<vmem_shared>>
        tpu.wait_indirect_dma semaphore(%arg16 : memref<!tpu.dma_semaphore, #tpu.memory_space<semaphore_mem>>) src(%arg11 : memref<40x128xf32, #tpu.memory_space<vmem>>) dst(%dma_wait3A_134 : memref<10000x128xf32, #tpu.memory_space<vmem_shared>>)
        %add3A_135 = arith.constant 2 : i32
        %add3A_136 = arith.addi %add3A_113, %add3A_135 : i32
        %lt3A_137 = arith.constant 125 : i32
        %lt3A_138 = arith.cmpi slt, %add3A_136, %lt3A_137 : i32
        %convert_element_type3A_139 = arith.extui %lt3A_138 : i1 to i32
        %cond3A_140 = arith.constant 0 : i32
        %cond3A_141 = arith.cmpi ne, %convert_element_type3A_139, %cond3A_140 : i32
        scf.if %cond3A_141 {
          %add3A_142 = arith.constant 2 : i32
          %add3A_143 = arith.addi %add3A_113, %add3A_142 : i32
          %mul3A_144 = arith.constant 5000 : i32
          %mul3A_145 = arith.muli %arg1, %mul3A_144 : i32
          %mul3A_146 = arith.constant 40 : i32
          %mul3A_147 = arith.muli %add3A_143, %mul3A_146 : i32
          %add3A_148 = arith.addi %mul3A_145, %mul3A_147 : i32
          %dma_start3A_149 = arith.constant 0 : i32
          %dma_start3A_150 = tpu.memref_slice %arg2[%add3A_148, %dma_start3A_149] : memref<80000x128xf32, #tpu.memory_space<hbm>> -> memref<40x128xf32, #tpu.memory_space<hbm>>
          %dma_start3A_151 = arith.constant 0 : i32
          %dma_start3A_152 = tpu.memref_slice %arg2[%add3A_148, %dma_start3A_151] : memref<80000x128xf32, #tpu.memory_space<hbm>> -> memref<40x128xf32, #tpu.memory_space<hbm>>
          tpu.enqueue_dma source(%dma_start3A_152 : memref<40x128xf32, #tpu.memory_space<hbm>>) target(%arg11 : memref<40x128xf32, #tpu.memory_space<vmem>>) target_semaphore(%arg14 : memref<!tpu.dma_semaphore, #tpu.memory_space<semaphore_mem>>)
        } else {
        }
      }
      %scan3A_55 = arith.constant 62 : i32
      %mul3A_56 = arith.constant 5000 : i32
      %mul3A_57 = arith.muli %arg1, %mul3A_56 : i32
      %add3A_58 = arith.constant 4960 : i32
      %add3A_59 = arith.addi %mul3A_57, %add3A_58 : i32
      %dma_wait3A = arith.constant 0 : i32
      %dma_wait3A_60 = tpu.memref_slice %arg2[%add3A_59, %dma_wait3A] : memref<80000x128xf32, #tpu.memory_space<hbm>> -> memref<40x128xf32, #tpu.memory_space<hbm>>
      %dma_wait3A_61 = arith.constant 0 : i32
      %dma_wait3A_62 = tpu.memref_slice %arg2[%add3A_59, %dma_wait3A_61] : memref<80000x128xf32, #tpu.memory_space<hbm>> -> memref<40x128xf32, #tpu.memory_space<hbm>>
      tpu.wait_dma2 semaphore(%arg13 : memref<!tpu.dma_semaphore, #tpu.memory_space<semaphore_mem>>) src(%dma_wait3A_62 : memref<40x128xf32, #tpu.memory_space<hbm>>) dst(%arg10 : memref<40x128xf32, #tpu.memory_space<vmem>>)
      %dma_start3A_63 = arith.constant 124 : i32
      %dma_start3A_64 = arith.constant 0 : i32
      %dma_start3A_65 = tpu.memref_slice %arg9[%dma_start3A_63, %dma_start3A_64] : memref<125x40xi32, #tpu.memory_space<vmem>> -> memref<1x40xi32, #tpu.memory_space<vmem>>
      %dma_start3A_66 = tpu.memref_squeeze %dma_start3A_65 : memref<1x40xi32, #tpu.memory_space<vmem>> -> memref<40xi32, #tpu.memory_space<vmem>>
      %dma_start3A_67 = arith.constant 0 : i32
      %dma_start3A_68 = arith.constant 0 : i32
      %dma_start3A_69 = tpu.memref_slice %arg12[%dma_start3A_67, %dma_start3A_68] : memref<10000x128xf32, #tpu.memory_space<vmem_shared>> -> memref<10000x128xf32, #tpu.memory_space<vmem_shared>>
      tpu.enqueue_indirect_dma source(%arg10 : memref<40x128xf32, #tpu.memory_space<vmem>>) target(%dma_start3A_69 : memref<10000x128xf32, #tpu.memory_space<vmem_shared>>) offsets(%dma_start3A_66 : memref<40xi32, #tpu.memory_space<vmem>>) semaphore(%arg15 : memref<!tpu.dma_semaphore, #tpu.memory_space<semaphore_mem>>) {add = true}
      %dma_wait3A_70 = arith.constant 124 : i32
      %dma_wait3A_71 = arith.constant 0 : i32
      %dma_wait3A_72 = tpu.memref_slice %arg9[%dma_wait3A_70, %dma_wait3A_71] : memref<125x40xi32, #tpu.memory_space<vmem>> -> memref<1x40xi32, #tpu.memory_space<vmem>>
      %dma_wait3A_73 = tpu.memref_squeeze %dma_wait3A_72 : memref<1x40xi32, #tpu.memory_space<vmem>> -> memref<40xi32, #tpu.memory_space<vmem>>
      %dma_wait3A_74 = arith.constant 0 : i32
      %dma_wait3A_75 = arith.constant 0 : i32
      %dma_wait3A_76 = tpu.memref_slice %arg12[%dma_wait3A_74, %dma_wait3A_75] : memref<10000x128xf32, #tpu.memory_space<vmem_shared>> -> memref<10000x128xf32, #tpu.memory_space<vmem_shared>>
      tpu.wait_indirect_dma semaphore(%arg15 : memref<!tpu.dma_semaphore, #tpu.memory_space<semaphore_mem>>) src(%arg10 : memref<40x128xf32, #tpu.memory_space<vmem>>) dst(%dma_wait3A_76 : memref<10000x128xf32, #tpu.memory_space<vmem_shared>>)
    } else {
    }
    %eq3A_16 = arith.constant 1 : i32
    %eq3A_17 = arith.cmpi eq, %arg0, %eq3A_16 : i32
    %convert_element_type3A_18 = arith.extui %eq3A_17 : i1 to i32
    %cond3A_19 = arith.constant 0 : i32
    %cond3A_20 = arith.cmpi ne, %convert_element_type3A_18, %cond3A_19 : i32
    scf.if %cond3A_20 {
      %mul3A = arith.constant 5000 : i32
      %mul3A_38 = arith.muli %arg1, %mul3A : i32
      %add3A = arith.constant 0 : i32
      %add3A_39 = arith.addi %mul3A_38, %add3A : i32
      %dma_start3A = arith.constant 0 : i32
      %dma_start3A_40 = tpu.memref_slice %arg3[%add3A_39, %dma_start3A] : memref<80000x128xf32, #tpu.memory_space<hbm>> -> memref<40x128xf32, #tpu.memory_space<hbm>>
      %dma_start3A_41 = arith.constant 0 : i32
      %dma_start3A_42 = tpu.memref_slice %arg3[%add3A_39, %dma_start3A_41] : memref<80000x128xf32, #tpu.memory_space<hbm>> -> memref<40x128xf32, #tpu.memory_space<hbm>>
      tpu.enqueue_dma source(%dma_start3A_42 : memref<40x128xf32, #tpu.memory_space<hbm>>) target(%arg10 : memref<40x128xf32, #tpu.memory_space<vmem>>) target_semaphore(%arg13 : memref<!tpu.dma_semaphore, #tpu.memory_space<semaphore_mem>>)
      %mul3A_43 = arith.constant 5000 : i32
      %mul3A_44 = arith.muli %arg1, %mul3A_43 : i32
      %add3A_45 = arith.constant 40 : i32
      %add3A_46 = arith.addi %mul3A_44, %add3A_45 : i32
      %dma_start3A_47 = arith.constant 0 : i32
      %dma_start3A_48 = tpu.memref_slice %arg3[%add3A_46, %dma_start3A_47] : memref<80000x128xf32, #tpu.memory_space<hbm>> -> memref<40x128xf32, #tpu.memory_space<hbm>>
      %dma_start3A_49 = arith.constant 0 : i32
      %dma_start3A_50 = tpu.memref_slice %arg3[%add3A_46, %dma_start3A_49] : memref<80000x128xf32, #tpu.memory_space<hbm>> -> memref<40x128xf32, #tpu.memory_space<hbm>>
      tpu.enqueue_dma source(%dma_start3A_50 : memref<40x128xf32, #tpu.memory_space<hbm>>) target(%arg11 : memref<40x128xf32, #tpu.memory_space<vmem>>) target_semaphore(%arg14 : memref<!tpu.dma_semaphore, #tpu.memory_space<semaphore_mem>>)
      %scan3A = arith.constant 0 : i32
      %scan3A_51 = arith.constant 0 : i32
      %scan3A_52 = arith.constant 62 : i32
      %scan3A_53 = arith.addi %scan3A_51, %scan3A_52 : i32
      %scan3A_54 = arith.constant 1 : i32
      scf.for %scan3A_77 = %scan3A_51 to %scan3A_53 step %scan3A_54  : i32 {
        %mul3A_78 = arith.constant 2 : i32
        %mul3A_79 = arith.muli %mul3A_78, %scan3A_77 : i32
        %add3A_80 = arith.constant 0 : i32
        %add3A_81 = arith.addi %mul3A_79, %add3A_80 : i32
        %mul3A_82 = arith.constant 5000 : i32
        %mul3A_83 = arith.muli %arg1, %mul3A_82 : i32
        %mul3A_84 = arith.constant 40 : i32
        %mul3A_85 = arith.muli %add3A_81, %mul3A_84 : i32
        %add3A_86 = arith.addi %mul3A_83, %mul3A_85 : i32
        %dma_wait3A_87 = arith.constant 0 : i32
        %dma_wait3A_88 = tpu.memref_slice %arg3[%add3A_86, %dma_wait3A_87] : memref<80000x128xf32, #tpu.memory_space<hbm>> -> memref<40x128xf32, #tpu.memory_space<hbm>>
        %dma_wait3A_89 = arith.constant 0 : i32
        %dma_wait3A_90 = tpu.memref_slice %arg3[%add3A_86, %dma_wait3A_89] : memref<80000x128xf32, #tpu.memory_space<hbm>> -> memref<40x128xf32, #tpu.memory_space<hbm>>
        tpu.wait_dma2 semaphore(%arg13 : memref<!tpu.dma_semaphore, #tpu.memory_space<semaphore_mem>>) src(%dma_wait3A_90 : memref<40x128xf32, #tpu.memory_space<hbm>>) dst(%arg10 : memref<40x128xf32, #tpu.memory_space<vmem>>)
        %dma_start3A_91 = arith.constant 0 : i32
        %dma_start3A_92 = tpu.memref_slice %arg9[%add3A_81, %dma_start3A_91] : memref<125x40xi32, #tpu.memory_space<vmem>> -> memref<1x40xi32, #tpu.memory_space<vmem>>
        %dma_start3A_93 = tpu.memref_squeeze %dma_start3A_92 : memref<1x40xi32, #tpu.memory_space<vmem>> -> memref<40xi32, #tpu.memory_space<vmem>>
        %dma_start3A_94 = arith.constant 0 : i32
        %dma_start3A_95 = arith.constant 0 : i32
        %dma_start3A_96 = tpu.memref_slice %arg12[%dma_start3A_94, %dma_start3A_95] : memref<10000x128xf32, #tpu.memory_space<vmem_shared>> -> memref<10000x128xf32, #tpu.memory_space<vmem_shared>>
        tpu.enqueue_indirect_dma source(%arg10 : memref<40x128xf32, #tpu.memory_space<vmem>>) target(%dma_start3A_96 : memref<10000x128xf32, #tpu.memory_space<vmem_shared>>) offsets(%dma_start3A_93 : memref<40xi32, #tpu.memory_space<vmem>>) semaphore(%arg15 : memref<!tpu.dma_semaphore, #tpu.memory_space<semaphore_mem>>) {add = true}
        %dma_wait3A_97 = arith.constant 0 : i32
        %dma_wait3A_98 = tpu.memref_slice %arg9[%add3A_81, %dma_wait3A_97] : memref<125x40xi32, #tpu.memory_space<vmem>> -> memref<1x40xi32, #tpu.memory_space<vmem>>
        %dma_wait3A_99 = tpu.memref_squeeze %dma_wait3A_98 : memref<1x40xi32, #tpu.memory_space<vmem>> -> memref<40xi32, #tpu.memory_space<vmem>>
        %dma_wait3A_100 = arith.constant 0 : i32
        %dma_wait3A_101 = arith.constant 0 : i32
        %dma_wait3A_102 = tpu.memref_slice %arg12[%dma_wait3A_100, %dma_wait3A_101] : memref<10000x128xf32, #tpu.memory_space<vmem_shared>> -> memref<10000x128xf32, #tpu.memory_space<vmem_shared>>
        tpu.wait_indirect_dma semaphore(%arg15 : memref<!tpu.dma_semaphore, #tpu.memory_space<semaphore_mem>>) src(%arg10 : memref<40x128xf32, #tpu.memory_space<vmem>>) dst(%dma_wait3A_102 : memref<10000x128xf32, #tpu.memory_space<vmem_shared>>)
        %add3A_103 = arith.constant 2 : i32
        %add3A_104 = arith.addi %add3A_81, %add3A_103 : i32
        %lt3A_105 = arith.constant 125 : i32
        %lt3A_106 = arith.cmpi slt, %add3A_104, %lt3A_105 : i32
        %convert_element_type3A_107 = arith.extui %lt3A_106 : i1 to i32
        %cond3A_108 = arith.constant 0 : i32
        %cond3A_109 = arith.cmpi ne, %convert_element_type3A_107, %cond3A_108 : i32
        scf.if %cond3A_109 {
          %add3A_142 = arith.constant 2 : i32
          %add3A_143 = arith.addi %add3A_81, %add3A_142 : i32
          %mul3A_144 = arith.constant 5000 : i32
          %mul3A_145 = arith.muli %arg1, %mul3A_144 : i32
          %mul3A_146 = arith.constant 40 : i32
          %mul3A_147 = arith.muli %add3A_143, %mul3A_146 : i32
          %add3A_148 = arith.addi %mul3A_145, %mul3A_147 : i32
          %dma_start3A_149 = arith.constant 0 : i32
          %dma_start3A_150 = tpu.memref_slice %arg3[%add3A_148, %dma_start3A_149] : memref<80000x128xf32, #tpu.memory_space<hbm>> -> memref<40x128xf32, #tpu.memory_space<hbm>>
          %dma_start3A_151 = arith.constant 0 : i32
          %dma_start3A_152 = tpu.memref_slice %arg3[%add3A_148, %dma_start3A_151] : memref<80000x128xf32, #tpu.memory_space<hbm>> -> memref<40x128xf32, #tpu.memory_space<hbm>>
          tpu.enqueue_dma source(%dma_start3A_152 : memref<40x128xf32, #tpu.memory_space<hbm>>) target(%arg10 : memref<40x128xf32, #tpu.memory_space<vmem>>) target_semaphore(%arg13 : memref<!tpu.dma_semaphore, #tpu.memory_space<semaphore_mem>>)
        } else {
        }
        %mul3A_110 = arith.constant 2 : i32
        %mul3A_111 = arith.muli %mul3A_110, %scan3A_77 : i32
        %add3A_112 = arith.constant 1 : i32
        %add3A_113 = arith.addi %mul3A_111, %add3A_112 : i32
        %mul3A_114 = arith.constant 5000 : i32
        %mul3A_115 = arith.muli %arg1, %mul3A_114 : i32
        %mul3A_116 = arith.constant 40 : i32
        %mul3A_117 = arith.muli %add3A_113, %mul3A_116 : i32
        %add3A_118 = arith.addi %mul3A_115, %mul3A_117 : i32
        %dma_wait3A_119 = arith.constant 0 : i32
        %dma_wait3A_120 = tpu.memref_slice %arg3[%add3A_118, %dma_wait3A_119] : memref<80000x128xf32, #tpu.memory_space<hbm>> -> memref<40x128xf32, #tpu.memory_space<hbm>>
        %dma_wait3A_121 = arith.constant 0 : i32
        %dma_wait3A_122 = tpu.memref_slice %arg3[%add3A_118, %dma_wait3A_121] : memref<80000x128xf32, #tpu.memory_space<hbm>> -> memref<40x128xf32, #tpu.memory_space<hbm>>
        tpu.wait_dma2 semaphore(%arg14 : memref<!tpu.dma_semaphore, #tpu.memory_space<semaphore_mem>>) src(%dma_wait3A_122 : memref<40x128xf32, #tpu.memory_space<hbm>>) dst(%arg11 : memref<40x128xf32, #tpu.memory_space<vmem>>)
        %dma_start3A_123 = arith.constant 0 : i32
        %dma_start3A_124 = tpu.memref_slice %arg9[%add3A_113, %dma_start3A_123] : memref<125x40xi32, #tpu.memory_space<vmem>> -> memref<1x40xi32, #tpu.memory_space<vmem>>
        %dma_start3A_125 = tpu.memref_squeeze %dma_start3A_124 : memref<1x40xi32, #tpu.memory_space<vmem>> -> memref<40xi32, #tpu.memory_space<vmem>>
        %dma_start3A_126 = arith.constant 0 : i32
        %dma_start3A_127 = arith.constant 0 : i32
        %dma_start3A_128 = tpu.memref_slice %arg12[%dma_start3A_126, %dma_start3A_127] : memref<10000x128xf32, #tpu.memory_space<vmem_shared>> -> memref<10000x128xf32, #tpu.memory_space<vmem_shared>>
        tpu.enqueue_indirect_dma source(%arg11 : memref<40x128xf32, #tpu.memory_space<vmem>>) target(%dma_start3A_128 : memref<10000x128xf32, #tpu.memory_space<vmem_shared>>) offsets(%dma_start3A_125 : memref<40xi32, #tpu.memory_space<vmem>>) semaphore(%arg16 : memref<!tpu.dma_semaphore, #tpu.memory_space<semaphore_mem>>) {add = true}
        %dma_wait3A_129 = arith.constant 0 : i32
        %dma_wait3A_130 = tpu.memref_slice %arg9[%add3A_113, %dma_wait3A_129] : memref<125x40xi32, #tpu.memory_space<vmem>> -> memref<1x40xi32, #tpu.memory_space<vmem>>
        %dma_wait3A_131 = tpu.memref_squeeze %dma_wait3A_130 : memref<1x40xi32, #tpu.memory_space<vmem>> -> memref<40xi32, #tpu.memory_space<vmem>>
        %dma_wait3A_132 = arith.constant 0 : i32
        %dma_wait3A_133 = arith.constant 0 : i32
        %dma_wait3A_134 = tpu.memref_slice %arg12[%dma_wait3A_132, %dma_wait3A_133] : memref<10000x128xf32, #tpu.memory_space<vmem_shared>> -> memref<10000x128xf32, #tpu.memory_space<vmem_shared>>
        tpu.wait_indirect_dma semaphore(%arg16 : memref<!tpu.dma_semaphore, #tpu.memory_space<semaphore_mem>>) src(%arg11 : memref<40x128xf32, #tpu.memory_space<vmem>>) dst(%dma_wait3A_134 : memref<10000x128xf32, #tpu.memory_space<vmem_shared>>)
        %add3A_135 = arith.constant 2 : i32
        %add3A_136 = arith.addi %add3A_113, %add3A_135 : i32
        %lt3A_137 = arith.constant 125 : i32
        %lt3A_138 = arith.cmpi slt, %add3A_136, %lt3A_137 : i32
        %convert_element_type3A_139 = arith.extui %lt3A_138 : i1 to i32
        %cond3A_140 = arith.constant 0 : i32
        %cond3A_141 = arith.cmpi ne, %convert_element_type3A_139, %cond3A_140 : i32
        scf.if %cond3A_141 {
          %add3A_142 = arith.constant 2 : i32
          %add3A_143 = arith.addi %add3A_113, %add3A_142 : i32
          %mul3A_144 = arith.constant 5000 : i32
          %mul3A_145 = arith.muli %arg1, %mul3A_144 : i32
          %mul3A_146 = arith.constant 40 : i32
          %mul3A_147 = arith.muli %add3A_143, %mul3A_146 : i32
          %add3A_148 = arith.addi %mul3A_145, %mul3A_147 : i32
          %dma_start3A_149 = arith.constant 0 : i32
          %dma_start3A_150 = tpu.memref_slice %arg3[%add3A_148, %dma_start3A_149] : memref<80000x128xf32, #tpu.memory_space<hbm>> -> memref<40x128xf32, #tpu.memory_space<hbm>>
          %dma_start3A_151 = arith.constant 0 : i32
          %dma_start3A_152 = tpu.memref_slice %arg3[%add3A_148, %dma_start3A_151] : memref<80000x128xf32, #tpu.memory_space<hbm>> -> memref<40x128xf32, #tpu.memory_space<hbm>>
          tpu.enqueue_dma source(%dma_start3A_152 : memref<40x128xf32, #tpu.memory_space<hbm>>) target(%arg11 : memref<40x128xf32, #tpu.memory_space<vmem>>) target_semaphore(%arg14 : memref<!tpu.dma_semaphore, #tpu.memory_space<semaphore_mem>>)
        } else {
        }
      }
      %scan3A_55 = arith.constant 62 : i32
      %mul3A_56 = arith.constant 5000 : i32
      %mul3A_57 = arith.muli %arg1, %mul3A_56 : i32
      %add3A_58 = arith.constant 4960 : i32
      %add3A_59 = arith.addi %mul3A_57, %add3A_58 : i32
      %dma_wait3A = arith.constant 0 : i32
      %dma_wait3A_60 = tpu.memref_slice %arg3[%add3A_59, %dma_wait3A] : memref<80000x128xf32, #tpu.memory_space<hbm>> -> memref<40x128xf32, #tpu.memory_space<hbm>>
      %dma_wait3A_61 = arith.constant 0 : i32
      %dma_wait3A_62 = tpu.memref_slice %arg3[%add3A_59, %dma_wait3A_61] : memref<80000x128xf32, #tpu.memory_space<hbm>> -> memref<40x128xf32, #tpu.memory_space<hbm>>
      tpu.wait_dma2 semaphore(%arg13 : memref<!tpu.dma_semaphore, #tpu.memory_space<semaphore_mem>>) src(%dma_wait3A_62 : memref<40x128xf32, #tpu.memory_space<hbm>>) dst(%arg10 : memref<40x128xf32, #tpu.memory_space<vmem>>)
      %dma_start3A_63 = arith.constant 124 : i32
      %dma_start3A_64 = arith.constant 0 : i32
      %dma_start3A_65 = tpu.memref_slice %arg9[%dma_start3A_63, %dma_start3A_64] : memref<125x40xi32, #tpu.memory_space<vmem>> -> memref<1x40xi32, #tpu.memory_space<vmem>>
      %dma_start3A_66 = tpu.memref_squeeze %dma_start3A_65 : memref<1x40xi32, #tpu.memory_space<vmem>> -> memref<40xi32, #tpu.memory_space<vmem>>
      %dma_start3A_67 = arith.constant 0 : i32
      %dma_start3A_68 = arith.constant 0 : i32
      %dma_start3A_69 = tpu.memref_slice %arg12[%dma_start3A_67, %dma_start3A_68] : memref<10000x128xf32, #tpu.memory_space<vmem_shared>> -> memref<10000x128xf32, #tpu.memory_space<vmem_shared>>
      tpu.enqueue_indirect_dma source(%arg10 : memref<40x128xf32, #tpu.memory_space<vmem>>) target(%dma_start3A_69 : memref<10000x128xf32, #tpu.memory_space<vmem_shared>>) offsets(%dma_start3A_66 : memref<40xi32, #tpu.memory_space<vmem>>) semaphore(%arg15 : memref<!tpu.dma_semaphore, #tpu.memory_space<semaphore_mem>>) {add = true}
      %dma_wait3A_70 = arith.constant 124 : i32
      %dma_wait3A_71 = arith.constant 0 : i32
      %dma_wait3A_72 = tpu.memref_slice %arg9[%dma_wait3A_70, %dma_wait3A_71] : memref<125x40xi32, #tpu.memory_space<vmem>> -> memref<1x40xi32, #tpu.memory_space<vmem>>
      %dma_wait3A_73 = tpu.memref_squeeze %dma_wait3A_72 : memref<1x40xi32, #tpu.memory_space<vmem>> -> memref<40xi32, #tpu.memory_space<vmem>>
      %dma_wait3A_74 = arith.constant 0 : i32
      %dma_wait3A_75 = arith.constant 0 : i32
      %dma_wait3A_76 = tpu.memref_slice %arg12[%dma_wait3A_74, %dma_wait3A_75] : memref<10000x128xf32, #tpu.memory_space<vmem_shared>> -> memref<10000x128xf32, #tpu.memory_space<vmem_shared>>
      tpu.wait_indirect_dma semaphore(%arg15 : memref<!tpu.dma_semaphore, #tpu.memory_space<semaphore_mem>>) src(%arg10 : memref<40x128xf32, #tpu.memory_space<vmem>>) dst(%dma_wait3A_76 : memref<10000x128xf32, #tpu.memory_space<vmem_shared>>)
    } else {
    }
    %barrier3A_21 = arith.constant 0 : index
    tpu.barrier barrier_id(%barrier3A_21)
    %eq3A_22 = arith.constant 0 : i32
    %eq3A_23 = arith.cmpi eq, %arg0, %eq3A_22 : i32
    %lt3A_24 = arith.constant 10 : i32
    %lt3A_25 = arith.cmpi slt, %arg1, %lt3A_24 : i32
    %and3A_26 = arith.andi %eq3A_23, %lt3A_25 : i1
    %convert_element_type3A_27 = arith.extui %and3A_26 : i1 to i32
    %cond3A_28 = arith.constant 0 : i32
    %cond3A_29 = arith.cmpi ne, %convert_element_type3A_27, %cond3A_28 : i32
    scf.if %cond3A_29 {
      %mul3A = arith.constant 1000 : i32
      %mul3A_38 = arith.muli %arg1, %mul3A : i32
      %mul3A_39 = arith.constant 1000 : i32
      %mul3A_40 = arith.muli %arg1, %mul3A_39 : i32
      "tpu.region"() ({
        %run_scoped3A = tpu.sem_alloc : memref<!tpu.dma_semaphore, #tpu.memory_space<semaphore_mem>>
        %dma_start3A = arith.constant 0 : i32
        %dma_start3A_41 = tpu.memref_slice %arg7[%mul3A_40, %dma_start3A] : memref<10000x128xf32, #tpu.memory_space<hbm>> -> memref<1000x128xf32, #tpu.memory_space<hbm>>
        %dma_start3A_42 = arith.constant 0 : i32
        %dma_start3A_43 = tpu.memref_slice %arg12[%mul3A_38, %dma_start3A_42] : memref<10000x128xf32, #tpu.memory_space<vmem_shared>> -> memref<1000x128xf32, #tpu.memory_space<vmem_shared>>
        tpu.enqueue_dma source(%dma_start3A_43 : memref<1000x128xf32, #tpu.memory_space<vmem_shared>>) target(%dma_start3A_41 : memref<1000x128xf32, #tpu.memory_space<hbm>>) target_semaphore(%run_scoped3A : memref<!tpu.dma_semaphore, #tpu.memory_space<semaphore_mem>>)
        %dma_wait3A = arith.constant 0 : i32
        %dma_wait3A_44 = tpu.memref_slice %arg7[%mul3A_40, %dma_wait3A] : memref<10000x128xf32, #tpu.memory_space<hbm>> -> memref<1000x128xf32, #tpu.memory_space<hbm>>
        %dma_wait3A_45 = arith.constant 0 : i32
        %dma_wait3A_46 = tpu.memref_slice %arg12[%mul3A_38, %dma_wait3A_45] : memref<10000x128xf32, #tpu.memory_space<vmem_shared>> -> memref<1000x128xf32, #tpu.memory_space<vmem_shared>>
        tpu.wait_dma2 semaphore(%run_scoped3A : memref<!tpu.dma_semaphore, #tpu.memory_space<semaphore_mem>>) src(%dma_wait3A_46 : memref<1000x128xf32, #tpu.memory_space<vmem_shared>>) dst(%dma_wait3A_44 : memref<1000x128xf32, #tpu.memory_space<hbm>>)
        tpu.yield
      }) : () -> ()
    } else {
    }
    %eq3A_30 = arith.constant 1 : i32
    %eq3A_31 = arith.cmpi eq, %arg0, %eq3A_30 : i32
    %lt3A_32 = arith.constant 10 : i32
    %lt3A_33 = arith.cmpi slt, %arg1, %lt3A_32 : i32
    %and3A_34 = arith.andi %eq3A_31, %lt3A_33 : i1
    %convert_element_type3A_35 = arith.extui %and3A_34 : i1 to i32
    %cond3A_36 = arith.constant 0 : i32
    %cond3A_37 = arith.cmpi ne, %convert_element_type3A_35, %cond3A_36 : i32
    scf.if %cond3A_37 {
      %mul3A = arith.constant 1000 : i32
      %mul3A_38 = arith.muli %arg1, %mul3A : i32
      %mul3A_39 = arith.constant 1000 : i32
      %mul3A_40 = arith.muli %arg1, %mul3A_39 : i32
      "tpu.region"() ({
        %run_scoped3A = tpu.sem_alloc : memref<!tpu.dma_semaphore, #tpu.memory_space<semaphore_mem>>
        %dma_start3A = arith.constant 0 : i32
        %dma_start3A_41 = tpu.memref_slice %arg8[%mul3A_40, %dma_start3A] : memref<10000x128xf32, #tpu.memory_space<hbm>> -> memref<1000x128xf32, #tpu.memory_space<hbm>>
        %dma_start3A_42 = arith.constant 0 : i32
        %dma_start3A_43 = tpu.memref_slice %arg12[%mul3A_38, %dma_start3A_42] : memref<10000x128xf32, #tpu.memory_space<vmem_shared>> -> memref<1000x128xf32, #tpu.memory_space<vmem_shared>>
        tpu.enqueue_dma source(%dma_start3A_43 : memref<1000x128xf32, #tpu.memory_space<vmem_shared>>) target(%dma_start3A_41 : memref<1000x128xf32, #tpu.memory_space<hbm>>) target_semaphore(%run_scoped3A : memref<!tpu.dma_semaphore, #tpu.memory_space<semaphore_mem>>)
        %dma_wait3A = arith.constant 0 : i32
        %dma_wait3A_44 = tpu.memref_slice %arg8[%mul3A_40, %dma_wait3A] : memref<10000x128xf32, #tpu.memory_space<hbm>> -> memref<1000x128xf32, #tpu.memory_space<hbm>>
        %dma_wait3A_45 = arith.constant 0 : i32
        %dma_wait3A_46 = tpu.memref_slice %arg12[%mul3A_38, %dma_wait3A_45] : memref<10000x128xf32, #tpu.memory_space<vmem_shared>> -> memref<1000x128xf32, #tpu.memory_space<vmem_shared>>
        tpu.wait_dma2 semaphore(%run_scoped3A : memref<!tpu.dma_semaphore, #tpu.memory_space<semaphore_mem>>) src(%dma_wait3A_46 : memref<1000x128xf32, #tpu.memory_space<vmem_shared>>) dst(%dma_wait3A_44 : memref<1000x128xf32, #tpu.memory_space<hbm>>)
        tpu.yield
      }) : () -> ()
    } else {
    }
    return
  }
}

#map = affine_map<(d0, d1) -> (0, 0)>
#map1 = affine_map<(d0, d1) -> (0, 0, 0)>
module attributes {stable_mosaic.version = 14 : i64} {
  func.func @_scatter_kernel(%arg0: i32, %arg1: i32, %arg2: memref<80000x128xf32, #tpu.memory_space<hbm>>, %arg3: memref<80000x128xf32, #tpu.memory_space<hbm>>, %arg4: memref<16x125x40xi32, #tpu.memory_space<hbm>>, %arg5: memref<10000x128xf32, #tpu.memory_space<hbm>>, %arg6: memref<10000x128xf32, #tpu.memory_space<hbm>>, %arg7: memref<10000x128xf32, #tpu.memory_space<hbm>>, %arg8: memref<10000x128xf32, #tpu.memory_space<hbm>>, %arg9: memref<125x40xi32, #tpu.memory_space<vmem>>, %arg10: memref<40x128xf32, #tpu.memory_space<vmem>>, %arg11: memref<40x128xf32, #tpu.memory_space<vmem>>, %arg12: memref<10000x128xf32, #tpu.memory_space<vmem_shared>>, %arg13: memref<!tpu.dma_semaphore, #tpu.memory_space<semaphore_mem>>, %arg14: memref<!tpu.dma_semaphore, #tpu.memory_space<semaphore_mem>>, %arg15: memref<!tpu.dma_semaphore, #tpu.memory_space<semaphore_mem>>, %arg16: memref<!tpu.dma_semaphore, #tpu.memory_space<semaphore_mem>>) attributes {dimension_semantics = [#tpu.dimension_semantics<core_parallel>, #tpu.dimension_semantics<subcore_parallel>], iteration_bounds = array<i64: 2, 16>, scalar_prefetch = 0 : i64, scratch_operands = 8 : i64, tpu.core_type = #tpu.core_type<sc_vector_subcore>, window_params = [{transform_indices = #map}, {transform_indices = #map}, {transform_indices = #map1}, {transform_indices = #map}, {transform_indices = #map}, {transform_indices = #map}, {transform_indices = #map}]} {
    %eq3A = arith.constant 0 : i32
    %eq3A_0 = arith.cmpi eq, %arg0, %eq3A : i32
    %lt3A = arith.constant 10 : i32
    %lt3A_1 = arith.cmpi slt, %arg1, %lt3A : i32
    %and3A = arith.andi %eq3A_0, %lt3A_1 : i1
    %convert_element_type3A = arith.extui %and3A : i1 to i32
    %cond3A = arith.constant 0 : i32
    %cond3A_2 = arith.cmpi ne, %convert_element_type3A, %cond3A : i32
    scf.if %cond3A_2 {
      %mul3A = arith.constant 1000 : i32
      %mul3A_38 = arith.muli %arg1, %mul3A : i32
      %mul3A_39 = arith.constant 1000 : i32
      %mul3A_40 = arith.muli %arg1, %mul3A_39 : i32
      "tpu.region"() ({
        %run_scoped3A = tpu.sem_alloc : memref<!tpu.dma_semaphore, #tpu.memory_space<semaphore_mem>>
        %dma_start3A = arith.constant 0 : i32
        %dma_start3A_41 = tpu.memref_slice %arg12[%mul3A_40, %dma_start3A] : memref<10000x128xf32, #tpu.memory_space<vmem_shared>> -> memref<1000x128xf32, #tpu.memory_space<vmem_shared>>
        %dma_start3A_42 = arith.constant 0 : i32
        %dma_start3A_43 = tpu.memref_slice %arg5[%mul3A_38, %dma_start3A_42] : memref<10000x128xf32, #tpu.memory_space<hbm>> -> memref<1000x128xf32, #tpu.memory_space<hbm>>
        tpu.enqueue_dma source(%dma_start3A_43 : memref<1000x128xf32, #tpu.memory_space<hbm>>) target(%dma_start3A_41 : memref<1000x128xf32, #tpu.memory_space<vmem_shared>>) target_semaphore(%run_scoped3A : memref<!tpu.dma_semaphore, #tpu.memory_space<semaphore_mem>>)
        %dma_wait3A = arith.constant 0 : i32
        %dma_wait3A_44 = tpu.memref_slice %arg12[%mul3A_40, %dma_wait3A] : memref<10000x128xf32, #tpu.memory_space<vmem_shared>> -> memref<1000x128xf32, #tpu.memory_space<vmem_shared>>
        %dma_wait3A_45 = arith.constant 0 : i32
        %dma_wait3A_46 = tpu.memref_slice %arg5[%mul3A_38, %dma_wait3A_45] : memref<10000x128xf32, #tpu.memory_space<hbm>> -> memref<1000x128xf32, #tpu.memory_space<hbm>>
        tpu.wait_dma2 semaphore(%run_scoped3A : memref<!tpu.dma_semaphore, #tpu.memory_space<semaphore_mem>>) src(%dma_wait3A_46 : memref<1000x128xf32, #tpu.memory_space<hbm>>) dst(%dma_wait3A_44 : memref<1000x128xf32, #tpu.memory_space<vmem_shared>>)
        tpu.yield
      }) : () -> ()
    } else {
    }
    %eq3A_3 = arith.constant 1 : i32
    %eq3A_4 = arith.cmpi eq, %arg0, %eq3A_3 : i32
    %lt3A_5 = arith.constant 10 : i32
    %lt3A_6 = arith.cmpi slt, %arg1, %lt3A_5 : i32
    %and3A_7 = arith.andi %eq3A_4, %lt3A_6 : i1
    %convert_element_type3A_8 = arith.extui %and3A_7 : i1 to i32
    %cond3A_9 = arith.constant 0 : i32
    %cond3A_10 = arith.cmpi ne, %convert_element_type3A_8, %cond3A_9 : i32
    scf.if %cond3A_10 {
      %mul3A = arith.constant 1000 : i32
      %mul3A_38 = arith.muli %arg1, %mul3A : i32
      %mul3A_39 = arith.constant 1000 : i32
      %mul3A_40 = arith.muli %arg1, %mul3A_39 : i32
      "tpu.region"() ({
        %run_scoped3A = tpu.sem_alloc : memref<!tpu.dma_semaphore, #tpu.memory_space<semaphore_mem>>
        %dma_start3A = arith.constant 0 : i32
        %dma_start3A_41 = tpu.memref_slice %arg12[%mul3A_40, %dma_start3A] : memref<10000x128xf32, #tpu.memory_space<vmem_shared>> -> memref<1000x128xf32, #tpu.memory_space<vmem_shared>>
        %dma_start3A_42 = arith.constant 0 : i32
        %dma_start3A_43 = tpu.memref_slice %arg6[%mul3A_38, %dma_start3A_42] : memref<10000x128xf32, #tpu.memory_space<hbm>> -> memref<1000x128xf32, #tpu.memory_space<hbm>>
        tpu.enqueue_dma source(%dma_start3A_43 : memref<1000x128xf32, #tpu.memory_space<hbm>>) target(%dma_start3A_41 : memref<1000x128xf32, #tpu.memory_space<vmem_shared>>) target_semaphore(%run_scoped3A : memref<!tpu.dma_semaphore, #tpu.memory_space<semaphore_mem>>)
        %dma_wait3A = arith.constant 0 : i32
        %dma_wait3A_44 = tpu.memref_slice %arg12[%mul3A_40, %dma_wait3A] : memref<10000x128xf32, #tpu.memory_space<vmem_shared>> -> memref<1000x128xf32, #tpu.memory_space<vmem_shared>>
        %dma_wait3A_45 = arith.constant 0 : i32
        %dma_wait3A_46 = tpu.memref_slice %arg6[%mul3A_38, %dma_wait3A_45] : memref<10000x128xf32, #tpu.memory_space<hbm>> -> memref<1000x128xf32, #tpu.memory_space<hbm>>
        tpu.wait_dma2 semaphore(%run_scoped3A : memref<!tpu.dma_semaphore, #tpu.memory_space<semaphore_mem>>) src(%dma_wait3A_46 : memref<1000x128xf32, #tpu.memory_space<hbm>>) dst(%dma_wait3A_44 : memref<1000x128xf32, #tpu.memory_space<vmem_shared>>)
        tpu.yield
      }) : () -> ()
    } else {
    }
    %barrier3A = arith.constant 0 : index
    tpu.barrier barrier_id(%barrier3A)
    "tpu.region"() ({
      %run_scoped3A = tpu.sem_alloc : memref<!tpu.dma_semaphore, #tpu.memory_space<semaphore_mem>>
      %dma_start3A = arith.constant 0 : i32
      %dma_start3A_38 = arith.constant 0 : i32
      %dma_start3A_39 = tpu.memref_slice %arg4[%arg1, %dma_start3A, %dma_start3A_38] : memref<16x125x40xi32, #tpu.memory_space<hbm>> -> memref<1x125x40xi32, #tpu.memory_space<hbm>>
      %dma_start3A_40 = tpu.memref_squeeze %dma_start3A_39 : memref<1x125x40xi32, #tpu.memory_space<hbm>> -> memref<125x40xi32, #tpu.memory_space<hbm>>
      %dma_start3A_41 = arith.constant 0 : i32
      %dma_start3A_42 = arith.constant 0 : i32
      %dma_start3A_43 = tpu.memref_slice %arg4[%arg1, %dma_start3A_41, %dma_start3A_42] : memref<16x125x40xi32, #tpu.memory_space<hbm>> -> memref<1x125x40xi32, #tpu.memory_space<hbm>>
      %dma_start3A_44 = tpu.memref_squeeze %dma_start3A_43 : memref<1x125x40xi32, #tpu.memory_space<hbm>> -> memref<125x40xi32, #tpu.memory_space<hbm>>
      tpu.enqueue_dma source(%dma_start3A_44 : memref<125x40xi32, #tpu.memory_space<hbm>>) target(%arg9 : memref<125x40xi32, #tpu.memory_space<vmem>>) target_semaphore(%run_scoped3A : memref<!tpu.dma_semaphore, #tpu.memory_space<semaphore_mem>>)
      %dma_wait3A = arith.constant 0 : i32
      %dma_wait3A_45 = arith.constant 0 : i32
      %dma_wait3A_46 = tpu.memref_slice %arg4[%arg1, %dma_wait3A, %dma_wait3A_45] : memref<16x125x40xi32, #tpu.memory_space<hbm>> -> memref<1x125x40xi32, #tpu.memory_space<hbm>>
      %dma_wait3A_47 = tpu.memref_squeeze %dma_wait3A_46 : memref<1x125x40xi32, #tpu.memory_space<hbm>> -> memref<125x40xi32, #tpu.memory_space<hbm>>
      %dma_wait3A_48 = arith.constant 0 : i32
      %dma_wait3A_49 = arith.constant 0 : i32
      %dma_wait3A_50 = tpu.memref_slice %arg4[%arg1, %dma_wait3A_48, %dma_wait3A_49] : memref<16x125x40xi32, #tpu.memory_space<hbm>> -> memref<1x125x40xi32, #tpu.memory_space<hbm>>
      %dma_wait3A_51 = tpu.memref_squeeze %dma_wait3A_50 : memref<1x125x40xi32, #tpu.memory_space<hbm>> -> memref<125x40xi32, #tpu.memory_space<hbm>>
      tpu.wait_dma2 semaphore(%run_scoped3A : memref<!tpu.dma_semaphore, #tpu.memory_space<semaphore_mem>>) src(%dma_wait3A_51 : memref<125x40xi32, #tpu.memory_space<hbm>>) dst(%arg9 : memref<125x40xi32, #tpu.memory_space<vmem>>)
      tpu.yield
    }) : () -> ()
    %eq3A_11 = arith.constant 0 : i32
    %eq3A_12 = arith.cmpi eq, %arg0, %eq3A_11 : i32
    %convert_element_type3A_13 = arith.extui %eq3A_12 : i1 to i32
    %cond3A_14 = arith.constant 0 : i32
    %cond3A_15 = arith.cmpi ne, %convert_element_type3A_13, %cond3A_14 : i32
    scf.if %cond3A_15 {
      %mul3A = arith.constant 5000 : i32
      %mul3A_38 = arith.muli %arg1, %mul3A : i32
      %add3A = arith.constant 0 : i32
      %add3A_39 = arith.addi %mul3A_38, %add3A : i32
      %dma_start3A = arith.constant 0 : i32
      %dma_start3A_40 = tpu.memref_slice %arg2[%add3A_39, %dma_start3A] : memref<80000x128xf32, #tpu.memory_space<hbm>> -> memref<40x128xf32, #tpu.memory_space<hbm>>
      %dma_start3A_41 = arith.constant 0 : i32
      %dma_start3A_42 = tpu.memref_slice %arg2[%add3A_39, %dma_start3A_41] : memref<80000x128xf32, #tpu.memory_space<hbm>> -> memref<40x128xf32, #tpu.memory_space<hbm>>
      tpu.enqueue_dma source(%dma_start3A_42 : memref<40x128xf32, #tpu.memory_space<hbm>>) target(%arg10 : memref<40x128xf32, #tpu.memory_space<vmem>>) target_semaphore(%arg13 : memref<!tpu.dma_semaphore, #tpu.memory_space<semaphore_mem>>)
      %mul3A_43 = arith.constant 5000 : i32
      %mul3A_44 = arith.muli %arg1, %mul3A_43 : i32
      %add3A_45 = arith.constant 40 : i32
      %add3A_46 = arith.addi %mul3A_44, %add3A_45 : i32
      %dma_start3A_47 = arith.constant 0 : i32
      %dma_start3A_48 = tpu.memref_slice %arg2[%add3A_46, %dma_start3A_47] : memref<80000x128xf32, #tpu.memory_space<hbm>> -> memref<40x128xf32, #tpu.memory_space<hbm>>
      %dma_start3A_49 = arith.constant 0 : i32
      %dma_start3A_50 = tpu.memref_slice %arg2[%add3A_46, %dma_start3A_49] : memref<80000x128xf32, #tpu.memory_space<hbm>> -> memref<40x128xf32, #tpu.memory_space<hbm>>
      tpu.enqueue_dma source(%dma_start3A_50 : memref<40x128xf32, #tpu.memory_space<hbm>>) target(%arg11 : memref<40x128xf32, #tpu.memory_space<vmem>>) target_semaphore(%arg14 : memref<!tpu.dma_semaphore, #tpu.memory_space<semaphore_mem>>)
      %scan3A = arith.constant 0 : i32
      %scan3A_51 = arith.constant 0 : i32
      %scan3A_52 = arith.constant 62 : i32
      %scan3A_53 = arith.addi %scan3A_51, %scan3A_52 : i32
      %scan3A_54 = arith.constant 1 : i32
      scf.for %scan3A_77 = %scan3A_51 to %scan3A_53 step %scan3A_54  : i32 {
        %mul3A_78 = arith.constant 2 : i32
        %mul3A_79 = arith.muli %mul3A_78, %scan3A_77 : i32
        %add3A_80 = arith.constant 0 : i32
        %add3A_81 = arith.addi %mul3A_79, %add3A_80 : i32
        %mul3A_82 = arith.constant 5000 : i32
        %mul3A_83 = arith.muli %arg1, %mul3A_82 : i32
        %mul3A_84 = arith.constant 40 : i32
        %mul3A_85 = arith.muli %add3A_81, %mul3A_84 : i32
        %add3A_86 = arith.addi %mul3A_83, %mul3A_85 : i32
        %dma_wait3A_87 = arith.constant 0 : i32
        %dma_wait3A_88 = tpu.memref_slice %arg2[%add3A_86, %dma_wait3A_87] : memref<80000x128xf32, #tpu.memory_space<hbm>> -> memref<40x128xf32, #tpu.memory_space<hbm>>
        %dma_wait3A_89 = arith.constant 0 : i32
        %dma_wait3A_90 = tpu.memref_slice %arg2[%add3A_86, %dma_wait3A_89] : memref<80000x128xf32, #tpu.memory_space<hbm>> -> memref<40x128xf32, #tpu.memory_space<hbm>>
        tpu.wait_dma2 semaphore(%arg13 : memref<!tpu.dma_semaphore, #tpu.memory_space<semaphore_mem>>) src(%dma_wait3A_90 : memref<40x128xf32, #tpu.memory_space<hbm>>) dst(%arg10 : memref<40x128xf32, #tpu.memory_space<vmem>>)
        %dma_start3A_91 = arith.constant 0 : i32
        %dma_start3A_92 = tpu.memref_slice %arg9[%add3A_81, %dma_start3A_91] : memref<125x40xi32, #tpu.memory_space<vmem>> -> memref<1x40xi32, #tpu.memory_space<vmem>>
        %dma_start3A_93 = tpu.memref_squeeze %dma_start3A_92 : memref<1x40xi32, #tpu.memory_space<vmem>> -> memref<40xi32, #tpu.memory_space<vmem>>
        %dma_start3A_94 = arith.constant 0 : i32
        %dma_start3A_95 = arith.constant 0 : i32
        %dma_start3A_96 = tpu.memref_slice %arg12[%dma_start3A_94, %dma_start3A_95] : memref<10000x128xf32, #tpu.memory_space<vmem_shared>> -> memref<10000x128xf32, #tpu.memory_space<vmem_shared>>
        tpu.enqueue_indirect_dma source(%arg10 : memref<40x128xf32, #tpu.memory_space<vmem>>) target(%dma_start3A_96 : memref<10000x128xf32, #tpu.memory_space<vmem_shared>>) offsets(%dma_start3A_93 : memref<40xi32, #tpu.memory_space<vmem>>) semaphore(%arg15 : memref<!tpu.dma_semaphore, #tpu.memory_space<semaphore_mem>>) {add = true}
        %dma_wait3A_97 = arith.constant 0 : i32
        %dma_wait3A_98 = tpu.memref_slice %arg9[%add3A_81, %dma_wait3A_97] : memref<125x40xi32, #tpu.memory_space<vmem>> -> memref<1x40xi32, #tpu.memory_space<vmem>>
        %dma_wait3A_99 = tpu.memref_squeeze %dma_wait3A_98 : memref<1x40xi32, #tpu.memory_space<vmem>> -> memref<40xi32, #tpu.memory_space<vmem>>
        %dma_wait3A_100 = arith.constant 0 : i32
        %dma_wait3A_101 = arith.constant 0 : i32
        %dma_wait3A_102 = tpu.memref_slice %arg12[%dma_wait3A_100, %dma_wait3A_101] : memref<10000x128xf32, #tpu.memory_space<vmem_shared>> -> memref<10000x128xf32, #tpu.memory_space<vmem_shared>>
        tpu.wait_indirect_dma semaphore(%arg15 : memref<!tpu.dma_semaphore, #tpu.memory_space<semaphore_mem>>) src(%arg10 : memref<40x128xf32, #tpu.memory_space<vmem>>) dst(%dma_wait3A_102 : memref<10000x128xf32, #tpu.memory_space<vmem_shared>>)
        %add3A_103 = arith.constant 2 : i32
        %add3A_104 = arith.addi %add3A_81, %add3A_103 : i32
        %lt3A_105 = arith.constant 125 : i32
        %lt3A_106 = arith.cmpi slt, %add3A_104, %lt3A_105 : i32
        %convert_element_type3A_107 = arith.extui %lt3A_106 : i1 to i32
        %cond3A_108 = arith.constant 0 : i32
        %cond3A_109 = arith.cmpi ne, %convert_element_type3A_107, %cond3A_108 : i32
        scf.if %cond3A_109 {
          %add3A_142 = arith.constant 2 : i32
          %add3A_143 = arith.addi %add3A_81, %add3A_142 : i32
          %mul3A_144 = arith.constant 5000 : i32
          %mul3A_145 = arith.muli %arg1, %mul3A_144 : i32
          %mul3A_146 = arith.constant 40 : i32
          %mul3A_147 = arith.muli %add3A_143, %mul3A_146 : i32
          %add3A_148 = arith.addi %mul3A_145, %mul3A_147 : i32
          %dma_start3A_149 = arith.constant 0 : i32
          %dma_start3A_150 = tpu.memref_slice %arg2[%add3A_148, %dma_start3A_149] : memref<80000x128xf32, #tpu.memory_space<hbm>> -> memref<40x128xf32, #tpu.memory_space<hbm>>
          %dma_start3A_151 = arith.constant 0 : i32
          %dma_start3A_152 = tpu.memref_slice %arg2[%add3A_148, %dma_start3A_151] : memref<80000x128xf32, #tpu.memory_space<hbm>> -> memref<40x128xf32, #tpu.memory_space<hbm>>
          tpu.enqueue_dma source(%dma_start3A_152 : memref<40x128xf32, #tpu.memory_space<hbm>>) target(%arg10 : memref<40x128xf32, #tpu.memory_space<vmem>>) target_semaphore(%arg13 : memref<!tpu.dma_semaphore, #tpu.memory_space<semaphore_mem>>)
        } else {
        }
        %mul3A_110 = arith.constant 2 : i32
        %mul3A_111 = arith.muli %mul3A_110, %scan3A_77 : i32
        %add3A_112 = arith.constant 1 : i32
        %add3A_113 = arith.addi %mul3A_111, %add3A_112 : i32
        %mul3A_114 = arith.constant 5000 : i32
        %mul3A_115 = arith.muli %arg1, %mul3A_114 : i32
        %mul3A_116 = arith.constant 40 : i32
        %mul3A_117 = arith.muli %add3A_113, %mul3A_116 : i32
        %add3A_118 = arith.addi %mul3A_115, %mul3A_117 : i32
        %dma_wait3A_119 = arith.constant 0 : i32
        %dma_wait3A_120 = tpu.memref_slice %arg2[%add3A_118, %dma_wait3A_119] : memref<80000x128xf32, #tpu.memory_space<hbm>> -> memref<40x128xf32, #tpu.memory_space<hbm>>
        %dma_wait3A_121 = arith.constant 0 : i32
        %dma_wait3A_122 = tpu.memref_slice %arg2[%add3A_118, %dma_wait3A_121] : memref<80000x128xf32, #tpu.memory_space<hbm>> -> memref<40x128xf32, #tpu.memory_space<hbm>>
        tpu.wait_dma2 semaphore(%arg14 : memref<!tpu.dma_semaphore, #tpu.memory_space<semaphore_mem>>) src(%dma_wait3A_122 : memref<40x128xf32, #tpu.memory_space<hbm>>) dst(%arg11 : memref<40x128xf32, #tpu.memory_space<vmem>>)
        %dma_start3A_123 = arith.constant 0 : i32
        %dma_start3A_124 = tpu.memref_slice %arg9[%add3A_113, %dma_start3A_123] : memref<125x40xi32, #tpu.memory_space<vmem>> -> memref<1x40xi32, #tpu.memory_space<vmem>>
        %dma_start3A_125 = tpu.memref_squeeze %dma_start3A_124 : memref<1x40xi32, #tpu.memory_space<vmem>> -> memref<40xi32, #tpu.memory_space<vmem>>
        %dma_start3A_126 = arith.constant 0 : i32
        %dma_start3A_127 = arith.constant 0 : i32
        %dma_start3A_128 = tpu.memref_slice %arg12[%dma_start3A_126, %dma_start3A_127] : memref<10000x128xf32, #tpu.memory_space<vmem_shared>> -> memref<10000x128xf32, #tpu.memory_space<vmem_shared>>
        tpu.enqueue_indirect_dma source(%arg11 : memref<40x128xf32, #tpu.memory_space<vmem>>) target(%dma_start3A_128 : memref<10000x128xf32, #tpu.memory_space<vmem_shared>>) offsets(%dma_start3A_125 : memref<40xi32, #tpu.memory_space<vmem>>) semaphore(%arg16 : memref<!tpu.dma_semaphore, #tpu.memory_space<semaphore_mem>>) {add = true}
        %dma_wait3A_129 = arith.constant 0 : i32
        %dma_wait3A_130 = tpu.memref_slice %arg9[%add3A_113, %dma_wait3A_129] : memref<125x40xi32, #tpu.memory_space<vmem>> -> memref<1x40xi32, #tpu.memory_space<vmem>>
        %dma_wait3A_131 = tpu.memref_squeeze %dma_wait3A_130 : memref<1x40xi32, #tpu.memory_space<vmem>> -> memref<40xi32, #tpu.memory_space<vmem>>
        %dma_wait3A_132 = arith.constant 0 : i32
        %dma_wait3A_133 = arith.constant 0 : i32
        %dma_wait3A_134 = tpu.memref_slice %arg12[%dma_wait3A_132, %dma_wait3A_133] : memref<10000x128xf32, #tpu.memory_space<vmem_shared>> -> memref<10000x128xf32, #tpu.memory_space<vmem_shared>>
        tpu.wait_indirect_dma semaphore(%arg16 : memref<!tpu.dma_semaphore, #tpu.memory_space<semaphore_mem>>) src(%arg11 : memref<40x128xf32, #tpu.memory_space<vmem>>) dst(%dma_wait3A_134 : memref<10000x128xf32, #tpu.memory_space<vmem_shared>>)
        %add3A_135 = arith.constant 2 : i32
        %add3A_136 = arith.addi %add3A_113, %add3A_135 : i32
        %lt3A_137 = arith.constant 125 : i32
        %lt3A_138 = arith.cmpi slt, %add3A_136, %lt3A_137 : i32
        %convert_element_type3A_139 = arith.extui %lt3A_138 : i1 to i32
        %cond3A_140 = arith.constant 0 : i32
        %cond3A_141 = arith.cmpi ne, %convert_element_type3A_139, %cond3A_140 : i32
        scf.if %cond3A_141 {
          %add3A_142 = arith.constant 2 : i32
          %add3A_143 = arith.addi %add3A_113, %add3A_142 : i32
          %mul3A_144 = arith.constant 5000 : i32
          %mul3A_145 = arith.muli %arg1, %mul3A_144 : i32
          %mul3A_146 = arith.constant 40 : i32
          %mul3A_147 = arith.muli %add3A_143, %mul3A_146 : i32
          %add3A_148 = arith.addi %mul3A_145, %mul3A_147 : i32
          %dma_start3A_149 = arith.constant 0 : i32
          %dma_start3A_150 = tpu.memref_slice %arg2[%add3A_148, %dma_start3A_149] : memref<80000x128xf32, #tpu.memory_space<hbm>> -> memref<40x128xf32, #tpu.memory_space<hbm>>
          %dma_start3A_151 = arith.constant 0 : i32
          %dma_start3A_152 = tpu.memref_slice %arg2[%add3A_148, %dma_start3A_151] : memref<80000x128xf32, #tpu.memory_space<hbm>> -> memref<40x128xf32, #tpu.memory_space<hbm>>
          tpu.enqueue_dma source(%dma_start3A_152 : memref<40x128xf32, #tpu.memory_space<hbm>>) target(%arg11 : memref<40x128xf32, #tpu.memory_space<vmem>>) target_semaphore(%arg14 : memref<!tpu.dma_semaphore, #tpu.memory_space<semaphore_mem>>)
        } else {
        }
      }
      %scan3A_55 = arith.constant 62 : i32
      %mul3A_56 = arith.constant 5000 : i32
      %mul3A_57 = arith.muli %arg1, %mul3A_56 : i32
      %add3A_58 = arith.constant 4960 : i32
      %add3A_59 = arith.addi %mul3A_57, %add3A_58 : i32
      %dma_wait3A = arith.constant 0 : i32
      %dma_wait3A_60 = tpu.memref_slice %arg2[%add3A_59, %dma_wait3A] : memref<80000x128xf32, #tpu.memory_space<hbm>> -> memref<40x128xf32, #tpu.memory_space<hbm>>
      %dma_wait3A_61 = arith.constant 0 : i32
      %dma_wait3A_62 = tpu.memref_slice %arg2[%add3A_59, %dma_wait3A_61] : memref<80000x128xf32, #tpu.memory_space<hbm>> -> memref<40x128xf32, #tpu.memory_space<hbm>>
      tpu.wait_dma2 semaphore(%arg13 : memref<!tpu.dma_semaphore, #tpu.memory_space<semaphore_mem>>) src(%dma_wait3A_62 : memref<40x128xf32, #tpu.memory_space<hbm>>) dst(%arg10 : memref<40x128xf32, #tpu.memory_space<vmem>>)
      %dma_start3A_63 = arith.constant 124 : i32
      %dma_start3A_64 = arith.constant 0 : i32
      %dma_start3A_65 = tpu.memref_slice %arg9[%dma_start3A_63, %dma_start3A_64] : memref<125x40xi32, #tpu.memory_space<vmem>> -> memref<1x40xi32, #tpu.memory_space<vmem>>
      %dma_start3A_66 = tpu.memref_squeeze %dma_start3A_65 : memref<1x40xi32, #tpu.memory_space<vmem>> -> memref<40xi32, #tpu.memory_space<vmem>>
      %dma_start3A_67 = arith.constant 0 : i32
      %dma_start3A_68 = arith.constant 0 : i32
      %dma_start3A_69 = tpu.memref_slice %arg12[%dma_start3A_67, %dma_start3A_68] : memref<10000x128xf32, #tpu.memory_space<vmem_shared>> -> memref<10000x128xf32, #tpu.memory_space<vmem_shared>>
      tpu.enqueue_indirect_dma source(%arg10 : memref<40x128xf32, #tpu.memory_space<vmem>>) target(%dma_start3A_69 : memref<10000x128xf32, #tpu.memory_space<vmem_shared>>) offsets(%dma_start3A_66 : memref<40xi32, #tpu.memory_space<vmem>>) semaphore(%arg15 : memref<!tpu.dma_semaphore, #tpu.memory_space<semaphore_mem>>) {add = true}
      %dma_wait3A_70 = arith.constant 124 : i32
      %dma_wait3A_71 = arith.constant 0 : i32
      %dma_wait3A_72 = tpu.memref_slice %arg9[%dma_wait3A_70, %dma_wait3A_71] : memref<125x40xi32, #tpu.memory_space<vmem>> -> memref<1x40xi32, #tpu.memory_space<vmem>>
      %dma_wait3A_73 = tpu.memref_squeeze %dma_wait3A_72 : memref<1x40xi32, #tpu.memory_space<vmem>> -> memref<40xi32, #tpu.memory_space<vmem>>
      %dma_wait3A_74 = arith.constant 0 : i32
      %dma_wait3A_75 = arith.constant 0 : i32
      %dma_wait3A_76 = tpu.memref_slice %arg12[%dma_wait3A_74, %dma_wait3A_75] : memref<10000x128xf32, #tpu.memory_space<vmem_shared>> -> memref<10000x128xf32, #tpu.memory_space<vmem_shared>>
      tpu.wait_indirect_dma semaphore(%arg15 : memref<!tpu.dma_semaphore, #tpu.memory_space<semaphore_mem>>) src(%arg10 : memref<40x128xf32, #tpu.memory_space<vmem>>) dst(%dma_wait3A_76 : memref<10000x128xf32, #tpu.memory_space<vmem_shared>>)
    } else {
    }
    %eq3A_16 = arith.constant 1 : i32
    %eq3A_17 = arith.cmpi eq, %arg0, %eq3A_16 : i32
    %convert_element_type3A_18 = arith.extui %eq3A_17 : i1 to i32
    %cond3A_19 = arith.constant 0 : i32
    %cond3A_20 = arith.cmpi ne, %convert_element_type3A_18, %cond3A_19 : i32
    scf.if %cond3A_20 {
      %mul3A = arith.constant 5000 : i32
      %mul3A_38 = arith.muli %arg1, %mul3A : i32
      %add3A = arith.constant 0 : i32
      %add3A_39 = arith.addi %mul3A_38, %add3A : i32
      %dma_start3A = arith.constant 0 : i32
      %dma_start3A_40 = tpu.memref_slice %arg3[%add3A_39, %dma_start3A] : memref<80000x128xf32, #tpu.memory_space<hbm>> -> memref<40x128xf32, #tpu.memory_space<hbm>>
      %dma_start3A_41 = arith.constant 0 : i32
      %dma_start3A_42 = tpu.memref_slice %arg3[%add3A_39, %dma_start3A_41] : memref<80000x128xf32, #tpu.memory_space<hbm>> -> memref<40x128xf32, #tpu.memory_space<hbm>>
      tpu.enqueue_dma source(%dma_start3A_42 : memref<40x128xf32, #tpu.memory_space<hbm>>) target(%arg10 : memref<40x128xf32, #tpu.memory_space<vmem>>) target_semaphore(%arg13 : memref<!tpu.dma_semaphore, #tpu.memory_space<semaphore_mem>>)
      %mul3A_43 = arith.constant 5000 : i32
      %mul3A_44 = arith.muli %arg1, %mul3A_43 : i32
      %add3A_45 = arith.constant 40 : i32
      %add3A_46 = arith.addi %mul3A_44, %add3A_45 : i32
      %dma_start3A_47 = arith.constant 0 : i32
      %dma_start3A_48 = tpu.memref_slice %arg3[%add3A_46, %dma_start3A_47] : memref<80000x128xf32, #tpu.memory_space<hbm>> -> memref<40x128xf32, #tpu.memory_space<hbm>>
      %dma_start3A_49 = arith.constant 0 : i32
      %dma_start3A_50 = tpu.memref_slice %arg3[%add3A_46, %dma_start3A_49] : memref<80000x128xf32, #tpu.memory_space<hbm>> -> memref<40x128xf32, #tpu.memory_space<hbm>>
      tpu.enqueue_dma source(%dma_start3A_50 : memref<40x128xf32, #tpu.memory_space<hbm>>) target(%arg11 : memref<40x128xf32, #tpu.memory_space<vmem>>) target_semaphore(%arg14 : memref<!tpu.dma_semaphore, #tpu.memory_space<semaphore_mem>>)
      %scan3A = arith.constant 0 : i32
      %scan3A_51 = arith.constant 0 : i32
      %scan3A_52 = arith.constant 62 : i32
      %scan3A_53 = arith.addi %scan3A_51, %scan3A_52 : i32
      %scan3A_54 = arith.constant 1 : i32
      scf.for %scan3A_77 = %scan3A_51 to %scan3A_53 step %scan3A_54  : i32 {
        %mul3A_78 = arith.constant 2 : i32
        %mul3A_79 = arith.muli %mul3A_78, %scan3A_77 : i32
        %add3A_80 = arith.constant 0 : i32
        %add3A_81 = arith.addi %mul3A_79, %add3A_80 : i32
        %mul3A_82 = arith.constant 5000 : i32
        %mul3A_83 = arith.muli %arg1, %mul3A_82 : i32
        %mul3A_84 = arith.constant 40 : i32
        %mul3A_85 = arith.muli %add3A_81, %mul3A_84 : i32
        %add3A_86 = arith.addi %mul3A_83, %mul3A_85 : i32
        %dma_wait3A_87 = arith.constant 0 : i32
        %dma_wait3A_88 = tpu.memref_slice %arg3[%add3A_86, %dma_wait3A_87] : memref<80000x128xf32, #tpu.memory_space<hbm>> -> memref<40x128xf32, #tpu.memory_space<hbm>>
        %dma_wait3A_89 = arith.constant 0 : i32
        %dma_wait3A_90 = tpu.memref_slice %arg3[%add3A_86, %dma_wait3A_89] : memref<80000x128xf32, #tpu.memory_space<hbm>> -> memref<40x128xf32, #tpu.memory_space<hbm>>
        tpu.wait_dma2 semaphore(%arg13 : memref<!tpu.dma_semaphore, #tpu.memory_space<semaphore_mem>>) src(%dma_wait3A_90 : memref<40x128xf32, #tpu.memory_space<hbm>>) dst(%arg10 : memref<40x128xf32, #tpu.memory_space<vmem>>)
        %dma_start3A_91 = arith.constant 0 : i32
        %dma_start3A_92 = tpu.memref_slice %arg9[%add3A_81, %dma_start3A_91] : memref<125x40xi32, #tpu.memory_space<vmem>> -> memref<1x40xi32, #tpu.memory_space<vmem>>
        %dma_start3A_93 = tpu.memref_squeeze %dma_start3A_92 : memref<1x40xi32, #tpu.memory_space<vmem>> -> memref<40xi32, #tpu.memory_space<vmem>>
        %dma_start3A_94 = arith.constant 0 : i32
        %dma_start3A_95 = arith.constant 0 : i32
        %dma_start3A_96 = tpu.memref_slice %arg12[%dma_start3A_94, %dma_start3A_95] : memref<10000x128xf32, #tpu.memory_space<vmem_shared>> -> memref<10000x128xf32, #tpu.memory_space<vmem_shared>>
        tpu.enqueue_indirect_dma source(%arg10 : memref<40x128xf32, #tpu.memory_space<vmem>>) target(%dma_start3A_96 : memref<10000x128xf32, #tpu.memory_space<vmem_shared>>) offsets(%dma_start3A_93 : memref<40xi32, #tpu.memory_space<vmem>>) semaphore(%arg15 : memref<!tpu.dma_semaphore, #tpu.memory_space<semaphore_mem>>) {add = true}
        %dma_wait3A_97 = arith.constant 0 : i32
        %dma_wait3A_98 = tpu.memref_slice %arg9[%add3A_81, %dma_wait3A_97] : memref<125x40xi32, #tpu.memory_space<vmem>> -> memref<1x40xi32, #tpu.memory_space<vmem>>
        %dma_wait3A_99 = tpu.memref_squeeze %dma_wait3A_98 : memref<1x40xi32, #tpu.memory_space<vmem>> -> memref<40xi32, #tpu.memory_space<vmem>>
        %dma_wait3A_100 = arith.constant 0 : i32
        %dma_wait3A_101 = arith.constant 0 : i32
        %dma_wait3A_102 = tpu.memref_slice %arg12[%dma_wait3A_100, %dma_wait3A_101] : memref<10000x128xf32, #tpu.memory_space<vmem_shared>> -> memref<10000x128xf32, #tpu.memory_space<vmem_shared>>
        tpu.wait_indirect_dma semaphore(%arg15 : memref<!tpu.dma_semaphore, #tpu.memory_space<semaphore_mem>>) src(%arg10 : memref<40x128xf32, #tpu.memory_space<vmem>>) dst(%dma_wait3A_102 : memref<10000x128xf32, #tpu.memory_space<vmem_shared>>)
        %add3A_103 = arith.constant 2 : i32
        %add3A_104 = arith.addi %add3A_81, %add3A_103 : i32
        %lt3A_105 = arith.constant 125 : i32
        %lt3A_106 = arith.cmpi slt, %add3A_104, %lt3A_105 : i32
        %convert_element_type3A_107 = arith.extui %lt3A_106 : i1 to i32
        %cond3A_108 = arith.constant 0 : i32
        %cond3A_109 = arith.cmpi ne, %convert_element_type3A_107, %cond3A_108 : i32
        scf.if %cond3A_109 {
          %add3A_142 = arith.constant 2 : i32
          %add3A_143 = arith.addi %add3A_81, %add3A_142 : i32
          %mul3A_144 = arith.constant 5000 : i32
          %mul3A_145 = arith.muli %arg1, %mul3A_144 : i32
          %mul3A_146 = arith.constant 40 : i32
          %mul3A_147 = arith.muli %add3A_143, %mul3A_146 : i32
          %add3A_148 = arith.addi %mul3A_145, %mul3A_147 : i32
          %dma_start3A_149 = arith.constant 0 : i32
          %dma_start3A_150 = tpu.memref_slice %arg3[%add3A_148, %dma_start3A_149] : memref<80000x128xf32, #tpu.memory_space<hbm>> -> memref<40x128xf32, #tpu.memory_space<hbm>>
          %dma_start3A_151 = arith.constant 0 : i32
          %dma_start3A_152 = tpu.memref_slice %arg3[%add3A_148, %dma_start3A_151] : memref<80000x128xf32, #tpu.memory_space<hbm>> -> memref<40x128xf32, #tpu.memory_space<hbm>>
          tpu.enqueue_dma source(%dma_start3A_152 : memref<40x128xf32, #tpu.memory_space<hbm>>) target(%arg10 : memref<40x128xf32, #tpu.memory_space<vmem>>) target_semaphore(%arg13 : memref<!tpu.dma_semaphore, #tpu.memory_space<semaphore_mem>>)
        } else {
        }
        %mul3A_110 = arith.constant 2 : i32
        %mul3A_111 = arith.muli %mul3A_110, %scan3A_77 : i32
        %add3A_112 = arith.constant 1 : i32
        %add3A_113 = arith.addi %mul3A_111, %add3A_112 : i32
        %mul3A_114 = arith.constant 5000 : i32
        %mul3A_115 = arith.muli %arg1, %mul3A_114 : i32
        %mul3A_116 = arith.constant 40 : i32
        %mul3A_117 = arith.muli %add3A_113, %mul3A_116 : i32
        %add3A_118 = arith.addi %mul3A_115, %mul3A_117 : i32
        %dma_wait3A_119 = arith.constant 0 : i32
        %dma_wait3A_120 = tpu.memref_slice %arg3[%add3A_118, %dma_wait3A_119] : memref<80000x128xf32, #tpu.memory_space<hbm>> -> memref<40x128xf32, #tpu.memory_space<hbm>>
        %dma_wait3A_121 = arith.constant 0 : i32
        %dma_wait3A_122 = tpu.memref_slice %arg3[%add3A_118, %dma_wait3A_121] : memref<80000x128xf32, #tpu.memory_space<hbm>> -> memref<40x128xf32, #tpu.memory_space<hbm>>
        tpu.wait_dma2 semaphore(%arg14 : memref<!tpu.dma_semaphore, #tpu.memory_space<semaphore_mem>>) src(%dma_wait3A_122 : memref<40x128xf32, #tpu.memory_space<hbm>>) dst(%arg11 : memref<40x128xf32, #tpu.memory_space<vmem>>)
        %dma_start3A_123 = arith.constant 0 : i32
        %dma_start3A_124 = tpu.memref_slice %arg9[%add3A_113, %dma_start3A_123] : memref<125x40xi32, #tpu.memory_space<vmem>> -> memref<1x40xi32, #tpu.memory_space<vmem>>
        %dma_start3A_125 = tpu.memref_squeeze %dma_start3A_124 : memref<1x40xi32, #tpu.memory_space<vmem>> -> memref<40xi32, #tpu.memory_space<vmem>>
        %dma_start3A_126 = arith.constant 0 : i32
        %dma_start3A_127 = arith.constant 0 : i32
        %dma_start3A_128 = tpu.memref_slice %arg12[%dma_start3A_126, %dma_start3A_127] : memref<10000x128xf32, #tpu.memory_space<vmem_shared>> -> memref<10000x128xf32, #tpu.memory_space<vmem_shared>>
        tpu.enqueue_indirect_dma source(%arg11 : memref<40x128xf32, #tpu.memory_space<vmem>>) target(%dma_start3A_128 : memref<10000x128xf32, #tpu.memory_space<vmem_shared>>) offsets(%dma_start3A_125 : memref<40xi32, #tpu.memory_space<vmem>>) semaphore(%arg16 : memref<!tpu.dma_semaphore, #tpu.memory_space<semaphore_mem>>) {add = true}
        %dma_wait3A_129 = arith.constant 0 : i32
        %dma_wait3A_130 = tpu.memref_slice %arg9[%add3A_113, %dma_wait3A_129] : memref<125x40xi32, #tpu.memory_space<vmem>> -> memref<1x40xi32, #tpu.memory_space<vmem>>
        %dma_wait3A_131 = tpu.memref_squeeze %dma_wait3A_130 : memref<1x40xi32, #tpu.memory_space<vmem>> -> memref<40xi32, #tpu.memory_space<vmem>>
        %dma_wait3A_132 = arith.constant 0 : i32
        %dma_wait3A_133 = arith.constant 0 : i32
        %dma_wait3A_134 = tpu.memref_slice %arg12[%dma_wait3A_132, %dma_wait3A_133] : memref<10000x128xf32, #tpu.memory_space<vmem_shared>> -> memref<10000x128xf32, #tpu.memory_space<vmem_shared>>
        tpu.wait_indirect_dma semaphore(%arg16 : memref<!tpu.dma_semaphore, #tpu.memory_space<semaphore_mem>>) src(%arg11 : memref<40x128xf32, #tpu.memory_space<vmem>>) dst(%dma_wait3A_134 : memref<10000x128xf32, #tpu.memory_space<vmem_shared>>)
        %add3A_135 = arith.constant 2 : i32
        %add3A_136 = arith.addi %add3A_113, %add3A_135 : i32
        %lt3A_137 = arith.constant 125 : i32
        %lt3A_138 = arith.cmpi slt, %add3A_136, %lt3A_137 : i32
        %convert_element_type3A_139 = arith.extui %lt3A_138 : i1 to i32
        %cond3A_140 = arith.constant 0 : i32
        %cond3A_141 = arith.cmpi ne, %convert_element_type3A_139, %cond3A_140 : i32
        scf.if %cond3A_141 {
          %add3A_142 = arith.constant 2 : i32
          %add3A_143 = arith.addi %add3A_113, %add3A_142 : i32
          %mul3A_144 = arith.constant 5000 : i32
          %mul3A_145 = arith.muli %arg1, %mul3A_144 : i32
          %mul3A_146 = arith.constant 40 : i32
          %mul3A_147 = arith.muli %add3A_143, %mul3A_146 : i32
          %add3A_148 = arith.addi %mul3A_145, %mul3A_147 : i32
          %dma_start3A_149 = arith.constant 0 : i32
          %dma_start3A_150 = tpu.memref_slice %arg3[%add3A_148, %dma_start3A_149] : memref<80000x128xf32, #tpu.memory_space<hbm>> -> memref<40x128xf32, #tpu.memory_space<hbm>>
          %dma_start3A_151 = arith.constant 0 : i32
          %dma_start3A_152 = tpu.memref_slice %arg3[%add3A_148, %dma_start3A_151] : memref<80000x128xf32, #tpu.memory_space<hbm>> -> memref<40x128xf32, #tpu.memory_space<hbm>>
          tpu.enqueue_dma source(%dma_start3A_152 : memref<40x128xf32, #tpu.memory_space<hbm>>) target(%arg11 : memref<40x128xf32, #tpu.memory_space<vmem>>) target_semaphore(%arg14 : memref<!tpu.dma_semaphore, #tpu.memory_space<semaphore_mem>>)
        } else {
        }
      }
      %scan3A_55 = arith.constant 62 : i32
      %mul3A_56 = arith.constant 5000 : i32
      %mul3A_57 = arith.muli %arg1, %mul3A_56 : i32
      %add3A_58 = arith.constant 4960 : i32
      %add3A_59 = arith.addi %mul3A_57, %add3A_58 : i32
      %dma_wait3A = arith.constant 0 : i32
      %dma_wait3A_60 = tpu.memref_slice %arg3[%add3A_59, %dma_wait3A] : memref<80000x128xf32, #tpu.memory_space<hbm>> -> memref<40x128xf32, #tpu.memory_space<hbm>>
      %dma_wait3A_61 = arith.constant 0 : i32
      %dma_wait3A_62 = tpu.memref_slice %arg3[%add3A_59, %dma_wait3A_61] : memref<80000x128xf32, #tpu.memory_space<hbm>> -> memref<40x128xf32, #tpu.memory_space<hbm>>
      tpu.wait_dma2 semaphore(%arg13 : memref<!tpu.dma_semaphore, #tpu.memory_space<semaphore_mem>>) src(%dma_wait3A_62 : memref<40x128xf32, #tpu.memory_space<hbm>>) dst(%arg10 : memref<40x128xf32, #tpu.memory_space<vmem>>)
      %dma_start3A_63 = arith.constant 124 : i32
      %dma_start3A_64 = arith.constant 0 : i32
      %dma_start3A_65 = tpu.memref_slice %arg9[%dma_start3A_63, %dma_start3A_64] : memref<125x40xi32, #tpu.memory_space<vmem>> -> memref<1x40xi32, #tpu.memory_space<vmem>>
      %dma_start3A_66 = tpu.memref_squeeze %dma_start3A_65 : memref<1x40xi32, #tpu.memory_space<vmem>> -> memref<40xi32, #tpu.memory_space<vmem>>
      %dma_start3A_67 = arith.constant 0 : i32
      %dma_start3A_68 = arith.constant 0 : i32
      %dma_start3A_69 = tpu.memref_slice %arg12[%dma_start3A_67, %dma_start3A_68] : memref<10000x128xf32, #tpu.memory_space<vmem_shared>> -> memref<10000x128xf32, #tpu.memory_space<vmem_shared>>
      tpu.enqueue_indirect_dma source(%arg10 : memref<40x128xf32, #tpu.memory_space<vmem>>) target(%dma_start3A_69 : memref<10000x128xf32, #tpu.memory_space<vmem_shared>>) offsets(%dma_start3A_66 : memref<40xi32, #tpu.memory_space<vmem>>) semaphore(%arg15 : memref<!tpu.dma_semaphore, #tpu.memory_space<semaphore_mem>>) {add = true}
      %dma_wait3A_70 = arith.constant 124 : i32
      %dma_wait3A_71 = arith.constant 0 : i32
      %dma_wait3A_72 = tpu.memref_slice %arg9[%dma_wait3A_70, %dma_wait3A_71] : memref<125x40xi32, #tpu.memory_space<vmem>> -> memref<1x40xi32, #tpu.memory_space<vmem>>
      %dma_wait3A_73 = tpu.memref_squeeze %dma_wait3A_72 : memref<1x40xi32, #tpu.memory_space<vmem>> -> memref<40xi32, #tpu.memory_space<vmem>>
      %dma_wait3A_74 = arith.constant 0 : i32
      %dma_wait3A_75 = arith.constant 0 : i32
      %dma_wait3A_76 = tpu.memref_slice %arg12[%dma_wait3A_74, %dma_wait3A_75] : memref<10000x128xf32, #tpu.memory_space<vmem_shared>> -> memref<10000x128xf32, #tpu.memory_space<vmem_shared>>
      tpu.wait_indirect_dma semaphore(%arg15 : memref<!tpu.dma_semaphore, #tpu.memory_space<semaphore_mem>>) src(%arg10 : memref<40x128xf32, #tpu.memory_space<vmem>>) dst(%dma_wait3A_76 : memref<10000x128xf32, #tpu.memory_space<vmem_shared>>)
    } else {
    }
    %barrier3A_21 = arith.constant 0 : index
    tpu.barrier barrier_id(%barrier3A_21)
    %eq3A_22 = arith.constant 0 : i32
    %eq3A_23 = arith.cmpi eq, %arg0, %eq3A_22 : i32
    %lt3A_24 = arith.constant 10 : i32
    %lt3A_25 = arith.cmpi slt, %arg1, %lt3A_24 : i32
    %and3A_26 = arith.andi %eq3A_23, %lt3A_25 : i1
    %convert_element_type3A_27 = arith.extui %and3A_26 : i1 to i32
    %cond3A_28 = arith.constant 0 : i32
    %cond3A_29 = arith.cmpi ne, %convert_element_type3A_27, %cond3A_28 : i32
    scf.if %cond3A_29 {
      %mul3A = arith.constant 1000 : i32
      %mul3A_38 = arith.muli %arg1, %mul3A : i32
      %mul3A_39 = arith.constant 1000 : i32
      %mul3A_40 = arith.muli %arg1, %mul3A_39 : i32
      "tpu.region"() ({
        %run_scoped3A = tpu.sem_alloc : memref<!tpu.dma_semaphore, #tpu.memory_space<semaphore_mem>>
        %dma_start3A = arith.constant 0 : i32
        %dma_start3A_41 = tpu.memref_slice %arg7[%mul3A_40, %dma_start3A] : memref<10000x128xf32, #tpu.memory_space<hbm>> -> memref<1000x128xf32, #tpu.memory_space<hbm>>
        %dma_start3A_42 = arith.constant 0 : i32
        %dma_start3A_43 = tpu.memref_slice %arg12[%mul3A_38, %dma_start3A_42] : memref<10000x128xf32, #tpu.memory_space<vmem_shared>> -> memref<1000x128xf32, #tpu.memory_space<vmem_shared>>
        tpu.enqueue_dma source(%dma_start3A_43 : memref<1000x128xf32, #tpu.memory_space<vmem_shared>>) target(%dma_start3A_41 : memref<1000x128xf32, #tpu.memory_space<hbm>>) target_semaphore(%run_scoped3A : memref<!tpu.dma_semaphore, #tpu.memory_space<semaphore_mem>>)
        %dma_wait3A = arith.constant 0 : i32
        %dma_wait3A_44 = tpu.memref_slice %arg7[%mul3A_40, %dma_wait3A] : memref<10000x128xf32, #tpu.memory_space<hbm>> -> memref<1000x128xf32, #tpu.memory_space<hbm>>
        %dma_wait3A_45 = arith.constant 0 : i32
        %dma_wait3A_46 = tpu.memref_slice %arg12[%mul3A_38, %dma_wait3A_45] : memref<10000x128xf32, #tpu.memory_space<vmem_shared>> -> memref<1000x128xf32, #tpu.memory_space<vmem_shared>>
        tpu.wait_dma2 semaphore(%run_scoped3A : memref<!tpu.dma_semaphore, #tpu.memory_space<semaphore_mem>>) src(%dma_wait3A_46 : memref<1000x128xf32, #tpu.memory_space<vmem_shared>>) dst(%dma_wait3A_44 : memref<1000x128xf32, #tpu.memory_space<hbm>>)
        tpu.yield
      }) : () -> ()
    } else {
    }
    %eq3A_30 = arith.constant 1 : i32
    %eq3A_31 = arith.cmpi eq, %arg0, %eq3A_30 : i32
    %lt3A_32 = arith.constant 10 : i32
    %lt3A_33 = arith.cmpi slt, %arg1, %lt3A_32 : i32
    %and3A_34 = arith.andi %eq3A_31, %lt3A_33 : i1
    %convert_element_type3A_35 = arith.extui %and3A_34 : i1 to i32
    %cond3A_36 = arith.constant 0 : i32
    %cond3A_37 = arith.cmpi ne, %convert_element_type3A_35, %cond3A_36 : i32
    scf.if %cond3A_37 {
      %mul3A = arith.constant 1000 : i32
      %mul3A_38 = arith.muli %arg1, %mul3A : i32
      %mul3A_39 = arith.constant 1000 : i32
      %mul3A_40 = arith.muli %arg1, %mul3A_39 : i32
      "tpu.region"() ({
        %run_scoped3A = tpu.sem_alloc : memref<!tpu.dma_semaphore, #tpu.memory_space<semaphore_mem>>
        %dma_start3A = arith.constant 0 : i32
        %dma_start3A_41 = tpu.memref_slice %arg8[%mul3A_40, %dma_start3A] : memref<10000x128xf32, #tpu.memory_space<hbm>> -> memref<1000x128xf32, #tpu.memory_space<hbm>>
        %dma_start3A_42 = arith.constant 0 : i32
        %dma_start3A_43 = tpu.memref_slice %arg12[%mul3A_38, %dma_start3A_42] : memref<10000x128xf32, #tpu.memory_space<vmem_shared>> -> memref<1000x128xf32, #tpu.memory_space<vmem_shared>>
        tpu.enqueue_dma source(%dma_start3A_43 : memref<1000x128xf32, #tpu.memory_space<vmem_shared>>) target(%dma_start3A_41 : memref<1000x128xf32, #tpu.memory_space<hbm>>) target_semaphore(%run_scoped3A : memref<!tpu.dma_semaphore, #tpu.memory_space<semaphore_mem>>)
        %dma_wait3A = arith.constant 0 : i32
        %dma_wait3A_44 = tpu.memref_slice %arg8[%mul3A_40, %dma_wait3A] : memref<10000x128xf32, #tpu.memory_space<hbm>> -> memref<1000x128xf32, #tpu.memory_space<hbm>>
        %dma_wait3A_45 = arith.constant 0 : i32
        %dma_wait3A_46 = tpu.memref_slice %arg12[%mul3A_38, %dma_wait3A_45] : memref<10000x128xf32, #tpu.memory_space<vmem_shared>> -> memref<1000x128xf32, #tpu.memory_space<vmem_shared>>
        tpu.wait_dma2 semaphore(%run_scoped3A : memref<!tpu.dma_semaphore, #tpu.memory_space<semaphore_mem>>) src(%dma_wait3A_46 : memref<1000x128xf32, #tpu.memory_space<vmem_shared>>) dst(%dma_wait3A_44 : memref<1000x128xf32, #tpu.memory_space<hbm>>)
        tpu.yield
      }) : () -> ()
    } else {
    }
    return
  }
}

module attributes {stable_mosaic.version = 14 : i64} {
  func.func @_tables_body(%arg0: i32, %arg1: memref<1000x256xf32, #tpu.memory_space<vmem>>, %arg2: memref<256x256xf32, #tpu.memory_space<vmem>>, %arg3: memref<256x256xf32, #tpu.memory_space<vmem>>, %arg4: memref<256x256xf32, #tpu.memory_space<vmem>>, %arg5: memref<256x256xf32, #tpu.memory_space<vmem>>, %arg6: memref<1000x256xi32, #tpu.memory_space<vmem>>, %arg7: memref<1000x256xi32, #tpu.memory_space<vmem>>) attributes {dimension_semantics = [#tpu.dimension_semantics<arbitrary>], iteration_bounds = array<i64: 10>, scalar_prefetch = 0 : i64, scratch_operands = 0 : i64, tpu.core_type = #tpu.core_type<tc>, window_params = [{transform_indices = @transform_0, window_bounds = array<i64: 1000, 256>}, {pipeline_mode = #tpu.pipeline_mode<synchronous>, transform_indices = @transform_1, window_bounds = array<i64: 256, 256>}, {pipeline_mode = #tpu.pipeline_mode<synchronous>, transform_indices = @transform_2, window_bounds = array<i64: 256, 256>}, {pipeline_mode = #tpu.pipeline_mode<synchronous>, transform_indices = @transform_3, window_bounds = array<i64: 256, 256>}, {pipeline_mode = #tpu.pipeline_mode<synchronous>, transform_indices = @transform_4, window_bounds = array<i64: 256, 256>}, {transform_indices = @transform_5, window_bounds = array<i64: 1000, 256>}, {transform_indices = @transform_6, window_bounds = array<i64: 1000, 256>}]} {
    %get3A = arith.constant 0 : index
    %get3A_0 = arith.constant 0 : index
    %get3A_1 = vector.load %arg1[%get3A, %get3A_0] : memref<1000x256xf32, #tpu.memory_space<vmem>>, vector<1000x256xf32>
    %get3A_2 = arith.constant 0 : index
    %get3A_3 = arith.constant 0 : index
    %get3A_4 = vector.load %arg2[%get3A_2, %get3A_3] : memref<256x256xf32, #tpu.memory_space<vmem>>, vector<256x256xf32>
    %dot_general3A = arith.constant dense<0.000000e+00> : vector<1000x256xf32>
    %dot_general3A_5 = tpu.matmul %get3A_1, %get3A_4, %dot_general3A {dimension_numbers = #tpu.dot_dimension_numbers<[1], [0], [0], [1], [0, 0, 1, 1], [], []>, transpose_lhs_hint = false} : vector<1000x256xf32>, vector<256x256xf32>, vector<1000x256xf32> -> vector<1000x256xf32>
    %get3A_6 = arith.constant 0 : index
    %get3A_7 = arith.constant 0 : index
    %get3A_8 = vector.load %arg3[%get3A_6, %get3A_7] : memref<256x256xf32, #tpu.memory_space<vmem>>, vector<256x256xf32>
    %dot_general3A_9 = arith.constant dense<0.000000e+00> : vector<1000x256xf32>
    %dot_general3A_10 = tpu.matmul %get3A_1, %get3A_8, %dot_general3A_9 {dimension_numbers = #tpu.dot_dimension_numbers<[1], [0], [0], [1], [0, 0, 1, 1], [], []>, transpose_lhs_hint = false} : vector<1000x256xf32>, vector<256x256xf32>, vector<1000x256xf32> -> vector<1000x256xf32>
    %bitcast_convert_type3A = tpu.bitcast %dot_general3A_5 : vector<1000x256xf32> -> vector<1000x256xi32>
    %add3A = arith.constant 32767 : i32
    %add3A_11 = vector.broadcast %add3A : i32 to vector<1000x256xi32>
    %add3A_12 = arith.addi %bitcast_convert_type3A, %add3A_11 : vector<1000x256xi32>
    %shift_right_logical3A = arith.constant 16 : i32
    %shift_right_logical3A_13 = vector.broadcast %shift_right_logical3A : i32 to vector<1000x256xi32>
    %shift_right_logical3A_14 = arith.shrui %bitcast_convert_type3A, %shift_right_logical3A_13 : vector<1000x256xi32>
    %jit3A = arith.constant 2 : i32
    %eq3A = arith.constant 0 : i32
    %eq3A_15 = arith.cmpi eq, %jit3A, %eq3A : i32
    %jit3A_16 = arith.constant 1 : i32
    %select_n3A = arith.select %eq3A_15, %jit3A_16, %jit3A : i32
    %rem3A = vector.broadcast %select_n3A : i32 to vector<1000x256xi32>
    %rem3A_17 = arith.remsi %shift_right_logical3A_14, %rem3A : vector<1000x256xi32>
    %ne3A = arith.constant 0 : i32
    %ne3A_18 = vector.broadcast %ne3A : i32 to vector<1000x256xi32>
    %ne3A_19 = arith.cmpi ne, %rem3A_17, %ne3A_18 : vector<1000x256xi32>
    %lt3A = arith.constant 0 : i32
    %lt3A_20 = vector.broadcast %lt3A : i32 to vector<1000x256xi32>
    %lt3A_21 = arith.cmpi slt, %rem3A_17, %lt3A_20 : vector<1000x256xi32>
    %lt3A_22 = arith.constant 0 : i32
    %lt3A_23 = arith.cmpi slt, %select_n3A, %lt3A_22 : i32
    %ne3A_24 = vector.broadcast %lt3A_23 : i1 to vector<1000x256xi1>
    %ne3A_25 = vector.broadcast %ne3A_24 : vector<1000x256xi1> to vector<1000x256xi1>
    %ne3A_26 = arith.xori %lt3A_21, %ne3A_25 : vector<1000x256xi1>
    %and3A = arith.andi %ne3A_26, %ne3A_19 : vector<1000x256xi1>
    %add3A_27 = vector.broadcast %select_n3A : i32 to vector<1000x256xi32>
    %add3A_28 = arith.addi %rem3A_17, %add3A_27 : vector<1000x256xi32>
    %select_n3A_29 = arith.select %and3A, %add3A_28, %rem3A_17 : vector<1000x256xi1>, vector<1000x256xi32>
    %add3A_30 = arith.addi %add3A_12, %select_n3A_29 : vector<1000x256xi32>
    %shift_right_logical3A_31 = arith.constant 16 : i32
    %shift_right_logical3A_32 = vector.broadcast %shift_right_logical3A_31 : i32 to vector<1000x256xi32>
    %shift_right_logical3A_33 = arith.shrui %add3A_30, %shift_right_logical3A_32 : vector<1000x256xi32>
    %bitcast_convert_type3A_34 = tpu.bitcast %dot_general3A_10 : vector<1000x256xf32> -> vector<1000x256xi32>
    %add3A_35 = arith.constant 32767 : i32
    %add3A_36 = vector.broadcast %add3A_35 : i32 to vector<1000x256xi32>
    %add3A_37 = arith.addi %bitcast_convert_type3A_34, %add3A_36 : vector<1000x256xi32>
    %shift_right_logical3A_38 = arith.constant 16 : i32
    %shift_right_logical3A_39 = vector.broadcast %shift_right_logical3A_38 : i32 to vector<1000x256xi32>
    %shift_right_logical3A_40 = arith.shrui %bitcast_convert_type3A_34, %shift_right_logical3A_39 : vector<1000x256xi32>
    %jit3A_41 = arith.constant 2 : i32
    %eq3A_42 = arith.constant 0 : i32
    %eq3A_43 = arith.cmpi eq, %jit3A_41, %eq3A_42 : i32
    %jit3A_44 = arith.constant 1 : i32
    %select_n3A_45 = arith.select %eq3A_43, %jit3A_44, %jit3A_41 : i32
    %rem3A_46 = vector.broadcast %select_n3A_45 : i32 to vector<1000x256xi32>
    %rem3A_47 = arith.remsi %shift_right_logical3A_40, %rem3A_46 : vector<1000x256xi32>
    %ne3A_48 = arith.constant 0 : i32
    %ne3A_49 = vector.broadcast %ne3A_48 : i32 to vector<1000x256xi32>
    %ne3A_50 = arith.cmpi ne, %rem3A_47, %ne3A_49 : vector<1000x256xi32>
    %lt3A_51 = arith.constant 0 : i32
    %lt3A_52 = vector.broadcast %lt3A_51 : i32 to vector<1000x256xi32>
    %lt3A_53 = arith.cmpi slt, %rem3A_47, %lt3A_52 : vector<1000x256xi32>
    %lt3A_54 = arith.constant 0 : i32
    %lt3A_55 = arith.cmpi slt, %select_n3A_45, %lt3A_54 : i32
    %ne3A_56 = vector.broadcast %lt3A_55 : i1 to vector<1000x256xi1>
    %ne3A_57 = vector.broadcast %ne3A_56 : vector<1000x256xi1> to vector<1000x256xi1>
    %ne3A_58 = arith.xori %lt3A_53, %ne3A_57 : vector<1000x256xi1>
    %and3A_59 = arith.andi %ne3A_58, %ne3A_50 : vector<1000x256xi1>
    %add3A_60 = vector.broadcast %select_n3A_45 : i32 to vector<1000x256xi32>
    %add3A_61 = arith.addi %rem3A_47, %add3A_60 : vector<1000x256xi32>
    %select_n3A_62 = arith.select %and3A_59, %add3A_61, %rem3A_47 : vector<1000x256xi1>, vector<1000x256xi32>
    %add3A_63 = arith.addi %add3A_37, %select_n3A_62 : vector<1000x256xi32>
    %shift_right_logical3A_64 = arith.constant 16 : i32
    %shift_right_logical3A_65 = vector.broadcast %shift_right_logical3A_64 : i32 to vector<1000x256xi32>
    %shift_right_logical3A_66 = arith.shrui %add3A_63, %shift_right_logical3A_65 : vector<1000x256xi32>
    %shift_left3A = arith.constant 16 : i32
    %shift_left3A_67 = vector.broadcast %shift_left3A : i32 to vector<1000x256xi32>
    %shift_left3A_68 = arith.shli %shift_right_logical3A_66, %shift_left3A_67 : vector<1000x256xi32>
    %or3A = arith.ori %shift_right_logical3A_33, %shift_left3A_68 : vector<1000x256xi32>
    %swap3A = arith.constant 0 : index
    %swap3A_69 = arith.constant 0 : index
    %swap3A_70 = vector.load %arg6[%swap3A, %swap3A_69] : memref<1000x256xi32, #tpu.memory_space<vmem>>, vector<1000x256xi32>
    tpu.vector_store %arg6[%swap3A, %swap3A_69], %or3A {strides = array<i32>} : memref<1000x256xi32, #tpu.memory_space<vmem>>, vector<1000x256xi32>,
    %get3A_71 = arith.constant 0 : index
    %get3A_72 = arith.constant 0 : index
    %get3A_73 = vector.load %arg4[%get3A_71, %get3A_72] : memref<256x256xf32, #tpu.memory_space<vmem>>, vector<256x256xf32>
    %dot_general3A_74 = arith.constant dense<0.000000e+00> : vector<1000x256xf32>
    %dot_general3A_75 = tpu.matmul %get3A_1, %get3A_73, %dot_general3A_74 {dimension_numbers = #tpu.dot_dimension_numbers<[1], [0], [0], [1], [0, 0, 1, 1], [], []>, transpose_lhs_hint = false} : vector<1000x256xf32>, vector<256x256xf32>, vector<1000x256xf32> -> vector<1000x256xf32>
    %get3A_76 = arith.constant 0 : index
    %get3A_77 = arith.constant 0 : index
    %get3A_78 = vector.load %arg5[%get3A_76, %get3A_77] : memref<256x256xf32, #tpu.memory_space<vmem>>, vector<256x256xf32>
    %dot_general3A_79 = arith.constant dense<0.000000e+00> : vector<1000x256xf32>
    %dot_general3A_80 = tpu.matmul %get3A_1, %get3A_78, %dot_general3A_79 {dimension_numbers = #tpu.dot_dimension_numbers<[1], [0], [0], [1], [0, 0, 1, 1], [], []>, transpose_lhs_hint = false} : vector<1000x256xf32>, vector<256x256xf32>, vector<1000x256xf32> -> vector<1000x256xf32>
    %bitcast_convert_type3A_81 = tpu.bitcast %dot_general3A_75 : vector<1000x256xf32> -> vector<1000x256xi32>
    %add3A_82 = arith.constant 32767 : i32
    %add3A_83 = vector.broadcast %add3A_82 : i32 to vector<1000x256xi32>
    %add3A_84 = arith.addi %bitcast_convert_type3A_81, %add3A_83 : vector<1000x256xi32>
    %shift_right_logical3A_85 = arith.constant 16 : i32
    %shift_right_logical3A_86 = vector.broadcast %shift_right_logical3A_85 : i32 to vector<1000x256xi32>
    %shift_right_logical3A_87 = arith.shrui %bitcast_convert_type3A_81, %shift_right_logical3A_86 : vector<1000x256xi32>
    %jit3A_88 = arith.constant 2 : i32
    %eq3A_89 = arith.constant 0 : i32
    %eq3A_90 = arith.cmpi eq, %jit3A_88, %eq3A_89 : i32
    %jit3A_91 = arith.constant 1 : i32
    %select_n3A_92 = arith.select %eq3A_90, %jit3A_91, %jit3A_88 : i32
    %rem3A_93 = vector.broadcast %select_n3A_92 : i32 to vector<1000x256xi32>
    %rem3A_94 = arith.remsi %shift_right_logical3A_87, %rem3A_93 : vector<1000x256xi32>
    %ne3A_95 = arith.constant 0 : i32
    %ne3A_96 = vector.broadcast %ne3A_95 : i32 to vector<1000x256xi32>
    %ne3A_97 = arith.cmpi ne, %rem3A_94, %ne3A_96 : vector<1000x256xi32>
    %lt3A_98 = arith.constant 0 : i32
    %lt3A_99 = vector.broadcast %lt3A_98 : i32 to vector<1000x256xi32>
    %lt3A_100 = arith.cmpi slt, %rem3A_94, %lt3A_99 : vector<1000x256xi32>
    %lt3A_101 = arith.constant 0 : i32
    %lt3A_102 = arith.cmpi slt, %select_n3A_92, %lt3A_101 : i32
    %ne3A_103 = vector.broadcast %lt3A_102 : i1 to vector<1000x256xi1>
    %ne3A_104 = vector.broadcast %ne3A_103 : vector<1000x256xi1> to vector<1000x256xi1>
    %ne3A_105 = arith.xori %lt3A_100, %ne3A_104 : vector<1000x256xi1>
    %and3A_106 = arith.andi %ne3A_105, %ne3A_97 : vector<1000x256xi1>
    %add3A_107 = vector.broadcast %select_n3A_92 : i32 to vector<1000x256xi32>
    %add3A_108 = arith.addi %rem3A_94, %add3A_107 : vector<1000x256xi32>
    %select_n3A_109 = arith.select %and3A_106, %add3A_108, %rem3A_94 : vector<1000x256xi1>, vector<1000x256xi32>
    %add3A_110 = arith.addi %add3A_84, %select_n3A_109 : vector<1000x256xi32>
    %shift_right_logical3A_111 = arith.constant 16 : i32
    %shift_right_logical3A_112 = vector.broadcast %shift_right_logical3A_111 : i32 to vector<1000x256xi32>
    %shift_right_logical3A_113 = arith.shrui %add3A_110, %shift_right_logical3A_112 : vector<1000x256xi32>
    %bitcast_convert_type3A_114 = tpu.bitcast %dot_general3A_80 : vector<1000x256xf32> -> vector<1000x256xi32>
    %add3A_115 = arith.constant 32767 : i32
    %add3A_116 = vector.broadcast %add3A_115 : i32 to vector<1000x256xi32>
    %add3A_117 = arith.addi %bitcast_convert_type3A_114, %add3A_116 : vector<1000x256xi32>
    %shift_right_logical3A_118 = arith.constant 16 : i32
    %shift_right_logical3A_119 = vector.broadcast %shift_right_logical3A_118 : i32 to vector<1000x256xi32>
    %shift_right_logical3A_120 = arith.shrui %bitcast_convert_type3A_114, %shift_right_logical3A_119 : vector<1000x256xi32>
    %jit3A_121 = arith.constant 2 : i32
    %eq3A_122 = arith.constant 0 : i32
    %eq3A_123 = arith.cmpi eq, %jit3A_121, %eq3A_122 : i32
    %jit3A_124 = arith.constant 1 : i32
    %select_n3A_125 = arith.select %eq3A_123, %jit3A_124, %jit3A_121 : i32
    %rem3A_126 = vector.broadcast %select_n3A_125 : i32 to vector<1000x256xi32>
    %rem3A_127 = arith.remsi %shift_right_logical3A_120, %rem3A_126 : vector<1000x256xi32>
    %ne3A_128 = arith.constant 0 : i32
    %ne3A_129 = vector.broadcast %ne3A_128 : i32 to vector<1000x256xi32>
    %ne3A_130 = arith.cmpi ne, %rem3A_127, %ne3A_129 : vector<1000x256xi32>
    %lt3A_131 = arith.constant 0 : i32
    %lt3A_132 = vector.broadcast %lt3A_131 : i32 to vector<1000x256xi32>
    %lt3A_133 = arith.cmpi slt, %rem3A_127, %lt3A_132 : vector<1000x256xi32>
    %lt3A_134 = arith.constant 0 : i32
    %lt3A_135 = arith.cmpi slt, %select_n3A_125, %lt3A_134 : i32
    %ne3A_136 = vector.broadcast %lt3A_135 : i1 to vector<1000x256xi1>
    %ne3A_137 = vector.broadcast %ne3A_136 : vector<1000x256xi1> to vector<1000x256xi1>
    %ne3A_138 = arith.xori %lt3A_133, %ne3A_137 : vector<1000x256xi1>
    %and3A_139 = arith.andi %ne3A_138, %ne3A_130 : vector<1000x256xi1>
    %add3A_140 = vector.broadcast %select_n3A_125 : i32 to vector<1000x256xi32>
    %add3A_141 = arith.addi %rem3A_127, %add3A_140 : vector<1000x256xi32>
    %select_n3A_142 = arith.select %and3A_139, %add3A_141, %rem3A_127 : vector<1000x256xi1>, vector<1000x256xi32>
    %add3A_143 = arith.addi %add3A_117, %select_n3A_142 : vector<1000x256xi32>
    %shift_right_logical3A_144 = arith.constant 16 : i32
    %shift_right_logical3A_145 = vector.broadcast %shift_right_logical3A_144 : i32 to vector<1000x256xi32>
    %shift_right_logical3A_146 = arith.shrui %add3A_143, %shift_right_logical3A_145 : vector<1000x256xi32>
    %shift_left3A_147 = arith.constant 16 : i32
    %shift_left3A_148 = vector.broadcast %shift_left3A_147 : i32 to vector<1000x256xi32>
    %shift_left3A_149 = arith.shli %shift_right_logical3A_146, %shift_left3A_148 : vector<1000x256xi32>
    %or3A_150 = arith.ori %shift_right_logical3A_113, %shift_left3A_149 : vector<1000x256xi32>
    %swap3A_151 = arith.constant 0 : index
    %swap3A_152 = arith.constant 0 : index
    %swap3A_153 = vector.load %arg7[%swap3A_151, %swap3A_152] : memref<1000x256xi32, #tpu.memory_space<vmem>>, vector<1000x256xi32>
    tpu.vector_store %arg7[%swap3A_151, %swap3A_152], %or3A_150 {strides = array<i32>} : memref<1000x256xi32, #tpu.memory_space<vmem>>, vector<1000x256xi32>,
    return
  }
  func.func @transform_0(%arg0: i32) -> (i32, i32) {
    %c0_i32 = arith.constant 0 : i32
    %c0_i32_0 = arith.constant 0 : i32
    return %arg0, %c0_i32 : i32, i32
  }
  func.func @transform_1(%arg0: i32) -> (i32, i32) {
    %c0_i32 = arith.constant 0 : i32
    %c0_i32_0 = arith.constant 0 : i32
    %c0_i32_1 = arith.constant 0 : i32
    return %c0_i32, %c0_i32_0 : i32, i32
  }
  func.func @transform_2(%arg0: i32) -> (i32, i32) {
    %c0_i32 = arith.constant 0 : i32
    %c0_i32_0 = arith.constant 0 : i32
    %c0_i32_1 = arith.constant 0 : i32
    return %c0_i32, %c0_i32_0 : i32, i32
  }
  func.func @transform_3(%arg0: i32) -> (i32, i32) {
    %c0_i32 = arith.constant 0 : i32
    %c0_i32_0 = arith.constant 0 : i32
    %c0_i32_1 = arith.constant 0 : i32
    return %c0_i32, %c0_i32_0 : i32, i32
  }
  func.func @transform_4(%arg0: i32) -> (i32, i32) {
    %c0_i32 = arith.constant 0 : i32
    %c0_i32_0 = arith.constant 0 : i32
    %c0_i32_1 = arith.constant 0 : i32
    return %c0_i32, %c0_i32_0 : i32, i32
  }
  func.func @transform_5(%arg0: i32) -> (i32, i32) {
    %c0_i32 = arith.constant 0 : i32
    %c0_i32_0 = arith.constant 0 : i32
    return %arg0, %c0_i32 : i32, i32
  }
  func.func @transform_6(%arg0: i32) -> (i32, i32) {
    %c0_i32 = arith.constant 0 : i32
    %c0_i32_0 = arith.constant 0 : i32
    return %arg0, %c0_i32 : i32, i32
  }
}

module attributes {stable_mosaic.version = 14 : i64} {
  func.func @_msg_body(%arg0: i32, %arg1: memref<2000x256xi32, #tpu.memory_space<vmem>>, %arg2: memref<2000x256xi32, #tpu.memory_space<vmem>>, %arg3: memref<2000x16xf32, #tpu.memory_space<vmem>>, %arg4: memref<16x256xf32, #tpu.memory_space<vmem>>, %arg5: memref<16x256xf32, #tpu.memory_space<vmem>>, %arg6: memref<1x256xf32, #tpu.memory_space<vmem>>, %arg7: memref<1x256xf32, #tpu.memory_space<vmem>>, %arg8: memref<2000x128xf32, #tpu.memory_space<vmem>>, %arg9: memref<2000x128xf32, #tpu.memory_space<vmem>>) attributes {dimension_semantics = [#tpu.dimension_semantics<arbitrary>], iteration_bounds = array<i64: 40>, scalar_prefetch = 0 : i64, scratch_operands = 0 : i64, tpu.core_type = #tpu.core_type<tc>, window_params = [{transform_indices = @transform_0, window_bounds = array<i64: 2000, 256>}, {transform_indices = @transform_1, window_bounds = array<i64: 2000, 256>}, {transform_indices = @transform_2, window_bounds = array<i64: 2000, 16>}, {pipeline_mode = #tpu.pipeline_mode<synchronous>, transform_indices = @transform_3, window_bounds = array<i64: 16, 256>}, {pipeline_mode = #tpu.pipeline_mode<synchronous>, transform_indices = @transform_4, window_bounds = array<i64: 16, 256>}, {pipeline_mode = #tpu.pipeline_mode<synchronous>, transform_indices = @transform_5, window_bounds = array<i64: 1, 256>}, {pipeline_mode = #tpu.pipeline_mode<synchronous>, transform_indices = @transform_6, window_bounds = array<i64: 1, 256>}, {transform_indices = @transform_7, window_bounds = array<i64: 2000, 128>}, {transform_indices = @transform_8, window_bounds = array<i64: 2000, 128>}]} {
    %get3A = arith.constant 0 : index
    %get3A_0 = arith.constant 0 : index
    %get3A_1 = vector.load %arg1[%get3A, %get3A_0] : memref<2000x256xi32, #tpu.memory_space<vmem>>, vector<2000x256xi32>
    %get3A_2 = arith.constant 0 : index
    %get3A_3 = arith.constant 0 : index
    %get3A_4 = vector.load %arg2[%get3A_2, %get3A_3] : memref<2000x256xi32, #tpu.memory_space<vmem>>, vector<2000x256xi32>
    %get3A_5 = arith.constant 0 : index
    %get3A_6 = arith.constant 0 : index
    %get3A_7 = vector.load %arg3[%get3A_5, %get3A_6] : memref<2000x16xf32, #tpu.memory_space<vmem>>, vector<2000x16xf32>
    %shift_left3A = arith.constant 16 : i32
    %shift_left3A_8 = vector.broadcast %shift_left3A : i32 to vector<2000x256xi32>
    %shift_left3A_9 = arith.shli %get3A_1, %shift_left3A_8 : vector<2000x256xi32>
    %bitcast_convert_type3A = tpu.bitcast %shift_left3A_9 : vector<2000x256xi32> -> vector<2000x256xf32>
    %shift_left3A_10 = arith.constant 16 : i32
    %shift_left3A_11 = vector.broadcast %shift_left3A_10 : i32 to vector<2000x256xi32>
    %shift_left3A_12 = arith.shli %get3A_4, %shift_left3A_11 : vector<2000x256xi32>
    %bitcast_convert_type3A_13 = tpu.bitcast %shift_left3A_12 : vector<2000x256xi32> -> vector<2000x256xf32>
    %add3A = arith.addf %bitcast_convert_type3A, %bitcast_convert_type3A_13 : vector<2000x256xf32>
    %get3A_14 = arith.constant 0 : index
    %get3A_15 = arith.constant 0 : index
    %get3A_16 = vector.load %arg4[%get3A_14, %get3A_15] : memref<16x256xf32, #tpu.memory_space<vmem>>, vector<16x256xf32>
    %dot_general3A = arith.constant dense<0.000000e+00> : vector<2000x256xf32>
    %dot_general3A_17 = tpu.matmul %get3A_7, %get3A_16, %dot_general3A {dimension_numbers = #tpu.dot_dimension_numbers<[1], [0], [0], [1], [0, 0, 1, 1], [], []>, transpose_lhs_hint = false} : vector<2000x16xf32>, vector<16x256xf32>, vector<2000x256xf32> -> vector<2000x256xf32>
    %add3A_18 = arith.addf %add3A, %dot_general3A_17 : vector<2000x256xf32>
    %get3A_19 = arith.constant 0 : index
    %get3A_20 = arith.constant 0 : index
    %get3A_21 = vector.load %arg6[%get3A_19, %get3A_20] : memref<1x256xf32, #tpu.memory_space<vmem>>, vector<1x256xf32>
    %add3A_22 = vector.broadcast %get3A_21 : vector<1x256xf32> to vector<2000x256xf32>
    %add3A_23 = arith.addf %add3A_18, %add3A_22 : vector<2000x256xf32>
    %and3A = arith.constant -65536 : i32
    %and3A_24 = vector.broadcast %and3A : i32 to vector<2000x256xi32>
    %and3A_25 = arith.andi %get3A_1, %and3A_24 : vector<2000x256xi32>
    %bitcast_convert_type3A_26 = tpu.bitcast %and3A_25 : vector<2000x256xi32> -> vector<2000x256xf32>
    %and3A_27 = arith.constant -65536 : i32
    %and3A_28 = vector.broadcast %and3A_27 : i32 to vector<2000x256xi32>
    %and3A_29 = arith.andi %get3A_4, %and3A_28 : vector<2000x256xi32>
    %bitcast_convert_type3A_30 = tpu.bitcast %and3A_29 : vector<2000x256xi32> -> vector<2000x256xf32>
    %add3A_31 = arith.addf %bitcast_convert_type3A_26, %bitcast_convert_type3A_30 : vector<2000x256xf32>
    %get3A_32 = arith.constant 0 : index
    %get3A_33 = arith.constant 0 : index
    %get3A_34 = vector.load %arg5[%get3A_32, %get3A_33] : memref<16x256xf32, #tpu.memory_space<vmem>>, vector<16x256xf32>
    %dot_general3A_35 = arith.constant dense<0.000000e+00> : vector<2000x256xf32>
    %dot_general3A_36 = tpu.matmul %get3A_7, %get3A_34, %dot_general3A_35 {dimension_numbers = #tpu.dot_dimension_numbers<[1], [0], [0], [1], [0, 0, 1, 1], [], []>, transpose_lhs_hint = false} : vector<2000x16xf32>, vector<16x256xf32>, vector<2000x256xf32> -> vector<2000x256xf32>
    %add3A_37 = arith.addf %add3A_31, %dot_general3A_36 : vector<2000x256xf32>
    %get3A_38 = arith.constant 0 : index
    %get3A_39 = arith.constant 0 : index
    %get3A_40 = vector.load %arg7[%get3A_38, %get3A_39] : memref<1x256xf32, #tpu.memory_space<vmem>>, vector<1x256xf32>
    %add3A_41 = vector.broadcast %get3A_40 : vector<1x256xf32> to vector<2000x256xf32>
    %add3A_42 = arith.addf %add3A_37, %add3A_41 : vector<2000x256xf32>
    %neg3A = arith.constant 0.000000e+00 : f32
    %neg3A_43 = vector.broadcast %neg3A : f32 to vector<2000x256xf32>
    %neg3A_44 = arith.subf %neg3A_43, %add3A_23 : vector<2000x256xf32>
    %exp3A = math.exp %neg3A_44 : vector<2000x256xf32>
    %add3A_45 = arith.constant 1.000000e+00 : f32
    %add3A_46 = vector.broadcast %add3A_45 : f32 to vector<2000x256xf32>
    %add3A_47 = arith.addf %add3A_46, %exp3A : vector<2000x256xf32>
    %div3A = arith.constant 1.000000e+00 : f32
    %div3A_48 = vector.broadcast %div3A : f32 to vector<2000x256xf32>
    %div3A_49 = arith.divf %div3A_48, %add3A_47 : vector<2000x256xf32>
    %max3A = arith.constant 0.000000e+00 : f32
    %max3A_50 = vector.broadcast %max3A : f32 to vector<2000x256xf32>
    %max3A_51 = arith.maximumf %add3A_42, %max3A_50 : vector<2000x256xf32>
    %abs3A = math.absf %add3A_42 : vector<2000x256xf32>
    %neg3A_52 = arith.constant 0.000000e+00 : f32
    %neg3A_53 = vector.broadcast %neg3A_52 : f32 to vector<2000x256xf32>
    %neg3A_54 = arith.subf %neg3A_53, %abs3A : vector<2000x256xf32>
    %exp3A_55 = math.exp %neg3A_54 : vector<2000x256xf32>
    %add3A_56 = arith.constant 1.000000e+00 : f32
    %add3A_57 = vector.broadcast %add3A_56 : f32 to vector<2000x256xf32>
    %add3A_58 = arith.addf %add3A_57, %exp3A_55 : vector<2000x256xf32>
    %log3A = math.log %add3A_58 : vector<2000x256xf32>
    %add3A_59 = arith.addf %max3A_51, %log3A : vector<2000x256xf32>
    %mul3A = arith.mulf %div3A_49, %add3A_59 : vector<2000x256xf32>
    %slice3A = vector.extract_strided_slice %mul3A {offsets = [0, 0], sizes = [2000, 128], strides = [1, 1]} : vector<2000x256xf32> to vector<2000x128xf32>
    %swap3A = arith.constant 0 : index
    %swap3A_60 = arith.constant 0 : index
    %swap3A_61 = vector.load %arg8[%swap3A, %swap3A_60] : memref<2000x128xf32, #tpu.memory_space<vmem>>, vector<2000x128xf32>
    tpu.vector_store %arg8[%swap3A, %swap3A_60], %slice3A {strides = array<i32>} : memref<2000x128xf32, #tpu.memory_space<vmem>>, vector<2000x128xf32>,
    %slice3A_62 = vector.extract_strided_slice %mul3A {offsets = [0, 128], sizes = [2000, 128], strides = [1, 1]} : vector<2000x256xf32> to vector<2000x128xf32>
    %swap3A_63 = arith.constant 0 : index
    %swap3A_64 = arith.constant 0 : index
    %swap3A_65 = vector.load %arg9[%swap3A_63, %swap3A_64] : memref<2000x128xf32, #tpu.memory_space<vmem>>, vector<2000x128xf32>
    tpu.vector_store %arg9[%swap3A_63, %swap3A_64], %slice3A_62 {strides = array<i32>} : memref<2000x128xf32, #tpu.memory_space<vmem>>, vector<2000x128xf32>,
    return
  }
  func.func @transform_0(%arg0: i32) -> (i32, i32) {
    %c0_i32 = arith.constant 0 : i32
    %c0_i32_0 = arith.constant 0 : i32
    return %arg0, %c0_i32 : i32, i32
  }
  func.func @transform_1(%arg0: i32) -> (i32, i32) {
    %c0_i32 = arith.constant 0 : i32
    %c0_i32_0 = arith.constant 0 : i32
    return %arg0, %c0_i32 : i32, i32
  }
  func.func @transform_2(%arg0: i32) -> (i32, i32) {
    %add3A = arith.constant 0 : i32
    %add3A_0 = arith.addi %arg0, %add3A : i32
    %c0_i32 = arith.constant 0 : i32
    %c0_i32_1 = arith.constant 0 : i32
    return %add3A_0, %c0_i32 : i32, i32
  }
  func.func @transform_3(%arg0: i32) -> (i32, i32) {
    %c0_i32 = arith.constant 0 : i32
    %c0_i32_0 = arith.constant 0 : i32
    %c0_i32_1 = arith.constant 0 : i32
    return %c0_i32, %c0_i32_0 : i32, i32
  }
  func.func @transform_4(%arg0: i32) -> (i32, i32) {
    %c0_i32 = arith.constant 0 : i32
    %c0_i32_0 = arith.constant 0 : i32
    %c0_i32_1 = arith.constant 0 : i32
    return %c0_i32, %c0_i32_0 : i32, i32
  }
  func.func @transform_5(%arg0: i32) -> (i32, i32) {
    %c0_i32 = arith.constant 0 : i32
    %c0_i32_0 = arith.constant 0 : i32
    %c0_i32_1 = arith.constant 0 : i32
    return %c0_i32, %c0_i32_0 : i32, i32
  }
  func.func @transform_6(%arg0: i32) -> (i32, i32) {
    %c0_i32 = arith.constant 0 : i32
    %c0_i32_0 = arith.constant 0 : i32
    %c0_i32_1 = arith.constant 0 : i32
    return %c0_i32, %c0_i32_0 : i32, i32
  }
  func.func @transform_7(%arg0: i32) -> (i32, i32) {
    %c0_i32 = arith.constant 0 : i32
    %c0_i32_0 = arith.constant 0 : i32
    return %arg0, %c0_i32 : i32, i32
  }
  func.func @transform_8(%arg0: i32) -> (i32, i32) {
    %c0_i32 = arith.constant 0 : i32
    %c0_i32_0 = arith.constant 0 : i32
    return %arg0, %c0_i32 : i32, i32
  }
}

module attributes {stable_mosaic.version = 14 : i64} {
  func.func @_msg_body(%arg0: i32, %arg1: memref<2000x256xi32, #tpu.memory_space<vmem>>, %arg2: memref<2000x256xi32, #tpu.memory_space<vmem>>, %arg3: memref<2000x16xf32, #tpu.memory_space<vmem>>, %arg4: memref<16x256xf32, #tpu.memory_space<vmem>>, %arg5: memref<16x256xf32, #tpu.memory_space<vmem>>, %arg6: memref<1x256xf32, #tpu.memory_space<vmem>>, %arg7: memref<1x256xf32, #tpu.memory_space<vmem>>, %arg8: memref<2000x128xf32, #tpu.memory_space<vmem>>, %arg9: memref<2000x128xf32, #tpu.memory_space<vmem>>) attributes {dimension_semantics = [#tpu.dimension_semantics<arbitrary>], iteration_bounds = array<i64: 40>, scalar_prefetch = 0 : i64, scratch_operands = 0 : i64, tpu.core_type = #tpu.core_type<tc>, window_params = [{transform_indices = @transform_0, window_bounds = array<i64: 2000, 256>}, {transform_indices = @transform_1, window_bounds = array<i64: 2000, 256>}, {transform_indices = @transform_2, window_bounds = array<i64: 2000, 16>}, {pipeline_mode = #tpu.pipeline_mode<synchronous>, transform_indices = @transform_3, window_bounds = array<i64: 16, 256>}, {pipeline_mode = #tpu.pipeline_mode<synchronous>, transform_indices = @transform_4, window_bounds = array<i64: 16, 256>}, {pipeline_mode = #tpu.pipeline_mode<synchronous>, transform_indices = @transform_5, window_bounds = array<i64: 1, 256>}, {pipeline_mode = #tpu.pipeline_mode<synchronous>, transform_indices = @transform_6, window_bounds = array<i64: 1, 256>}, {transform_indices = @transform_7, window_bounds = array<i64: 2000, 128>}, {transform_indices = @transform_8, window_bounds = array<i64: 2000, 128>}]} {
    %get3A = arith.constant 0 : index
    %get3A_0 = arith.constant 0 : index
    %get3A_1 = vector.load %arg1[%get3A, %get3A_0] : memref<2000x256xi32, #tpu.memory_space<vmem>>, vector<2000x256xi32>
    %get3A_2 = arith.constant 0 : index
    %get3A_3 = arith.constant 0 : index
    %get3A_4 = vector.load %arg2[%get3A_2, %get3A_3] : memref<2000x256xi32, #tpu.memory_space<vmem>>, vector<2000x256xi32>
    %get3A_5 = arith.constant 0 : index
    %get3A_6 = arith.constant 0 : index
    %get3A_7 = vector.load %arg3[%get3A_5, %get3A_6] : memref<2000x16xf32, #tpu.memory_space<vmem>>, vector<2000x16xf32>
    %shift_left3A = arith.constant 16 : i32
    %shift_left3A_8 = vector.broadcast %shift_left3A : i32 to vector<2000x256xi32>
    %shift_left3A_9 = arith.shli %get3A_1, %shift_left3A_8 : vector<2000x256xi32>
    %bitcast_convert_type3A = tpu.bitcast %shift_left3A_9 : vector<2000x256xi32> -> vector<2000x256xf32>
    %shift_left3A_10 = arith.constant 16 : i32
    %shift_left3A_11 = vector.broadcast %shift_left3A_10 : i32 to vector<2000x256xi32>
    %shift_left3A_12 = arith.shli %get3A_4, %shift_left3A_11 : vector<2000x256xi32>
    %bitcast_convert_type3A_13 = tpu.bitcast %shift_left3A_12 : vector<2000x256xi32> -> vector<2000x256xf32>
    %add3A = arith.addf %bitcast_convert_type3A, %bitcast_convert_type3A_13 : vector<2000x256xf32>
    %get3A_14 = arith.constant 0 : index
    %get3A_15 = arith.constant 0 : index
    %get3A_16 = vector.load %arg4[%get3A_14, %get3A_15] : memref<16x256xf32, #tpu.memory_space<vmem>>, vector<16x256xf32>
    %dot_general3A = arith.constant dense<0.000000e+00> : vector<2000x256xf32>
    %dot_general3A_17 = tpu.matmul %get3A_7, %get3A_16, %dot_general3A {dimension_numbers = #tpu.dot_dimension_numbers<[1], [0], [0], [1], [0, 0, 1, 1], [], []>, transpose_lhs_hint = false} : vector<2000x16xf32>, vector<16x256xf32>, vector<2000x256xf32> -> vector<2000x256xf32>
    %add3A_18 = arith.addf %add3A, %dot_general3A_17 : vector<2000x256xf32>
    %get3A_19 = arith.constant 0 : index
    %get3A_20 = arith.constant 0 : index
    %get3A_21 = vector.load %arg6[%get3A_19, %get3A_20] : memref<1x256xf32, #tpu.memory_space<vmem>>, vector<1x256xf32>
    %add3A_22 = vector.broadcast %get3A_21 : vector<1x256xf32> to vector<2000x256xf32>
    %add3A_23 = arith.addf %add3A_18, %add3A_22 : vector<2000x256xf32>
    %and3A = arith.constant -65536 : i32
    %and3A_24 = vector.broadcast %and3A : i32 to vector<2000x256xi32>
    %and3A_25 = arith.andi %get3A_1, %and3A_24 : vector<2000x256xi32>
    %bitcast_convert_type3A_26 = tpu.bitcast %and3A_25 : vector<2000x256xi32> -> vector<2000x256xf32>
    %and3A_27 = arith.constant -65536 : i32
    %and3A_28 = vector.broadcast %and3A_27 : i32 to vector<2000x256xi32>
    %and3A_29 = arith.andi %get3A_4, %and3A_28 : vector<2000x256xi32>
    %bitcast_convert_type3A_30 = tpu.bitcast %and3A_29 : vector<2000x256xi32> -> vector<2000x256xf32>
    %add3A_31 = arith.addf %bitcast_convert_type3A_26, %bitcast_convert_type3A_30 : vector<2000x256xf32>
    %get3A_32 = arith.constant 0 : index
    %get3A_33 = arith.constant 0 : index
    %get3A_34 = vector.load %arg5[%get3A_32, %get3A_33] : memref<16x256xf32, #tpu.memory_space<vmem>>, vector<16x256xf32>
    %dot_general3A_35 = arith.constant dense<0.000000e+00> : vector<2000x256xf32>
    %dot_general3A_36 = tpu.matmul %get3A_7, %get3A_34, %dot_general3A_35 {dimension_numbers = #tpu.dot_dimension_numbers<[1], [0], [0], [1], [0, 0, 1, 1], [], []>, transpose_lhs_hint = false} : vector<2000x16xf32>, vector<16x256xf32>, vector<2000x256xf32> -> vector<2000x256xf32>
    %add3A_37 = arith.addf %add3A_31, %dot_general3A_36 : vector<2000x256xf32>
    %get3A_38 = arith.constant 0 : index
    %get3A_39 = arith.constant 0 : index
    %get3A_40 = vector.load %arg7[%get3A_38, %get3A_39] : memref<1x256xf32, #tpu.memory_space<vmem>>, vector<1x256xf32>
    %add3A_41 = vector.broadcast %get3A_40 : vector<1x256xf32> to vector<2000x256xf32>
    %add3A_42 = arith.addf %add3A_37, %add3A_41 : vector<2000x256xf32>
    %neg3A = arith.constant 0.000000e+00 : f32
    %neg3A_43 = vector.broadcast %neg3A : f32 to vector<2000x256xf32>
    %neg3A_44 = arith.subf %neg3A_43, %add3A_23 : vector<2000x256xf32>
    %exp3A = math.exp %neg3A_44 : vector<2000x256xf32>
    %add3A_45 = arith.constant 1.000000e+00 : f32
    %add3A_46 = vector.broadcast %add3A_45 : f32 to vector<2000x256xf32>
    %add3A_47 = arith.addf %add3A_46, %exp3A : vector<2000x256xf32>
    %div3A = arith.constant 1.000000e+00 : f32
    %div3A_48 = vector.broadcast %div3A : f32 to vector<2000x256xf32>
    %div3A_49 = arith.divf %div3A_48, %add3A_47 : vector<2000x256xf32>
    %max3A = arith.constant 0.000000e+00 : f32
    %max3A_50 = vector.broadcast %max3A : f32 to vector<2000x256xf32>
    %max3A_51 = arith.maximumf %add3A_42, %max3A_50 : vector<2000x256xf32>
    %abs3A = math.absf %add3A_42 : vector<2000x256xf32>
    %neg3A_52 = arith.constant 0.000000e+00 : f32
    %neg3A_53 = vector.broadcast %neg3A_52 : f32 to vector<2000x256xf32>
    %neg3A_54 = arith.subf %neg3A_53, %abs3A : vector<2000x256xf32>
    %exp3A_55 = math.exp %neg3A_54 : vector<2000x256xf32>
    %add3A_56 = arith.constant 1.000000e+00 : f32
    %add3A_57 = vector.broadcast %add3A_56 : f32 to vector<2000x256xf32>
    %add3A_58 = arith.addf %add3A_57, %exp3A_55 : vector<2000x256xf32>
    %log3A = math.log %add3A_58 : vector<2000x256xf32>
    %add3A_59 = arith.addf %max3A_51, %log3A : vector<2000x256xf32>
    %mul3A = arith.mulf %div3A_49, %add3A_59 : vector<2000x256xf32>
    %slice3A = vector.extract_strided_slice %mul3A {offsets = [0, 0], sizes = [2000, 128], strides = [1, 1]} : vector<2000x256xf32> to vector<2000x128xf32>
    %swap3A = arith.constant 0 : index
    %swap3A_60 = arith.constant 0 : index
    %swap3A_61 = vector.load %arg8[%swap3A, %swap3A_60] : memref<2000x128xf32, #tpu.memory_space<vmem>>, vector<2000x128xf32>
    tpu.vector_store %arg8[%swap3A, %swap3A_60], %slice3A {strides = array<i32>} : memref<2000x128xf32, #tpu.memory_space<vmem>>, vector<2000x128xf32>,
    %slice3A_62 = vector.extract_strided_slice %mul3A {offsets = [0, 128], sizes = [2000, 128], strides = [1, 1]} : vector<2000x256xf32> to vector<2000x128xf32>
    %swap3A_63 = arith.constant 0 : index
    %swap3A_64 = arith.constant 0 : index
    %swap3A_65 = vector.load %arg9[%swap3A_63, %swap3A_64] : memref<2000x128xf32, #tpu.memory_space<vmem>>, vector<2000x128xf32>
    tpu.vector_store %arg9[%swap3A_63, %swap3A_64], %slice3A_62 {strides = array<i32>} : memref<2000x128xf32, #tpu.memory_space<vmem>>, vector<2000x128xf32>,
    return
  }
  func.func @transform_0(%arg0: i32) -> (i32, i32) {
    %c0_i32 = arith.constant 0 : i32
    %c0_i32_0 = arith.constant 0 : i32
    return %arg0, %c0_i32 : i32, i32
  }
  func.func @transform_1(%arg0: i32) -> (i32, i32) {
    %c0_i32 = arith.constant 0 : i32
    %c0_i32_0 = arith.constant 0 : i32
    return %arg0, %c0_i32 : i32, i32
  }
  func.func @transform_2(%arg0: i32) -> (i32, i32) {
    %add3A = arith.constant 40 : i32
    %add3A_0 = arith.addi %arg0, %add3A : i32
    %c0_i32 = arith.constant 0 : i32
    %c0_i32_1 = arith.constant 0 : i32
    return %add3A_0, %c0_i32 : i32, i32
  }
  func.func @transform_3(%arg0: i32) -> (i32, i32) {
    %c0_i32 = arith.constant 0 : i32
    %c0_i32_0 = arith.constant 0 : i32
    %c0_i32_1 = arith.constant 0 : i32
    return %c0_i32, %c0_i32_0 : i32, i32
  }
  func.func @transform_4(%arg0: i32) -> (i32, i32) {
    %c0_i32 = arith.constant 0 : i32
    %c0_i32_0 = arith.constant 0 : i32
    %c0_i32_1 = arith.constant 0 : i32
    return %c0_i32, %c0_i32_0 : i32, i32
  }
  func.func @transform_5(%arg0: i32) -> (i32, i32) {
    %c0_i32 = arith.constant 0 : i32
    %c0_i32_0 = arith.constant 0 : i32
    %c0_i32_1 = arith.constant 0 : i32
    return %c0_i32, %c0_i32_0 : i32, i32
  }
  func.func @transform_6(%arg0: i32) -> (i32, i32) {
    %c0_i32 = arith.constant 0 : i32
    %c0_i32_0 = arith.constant 0 : i32
    %c0_i32_1 = arith.constant 0 : i32
    return %c0_i32, %c0_i32_0 : i32, i32
  }
  func.func @transform_7(%arg0: i32) -> (i32, i32) {
    %c0_i32 = arith.constant 0 : i32
    %c0_i32_0 = arith.constant 0 : i32
    return %arg0, %c0_i32 : i32, i32
  }
  func.func @transform_8(%arg0: i32) -> (i32, i32) {
    %c0_i32 = arith.constant 0 : i32
    %c0_i32_0 = arith.constant 0 : i32
    return %arg0, %c0_i32 : i32, i32
  }
}

module attributes {stable_mosaic.version = 14 : i64} {
  func.func @_mlp_body(%arg0: i32, %arg1: memref<1000x256xf32, #tpu.memory_space<vmem>>, %arg2: memref<1000x128xf32, #tpu.memory_space<vmem>>, %arg3: memref<1000x128xf32, #tpu.memory_space<vmem>>, %arg4: memref<256x256xf32, #tpu.memory_space<vmem>>, %arg5: memref<1x256xf32, #tpu.memory_space<vmem>>, %arg6: memref<256x256xf32, #tpu.memory_space<vmem>>, %arg7: memref<1x256xf32, #tpu.memory_space<vmem>>, %arg8: memref<1000x256xf32, #tpu.memory_space<vmem>>) attributes {dimension_semantics = [#tpu.dimension_semantics<arbitrary>], iteration_bounds = array<i64: 10>, scalar_prefetch = 0 : i64, scratch_operands = 0 : i64, tpu.core_type = #tpu.core_type<tc>, window_params = [{transform_indices = @transform_0, window_bounds = array<i64: 1000, 256>}, {transform_indices = @transform_1, window_bounds = array<i64: 1000, 128>}, {transform_indices = @transform_2, window_bounds = array<i64: 1000, 128>}, {pipeline_mode = #tpu.pipeline_mode<synchronous>, transform_indices = @transform_3, window_bounds = array<i64: 256, 256>}, {pipeline_mode = #tpu.pipeline_mode<synchronous>, transform_indices = @transform_4, window_bounds = array<i64: 1, 256>}, {pipeline_mode = #tpu.pipeline_mode<synchronous>, transform_indices = @transform_5, window_bounds = array<i64: 256, 256>}, {pipeline_mode = #tpu.pipeline_mode<synchronous>, transform_indices = @transform_6, window_bounds = array<i64: 1, 256>}, {transform_indices = @transform_7, window_bounds = array<i64: 1000, 256>}]} {
    %get3A = arith.constant 0 : index
    %get3A_0 = arith.constant 0 : index
    %get3A_1 = vector.load %arg1[%get3A, %get3A_0] : memref<1000x256xf32, #tpu.memory_space<vmem>>, vector<1000x256xf32>
    %get3A_2 = arith.constant 0 : index
    %get3A_3 = arith.constant 0 : index
    %get3A_4 = vector.load %arg2[%get3A_2, %get3A_3] : memref<1000x128xf32, #tpu.memory_space<vmem>>, vector<1000x128xf32>
    %get3A_5 = arith.constant 0 : index
    %get3A_6 = arith.constant 0 : index
    %get3A_7 = vector.load %arg3[%get3A_5, %get3A_6] : memref<1000x128xf32, #tpu.memory_space<vmem>>, vector<1000x128xf32>
    %concatenate3A = tpu.concatenate %get3A_4, %get3A_7 in 1 : vector<1000x128xf32>, vector<1000x128xf32> -> vector<1000x256xf32>
    %add3A = arith.addf %get3A_1, %concatenate3A : vector<1000x256xf32>
    %get3A_8 = arith.constant 0 : index
    %get3A_9 = arith.constant 0 : index
    %get3A_10 = vector.load %arg4[%get3A_8, %get3A_9] : memref<256x256xf32, #tpu.memory_space<vmem>>, vector<256x256xf32>
    %dot_general3A = arith.constant dense<0.000000e+00> : vector<1000x256xf32>
    %dot_general3A_11 = tpu.matmul %add3A, %get3A_10, %dot_general3A {dimension_numbers = #tpu.dot_dimension_numbers<[1], [0], [0], [1], [0, 0, 1, 1], [], []>, transpose_lhs_hint = false} : vector<1000x256xf32>, vector<256x256xf32>, vector<1000x256xf32> -> vector<1000x256xf32>
    %get3A_12 = arith.constant 0 : index
    %get3A_13 = arith.constant 0 : index
    %get3A_14 = vector.load %arg5[%get3A_12, %get3A_13] : memref<1x256xf32, #tpu.memory_space<vmem>>, vector<1x256xf32>
    %add3A_15 = vector.broadcast %get3A_14 : vector<1x256xf32> to vector<1000x256xf32>
    %add3A_16 = arith.addf %dot_general3A_11, %add3A_15 : vector<1000x256xf32>
    %max3A = arith.constant 0.000000e+00 : f32
    %max3A_17 = vector.broadcast %max3A : f32 to vector<1000x256xf32>
    %max3A_18 = arith.maximumf %add3A_16, %max3A_17 : vector<1000x256xf32>
    %get3A_19 = arith.constant 0 : index
    %get3A_20 = arith.constant 0 : index
    %get3A_21 = vector.load %arg6[%get3A_19, %get3A_20] : memref<256x256xf32, #tpu.memory_space<vmem>>, vector<256x256xf32>
    %dot_general3A_22 = arith.constant dense<0.000000e+00> : vector<1000x256xf32>
    %dot_general3A_23 = tpu.matmul %max3A_18, %get3A_21, %dot_general3A_22 {dimension_numbers = #tpu.dot_dimension_numbers<[1], [0], [0], [1], [0, 0, 1, 1], [], []>, transpose_lhs_hint = false} : vector<1000x256xf32>, vector<256x256xf32>, vector<1000x256xf32> -> vector<1000x256xf32>
    %get3A_24 = arith.constant 0 : index
    %get3A_25 = arith.constant 0 : index
    %get3A_26 = vector.load %arg7[%get3A_24, %get3A_25] : memref<1x256xf32, #tpu.memory_space<vmem>>, vector<1x256xf32>
    %add3A_27 = vector.broadcast %get3A_26 : vector<1x256xf32> to vector<1000x256xf32>
    %add3A_28 = arith.addf %dot_general3A_23, %add3A_27 : vector<1000x256xf32>
    %swap3A = arith.constant 0 : index
    %swap3A_29 = arith.constant 0 : index
    %swap3A_30 = vector.load %arg8[%swap3A, %swap3A_29] : memref<1000x256xf32, #tpu.memory_space<vmem>>, vector<1000x256xf32>
    tpu.vector_store %arg8[%swap3A, %swap3A_29], %add3A_28 {strides = array<i32>} : memref<1000x256xf32, #tpu.memory_space<vmem>>, vector<1000x256xf32>,
    return
  }
  func.func @transform_0(%arg0: i32) -> (i32, i32) {
    %c0_i32 = arith.constant 0 : i32
    %c0_i32_0 = arith.constant 0 : i32
    return %arg0, %c0_i32 : i32, i32
  }
  func.func @transform_1(%arg0: i32) -> (i32, i32) {
    %c0_i32 = arith.constant 0 : i32
    %c0_i32_0 = arith.constant 0 : i32
    return %arg0, %c0_i32 : i32, i32
  }
  func.func @transform_2(%arg0: i32) -> (i32, i32) {
    %c0_i32 = arith.constant 0 : i32
    %c0_i32_0 = arith.constant 0 : i32
    return %arg0, %c0_i32 : i32, i32
  }
  func.func @transform_3(%arg0: i32) -> (i32, i32) {
    %c0_i32 = arith.constant 0 : i32
    %c0_i32_0 = arith.constant 0 : i32
    %c0_i32_1 = arith.constant 0 : i32
    return %c0_i32, %c0_i32_0 : i32, i32
  }
  func.func @transform_4(%arg0: i32) -> (i32, i32) {
    %c0_i32 = arith.constant 0 : i32
    %c0_i32_0 = arith.constant 0 : i32
    %c0_i32_1 = arith.constant 0 : i32
    return %c0_i32, %c0_i32_0 : i32, i32
  }
  func.func @transform_5(%arg0: i32) -> (i32, i32) {
    %c0_i32 = arith.constant 0 : i32
    %c0_i32_0 = arith.constant 0 : i32
    %c0_i32_1 = arith.constant 0 : i32
    return %c0_i32, %c0_i32_0 : i32, i32
  }
  func.func @transform_6(%arg0: i32) -> (i32, i32) {
    %c0_i32 = arith.constant 0 : i32
    %c0_i32_0 = arith.constant 0 : i32
    %c0_i32_1 = arith.constant 0 : i32
    return %c0_i32, %c0_i32_0 : i32, i32
  }
  func.func @transform_7(%arg0: i32) -> (i32, i32) {
    %c0_i32 = arith.constant 0 : i32
    %c0_i32_0 = arith.constant 0 : i32
    return %arg0, %c0_i32 : i32, i32
  }
}

</mosaic_0001>

<sc_bundles>
// kernel: kernel.10.cloned.1.call-start
scs
__scs_entry_jumppad:
0x0: {  	(pc) =	sbr.rel $0x88, $3  }
0x1: {  	(tag) =	ssettag $0x0;
	lr =	simm.s32 $0x1  }
0x2: {  	[smem:$0x3F96] =	sst lr;
	_ =	strace $0xD0000000  }
0x3: {  	_ = 	snop  }
0x4: {  	_ = 	snop  }
0x5: {  	_ = 	snop  }
0x6: {  	_ = 	snop  }
0x7: {  	_ = 	snop  }
__scs_overlays_trampoline_lowered:
0x8: {  	[smem:$0x3FA5] =	sst s0  }
0x9: {  	[smem:$0x3FA6] =	sst s1  }
0xa: {  	[smem:$0x3FA7] =	sst s2  }
0xb: {  	[smem:$0x3FA8] =	sst s3  }
0xc: {  	[smem:$0x3FA9] =	sst s4  }
0xd: {  	[smem:$0x3FAA] =	sst s5  }
0xe: {  	[smem:$0x3FAB] =	sst s6  }
0xf: {  	[smem:$0x3FAC] =	sst s7  }
0x10: {  	[smem:$0x3FAD] =	sst s8  }
0x11: {  	[smem:$0x3FAE] =	sst s9;
	s0 =	simm.s32 @!p0 $0x0  }
0x12: {  	s1 =	sld [smem:$0x3F94];
	s0 =	simm.s32 @p0 $0x1  }
0x13: {  	[smem:$0x3FAF] =	sst s0;
	s0 =	simm.s32 @!p1 $0x0  }
0x14: {  	s2 =	sld [smem:$0x3F93];
	s0 =	simm.s32 @p1 $0x1  }
0x15: {  	[smem:$0x3FB0] =	sst s0;
	s0 =	simm.s32 @!p2 $0x0  }
0x16: {  	s3 =	sld [smem:$0x3FDB];
	s0 =	simm.s32 @p2 $0x1  }
0x17: {  	s4 =	simm.s32 $0x1BF5;
	[smem:$0x3FB2] =	sst s0  }
0x18: {  	s0 =	sld [smem:$0x3F95];
	_ =	swait.ge [sflag:s4], $0x0  }
0x19: {  	s7 =	sld [smem:$0x3F96]  }
0x1a: {  	s8 =	sadd.s32 $0xFFFFE003, lr  }
0x1b: {  	s9 =	sadd.s32 $0xFFFFFEF7, lr;
	s5 =	simm.s32 $0xFFFFFFFF;
	p2 =	slt.u32 s8, $0xFFFFF086  }
0x1c: {  	p1 =	slt.u32 s9, $0xF7A;
	s5 =	simm.s32 @!p2 $0x0  }
0x1d: {  	s5 =	simm.s32 @p1 $0x1;
	p0 =	seq.s32 s7, s2  }
0x1e: {  	s7 =	smul.u32 @!p0 $0xF7A, s2;
	p2 =	seq.s32 @!p0 s5, $0x0  }
0x1f: {  	s9 =	smul.u32 $0xF7A, s1;
	s8 =	simm.s32 @!p0 $0x1BF5;
	p2 =	por !p2, p0  }
0x20: {  	[sflag:s8] =	ssyncset.s32 @!p0 $0xFFFFF086;
	s6 =	sadd.s32 @!p0 s3, s7;
	s7 =	simm.s32 @!p0 $0x108  }
0x21: {  	s3 =	sadd.s32 s3, s9;
	s6 =	sadd.s32 @!p0 $0x88, s6;
	s7 =	simm.s32 @p2 $0x1082  }
0x22: {  	[simem:s7], [sflag:s8] =	dma.local @!p0 [hbm:s6], $0xF7A  }
0x23: {  	s9 =	sor.u32 $0xD0000000, s2;
	s6 =	simm.s32 $0x108;
	_ =	swait.ge @!p0 [sflag:s8], $0x0  }
0x24: {  	s3 =	sadd.s32 $0x88, s3;
	s6 =	simm.s32 @!p1 $0x1082;
	[sflag:s4] =	ssyncset.s32 $0xFFFFF086  }
0x25: {  	[simem:s6], [sflag:s4] =	dma.local [hbm:s3], $0xF7A  }
0x26: {  	[smem:$0x3F96] =	sst s1;
	(tag) =	ssettag s2;
	_ =	strace s9  }
0x27: {  	s1 =	sld [smem:$0x3FA6]  }
0x28: {  	s2 =	sld [smem:$0x3FA7]  }
0x29: {  	s4 =	sld [smem:$0x3FA9]  }
0x2a: {  	p0 =	seq.s32 s5, $0x0;
	s5 =	sld [smem:$0x3FAA]  }
0x2b: {  	s6 =	sld [smem:$0x3FAB]  }
0x2c: {  	s7 =	sld [smem:$0x3FAC]  }
0x2d: {  	s3 =	simm.s32 $0x108;
	s8 =	sld [smem:$0x3FAD]  }
0x2e: {  	s3 =	simm.s32 @!p0 $0x1082;
	s9 =	sld [smem:$0x3FAE]  }
0x2f: {  	lr =	sadd.s32 s0, s3;
	s0 =	sld [smem:$0x3FA5]  }
0x30: {  	s3 =	sld [smem:$0x3FA8]  }
0x31: {  	[smem:$0x3FB1] =	sst s10  }
0x32: {  	s10 =	sld [smem:$0x3FAF];
	_ =	sdelay $0x3  }
0x33: {  	p0 =	seq.s32 s10, $0x1;
	s10 =	sld [smem:$0x3FB1];
	_ =	sdelay $0x3  }
0x34: {  	[smem:$0x3FB1] =	sst s10  }
0x35: {  	s10 =	sld [smem:$0x3FB0];
	_ =	sdelay $0x3  }
0x36: {  	p1 =	seq.s32 s10, $0x1;
	s10 =	sld [smem:$0x3FB1];
	_ =	sdelay $0x3  }
0x37: {  	[smem:$0x3FB1] =	sst s10  }
0x38: {  	s10 =	sld [smem:$0x3FB2]  }
0x39: {  	_ = 	snop;
	(pc) =	sbr.ind lr, $3  }
0x3a: {  	_ = 	snop  }
0x3b: {  	_ = 	snop  }
0x3c: {  	p2 =	seq.s32 s10, $0x1;
	s10 =	sld [smem:$0x3FB1]  }
0x3d: {  	_ =	shalt  }
0x3e: {  	_ =	shalt  }
0x3f: {  	_ =	shalt  }
0x40: {  	_ =	shalt  }
0x41: {  	_ =	shalt  }
0x42: {  	_ =	shalt  }
0x43: {  	_ =	shalt  }
0x44: {  	_ =	shalt  }
0x45: {  	_ =	shalt  }
0x46: {  	_ =	shalt  }
0x47: {  	_ =	shalt  }
0x48: {  	_ =	shalt  }
0x49: {  	_ =	shalt  }
0x4a: {  	_ =	shalt  }
0x4b: {  	_ =	shalt  }
0x4c: {  	_ =	shalt  }
0x4d: {  	_ =	shalt  }
0x4e: {  	_ =	shalt  }
0x4f: {  	_ =	shalt  }
0x50: {  	_ =	shalt  }
0x51: {  	_ =	shalt  }
0x52: {  	_ =	shalt  }
0x53: {  	_ =	shalt  }
0x54: {  	_ =	shalt  }
0x55: {  	_ =	shalt  }
0x56: {  	_ =	shalt  }
0x57: {  	_ =	shalt  }
0x58: {  	_ =	shalt  }
0x59: {  	_ =	shalt  }
0x5a: {  	_ =	shalt  }
0x5b: {  	_ =	shalt  }
0x5c: {  	_ =	shalt  }
0x5d: {  	_ =	shalt  }
0x5e: {  	_ =	shalt  }
0x5f: {  	_ =	shalt  }
0x60: {  	_ =	shalt  }
0x61: {  	_ =	shalt  }
0x62: {  	_ =	shalt  }
0x63: {  	_ =	shalt  }
0x64: {  	_ =	shalt  }
0x65: {  	_ =	shalt  }
0x66: {  	_ =	shalt  }
0x67: {  	_ =	shalt  }
0x68: {  	_ =	shalt  }
0x69: {  	_ =	shalt  }
0x6a: {  	_ =	shalt  }
0x6b: {  	_ =	shalt  }
0x6c: {  	_ =	shalt  }
0x6d: {  	_ =	shalt  }
0x6e: {  	_ =	shalt  }
0x6f: {  	_ =	shalt  }
0x70: {  	_ =	shalt  }
0x71: {  	_ =	shalt  }
0x72: {  	_ =	shalt  }
0x73: {  	_ =	shalt  }
0x74: {  	_ =	shalt  }
0x75: {  	_ =	shalt  }
0x76: {  	_ =	shalt  }
0x77: {  	_ =	shalt  }
0x78: {  	_ =	shalt  }
0x79: {  	_ =	shalt  }
0x7a: {  	_ =	shalt  }
0x7b: {  	_ =	shalt  }
0x7c: {  	_ =	shalt  }
0x7d: {  	_ =	shalt  }
0x7e: {  	_ =	shalt  }
0x7f: {  	_ =	shalt  }
0x80: {  	_ =	shalt  }
0x81: {  	_ =	shalt  }
0x82: {  	_ =	shalt  }
0x83: {  	_ =	shalt  }
0x84: {  	_ =	shalt  }
0x85: {  	_ =	shalt  }
0x86: {  	_ =	shalt  }
0x87: {  	_ =	shalt  }
.Lfunc_end0:
.L_simem_size_0:
called_computation_lowered:
.L_overlay_start_0:
0x88: {  	s2 =	sld [smem:$0x3FD9]  }
0x89: {  	s3 =	sld [smem:$0x3FFE];
	_ =	sdelay $0x1  }
0x8a: {  	s1 =	srdreg.scid  }
0x8b: {  	s0 =	sand.u32 $0x1, s1  }
0x8c: {  	s17 =	sshll.u32 s0, $0xA;
	s2 =	sadd.s32 s3, s2  }
0x8d: {  	s2 =	sadd.s32 s2, s17  }
0x8e: {  	[smem:$0x3FBD] =	sst s2  }
0x8f: {  	_ = 	snop  }
0x90: {  	s2 =	sld [smem:$0x3FD0];
	(tm) =	ssettm $0x1  }
0x91: {  	s18 =	sld [smem:$0x3FFB];
	_ =	sdelay $0x3  }
0x92: {  	_ =	strace s18  }
0x93: {  	s3 =	sld [smem:$0x3FFC];
	_ =	sdelay $0x3  }
0x94: {  	_ =	strace s3  }
0x95: {  	s3 =	sld [smem:$0x3FFD];
	_ =	sdelay $0x3  }
0x96: {  	_ =	strace s3  }
0x97: {  	_ =	strace $0x8FFFFFFF  }
0x98: {  	s19 =	sld [smem:$0x3FDB];
	_ =	sdelay $0x1  }
0x99: {  	s4 =	simm.s32 $_scs_section_size  }
0x9a: {  	s5 =	simm.s32 $_size__tile_overlayer_lowered;
	s6 =	simm.s32 $_tile_overlayer_lowered  }
0x9b: {  	s22 =	simm.s32 $0x1BFF;
	s21 =	sshll.u32 s6, $0x1;
	s3 =	sadd.s32 s4, s19  }
0x9c: {  	s7 =	simm.s32 $0x0;
	s20 =	sshll.u32 s5, $0x1;
	s5 =	sadd.s32 s21, s3  }
0x9d: {  	[timem:s7], [sflag:s22] =	dma.local [hbm:s5], s20  }
0x9e: {  	_ =	swait.ge [sflag:s22], s20  }
0x9f: {  	s4 =	ssub.s32 $0x0, s20;
	[sflag:s22] =	ssyncset.done $0x0  }
0xa0: {  	[sflag:s22] =	ssyncadd.s32 s4;
	_ =	sdelay $0x1  }
0xa1: {  	s23 =	simm.s32 $0x1B8B  }
0xa2: {  	_ =	swait.ge [sflag:s23], $0x1  }
0xa3: {  	[sflag:s23] =	ssyncset.done $0x0  }
0xa4: {  	s25 =	simm.s32 $0x1B8E;
	s24 =	sld [smem:$0x3FFE];
	[sflag:s23] =	ssyncadd.s32 $0xFFFFFFFF  }
0xa5: {  	s26 =	simm.s32 $execute0_lowered;
	[smem:$0x3FD2] =	sst s25  }
0xa6: {  	s5 =	sshll.u32 s26, $0x1;
	_ =	strace $0x80000046;
	[dreg:$0x1] =	wrdreg $0xFFFFFFFF  }
0xa7: {  	s28 =	simm.s32 $_size_execute0_lowered;
	s3 =	sadd.s32 s3, s5;
	[dreg:$0x0] =	wrdreg $0x0  }
0xa8: {  	s5 =	sshll.u32 s28, $0x1;
	[dreg:$0x2] =	wrdreg s3  }
0xa9: {  	[dreg:$0x3] =	wrdreg s5  }
0xaa: {  	[dreg:$0x4] =	wrdreg $0xC0  }
0xab: {  	_ =	task [dreg:s7], $0x5FFFF  }
0xac: {  	[dreg:$0x1] =	wrdreg $0xFFFFFFFF  }
0xad: {  	[dreg:$0x0] =	wrdreg $0x60  }
0xae: {  	[dreg:$0x2] =	wrdreg s2  }
0xaf: {  	[dreg:$0x3] =	wrdreg s24  }
0xb0: {  	[dreg:$0x4] =	wrdreg $0xA  }
0xb1: {  	_ =	task.clear_ibuf [dreg:s7], $0x5FFFF;
	_ =	strace $0x90000046  }
0xb2: {  	s29 =	simm.s32 $0xA;
	_ =	strace $0x80000048  }
0xb3: {  	_ =	swait.ge [sflag:s29], $0x1  }
0xb4: {  	[sflag:s29] =	ssyncadd.s32 $0xFFFFFFFF  }
0xb5: {  	_ =	strace $0x90000048  }
0xb6: {  	_ =	sfence  }
0xb7: {  	s30 =	sld [smem:$0x0];
	_ =	sdelay $0x2  }
0xb8: {  	s31 =	sshll.u32 s1, $0xD;
	s1 =	sshrl.u32 s1, $0x2  }
0xb9: {  	s3 =	sand.u32 $0x4000, s31;
	s1 =	sadd.s32 s1, s30  }
0xba: {  	s0 =	sor.u32 s3, s0;
	s1 =	sshll.u32 s1, $0x11  }
0xbb: {  	s0 =	sor.u32 s1, s0  }
0xbc: {  	s0 =	sadd.s32 $0x8F2B, s0  }
0xbd: {  	[sflag:s0] =	ssyncadd.remote.s32 $0x1  }
0xbe: {  	_ =	sfence.sel $0xFFFF  }
0xbf: {  	[dreg:$0x0] =	wrdreg $0xFFFFFFFF;
	(pc) =	sbr.abs _section_cstart, $3  }
0xc0: {  	[dreg:$0x1] =	wrdreg $0xFFFFFFFF  }
0xc1: {  	_ =	task.clear_ibuf [dreg:s7], $0x2FFFF;
	_ =	strace $0x9FFFFFFF  }
0xc2: {  	(tm) =	ssettm $0x7FFFFFFF  }
0xc3: {  	_ =	shalt  }
tec
execute0_lowered:
.L_overlay_start_1:
0x0: {  	(tag) =	ssettag $0x1  }
0x1: {  	s1 =	rddreg [dreg:$0x0]  }
0x2: {  	s0 =	rddreg [dreg:$0x1];
	s3 =	simm.s32 $0x0;
	s9 =	stileid.u32  }
0x3: {  	s4 =	srdreg.scid;
	s13 =	simm.s32 $0x3;
	s14 =	simm.s32 $0x1400  }
0x4: {  	s28 =	simm.s32 $0x7C00;
	s29 =	simm.s32 $0x8400;
	s30 =	simm.s32 $0x8C00  }
0x5: {  	s31 =	simm.s32 $0x9400;
	s18 =	simm.s32 $0x18C00;
	s16 =	simm.s32 $0x19400  }
0x6: {  	s19 =	simm.s32 $0x19C00;
	s20 =	simm.s32 $0x1;
	s15 =	simm.s32 $0x2  }
0x7: {  	s12 =	simm.s32 $0x0;
	[smem:$0x7FF] =	sst s3;
	s2 =	smul.u32 $0x1388, s9  }
0x8: {  	s5 =	sand.u32 $0x1, s4;
	s4 =	sadd.s32 $0x9A00, s0;
	s8 =	smul.u32 $0x138800, s9  }
0x9: {  	s10 =	sadd.s32 $0x57C00, s0;
	s11 =	sadd.s32 $0x2C8C00, s0;
	s23 =	smul.u32 $0x27100, s9  }
0xa: {  	s9 =	simm.s32 $0xB400;
	_ =	strace $0x80000047;
	[dreg:$0x3] =	wrdreg s10  }
0xb: {  	s6 =	ssub.s32 $0x2, s5;
	p0 =	seq.s32 s5, $0x1;
	[dreg:$0x4] =	wrdreg s11  }
0xc: {  	s2 =	sshrl.u32 s2, $0x3;
	s7 =	sshrl.u32 s6, $0x1;
	s22 =	sshrl.u32 s8, $0x3  }
0xd: {  	s25 =	sadd.s32 s23, s10;
	s26 =	sadd.s32 s23, s11;
	s23 =	simm.s32 $0x5C00  }
0xe: {  	s8 =	simm.s32 $0xCC00;
	s10 =	simm.s32 $0xD400;
	s11 =	simm.s32 $0xDC00  }
0xf: {  	s2 =	sadd.s32 s2, s0;
	s21 =	ssub.s32 s6, s7;
	[dreg:$0x9] =	wrdreg s25  }
0x10: {  	s5 =	sadd.s32 $0x25800, s22;
	[dreg:$0xa] =	wrdreg s26;
	s25 =	simm.s32 $0x6C00  }
.Ltmp0:
0x11: {  	s24 =	sadd.s32 $0x7200, s2;
	[dreg:$0x6] =	wrdreg s5;
	(pc) =	sbr.rel .LBB2_1-.Ltmp0, $4  }
0x12: {  	s26 =	simm.s32 $0x7400;
	s2 =	sadd.s32 $0x4A00, s2;
	[dreg:$0x5] =	wrdreg s24  }
0x13: {  	v2 =	vlaneseq.u32;
	s7 =	simm.s32 $0xAC00;
	s0 =	smax.u32 s21, $0x1;
	[dreg:$0x7] =	wrdreg s2  }
0x14: {  	vm0 =	vmmov $0xffff;
	v1 =	vshrl.u32 v2, $0x3;
	s6 =	simm.s32 $0xC400;
	s5 =	simm.s32 $0xBC00;
	[dreg:$0x8] =	wrdreg s0  }
0x15: {  	v0 =	vand.u32 $0x7, v2;
	v2 =	vor.u32 $0x8, v2;
	v1 =	vmul.u32 $0x8, v1;
	s24 =	simm.s32 $0x6400;
	s0 =	simm.s32 $0x9C00;
	s2 =	simm.s32 $0xA400  }
.LBB2_8:
0x16: {  	s17 =	rddreg [dreg:$0x4]  }
0x17: {  	s12 =	rddreg [dreg:$0xb]  }
.LBB2_9:
0x18: {  	_ =	swait.ge [sflag:s20], $0xC800  }
0x19: {  	[sflag:s20] =	ssyncset.done $0x0;
	s21 =	rddreg [dreg:$0x6]  }
0x1a: {  	s17 =	sadd.s32 s17, s21;
	[sflag:s20] =	ssyncadd.s32 $0xFFFF3800  }
0x1b: {  	[hbm4b:s17+s3] =	stream.linear.scatter [tilespmem:s14], [sflag:$0x3], $0xC800, $0x38;
	[tilespmem:$0x1A400] =	vst v63  }
0x1c: {  	_ =	swait.ge [sflag:s13], $0xC800  }
0x1d: {  	s12 =	sadd.s32 $0x1, s12;
	s22 =	rddreg [dreg:$0x8]  }
0x1e: {  	p1 =	sne.s32 s12, s22  }
.Ltmp1:
0x1f: {  	_ = 	snop;
	(pc) =	sbr.rel @!p1 .LBB2_10-.Ltmp1, $3  }
0x20: {  	_ =	sdelay $0x1  }
0x21: {  	[sflag:s13] =	ssyncset.done $0x0  }
0x22: {  	[sflag:s13] =	ssyncadd.s32 $0xFFFF3800  }
.LBB2_1:
.Ltmp2:
0x23: {  	(pc) =	sbr.rel @!p0 .LBB2_2-.Ltmp2, $2  }
0x24: {  	_ =	sdelay $0x2  }
0x25: {  	[dreg:$0xb] =	wrdreg s12;
	s21 =	simm.s32 $0x0  }
0x26: {  	s17 =	rddreg [dreg:$0x7]  }
0x27: {  	[tilespmem:s21], [sflag:$0x3] =	stream.linear.gather [hbm4b:s17+s21], $0x1388, $0x38;
	[tilespmem:$0x1A400] =	vst v63  }
0x28: {  	_ =	swait.ge [sflag:s13], $0x1388  }
0x29: {  	[sflag:s13] =	ssyncset.done $0x0  }
0x2a: {  	[sflag:s13] =	ssyncadd.s32 $0xFFFFEC78  }
0x2b: {  	v3 =	vld [tilespmem:$0x0];
	_ =	sdelay $0x4  }
0x2c: {  	v4 =	vshll.u32 v3, $0x1  }
0x2d: {  	v3 =	vand.u32 $0x7, v3;
	v4 =	vand.u32 $0xFFFFFFF0, v4  }
0x2e: {  	v3 =	vor.u32 v3, v4  }
0x2f: {  	v4 =	vperm.xlane v3, v0;
	_ =	sdelay $0x1  }
0x30: {  	v3 =	vperm.xlane v3, v2;
	v4 =	vadd.s32 v1, v4;
	_ =	sdelay $0x1  }
0x31: {  	v3 =	vadd.s32 v1, v3;
	_ =	sdelay $0x2  }
0x32: {  	[tilespmem:s14], [sflag:$0x1] =	stream.indirect_vreg.gather [hbm4b:s4+s21], $0x80, v4, vm0, $0xb8;
	[tilespmem:$0x1A400] =	vst v63  }
0x33: {  	s12 =	simm.s32 $0x1C00  }
0x34: {  	[tilespmem:s12], [sflag:$0x1] =	stream.indirect_vreg.gather [hbm4b:s4+s21], $0x80, v3, vm0, $0xb8;
	[tilespmem:$0x1A400] =	vst v63  }
0x35: {  	v3 =	vld [tilespmem:$0x10];
	_ =	sdelay $0x4  }
0x36: {  	v39 =	vshll.u32 v3, $0x1  }
0x37: {  	v3 =	vand.u32 $0x7, v3;
	v4 =	vand.u32 $0xFFFFFFF0, v39  }
0x38: {  	v3 =	vor.u32 v3, v4  }
0x39: {  	v4 =	vperm.xlane v3, v0;
	_ =	sdelay $0x1  }
0x3a: {  	v3 =	vperm.xlane v3, v2;
	v4 =	vadd.s32 v1, v4;
	_ =	sdelay $0x1  }
0x3b: {  	v3 =	vadd.s32 v1, v3;
	_ =	sdelay $0x1  }
0x3c: {  	s12 =	simm.s32 $0x2400  }
0x3d: {  	[tilespmem:s12], [sflag:$0x1] =	stream.indirect_vreg.gather [hbm4b:s4+s21], $0x80, v4, vm0, $0xb8;
	[tilespmem:$0x1A400] =	vst v63  }
0x3e: {  	s22 =	simm.s32 $0x2C00  }
0x3f: {  	[tilespmem:s22], [sflag:$0x1] =	stream.indirect_vreg.gather [hbm4b:s4+s21], $0x80, v3, vm0, $0xb8;
	[tilespmem:$0x1A400] =	vst v63  }
0x40: {  	v3 =	vld [tilespmem:$0x20];
	_ =	sdelay $0x4  }
0x41: {  	v40 =	vshll.u32 v3, $0x1  }
0x42: {  	v3 =	vand.u32 $0x7, v3;
	v4 =	vand.u32 $0xFFFFFFF0, v40  }
0x43: {  	v3 =	vor.u32 v3, v4  }
0x44: {  	v4 =	vperm.xlane v3, v0;
	_ =	sdelay $0x1  }
0x45: {  	v3 =	vperm.xlane v3, v2;
	v4 =	vadd.s32 v1, v4;
	_ =	sdelay $0x1  }
0x46: {  	v3 =	vadd.s32 v1, v3;
	_ =	sdelay $0x1  }
0x47: {  	s17 =	simm.s32 $0x3400  }
0x48: {  	[tilespmem:s17], [sflag:$0x1] =	stream.indirect_vreg.gather [hbm4b:s4+s21], $0x80, v4, vm0, $0xb8;
	[tilespmem:$0x1A400] =	vst v63  }
0x49: {  	s22 =	simm.s32 $0x3C00  }
0x4a: {  	[tilespmem:s22], [sflag:$0x1] =	stream.indirect_vreg.gather [hbm4b:s4+s21], $0x80, v3, vm0, $0xb8;
	[tilespmem:$0x1A400] =	vst v63  }
0x4b: {  	v3 =	vld [tilespmem:$0x30];
	_ =	sdelay $0x4  }
0x4c: {  	v41 =	vshll.u32 v3, $0x1  }
0x4d: {  	v3 =	vand.u32 $0x7, v3;
	v4 =	vand.u32 $0xFFFFFFF0, v41  }
0x4e: {  	v3 =	vor.u32 v3, v4  }
0x4f: {  	v4 =	vperm.xlane v3, v0;
	_ =	sdelay $0x1  }
0x50: {  	v3 =	vperm.xlane v3, v2;
	v4 =	vadd.s32 v1, v4;
	_ =	sdelay $0x1  }
0x51: {  	v3 =	vadd.s32 v1, v3;
	_ =	sdelay $0x1  }
0x52: {  	s17 =	simm.s32 $0x4400  }
0x53: {  	[tilespmem:s17], [sflag:$0x1] =	stream.indirect_vreg.gather [hbm4b:s4+s21], $0x80, v4, vm0, $0xb8;
	[tilespmem:$0x1A400] =	vst v63  }
0x54: {  	s22 =	simm.s32 $0x4C00  }
0x55: {  	[tilespmem:s22], [sflag:$0x1] =	stream.indirect_vreg.gather [hbm4b:s4+s21], $0x80, v3, vm0, $0xb8;
	[tilespmem:$0x1A400] =	vst v63  }
0x56: {  	v3 =	vld [tilespmem:$0x40];
	_ =	sdelay $0x4  }
0x57: {  	v42 =	vshll.u32 v3, $0x1  }
0x58: {  	v3 =	vand.u32 $0x7, v3;
	v4 =	vand.u32 $0xFFFFFFF0, v42  }
0x59: {  	v3 =	vor.u32 v3, v4  }
0x5a: {  	v4 =	vperm.xlane v3, v0;
	_ =	sdelay $0x1  }
0x5b: {  	v3 =	vperm.xlane v3, v2;
	v4 =	vadd.s32 v1, v4;
	_ =	sdelay $0x1  }
0x5c: {  	v3 =	vadd.s32 v1, v3;
	_ =	sdelay $0x1  }
0x5d: {  	s17 =	simm.s32 $0x5400  }
0x5e: {  	[tilespmem:s17], [sflag:$0x1] =	stream.indirect_vreg.gather [hbm4b:s4+s21], $0x80, v4, vm0, $0xb8;
	[tilespmem:$0x1A400] =	vst v63  }
0x5f: {  	_ = 	snop  }
0x60: {  	[tilespmem:s23], [sflag:$0x1] =	stream.indirect_vreg.gather [hbm4b:s4+s21], $0x80, v3, vm0, $0xb8;
	[tilespmem:$0x1A400] =	vst v63  }
0x61: {  	v3 =	vld [tilespmem:$0x50];
	_ =	sdelay $0x4  }
0x62: {  	v43 =	vshll.u32 v3, $0x1  }
0x63: {  	v3 =	vand.u32 $0x7, v3;
	v4 =	vand.u32 $0xFFFFFFF0, v43  }
0x64: {  	v3 =	vor.u32 v3, v4  }
0x65: {  	v4 =	vperm.xlane v3, v0;
	_ =	sdelay $0x1  }
0x66: {  	v3 =	vperm.xlane v3, v2;
	v4 =	vadd.s32 v1, v4;
	_ =	sdelay $0x1  }
0x67: {  	v3 =	vadd.s32 v1, v3;
	_ =	sdelay $0x2  }
0x68: {  	[tilespmem:s24], [sflag:$0x1] =	stream.indirect_vreg.gather [hbm4b:s4+s21], $0x80, v4, vm0, $0xb8;
	[tilespmem:$0x1A400] =	vst v63  }
0x69: {  	_ = 	snop  }
0x6a: {  	[tilespmem:s25], [sflag:$0x1] =	stream.indirect_vreg.gather [hbm4b:s4+s21], $0x80, v3, vm0, $0xb8;
	[tilespmem:$0x1A400] =	vst v63  }
0x6b: {  	v3 =	vld [tilespmem:$0x60];
	_ =	sdelay $0x4  }
0x6c: {  	v44 =	vshll.u32 v3, $0x1  }
0x6d: {  	v3 =	vand.u32 $0x7, v3;
	v4 =	vand.u32 $0xFFFFFFF0, v44  }
0x6e: {  	v3 =	vor.u32 v3, v4  }
0x6f: {  	v4 =	vperm.xlane v3, v0;
	_ =	sdelay $0x1  }
0x70: {  	v3 =	vperm.xlane v3, v2;
	v4 =	vadd.s32 v1, v4;
	_ =	sdelay $0x1  }
0x71: {  	v3 =	vadd.s32 v1, v3;
	_ =	sdelay $0x2  }
0x72: {  	[tilespmem:s26], [sflag:$0x1] =	stream.indirect_vreg.gather [hbm4b:s4+s21], $0x80, v4, vm0, $0xb8;
	[tilespmem:$0x1A400] =	vst v63  }
0x73: {  	_ = 	snop  }
0x74: {  	[tilespmem:s28], [sflag:$0x1] =	stream.indirect_vreg.gather [hbm4b:s4+s21], $0x80, v3, vm0, $0xb8;
	[tilespmem:$0x1A400] =	vst v63  }
0x75: {  	v3 =	vld [tilespmem:$0x70];
	_ =	sdelay $0x4  }
0x76: {  	v45 =	vshll.u32 v3, $0x1  }
0x77: {  	v3 =	vand.u32 $0x7, v3;
	v4 =	vand.u32 $0xFFFFFFF0, v45  }
0x78: {  	v3 =	vor.u32 v3, v4  }
0x79: {  	v4 =	vperm.xlane v3, v0;
	_ =	sdelay $0x1  }
0x7a: {  	v3 =	vperm.xlane v3, v2;
	v4 =	vadd.s32 v1, v4;
	_ =	sdelay $0x1  }
0x7b: {  	v3 =	vadd.s32 v1, v3;
	_ =	sdelay $0x2  }
0x7c: {  	[tilespmem:s29], [sflag:$0x1] =	stream.indirect_vreg.gather [hbm4b:s4+s21], $0x80, v4, vm0, $0xb8;
	[tilespmem:$0x1A400] =	vst v63  }
0x7d: {  	_ = 	snop  }
0x7e: {  	[tilespmem:s30], [sflag:$0x1] =	stream.indirect_vreg.gather [hbm4b:s4+s21], $0x80, v3, vm0, $0xb8;
	[tilespmem:$0x1A400] =	vst v63  }
0x7f: {  	v3 =	vld [tilespmem:$0x80];
	_ =	sdelay $0x4  }
0x80: {  	v46 =	vshll.u32 v3, $0x1  }
0x81: {  	v3 =	vand.u32 $0x7, v3;
	v4 =	vand.u32 $0xFFFFFFF0, v46  }
0x82: {  	v3 =	vor.u32 v3, v4  }
0x83: {  	v4 =	vperm.xlane v3, v0;
	_ =	sdelay $0x1  }
0x84: {  	v3 =	vperm.xlane v3, v2;
	v4 =	vadd.s32 v1, v4;
	_ =	sdelay $0x1  }
0x85: {  	v3 =	vadd.s32 v1, v3;
	_ =	sdelay $0x2  }
0x86: {  	[tilespmem:s31], [sflag:$0x1] =	stream.indirect_vreg.gather [hbm4b:s4+s21], $0x80, v4, vm0, $0xb8;
	[tilespmem:$0x1A400] =	vst v63  }
0x87: {  	_ = 	snop  }
0x88: {  	[tilespmem:s0], [sflag:$0x1] =	stream.indirect_vreg.gather [hbm4b:s4+s21], $0x80, v3, vm0, $0xb8;
	[tilespmem:$0x1A400] =	vst v63  }
0x89: {  	v3 =	vld [tilespmem:$0x90];
	_ =	sdelay $0x4  }
0x8a: {  	v47 =	vshll.u32 v3, $0x1  }
0x8b: {  	v3 =	vand.u32 $0x7, v3;
	v4 =	vand.u32 $0xFFFFFFF0, v47  }
0x8c: {  	v3 =	vor.u32 v3, v4  }
0x8d: {  	v4 =	vperm.xlane v3, v0;
	_ =	sdelay $0x1  }
0x8e: {  	v3 =	vperm.xlane v3, v2;
	v4 =	vadd.s32 v1, v4;
	_ =	sdelay $0x1  }
0x8f: {  	v3 =	vadd.s32 v1, v3;
	_ =	sdelay $0x2  }
0x90: {  	[tilespmem:s2], [sflag:$0x1] =	stream.indirect_vreg.gather [hbm4b:s4+s21], $0x80, v4, vm0, $0xb8;
	[tilespmem:$0x1A400] =	vst v63  }
0x91: {  	_ = 	snop  }
0x92: {  	[tilespmem:s7], [sflag:$0x1] =	stream.indirect_vreg.gather [hbm4b:s4+s21], $0x80, v3, vm0, $0xb8;
	[tilespmem:$0x1A400] =	vst v63  }
0x93: {  	v3 =	vld [tilespmem:$0xA0];
	_ =	sdelay $0x4  }
0x94: {  	v48 =	vshll.u32 v3, $0x1  }
0x95: {  	v3 =	vand.u32 $0x7, v3;
	v4 =	vand.u32 $0xFFFFFFF0, v48  }
0x96: {  	v3 =	vor.u32 v3, v4  }
0x97: {  	v4 =	vperm.xlane v3, v0;
	_ =	sdelay $0x1  }
0x98: {  	v3 =	vperm.xlane v3, v2;
	v4 =	vadd.s32 v1, v4;
	_ =	sdelay $0x1  }
0x99: {  	v3 =	vadd.s32 v1, v3;
	_ =	sdelay $0x2  }
0x9a: {  	[tilespmem:s9], [sflag:$0x1] =	stream.indirect_vreg.gather [hbm4b:s4+s21], $0x80, v4, vm0, $0xb8;
	[tilespmem:$0x1A400] =	vst v63  }
0x9b: {  	_ = 	snop  }
0x9c: {  	[tilespmem:s5], [sflag:$0x1] =	stream.indirect_vreg.gather [hbm4b:s4+s21], $0x80, v3, vm0, $0xb8;
	[tilespmem:$0x1A400] =	vst v63  }
0x9d: {  	v3 =	vld [tilespmem:$0xB0];
	_ =	sdelay $0x4  }
0x9e: {  	v49 =	vshll.u32 v3, $0x1  }
0x9f: {  	v3 =	vand.u32 $0x7, v3;
	v4 =	vand.u32 $0xFFFFFFF0, v49  }
0xa0: {  	v3 =	vor.u32 v3, v4  }
0xa1: {  	v4 =	vperm.xlane v3, v0;
	_ =	sdelay $0x1  }
0xa2: {  	v3 =	vperm.xlane v3, v2;
	v4 =	vadd.s32 v1, v4;
	_ =	sdelay $0x1  }
0xa3: {  	v3 =	vadd.s32 v1, v3;
	_ =	sdelay $0x2  }
0xa4: {  	[tilespmem:s6], [sflag:$0x1] =	stream.indirect_vreg.gather [hbm4b:s4+s21], $0x80, v4, vm0, $0xb8;
	[tilespmem:$0x1A400] =	vst v63  }
0xa5: {  	_ = 	snop  }
0xa6: {  	[tilespmem:s8], [sflag:$0x1] =	stream.indirect_vreg.gather [hbm4b:s4+s21], $0x80, v3, vm0, $0xb8;
	[tilespmem:$0x1A400] =	vst v63  }
0xa7: {  	v3 =	vld.msk [tilespmem:$0xC0], $0xff;
	_ =	sdelay $0x4  }
0xa8: {  	v50 =	vshll.u32 v3, $0x1  }
0xa9: {  	v3 =	vand.u32 $0x7, v3;
	v4 =	vand.u32 $0xFFFFFFF0, v50  }
0xaa: {  	v3 =	vor.u32 v3, v4  }
0xab: {  	v3 =	vperm.xlane v3, v0;
	_ =	sdelay $0x1  }
0xac: {  	v3 =	vadd.s32 v1, v3;
	_ =	sdelay $0x4  }
0xad: {  	[tilespmem:s10], [sflag:$0x1] =	stream.indirect_vreg.gather [hbm4b:s4+s21], $0x80, v3, vm0, $0xb8;
	[tilespmem:$0x1A400] =	vst v63  }
0xae: {  	v3 =	vld [tilespmem:$0xC8];
	_ =	sdelay $0x4  }
0xaf: {  	v51 =	vshll.u32 v3, $0x1  }
0xb0: {  	v3 =	vand.u32 $0x7, v3;
	v4 =	vand.u32 $0xFFFFFFF0, v51  }
0xb1: {  	v3 =	vor.u32 v3, v4  }
0xb2: {  	v4 =	vperm.xlane v3, v0;
	_ =	sdelay $0x1  }
0xb3: {  	v3 =	vperm.xlane v3, v2;
	v4 =	vadd.s32 v1, v4;
	_ =	sdelay $0x1  }
0xb4: {  	v3 =	vadd.s32 v1, v3;
	_ =	sdelay $0x2  }
0xb5: {  	[tilespmem:s11], [sflag:$0x2] =	stream.indirect_vreg.gather [hbm4b:s4+s21], $0x80, v4, vm0, $0xb8;
	[tilespmem:$0x1A400] =	vst v63  }
0xb6: {  	s22 =	simm.s32 $0xE400  }
0xb7: {  	[tilespmem:s22], [sflag:$0x2] =	stream.indirect_vreg.gather [hbm4b:s4+s21], $0x80, v3, vm0, $0xb8;
	[tilespmem:$0x1A400] =	vst v63  }
0xb8: {  	v3 =	vld [tilespmem:$0xD8];
	_ =	sdelay $0x4  }
0xb9: {  	v52 =	vshll.u32 v3, $0x1  }
0xba: {  	v3 =	vand.u32 $0x7, v3;
	v4 =	vand.u32 $0xFFFFFFF0, v52  }
0xbb: {  	v3 =	vor.u32 v3, v4  }
0xbc: {  	v4 =	vperm.xlane v3, v0;
	_ =	sdelay $0x1  }
0xbd: {  	v3 =	vperm.xlane v3, v2;
	v4 =	vadd.s32 v1, v4;
	_ =	sdelay $0x1  }
0xbe: {  	v3 =	vadd.s32 v1, v3;
	_ =	sdelay $0x1  }
0xbf: {  	s17 =	simm.s32 $0xEC00  }
0xc0: {  	[tilespmem:s17], [sflag:$0x2] =	stream.indirect_vreg.gather [hbm4b:s4+s21], $0x80, v4, vm0, $0xb8;
	[tilespmem:$0x1A400] =	vst v63  }
0xc1: {  	s22 =	simm.s32 $0xF400  }
0xc2: {  	[tilespmem:s22], [sflag:$0x2] =	stream.indirect_vreg.gather [hbm4b:s4+s21], $0x80, v3, vm0, $0xb8;
	[tilespmem:$0x1A400] =	vst v63  }
0xc3: {  	v3 =	vld [tilespmem:$0xE8];
	_ =	sdelay $0x4  }
0xc4: {  	v53 =	vshll.u32 v3, $0x1  }
0xc5: {  	v3 =	vand.u32 $0x7, v3;
	v4 =	vand.u32 $0xFFFFFFF0, v53  }
0xc6: {  	v3 =	vor.u32 v3, v4  }
0xc7: {  	v4 =	vperm.xlane v3, v0;
	_ =	sdelay $0x1  }
0xc8: {  	v3 =	vperm.xlane v3, v2;
	v4 =	vadd.s32 v1, v4;
	_ =	sdelay $0x1  }
0xc9: {  	v3 =	vadd.s32 v1, v3;
	_ =	sdelay $0x1  }
0xca: {  	s17 =	simm.s32 $0xFC00  }
0xcb: {  	[tilespmem:s17], [sflag:$0x2] =	stream.indirect_vreg.gather [hbm4b:s4+s21], $0x80, v4, vm0, $0xb8;
	[tilespmem:$0x1A400] =	vst v63  }
0xcc: {  	s22 =	simm.s32 $0x10400  }
0xcd: {  	[tilespmem:s22], [sflag:$0x2] =	stream.indirect_vreg.gather [hbm4b:s4+s21], $0x80, v3, vm0, $0xb8;
	[tilespmem:$0x1A400] =	vst v63  }
0xce: {  	v3 =	vld [tilespmem:$0xF8];
	_ =	sdelay $0x4  }
0xcf: {  	v54 =	vshll.u32 v3, $0x1  }
0xd0: {  	v3 =	vand.u32 $0x7, v3;
	v4 =	vand.u32 $0xFFFFFFF0, v54  }
0xd1: {  	v3 =	vor.u32 v3, v4  }
0xd2: {  	v4 =	vperm.xlane v3, v0;
	_ =	sdelay $0x1  }
0xd3: {  	v3 =	vperm.xlane v3, v2;
	v4 =	vadd.s32 v1, v4;
	_ =	sdelay $0x1  }
0xd4: {  	v3 =	vadd.s32 v1, v3;
	_ =	sdelay $0x1  }
0xd5: {  	s17 =	simm.s32 $0x10C00  }
0xd6: {  	[tilespmem:s17], [sflag:$0x2] =	stream.indirect_vreg.gather [hbm4b:s4+s21], $0x80, v4, vm0, $0xb8;
	[tilespmem:$0x1A400] =	vst v63  }
0xd7: {  	s22 =	simm.s32 $0x11400  }
0xd8: {  	[tilespmem:s22], [sflag:$0x2] =	stream.indirect_vreg.gather [hbm4b:s4+s21], $0x80, v3, vm0, $0xb8;
	[tilespmem:$0x1A400] =	vst v63  }
0xd9: {  	v3 =	vld [tilespmem:$0x108];
	_ =	sdelay $0x4  }
0xda: {  	v55 =	vshll.u32 v3, $0x1  }
0xdb: {  	v3 =	vand.u32 $0x7, v3;
	v4 =	vand.u32 $0xFFFFFFF0, v55  }
0xdc: {  	v3 =	vor.u32 v3, v4  }
0xdd: {  	v4 =	vperm.xlane v3, v0;
	_ =	sdelay $0x1  }
0xde: {  	v3 =	vperm.xlane v3, v2;
	v4 =	vadd.s32 v1, v4;
	_ =	sdelay $0x1  }
0xdf: {  	v3 =	vadd.s32 v1, v3;
	_ =	sdelay $0x1  }
0xe0: {  	s17 =	simm.s32 $0x11C00  }
0xe1: {  	[tilespmem:s17], [sflag:$0x2] =	stream.indirect_vreg.gather [hbm4b:s4+s21], $0x80, v4, vm0, $0xb8;
	[tilespmem:$0x1A400] =	vst v63  }
0xe2: {  	s22 =	simm.s32 $0x12400  }
0xe3: {  	[tilespmem:s22], [sflag:$0x2] =	stream.indirect_vreg.gather [hbm4b:s4+s21], $0x80, v3, vm0, $0xb8;
	[tilespmem:$0x1A400] =	vst v63  }
0xe4: {  	v3 =	vld [tilespmem:$0x118];
	_ =	sdelay $0x4  }
0xe5: {  	v56 =	vshll.u32 v3, $0x1  }
0xe6: {  	v3 =	vand.u32 $0x7, v3;
	v4 =	vand.u32 $0xFFFFFFF0, v56  }
0xe7: {  	v3 =	vor.u32 v3, v4  }
0xe8: {  	v4 =	vperm.xlane v3, v0;
	_ =	sdelay $0x1  }
0xe9: {  	v3 =	vperm.xlane v3, v2;
	v4 =	vadd.s32 v1, v4;
	_ =	sdelay $0x1  }
0xea: {  	v3 =	vadd.s32 v1, v3;
	_ =	sdelay $0x1  }
0xeb: {  	s17 =	simm.s32 $0x12C00  }
0xec: {  	[tilespmem:s17], [sflag:$0x2] =	stream.indirect_vreg.gather [hbm4b:s4+s21], $0x80, v4, vm0, $0xb8;
	[tilespmem:$0x1A400] =	vst v63  }
0xed: {  	s22 =	simm.s32 $0x13400  }
0xee: {  	[tilespmem:s22], [sflag:$0x2] =	stream.indirect_vreg.gather [hbm4b:s4+s21], $0x80, v3, vm0, $0xb8;
	[tilespmem:$0x1A400] =	vst v63  }
0xef: {  	v3 =	vld [tilespmem:$0x128];
	_ =	sdelay $0x4  }
0xf0: {  	v57 =	vshll.u32 v3, $0x1  }
0xf1: {  	v3 =	vand.u32 $0x7, v3;
	v4 =	vand.u32 $0xFFFFFFF0, v57  }
0xf2: {  	v3 =	vor.u32 v3, v4  }
0xf3: {  	v4 =	vperm.xlane v3, v0;
	_ =	sdelay $0x1  }
0xf4: {  	v3 =	vperm.xlane v3, v2;
	v4 =	vadd.s32 v1, v4;
	_ =	sdelay $0x1  }
0xf5: {  	v3 =	vadd.s32 v1, v3;
	_ =	sdelay $0x1  }
0xf6: {  	s17 =	simm.s32 $0x13C00  }
0xf7: {  	[tilespmem:s17], [sflag:$0x2] =	stream.indirect_vreg.gather [hbm4b:s4+s21], $0x80, v4, vm0, $0xb8;
	[tilespmem:$0x1A400] =	vst v63  }
0xf8: {  	s22 =	simm.s32 $0x14400  }
0xf9: {  	[tilespmem:s22], [sflag:$0x2] =	stream.indirect_vreg.gather [hbm4b:s4+s21], $0x80, v3, vm0, $0xb8;
	[tilespmem:$0x1A400] =	vst v63  }
0xfa: {  	v3 =	vld [tilespmem:$0x138];
	_ =	sdelay $0x4  }
0xfb: {  	v58 =	vshll.u32 v3, $0x1  }
0xfc: {  	v3 =	vand.u32 $0x7, v3;
	v4 =	vand.u32 $0xFFFFFFF0, v58  }
0xfd: {  	v3 =	vor.u32 v3, v4  }
0xfe: {  	v4 =	vperm.xlane v3, v0;
	_ =	sdelay $0x1  }
0xff: {  	v3 =	vperm.xlane v3, v2;
	v4 =	vadd.s32 v1, v4;
	_ =	sdelay $0x1  }
0x100: {  	v3 =	vadd.s32 v1, v3;
	_ =	sdelay $0x1  }
0x101: {  	s17 =	simm.s32 $0x14C00  }
0x102: {  	[tilespmem:s17], [sflag:$0x2] =	stream.indirect_vreg.gather [hbm4b:s4+s21], $0x80, v4, vm0, $0xb8;
	[tilespmem:$0x1A400] =	vst v63  }
0x103: {  	s22 =	simm.s32 $0x15400  }
0x104: {  	[tilespmem:s22], [sflag:$0x2] =	stream.indirect_vreg.gather [hbm4b:s4+s21], $0x80, v3, vm0, $0xb8;
	[tilespmem:$0x1A400] =	vst v63  }
0x105: {  	v3 =	vld [tilespmem:$0x148];
	_ =	sdelay $0x4  }
0x106: {  	v59 =	vshll.u32 v3, $0x1  }
0x107: {  	v3 =	vand.u32 $0x7, v3;
	v4 =	vand.u32 $0xFFFFFFF0, v59  }
0x108: {  	v3 =	vor.u32 v3, v4  }
0x109: {  	v4 =	vperm.xlane v3, v0;
	_ =	sdelay $0x1  }
0x10a: {  	v3 =	vperm.xlane v3, v2;
	v4 =	vadd.s32 v1, v4;
	_ =	sdelay $0x1  }
0x10b: {  	v3 =	vadd.s32 v1, v3;
	_ =	sdelay $0x1  }
0x10c: {  	s17 =	simm.s32 $0x15C00  }
0x10d: {  	[tilespmem:s17], [sflag:$0x2] =	stream.indirect_vreg.gather [hbm4b:s4+s21], $0x80, v4, vm0, $0xb8;
	[tilespmem:$0x1A400] =	vst v63  }
0x10e: {  	s22 =	simm.s32 $0x16400  }
0x10f: {  	[tilespmem:s22], [sflag:$0x2] =	stream.indirect_vreg.gather [hbm4b:s4+s21], $0x80, v3, vm0, $0xb8;
	[tilespmem:$0x1A400] =	vst v63  }
0x110: {  	v3 =	vld [tilespmem:$0x158];
	_ =	sdelay $0x4  }
0x111: {  	v60 =	vshll.u32 v3, $0x1  }
0x112: {  	v3 =	vand.u32 $0x7, v3;
	v4 =	vand.u32 $0xFFFFFFF0, v60  }
0x113: {  	v3 =	vor.u32 v3, v4  }
0x114: {  	v4 =	vperm.xlane v3, v0;
	_ =	sdelay $0x1  }
0x115: {  	v3 =	vperm.xlane v3, v2;
	v4 =	vadd.s32 v1, v4;
	_ =	sdelay $0x1  }
0x116: {  	v3 =	vadd.s32 v1, v3;
	_ =	sdelay $0x1  }
0x117: {  	s17 =	simm.s32 $0x16C00  }
0x118: {  	[tilespmem:s17], [sflag:$0x2] =	stream.indirect_vreg.gather [hbm4b:s4+s21], $0x80, v4, vm0, $0xb8;
	[tilespmem:$0x1A400] =	vst v63  }
0x119: {  	s22 =	simm.s32 $0x17400  }
0x11a: {  	[tilespmem:s22], [sflag:$0x2] =	stream.indirect_vreg.gather [hbm4b:s4+s21], $0x80, v3, vm0, $0xb8;
	[tilespmem:$0x1A400] =	vst v63  }
0x11b: {  	v3 =	vld [tilespmem:$0x168];
	_ =	sdelay $0x4  }
0x11c: {  	v61 =	vshll.u32 v3, $0x1  }
0x11d: {  	v3 =	vand.u32 $0x7, v3;
	v4 =	vand.u32 $0xFFFFFFF0, v61  }
0x11e: {  	v3 =	vor.u32 v3, v4  }
0x11f: {  	v4 =	vperm.xlane v3, v0;
	_ =	sdelay $0x1  }
0x120: {  	v3 =	vperm.xlane v3, v2;
	v4 =	vadd.s32 v1, v4;
	_ =	sdelay $0x1  }
0x121: {  	v3 =	vadd.s32 v1, v3;
	_ =	sdelay $0x1  }
0x122: {  	s17 =	simm.s32 $0x17C00  }
0x123: {  	[tilespmem:s17], [sflag:$0x2] =	stream.indirect_vreg.gather [hbm4b:s4+s21], $0x80, v4, vm0, $0xb8;
	[tilespmem:$0x1A400] =	vst v63  }
0x124: {  	s22 =	simm.s32 $0x18400  }
0x125: {  	[tilespmem:s22], [sflag:$0x2] =	stream.indirect_vreg.gather [hbm4b:s4+s21], $0x80, v3, vm0, $0xb8;
	[tilespmem:$0x1A400] =	vst v63  }
0x126: {  	v3 =	vld [tilespmem:$0x178];
	_ =	sdelay $0x4  }
0x127: {  	v62 =	vshll.u32 v3, $0x1  }
0x128: {  	v3 =	vand.u32 $0x7, v3;
	v4 =	vand.u32 $0xFFFFFFF0, v62  }
0x129: {  	v3 =	vor.u32 v3, v4  }
0x12a: {  	v4 =	vperm.xlane v3, v0;
	_ =	sdelay $0x1  }
0x12b: {  	v3 =	vperm.xlane v3, v2;
	v4 =	vadd.s32 v1, v4;
	_ =	sdelay $0x1  }
0x12c: {  	v3 =	vadd.s32 v1, v3;
	_ =	sdelay $0x2  }
0x12d: {  	[tilespmem:s18], [sflag:$0x2] =	stream.indirect_vreg.gather [hbm4b:s4+s21], $0x80, v4, vm0, $0xb8;
	[tilespmem:$0x1A400] =	vst v63  }
0x12e: {  	_ = 	snop  }
0x12f: {  	[tilespmem:s16], [sflag:$0x2] =	stream.indirect_vreg.gather [hbm4b:s4+s21], $0x80, v3, vm0, $0xb8;
	[tilespmem:$0x1A400] =	vst v63  }
0x130: {  	v3 =	vld.msk [tilespmem:$0x188], $0xff;
	_ =	sdelay $0x4  }
0x131: {  	v63 =	vshll.u32 v3, $0x1  }
0x132: {  	v3 =	vand.u32 $0x7, v3;
	v4 =	vand.u32 $0xFFFFFFF0, v63  }
0x133: {  	v3 =	vor.u32 v3, v4  }
0x134: {  	v3 =	vperm.xlane v3, v0;
	_ =	sdelay $0x1  }
0x135: {  	v3 =	vadd.s32 v1, v3;
	_ =	sdelay $0x3  }
0x136: {  	s17 =	simm.s32 $0x318  }
0x137: {  	[tilespmem:s19], [sflag:$0x2] =	stream.indirect_vreg.gather [hbm4b:s4+s21], $0x80, v3, vm0, $0xb8;
	[tilespmem:$0x1A400] =	vst v63  }
.LBB2_7:
0x138: {  	_ =	swait.ge [sflag:s20], $0xC800  }
0x139: {  	[sflag:s20] =	ssyncset.done $0x0;
	s22 =	rddreg [dreg:$0xa]  }
0x13a: {  	[sflag:s20] =	ssyncadd.s32 $0xFFFF3800;
	s22 =	sadd.s32 s21, s22  }
0x13b: {  	[hbm4b:s22+s3] =	stream.linear.scatter [tilespmem:s14], [sflag:$0x3], $0xC800, $0x38;
	[tilespmem:$0x1A400] =	vst v63  }
0x13c: {  	_ =	swait.ge [sflag:s13], $0xC800  }
0x13d: {  	[sflag:s13] =	ssyncset.done $0x0  }
0x13e: {  	[sflag:s13] =	ssyncadd.s32 $0xFFFF3800  }
0x13f: {  	v3 =	vld [tilespmem:s17+$0xFFFFFE78];
	_ =	sdelay $0x4  }
0x140: {  	v4 =	vshll.u32 v3, $0x1  }
0x141: {  	v3 =	vand.u32 $0x7, v3;
	v4 =	vand.u32 $0xFFFFFFF0, v4  }
0x142: {  	v3 =	vor.u32 v3, v4  }
0x143: {  	v4 =	vperm.xlane v3, v0;
	_ =	sdelay $0x1  }
0x144: {  	v3 =	vperm.xlane v3, v2;
	v4 =	vadd.s32 v1, v4;
	_ =	sdelay $0x1  }
0x145: {  	v3 =	vadd.s32 v1, v3;
	_ =	sdelay $0x2  }
0x146: {  	[tilespmem:s14], [sflag:$0x1] =	stream.indirect_vreg.gather [hbm4b:s4+s3], $0x80, v4, vm0, $0xb8;
	[tilespmem:$0x1A400] =	vst v63  }
0x147: {  	s12 =	simm.s32 $0x1C00  }
0x148: {  	[tilespmem:s12], [sflag:$0x1] =	stream.indirect_vreg.gather [hbm4b:s4+s3], $0x80, v3, vm0, $0xb8;
	[tilespmem:$0x1A400] =	vst v63  }
0x149: {  	v3 =	vld [tilespmem:s17+$0xFFFFFE88];
	_ =	sdelay $0x4  }
0x14a: {  	v52 =	vshll.u32 v3, $0x1  }
0x14b: {  	v3 =	vand.u32 $0x7, v3;
	v4 =	vand.u32 $0xFFFFFFF0, v52  }
0x14c: {  	v3 =	vor.u32 v3, v4  }
0x14d: {  	v4 =	vperm.xlane v3, v0;
	_ =	sdelay $0x1  }
0x14e: {  	v3 =	vperm.xlane v3, v2;
	v4 =	vadd.s32 v1, v4;
	_ =	sdelay $0x1  }
0x14f: {  	v3 =	vadd.s32 v1, v3;
	_ =	sdelay $0x1  }
0x150: {  	s12 =	simm.s32 $0x2400  }
0x151: {  	[tilespmem:s12], [sflag:$0x1] =	stream.indirect_vreg.gather [hbm4b:s4+s3], $0x80, v4, vm0, $0xb8;
	[tilespmem:$0x1A400] =	vst v63  }
0x152: {  	s12 =	simm.s32 $0x2C00  }
0x153: {  	[tilespmem:s12], [sflag:$0x1] =	stream.indirect_vreg.gather [hbm4b:s4+s3], $0x80, v3, vm0, $0xb8;
	[tilespmem:$0x1A400] =	vst v63  }
0x154: {  	v3 =	vld [tilespmem:s17+$0xFFFFFE98];
	_ =	sdelay $0x4  }
0x155: {  	v53 =	vshll.u32 v3, $0x1  }
0x156: {  	v3 =	vand.u32 $0x7, v3;
	v4 =	vand.u32 $0xFFFFFFF0, v53  }
0x157: {  	v3 =	vor.u32 v3, v4  }
0x158: {  	v4 =	vperm.xlane v3, v0;
	_ =	sdelay $0x1  }
0x159: {  	v3 =	vperm.xlane v3, v2;
	v4 =	vadd.s32 v1, v4;
	_ =	sdelay $0x1  }
0x15a: {  	v3 =	vadd.s32 v1, v3;
	_ =	sdelay $0x1  }
0x15b: {  	s12 =	simm.s32 $0x3400  }
0x15c: {  	[tilespmem:s12], [sflag:$0x1] =	stream.indirect_vreg.gather [hbm4b:s4+s3], $0x80, v4, vm0, $0xb8;
	[tilespmem:$0x1A400] =	vst v63  }
0x15d: {  	s12 =	simm.s32 $0x3C00  }
0x15e: {  	[tilespmem:s12], [sflag:$0x1] =	stream.indirect_vreg.gather [hbm4b:s4+s3], $0x80, v3, vm0, $0xb8;
	[tilespmem:$0x1A400] =	vst v63  }
0x15f: {  	v3 =	vld [tilespmem:s17+$0xFFFFFEA8];
	_ =	sdelay $0x4  }
0x160: {  	v54 =	vshll.u32 v3, $0x1  }
0x161: {  	v3 =	vand.u32 $0x7, v3;
	v4 =	vand.u32 $0xFFFFFFF0, v54  }
0x162: {  	v3 =	vor.u32 v3, v4  }
0x163: {  	v4 =	vperm.xlane v3, v0;
	_ =	sdelay $0x1  }
0x164: {  	v3 =	vperm.xlane v3, v2;
	v4 =	vadd.s32 v1, v4;
	_ =	sdelay $0x1  }
0x165: {  	v3 =	vadd.s32 v1, v3;
	_ =	sdelay $0x1  }
0x166: {  	s12 =	simm.s32 $0x4400  }
0x167: {  	[tilespmem:s12], [sflag:$0x1] =	stream.indirect_vreg.gather [hbm4b:s4+s3], $0x80, v4, vm0, $0xb8;
	[tilespmem:$0x1A400] =	vst v63  }
0x168: {  	s12 =	simm.s32 $0x4C00  }
0x169: {  	[tilespmem:s12], [sflag:$0x1] =	stream.indirect_vreg.gather [hbm4b:s4+s3], $0x80, v3, vm0, $0xb8;
	[tilespmem:$0x1A400] =	vst v63  }
0x16a: {  	v3 =	vld [tilespmem:s17+$0xFFFFFEB8];
	_ =	sdelay $0x4  }
0x16b: {  	v55 =	vshll.u32 v3, $0x1  }
0x16c: {  	v3 =	vand.u32 $0x7, v3;
	v4 =	vand.u32 $0xFFFFFFF0, v55  }
0x16d: {  	v3 =	vor.u32 v3, v4  }
0x16e: {  	v4 =	vperm.xlane v3, v0;
	_ =	sdelay $0x1  }
0x16f: {  	v3 =	vperm.xlane v3, v2;
	v4 =	vadd.s32 v1, v4;
	_ =	sdelay $0x1  }
0x170: {  	v3 =	vadd.s32 v1, v3;
	_ =	sdelay $0x1  }
0x171: {  	s12 =	simm.s32 $0x5400  }
0x172: {  	[tilespmem:s12], [sflag:$0x1] =	stream.indirect_vreg.gather [hbm4b:s4+s3], $0x80, v4, vm0, $0xb8;
	[tilespmem:$0x1A400] =	vst v63  }
0x173: {  	_ = 	snop  }
0x174: {  	[tilespmem:s23], [sflag:$0x1] =	stream.indirect_vreg.gather [hbm4b:s4+s3], $0x80, v3, vm0, $0xb8;
	[tilespmem:$0x1A400] =	vst v63  }
0x175: {  	v3 =	vld [tilespmem:s17+$0xFFFFFEC8];
	_ =	sdelay $0x4  }
0x176: {  	v56 =	vshll.u32 v3, $0x1  }
0x177: {  	v3 =	vand.u32 $0x7, v3;
	v4 =	vand.u32 $0xFFFFFFF0, v56  }
0x178: {  	v3 =	vor.u32 v3, v4  }
0x179: {  	v4 =	vperm.xlane v3, v0;
	_ =	sdelay $0x1  }
0x17a: {  	v3 =	vperm.xlane v3, v2;
	v4 =	vadd.s32 v1, v4;
	_ =	sdelay $0x1  }
0x17b: {  	v3 =	vadd.s32 v1, v3;
	_ =	sdelay $0x2  }
0x17c: {  	[tilespmem:s24], [sflag:$0x1] =	stream.indirect_vreg.gather [hbm4b:s4+s3], $0x80, v4, vm0, $0xb8;
	[tilespmem:$0x1A400] =	vst v63  }
0x17d: {  	_ = 	snop  }
0x17e: {  	[tilespmem:s25], [sflag:$0x1] =	stream.indirect_vreg.gather [hbm4b:s4+s3], $0x80, v3, vm0, $0xb8;
	[tilespmem:$0x1A400] =	vst v63  }
0x17f: {  	v3 =	vld [tilespmem:s17+$0xFFFFFED8];
	_ =	sdelay $0x4  }
0x180: {  	v57 =	vshll.u32 v3, $0x1  }
0x181: {  	v3 =	vand.u32 $0x7, v3;
	v4 =	vand.u32 $0xFFFFFFF0, v57  }
0x182: {  	v3 =	vor.u32 v3, v4  }
0x183: {  	v4 =	vperm.xlane v3, v0;
	_ =	sdelay $0x1  }
0x184: {  	v3 =	vperm.xlane v3, v2;
	v4 =	vadd.s32 v1, v4;
	_ =	sdelay $0x1  }
0x185: {  	v3 =	vadd.s32 v1, v3;
	_ =	sdelay $0x2  }
0x186: {  	[tilespmem:s26], [sflag:$0x1] =	stream.indirect_vreg.gather [hbm4b:s4+s3], $0x80, v4, vm0, $0xb8;
	[tilespmem:$0x1A400] =	vst v63  }
0x187: {  	_ = 	snop  }
0x188: {  	[tilespmem:s28], [sflag:$0x1] =	stream.indirect_vreg.gather [hbm4b:s4+s3], $0x80, v3, vm0, $0xb8;
	[tilespmem:$0x1A400] =	vst v63  }
0x189: {  	v3 =	vld [tilespmem:s17+$0xFFFFFEE8];
	_ =	sdelay $0x4  }
0x18a: {  	v58 =	vshll.u32 v3, $0x1  }
0x18b: {  	v3 =	vand.u32 $0x7, v3;
	v4 =	vand.u32 $0xFFFFFFF0, v58  }
0x18c: {  	v3 =	vor.u32 v3, v4  }
0x18d: {  	v4 =	vperm.xlane v3, v0;
	_ =	sdelay $0x1  }
0x18e: {  	v3 =	vperm.xlane v3, v2;
	v4 =	vadd.s32 v1, v4;
	_ =	sdelay $0x1  }
0x18f: {  	v3 =	vadd.s32 v1, v3;
	_ =	sdelay $0x2  }
0x190: {  	[tilespmem:s29], [sflag:$0x1] =	stream.indirect_vreg.gather [hbm4b:s4+s3], $0x80, v4, vm0, $0xb8;
	[tilespmem:$0x1A400] =	vst v63  }
0x191: {  	_ = 	snop  }
0x192: {  	[tilespmem:s30], [sflag:$0x1] =	stream.indirect_vreg.gather [hbm4b:s4+s3], $0x80, v3, vm0, $0xb8;
	[tilespmem:$0x1A400] =	vst v63  }
0x193: {  	v3 =	vld [tilespmem:s17+$0xFFFFFEF8];
	_ =	sdelay $0x4  }
0x194: {  	v59 =	vshll.u32 v3, $0x1  }
0x195: {  	v3 =	vand.u32 $0x7, v3;
	v4 =	vand.u32 $0xFFFFFFF0, v59  }
0x196: {  	v3 =	vor.u32 v3, v4  }
0x197: {  	v4 =	vperm.xlane v3, v0;
	_ =	sdelay $0x1  }
0x198: {  	v3 =	vperm.xlane v3, v2;
	v4 =	vadd.s32 v1, v4;
	_ =	sdelay $0x1  }
0x199: {  	v3 =	vadd.s32 v1, v3;
	_ =	sdelay $0x2  }
0x19a: {  	[tilespmem:s31], [sflag:$0x1] =	stream.indirect_vreg.gather [hbm4b:s4+s3], $0x80, v4, vm0, $0xb8;
	[tilespmem:$0x1A400] =	vst v63  }
0x19b: {  	_ = 	snop  }
0x19c: {  	[tilespmem:s0], [sflag:$0x1] =	stream.indirect_vreg.gather [hbm4b:s4+s3], $0x80, v3, vm0, $0xb8;
	[tilespmem:$0x1A400] =	vst v63  }
0x19d: {  	v3 =	vld [tilespmem:s17+$0xFFFFFF08];
	_ =	sdelay $0x4  }
0x19e: {  	v60 =	vshll.u32 v3, $0x1  }
0x19f: {  	v3 =	vand.u32 $0x7, v3;
	v4 =	vand.u32 $0xFFFFFFF0, v60  }
0x1a0: {  	v3 =	vor.u32 v3, v4  }
0x1a1: {  	v4 =	vperm.xlane v3, v0;
	_ =	sdelay $0x1  }
0x1a2: {  	v3 =	vperm.xlane v3, v2;
	v4 =	vadd.s32 v1, v4;
	_ =	sdelay $0x1  }
0x1a3: {  	v3 =	vadd.s32 v1, v3;
	_ =	sdelay $0x2  }
0x1a4: {  	[tilespmem:s2], [sflag:$0x1] =	stream.indirect_vreg.gather [hbm4b:s4+s3], $0x80, v4, vm0, $0xb8;
	[tilespmem:$0x1A400] =	vst v63  }
0x1a5: {  	_ = 	snop  }
0x1a6: {  	[tilespmem:s7], [sflag:$0x1] =	stream.indirect_vreg.gather [hbm4b:s4+s3], $0x80, v3, vm0, $0xb8;
	[tilespmem:$0x1A400] =	vst v63  }
0x1a7: {  	v3 =	vld [tilespmem:s17+$0xFFFFFF18];
	_ =	sdelay $0x4  }
0x1a8: {  	v61 =	vshll.u32 v3, $0x1  }
0x1a9: {  	v3 =	vand.u32 $0x7, v3;
	v4 =	vand.u32 $0xFFFFFFF0, v61  }
0x1aa: {  	v3 =	vor.u32 v3, v4  }
0x1ab: {  	v4 =	vperm.xlane v3, v0;
	_ =	sdelay $0x1  }
0x1ac: {  	v3 =	vperm.xlane v3, v2;
	v4 =	vadd.s32 v1, v4;
	_ =	sdelay $0x1  }
0x1ad: {  	v3 =	vadd.s32 v1, v3;
	_ =	sdelay $0x2  }
0x1ae: {  	[tilespmem:s9], [sflag:$0x1] =	stream.indirect_vreg.gather [hbm4b:s4+s3], $0x80, v4, vm0, $0xb8;
	[tilespmem:$0x1A400] =	vst v63  }
0x1af: {  	_ = 	snop  }
0x1b0: {  	[tilespmem:s5], [sflag:$0x1] =	stream.indirect_vreg.gather [hbm4b:s4+s3], $0x80, v3, vm0, $0xb8;
	[tilespmem:$0x1A400] =	vst v63  }
0x1b1: {  	v3 =	vld [tilespmem:s17+$0xFFFFFF28];
	_ =	sdelay $0x4  }
0x1b2: {  	v62 =	vshll.u32 v3, $0x1  }
0x1b3: {  	v3 =	vand.u32 $0x7, v3;
	v4 =	vand.u32 $0xFFFFFFF0, v62  }
0x1b4: {  	v3 =	vor.u32 v3, v4  }
0x1b5: {  	v4 =	vperm.xlane v3, v0;
	_ =	sdelay $0x1  }
0x1b6: {  	v3 =	vperm.xlane v3, v2;
	v4 =	vadd.s32 v1, v4;
	_ =	sdelay $0x1  }
0x1b7: {  	v3 =	vadd.s32 v1, v3;
	_ =	sdelay $0x2  }
0x1b8: {  	[tilespmem:s6], [sflag:$0x1] =	stream.indirect_vreg.gather [hbm4b:s4+s3], $0x80, v4, vm0, $0xb8;
	[tilespmem:$0x1A400] =	vst v63  }
0x1b9: {  	_ = 	snop  }
0x1ba: {  	[tilespmem:s8], [sflag:$0x1] =	stream.indirect_vreg.gather [hbm4b:s4+s3], $0x80, v3, vm0, $0xb8;
	[tilespmem:$0x1A400] =	vst v63  }
0x1bb: {  	v3 =	vld.msk [tilespmem:s17+$0xFFFFFF38], $0xff;
	_ =	sdelay $0x4  }
0x1bc: {  	v63 =	vshll.u32 v3, $0x1  }
0x1bd: {  	v3 =	vand.u32 $0x7, v3;
	v4 =	vand.u32 $0xFFFFFFF0, v63  }
0x1be: {  	v3 =	vor.u32 v3, v4  }
0x1bf: {  	v3 =	vperm.xlane v3, v0;
	_ =	sdelay $0x1  }
0x1c0: {  	v3 =	vadd.s32 v1, v3;
	_ =	sdelay $0x4  }
0x1c1: {  	[tilespmem:s10], [sflag:$0x1] =	stream.indirect_vreg.gather [hbm4b:s4+s3], $0x80, v3, vm0, $0xb8;
	[tilespmem:$0x1A400] =	vst v63  }
0x1c2: {  	_ =	swait.ge [sflag:s15], $0xC800  }
0x1c3: {  	p1 =	seq.s32 s21, $0x22600;
	[sflag:s15] =	ssyncset.done $0x0  }
.Ltmp3:
0x1c4: {  	s22 =	sadd.s32 $0x1900, s22;
	[sflag:s15] =	ssyncadd.s32 $0xFFFF3800;
	(pc) =	sbr.rel @p1 .LBB2_8-.Ltmp3, $4  }
0x1c5: {  	[hbm4b:s22+s3] =	stream.linear.scatter [tilespmem:s11], [sflag:$0x3], $0xC800, $0x38;
	[tilespmem:$0x1A400] =	vst v63  }
0x1c6: {  	_ =	swait.ge [sflag:s13], $0xC800  }
0x1c7: {  	[sflag:s13] =	ssyncset.done $0x0  }
0x1c8: {  	[sflag:s13] =	ssyncadd.s32 $0xFFFF3800  }
0x1c9: {  	v3 =	vld [tilespmem:s17+$0xFFFFFF40];
	_ =	sdelay $0x4  }
0x1ca: {  	v4 =	vshll.u32 v3, $0x1  }
0x1cb: {  	v3 =	vand.u32 $0x7, v3;
	v4 =	vand.u32 $0xFFFFFFF0, v4  }
0x1cc: {  	v3 =	vor.u32 v3, v4  }
0x1cd: {  	v4 =	vperm.xlane v3, v0;
	_ =	sdelay $0x1  }
0x1ce: {  	v3 =	vperm.xlane v3, v2;
	v4 =	vadd.s32 v1, v4;
	_ =	sdelay $0x1  }
0x1cf: {  	v3 =	vadd.s32 v1, v3;
	_ =	sdelay $0x2  }
0x1d0: {  	[tilespmem:s11], [sflag:$0x2] =	stream.indirect_vreg.gather [hbm4b:s4+s3], $0x80, v4, vm0, $0xb8;
	[tilespmem:$0x1A400] =	vst v63  }
0x1d1: {  	s12 =	simm.s32 $0xE400  }
0x1d2: {  	[tilespmem:s12], [sflag:$0x2] =	stream.indirect_vreg.gather [hbm4b:s4+s3], $0x80, v3, vm0, $0xb8;
	[tilespmem:$0x1A400] =	vst v63  }
0x1d3: {  	v3 =	vld [tilespmem:s17+$0xFFFFFF50];
	_ =	sdelay $0x4  }
0x1d4: {  	v52 =	vshll.u32 v3, $0x1  }
0x1d5: {  	v3 =	vand.u32 $0x7, v3;
	v4 =	vand.u32 $0xFFFFFFF0, v52  }
0x1d6: {  	v3 =	vor.u32 v3, v4  }
0x1d7: {  	v4 =	vperm.xlane v3, v0;
	_ =	sdelay $0x1  }
0x1d8: {  	v3 =	vperm.xlane v3, v2;
	v4 =	vadd.s32 v1, v4;
	_ =	sdelay $0x1  }
0x1d9: {  	v3 =	vadd.s32 v1, v3;
	_ =	sdelay $0x1  }
0x1da: {  	s22 =	simm.s32 $0xEC00  }
0x1db: {  	[tilespmem:s22], [sflag:$0x2] =	stream.indirect_vreg.gather [hbm4b:s4+s3], $0x80, v4, vm0, $0xb8;
	[tilespmem:$0x1A400] =	vst v63  }
0x1dc: {  	s22 =	simm.s32 $0xF400  }
0x1dd: {  	[tilespmem:s22], [sflag:$0x2] =	stream.indirect_vreg.gather [hbm4b:s4+s3], $0x80, v3, vm0, $0xb8;
	[tilespmem:$0x1A400] =	vst v63  }
0x1de: {  	v3 =	vld [tilespmem:s17+$0xFFFFFF60];
	_ =	sdelay $0x4  }
0x1df: {  	v53 =	vshll.u32 v3, $0x1  }
0x1e0: {  	v3 =	vand.u32 $0x7, v3;
	v4 =	vand.u32 $0xFFFFFFF0, v53  }
0x1e1: {  	v3 =	vor.u32 v3, v4  }
0x1e2: {  	v4 =	vperm.xlane v3, v0;
	_ =	sdelay $0x1  }
0x1e3: {  	v3 =	vperm.xlane v3, v2;
	v4 =	vadd.s32 v1, v4;
	_ =	sdelay $0x1  }
0x1e4: {  	v3 =	vadd.s32 v1, v3;
	_ =	sdelay $0x1  }
0x1e5: {  	s22 =	simm.s32 $0xFC00  }
0x1e6: {  	[tilespmem:s22], [sflag:$0x2] =	stream.indirect_vreg.gather [hbm4b:s4+s3], $0x80, v4, vm0, $0xb8;
	[tilespmem:$0x1A400] =	vst v63  }
0x1e7: {  	s22 =	simm.s32 $0x10400  }
0x1e8: {  	[tilespmem:s22], [sflag:$0x2] =	stream.indirect_vreg.gather [hbm4b:s4+s3], $0x80, v3, vm0, $0xb8;
	[tilespmem:$0x1A400] =	vst v63  }
0x1e9: {  	v3 =	vld [tilespmem:s17+$0xFFFFFF70];
	_ =	sdelay $0x4  }
0x1ea: {  	v54 =	vshll.u32 v3, $0x1  }
0x1eb: {  	v3 =	vand.u32 $0x7, v3;
	v4 =	vand.u32 $0xFFFFFFF0, v54  }
0x1ec: {  	v3 =	vor.u32 v3, v4  }
0x1ed: {  	v4 =	vperm.xlane v3, v0;
	_ =	sdelay $0x1  }
0x1ee: {  	v3 =	vperm.xlane v3, v2;
	v4 =	vadd.s32 v1, v4;
	_ =	sdelay $0x1  }
0x1ef: {  	v3 =	vadd.s32 v1, v3;
	_ =	sdelay $0x1  }
0x1f0: {  	s22 =	simm.s32 $0x10C00  }
0x1f1: {  	[tilespmem:s22], [sflag:$0x2] =	stream.indirect_vreg.gather [hbm4b:s4+s3], $0x80, v4, vm0, $0xb8;
	[tilespmem:$0x1A400] =	vst v63  }
0x1f2: {  	s22 =	simm.s32 $0x11400  }
0x1f3: {  	[tilespmem:s22], [sflag:$0x2] =	stream.indirect_vreg.gather [hbm4b:s4+s3], $0x80, v3, vm0, $0xb8;
	[tilespmem:$0x1A400] =	vst v63  }
0x1f4: {  	v3 =	vld [tilespmem:s17+$0xFFFFFF80];
	_ =	sdelay $0x4  }
0x1f5: {  	v55 =	vshll.u32 v3, $0x1  }
0x1f6: {  	v3 =	vand.u32 $0x7, v3;
	v4 =	vand.u32 $0xFFFFFFF0, v55  }
0x1f7: {  	v3 =	vor.u32 v3, v4  }
0x1f8: {  	v4 =	vperm.xlane v3, v0;
	_ =	sdelay $0x1  }
0x1f9: {  	v3 =	vperm.xlane v3, v2;
	v4 =	vadd.s32 v1, v4;
	_ =	sdelay $0x1  }
0x1fa: {  	v3 =	vadd.s32 v1, v3;
	_ =	sdelay $0x1  }
0x1fb: {  	s22 =	simm.s32 $0x11C00  }
0x1fc: {  	[tilespmem:s22], [sflag:$0x2] =	stream.indirect_vreg.gather [hbm4b:s4+s3], $0x80, v4, vm0, $0xb8;
	[tilespmem:$0x1A400] =	vst v63  }
0x1fd: {  	s22 =	simm.s32 $0x12400  }
0x1fe: {  	[tilespmem:s22], [sflag:$0x2] =	stream.indirect_vreg.gather [hbm4b:s4+s3], $0x80, v3, vm0, $0xb8;
	[tilespmem:$0x1A400] =	vst v63  }
0x1ff: {  	v3 =	vld [tilespmem:s17+$0xFFFFFF90];
	_ =	sdelay $0x4  }
0x200: {  	v56 =	vshll.u32 v3, $0x1  }
0x201: {  	v3 =	vand.u32 $0x7, v3;
	v4 =	vand.u32 $0xFFFFFFF0, v56  }
0x202: {  	v3 =	vor.u32 v3, v4  }
0x203: {  	v4 =	vperm.xlane v3, v0;
	_ =	sdelay $0x1  }
0x204: {  	v3 =	vperm.xlane v3, v2;
	v4 =	vadd.s32 v1, v4;
	_ =	sdelay $0x1  }
0x205: {  	v3 =	vadd.s32 v1, v3;
	_ =	sdelay $0x1  }
0x206: {  	s22 =	simm.s32 $0x12C00  }
0x207: {  	[tilespmem:s22], [sflag:$0x2] =	stream.indirect_vreg.gather [hbm4b:s4+s3], $0x80, v4, vm0, $0xb8;
	[tilespmem:$0x1A400] =	vst v63  }
0x208: {  	s22 =	simm.s32 $0x13400  }
0x209: {  	[tilespmem:s22], [sflag:$0x2] =	stream.indirect_vreg.gather [hbm4b:s4+s3], $0x80, v3, vm0, $0xb8;
	[tilespmem:$0x1A400] =	vst v63  }
0x20a: {  	v3 =	vld [tilespmem:s17+$0xFFFFFFA0];
	_ =	sdelay $0x4  }
0x20b: {  	v57 =	vshll.u32 v3, $0x1  }
0x20c: {  	v3 =	vand.u32 $0x7, v3;
	v4 =	vand.u32 $0xFFFFFFF0, v57  }
0x20d: {  	v3 =	vor.u32 v3, v4  }
0x20e: {  	v4 =	vperm.xlane v3, v0;
	_ =	sdelay $0x1  }
0x20f: {  	v3 =	vperm.xlane v3, v2;
	v4 =	vadd.s32 v1, v4;
	_ =	sdelay $0x1  }
0x210: {  	v3 =	vadd.s32 v1, v3;
	_ =	sdelay $0x1  }
0x211: {  	s22 =	simm.s32 $0x13C00  }
0x212: {  	[tilespmem:s22], [sflag:$0x2] =	stream.indirect_vreg.gather [hbm4b:s4+s3], $0x80, v4, vm0, $0xb8;
	[tilespmem:$0x1A400] =	vst v63  }
0x213: {  	s22 =	simm.s32 $0x14400  }
0x214: {  	[tilespmem:s22], [sflag:$0x2] =	stream.indirect_vreg.gather [hbm4b:s4+s3], $0x80, v3, vm0, $0xb8;
	[tilespmem:$0x1A400] =	vst v63  }
0x215: {  	v3 =	vld [tilespmem:s17+$0xFFFFFFB0];
	_ =	sdelay $0x4  }
0x216: {  	v58 =	vshll.u32 v3, $0x1  }
0x217: {  	v3 =	vand.u32 $0x7, v3;
	v4 =	vand.u32 $0xFFFFFFF0, v58  }
0x218: {  	v3 =	vor.u32 v3, v4  }
0x219: {  	v4 =	vperm.xlane v3, v0;
	_ =	sdelay $0x1  }
0x21a: {  	v3 =	vperm.xlane v3, v2;
	v4 =	vadd.s32 v1, v4;
	_ =	sdelay $0x1  }
0x21b: {  	v3 =	vadd.s32 v1, v3;
	_ =	sdelay $0x1  }
0x21c: {  	s22 =	simm.s32 $0x14C00  }
0x21d: {  	[tilespmem:s22], [sflag:$0x2] =	stream.indirect_vreg.gather [hbm4b:s4+s3], $0x80, v4, vm0, $0xb8;
	[tilespmem:$0x1A400] =	vst v63  }
0x21e: {  	s22 =	simm.s32 $0x15400  }
0x21f: {  	[tilespmem:s22], [sflag:$0x2] =	stream.indirect_vreg.gather [hbm4b:s4+s3], $0x80, v3, vm0, $0xb8;
	[tilespmem:$0x1A400] =	vst v63  }
0x220: {  	v3 =	vld [tilespmem:s17+$0xFFFFFFC0];
	_ =	sdelay $0x4  }
0x221: {  	v59 =	vshll.u32 v3, $0x1  }
0x222: {  	v3 =	vand.u32 $0x7, v3;
	v4 =	vand.u32 $0xFFFFFFF0, v59  }
0x223: {  	v3 =	vor.u32 v3, v4  }
0x224: {  	v4 =	vperm.xlane v3, v0;
	_ =	sdelay $0x1  }
0x225: {  	v3 =	vperm.xlane v3, v2;
	v4 =	vadd.s32 v1, v4;
	_ =	sdelay $0x1  }
0x226: {  	v3 =	vadd.s32 v1, v3;
	_ =	sdelay $0x1  }
0x227: {  	s22 =	simm.s32 $0x15C00  }
0x228: {  	[tilespmem:s22], [sflag:$0x2] =	stream.indirect_vreg.gather [hbm4b:s4+s3], $0x80, v4, vm0, $0xb8;
	[tilespmem:$0x1A400] =	vst v63  }
0x229: {  	s22 =	simm.s32 $0x16400  }
0x22a: {  	[tilespmem:s22], [sflag:$0x2] =	stream.indirect_vreg.gather [hbm4b:s4+s3], $0x80, v3, vm0, $0xb8;
	[tilespmem:$0x1A400] =	vst v63  }
0x22b: {  	v3 =	vld [tilespmem:s17+$0xFFFFFFD0];
	_ =	sdelay $0x4  }
0x22c: {  	v60 =	vshll.u32 v3, $0x1  }
0x22d: {  	v3 =	vand.u32 $0x7, v3;
	v4 =	vand.u32 $0xFFFFFFF0, v60  }
0x22e: {  	v3 =	vor.u32 v3, v4  }
0x22f: {  	v4 =	vperm.xlane v3, v0;
	_ =	sdelay $0x1  }
0x230: {  	v3 =	vperm.xlane v3, v2;
	v4 =	vadd.s32 v1, v4;
	_ =	sdelay $0x1  }
0x231: {  	v3 =	vadd.s32 v1, v3;
	_ =	sdelay $0x1  }
0x232: {  	s22 =	simm.s32 $0x16C00  }
0x233: {  	[tilespmem:s22], [sflag:$0x2] =	stream.indirect_vreg.gather [hbm4b:s4+s3], $0x80, v4, vm0, $0xb8;
	[tilespmem:$0x1A400] =	vst v63  }
0x234: {  	s22 =	simm.s32 $0x17400  }
0x235: {  	[tilespmem:s22], [sflag:$0x2] =	stream.indirect_vreg.gather [hbm4b:s4+s3], $0x80, v3, vm0, $0xb8;
	[tilespmem:$0x1A400] =	vst v63  }
0x236: {  	v3 =	vld [tilespmem:s17+$0xFFFFFFE0];
	_ =	sdelay $0x4  }
0x237: {  	v61 =	vshll.u32 v3, $0x1  }
0x238: {  	v3 =	vand.u32 $0x7, v3;
	v4 =	vand.u32 $0xFFFFFFF0, v61  }
0x239: {  	v3 =	vor.u32 v3, v4  }
0x23a: {  	v4 =	vperm.xlane v3, v0;
	_ =	sdelay $0x1  }
0x23b: {  	v3 =	vperm.xlane v3, v2;
	v4 =	vadd.s32 v1, v4;
	_ =	sdelay $0x1  }
0x23c: {  	v3 =	vadd.s32 v1, v3;
	_ =	sdelay $0x1  }
0x23d: {  	s22 =	simm.s32 $0x17C00  }
0x23e: {  	[tilespmem:s22], [sflag:$0x2] =	stream.indirect_vreg.gather [hbm4b:s4+s3], $0x80, v4, vm0, $0xb8;
	[tilespmem:$0x1A400] =	vst v63  }
0x23f: {  	s22 =	simm.s32 $0x18400  }
0x240: {  	[tilespmem:s22], [sflag:$0x2] =	stream.indirect_vreg.gather [hbm4b:s4+s3], $0x80, v3, vm0, $0xb8;
	[tilespmem:$0x1A400] =	vst v63  }
0x241: {  	v3 =	vld [tilespmem:s17+$0xFFFFFFF0];
	_ =	sdelay $0x4  }
0x242: {  	v62 =	vshll.u32 v3, $0x1  }
0x243: {  	v3 =	vand.u32 $0x7, v3;
	v4 =	vand.u32 $0xFFFFFFF0, v62  }
0x244: {  	v3 =	vor.u32 v3, v4  }
0x245: {  	v4 =	vperm.xlane v3, v0;
	_ =	sdelay $0x1  }
0x246: {  	v3 =	vperm.xlane v3, v2;
	v4 =	vadd.s32 v1, v4;
	_ =	sdelay $0x1  }
0x247: {  	v3 =	vadd.s32 v1, v3;
	_ =	sdelay $0x2  }
0x248: {  	[tilespmem:s18], [sflag:$0x2] =	stream.indirect_vreg.gather [hbm4b:s4+s3], $0x80, v4, vm0, $0xb8;
	[tilespmem:$0x1A400] =	vst v63  }
0x249: {  	_ = 	snop  }
0x24a: {  	[tilespmem:s16], [sflag:$0x2] =	stream.indirect_vreg.gather [hbm4b:s4+s3], $0x80, v3, vm0, $0xb8;
	[tilespmem:$0x1A400] =	vst v63  }
0x24b: {  	v3 =	vld.msk [tilespmem:s17+$0x0], $0xff;
	_ =	sdelay $0x4  }
0x24c: {  	v63 =	vshll.u32 v3, $0x1  }
0x24d: {  	v3 =	vand.u32 $0x7, v3;
	v4 =	vand.u32 $0xFFFFFFF0, v63  }
0x24e: {  	v3 =	vor.u32 v3, v4  }
0x24f: {  	v3 =	vperm.xlane v3, v0;
	_ =	sdelay $0x1  }
0x250: {  	v3 =	vadd.s32 v1, v3  }
.Ltmp4:
0x251: {  	_ = 	snop;
	(pc) =	sbr.rel .LBB2_7-.Ltmp4, $3  }
0x252: {  	_ =	sdelay $0x1  }
0x253: {  	s21 =	sadd.s32 $0x3200, s21;
	s17 =	sadd.s32 $0x190, s17  }
0x254: {  	[tilespmem:s19], [sflag:$0x2] =	stream.indirect_vreg.gather [hbm4b:s4+s3], $0x80, v3, vm0, $0xb8;
	[tilespmem:$0x1A400] =	vst v63  }
.LBB2_2:
0x255: {  	s17 =	rddreg [dreg:$0x5]  }
0x256: {  	[tilespmem:s21], [sflag:$0x3] =	stream.linear.gather [hbm4b:s17+s21], $0x1388, $0x38;
	[tilespmem:$0x1A400] =	vst v63  }
0x257: {  	_ =	swait.ge [sflag:s13], $0x1388  }
0x258: {  	[sflag:s13] =	ssyncset.done $0x0  }
0x259: {  	[sflag:s13] =	ssyncadd.s32 $0xFFFFEC78  }
0x25a: {  	v3 =	vld [tilespmem:$0x0];
	_ =	sdelay $0x4  }
0x25b: {  	v4 =	vshll.u32 v3, $0x1  }
0x25c: {  	v3 =	vand.u32 $0x7, v3;
	v4 =	vand.u32 $0xFFFFFFF0, v4  }
0x25d: {  	v3 =	vor.u32 v3, v4  }
0x25e: {  	v4 =	vperm.xlane v3, v0;
	_ =	sdelay $0x1  }
0x25f: {  	v3 =	vperm.xlane v3, v2;
	v4 =	vadd.s32 v1, v4;
	_ =	sdelay $0x1  }
0x260: {  	v3 =	vadd.s32 v1, v3;
	_ =	sdelay $0x2  }
0x261: {  	[tilespmem:s14], [sflag:$0x1] =	stream.indirect_vreg.gather [hbm4b:s1+s21], $0x80, v4, vm0, $0xb8;
	[tilespmem:$0x1A400] =	vst v63  }
0x262: {  	s12 =	simm.s32 $0x1C00  }
0x263: {  	[tilespmem:s12], [sflag:$0x1] =	stream.indirect_vreg.gather [hbm4b:s1+s21], $0x80, v3, vm0, $0xb8;
	[tilespmem:$0x1A400] =	vst v63  }
0x264: {  	v3 =	vld [tilespmem:$0x10];
	_ =	sdelay $0x4  }
0x265: {  	v39 =	vshll.u32 v3, $0x1  }
0x266: {  	v3 =	vand.u32 $0x7, v3;
	v4 =	vand.u32 $0xFFFFFFF0, v39  }
0x267: {  	v3 =	vor.u32 v3, v4  }
0x268: {  	v4 =	vperm.xlane v3, v0;
	_ =	sdelay $0x1  }
0x269: {  	v3 =	vperm.xlane v3, v2;
	v4 =	vadd.s32 v1, v4;
	_ =	sdelay $0x1  }
0x26a: {  	v3 =	vadd.s32 v1, v3;
	_ =	sdelay $0x1  }
0x26b: {  	s17 =	simm.s32 $0x2400  }
0x26c: {  	[tilespmem:s17], [sflag:$0x1] =	stream.indirect_vreg.gather [hbm4b:s1+s21], $0x80, v4, vm0, $0xb8;
	[tilespmem:$0x1A400] =	vst v63  }
0x26d: {  	s22 =	simm.s32 $0x2C00  }
0x26e: {  	[tilespmem:s22], [sflag:$0x1] =	stream.indirect_vreg.gather [hbm4b:s1+s21], $0x80, v3, vm0, $0xb8;
	[tilespmem:$0x1A400] =	vst v63  }
0x26f: {  	v3 =	vld [tilespmem:$0x20];
	_ =	sdelay $0x4  }
0x270: {  	v40 =	vshll.u32 v3, $0x1  }
0x271: {  	v3 =	vand.u32 $0x7, v3;
	v4 =	vand.u32 $0xFFFFFFF0, v40  }
0x272: {  	v3 =	vor.u32 v3, v4  }
0x273: {  	v4 =	vperm.xlane v3, v0;
	_ =	sdelay $0x1  }
0x274: {  	v3 =	vperm.xlane v3, v2;
	v4 =	vadd.s32 v1, v4;
	_ =	sdelay $0x1  }
0x275: {  	v3 =	vadd.s32 v1, v3;
	_ =	sdelay $0x1  }
0x276: {  	s17 =	simm.s32 $0x3400  }
0x277: {  	[tilespmem:s17], [sflag:$0x1] =	stream.indirect_vreg.gather [hbm4b:s1+s21], $0x80, v4, vm0, $0xb8;
	[tilespmem:$0x1A400] =	vst v63  }
0x278: {  	s22 =	simm.s32 $0x3C00  }
0x279: {  	[tilespmem:s22], [sflag:$0x1] =	stream.indirect_vreg.gather [hbm4b:s1+s21], $0x80, v3, vm0, $0xb8;
	[tilespmem:$0x1A400] =	vst v63  }
0x27a: {  	v3 =	vld [tilespmem:$0x30];
	_ =	sdelay $0x4  }
0x27b: {  	v41 =	vshll.u32 v3, $0x1  }
0x27c: {  	v3 =	vand.u32 $0x7, v3;
	v4 =	vand.u32 $0xFFFFFFF0, v41  }
0x27d: {  	v3 =	vor.u32 v3, v4  }
0x27e: {  	v4 =	vperm.xlane v3, v0;
	_ =	sdelay $0x1  }
0x27f: {  	v3 =	vperm.xlane v3, v2;
	v4 =	vadd.s32 v1, v4;
	_ =	sdelay $0x1  }
0x280: {  	v3 =	vadd.s32 v1, v3;
	_ =	sdelay $0x1  }
0x281: {  	s17 =	simm.s32 $0x4400  }
0x282: {  	[tilespmem:s17], [sflag:$0x1] =	stream.indirect_vreg.gather [hbm4b:s1+s21], $0x80, v4, vm0, $0xb8;
	[tilespmem:$0x1A400] =	vst v63  }
0x283: {  	s22 =	simm.s32 $0x4C00  }
0x284: {  	[tilespmem:s22], [sflag:$0x1] =	stream.indirect_vreg.gather [hbm4b:s1+s21], $0x80, v3, vm0, $0xb8;
	[tilespmem:$0x1A400] =	vst v63  }
0x285: {  	v3 =	vld [tilespmem:$0x40];
	_ =	sdelay $0x4  }
0x286: {  	v42 =	vshll.u32 v3, $0x1  }
0x287: {  	v3 =	vand.u32 $0x7, v3;
	v4 =	vand.u32 $0xFFFFFFF0, v42  }
0x288: {  	v3 =	vor.u32 v3, v4  }
0x289: {  	v4 =	vperm.xlane v3, v0;
	_ =	sdelay $0x1  }
0x28a: {  	v3 =	vperm.xlane v3, v2;
	v4 =	vadd.s32 v1, v4;
	_ =	sdelay $0x1  }
0x28b: {  	v3 =	vadd.s32 v1, v3;
	_ =	sdelay $0x1  }
0x28c: {  	s17 =	simm.s32 $0x5400  }
0x28d: {  	[tilespmem:s17], [sflag:$0x1] =	stream.indirect_vreg.gather [hbm4b:s1+s21], $0x80, v4, vm0, $0xb8;
	[tilespmem:$0x1A400] =	vst v63  }
0x28e: {  	_ = 	snop  }
0x28f: {  	[tilespmem:s23], [sflag:$0x1] =	stream.indirect_vreg.gather [hbm4b:s1+s21], $0x80, v3, vm0, $0xb8;
	[tilespmem:$0x1A400] =	vst v63  }
0x290: {  	v3 =	vld [tilespmem:$0x50];
	_ =	sdelay $0x4  }
0x291: {  	v43 =	vshll.u32 v3, $0x1  }
0x292: {  	v3 =	vand.u32 $0x7, v3;
	v4 =	vand.u32 $0xFFFFFFF0, v43  }
0x293: {  	v3 =	vor.u32 v3, v4  }
0x294: {  	v4 =	vperm.xlane v3, v0;
	_ =	sdelay $0x1  }
0x295: {  	v3 =	vperm.xlane v3, v2;
	v4 =	vadd.s32 v1, v4;
	_ =	sdelay $0x1  }
0x296: {  	v3 =	vadd.s32 v1, v3;
	_ =	sdelay $0x2  }
0x297: {  	[tilespmem:s24], [sflag:$0x1] =	stream.indirect_vreg.gather [hbm4b:s1+s21], $0x80, v4, vm0, $0xb8;
	[tilespmem:$0x1A400] =	vst v63  }
0x298: {  	_ = 	snop  }
0x299: {  	[tilespmem:s25], [sflag:$0x1] =	stream.indirect_vreg.gather [hbm4b:s1+s21], $0x80, v3, vm0, $0xb8;
	[tilespmem:$0x1A400] =	vst v63  }
0x29a: {  	v3 =	vld [tilespmem:$0x60];
	_ =	sdelay $0x4  }
0x29b: {  	v44 =	vshll.u32 v3, $0x1  }
0x29c: {  	v3 =	vand.u32 $0x7, v3;
	v4 =	vand.u32 $0xFFFFFFF0, v44  }
0x29d: {  	v3 =	vor.u32 v3, v4  }
0x29e: {  	v4 =	vperm.xlane v3, v0;
	_ =	sdelay $0x1  }
0x29f: {  	v3 =	vperm.xlane v3, v2;
	v4 =	vadd.s32 v1, v4;
	_ =	sdelay $0x1  }
0x2a0: {  	v3 =	vadd.s32 v1, v3;
	_ =	sdelay $0x2  }
0x2a1: {  	[tilespmem:s26], [sflag:$0x1] =	stream.indirect_vreg.gather [hbm4b:s1+s21], $0x80, v4, vm0, $0xb8;
	[tilespmem:$0x1A400] =	vst v63  }
0x2a2: {  	_ = 	snop  }
0x2a3: {  	[tilespmem:s28], [sflag:$0x1] =	stream.indirect_vreg.gather [hbm4b:s1+s21], $0x80, v3, vm0, $0xb8;
	[tilespmem:$0x1A400] =	vst v63  }
0x2a4: {  	v3 =	vld [tilespmem:$0x70];
	_ =	sdelay $0x4  }
0x2a5: {  	v45 =	vshll.u32 v3, $0x1  }
0x2a6: {  	v3 =	vand.u32 $0x7, v3;
	v4 =	vand.u32 $0xFFFFFFF0, v45  }
0x2a7: {  	v3 =	vor.u32 v3, v4  }
0x2a8: {  	v4 =	vperm.xlane v3, v0;
	_ =	sdelay $0x1  }
0x2a9: {  	v3 =	vperm.xlane v3, v2;
	v4 =	vadd.s32 v1, v4;
	_ =	sdelay $0x1  }
0x2aa: {  	v3 =	vadd.s32 v1, v3;
	_ =	sdelay $0x2  }
0x2ab: {  	[tilespmem:s29], [sflag:$0x1] =	stream.indirect_vreg.gather [hbm4b:s1+s21], $0x80, v4, vm0, $0xb8;
	[tilespmem:$0x1A400] =	vst v63  }
0x2ac: {  	_ = 	snop  }
0x2ad: {  	[tilespmem:s30], [sflag:$0x1] =	stream.indirect_vreg.gather [hbm4b:s1+s21], $0x80, v3, vm0, $0xb8;
	[tilespmem:$0x1A400] =	vst v63  }
0x2ae: {  	v3 =	vld [tilespmem:$0x80];
	_ =	sdelay $0x4  }
0x2af: {  	v46 =	vshll.u32 v3, $0x1  }
0x2b0: {  	v3 =	vand.u32 $0x7, v3;
	v4 =	vand.u32 $0xFFFFFFF0, v46  }
0x2b1: {  	v3 =	vor.u32 v3, v4  }
0x2b2: {  	v4 =	vperm.xlane v3, v0;
	_ =	sdelay $0x1  }
0x2b3: {  	v3 =	vperm.xlane v3, v2;
	v4 =	vadd.s32 v1, v4;
	_ =	sdelay $0x1  }
0x2b4: {  	v3 =	vadd.s32 v1, v3;
	_ =	sdelay $0x2  }
0x2b5: {  	[tilespmem:s31], [sflag:$0x1] =	stream.indirect_vreg.gather [hbm4b:s1+s21], $0x80, v4, vm0, $0xb8;
	[tilespmem:$0x1A400] =	vst v63  }
0x2b6: {  	_ = 	snop  }
0x2b7: {  	[tilespmem:s0], [sflag:$0x1] =	stream.indirect_vreg.gather [hbm4b:s1+s21], $0x80, v3, vm0, $0xb8;
	[tilespmem:$0x1A400] =	vst v63  }
0x2b8: {  	v3 =	vld [tilespmem:$0x90];
	_ =	sdelay $0x4  }
0x2b9: {  	v47 =	vshll.u32 v3, $0x1  }
0x2ba: {  	v3 =	vand.u32 $0x7, v3;
	v4 =	vand.u32 $0xFFFFFFF0, v47  }
0x2bb: {  	v3 =	vor.u32 v3, v4  }
0x2bc: {  	v4 =	vperm.xlane v3, v0;
	_ =	sdelay $0x1  }
0x2bd: {  	v3 =	vperm.xlane v3, v2;
	v4 =	vadd.s32 v1, v4;
	_ =	sdelay $0x1  }
0x2be: {  	v3 =	vadd.s32 v1, v3;
	_ =	sdelay $0x2  }
0x2bf: {  	[tilespmem:s2], [sflag:$0x1] =	stream.indirect_vreg.gather [hbm4b:s1+s21], $0x80, v4, vm0, $0xb8;
	[tilespmem:$0x1A400] =	vst v63  }
0x2c0: {  	_ = 	snop  }
0x2c1: {  	[tilespmem:s7], [sflag:$0x1] =	stream.indirect_vreg.gather [hbm4b:s1+s21], $0x80, v3, vm0, $0xb8;
	[tilespmem:$0x1A400] =	vst v63  }
0x2c2: {  	v3 =	vld [tilespmem:$0xA0];
	_ =	sdelay $0x4  }
0x2c3: {  	v48 =	vshll.u32 v3, $0x1  }
0x2c4: {  	v3 =	vand.u32 $0x7, v3;
	v4 =	vand.u32 $0xFFFFFFF0, v48  }
0x2c5: {  	v3 =	vor.u32 v3, v4  }
0x2c6: {  	v4 =	vperm.xlane v3, v0;
	_ =	sdelay $0x1  }
0x2c7: {  	v3 =	vperm.xlane v3, v2;
	v4 =	vadd.s32 v1, v4;
	_ =	sdelay $0x1  }
0x2c8: {  	v3 =	vadd.s32 v1, v3;
	_ =	sdelay $0x2  }
0x2c9: {  	[tilespmem:s9], [sflag:$0x1] =	stream.indirect_vreg.gather [hbm4b:s1+s21], $0x80, v4, vm0, $0xb8;
	[tilespmem:$0x1A400] =	vst v63  }
0x2ca: {  	_ = 	snop  }
0x2cb: {  	[tilespmem:s5], [sflag:$0x1] =	stream.indirect_vreg.gather [hbm4b:s1+s21], $0x80, v3, vm0, $0xb8;
	[tilespmem:$0x1A400] =	vst v63  }
0x2cc: {  	v3 =	vld [tilespmem:$0xB0];
	_ =	sdelay $0x4  }
0x2cd: {  	v49 =	vshll.u32 v3, $0x1  }
0x2ce: {  	v3 =	vand.u32 $0x7, v3;
	v4 =	vand.u32 $0xFFFFFFF0, v49  }
0x2cf: {  	v3 =	vor.u32 v3, v4  }
0x2d0: {  	v4 =	vperm.xlane v3, v0;
	_ =	sdelay $0x1  }
0x2d1: {  	v3 =	vperm.xlane v3, v2;
	v4 =	vadd.s32 v1, v4;
	_ =	sdelay $0x1  }
0x2d2: {  	v3 =	vadd.s32 v1, v3;
	_ =	sdelay $0x2  }
0x2d3: {  	[tilespmem:s6], [sflag:$0x1] =	stream.indirect_vreg.gather [hbm4b:s1+s21], $0x80, v4, vm0, $0xb8;
	[tilespmem:$0x1A400] =	vst v63  }
0x2d4: {  	_ = 	snop  }
0x2d5: {  	[tilespmem:s8], [sflag:$0x1] =	stream.indirect_vreg.gather [hbm4b:s1+s21], $0x80, v3, vm0, $0xb8;
	[tilespmem:$0x1A400] =	vst v63  }
0x2d6: {  	v3 =	vld.msk [tilespmem:$0xC0], $0xff;
	_ =	sdelay $0x4  }
0x2d7: {  	v50 =	vshll.u32 v3, $0x1  }
0x2d8: {  	v3 =	vand.u32 $0x7, v3;
	v4 =	vand.u32 $0xFFFFFFF0, v50  }
0x2d9: {  	v3 =	vor.u32 v3, v4  }
0x2da: {  	v3 =	vperm.xlane v3, v0;
	_ =	sdelay $0x1  }
0x2db: {  	v3 =	vadd.s32 v1, v3;
	_ =	sdelay $0x4  }
0x2dc: {  	[tilespmem:s10], [sflag:$0x1] =	stream.indirect_vreg.gather [hbm4b:s1+s21], $0x80, v3, vm0, $0xb8;
	[tilespmem:$0x1A400] =	vst v63  }
0x2dd: {  	v3 =	vld [tilespmem:$0xC8];
	_ =	sdelay $0x4  }
0x2de: {  	v51 =	vshll.u32 v3, $0x1  }
0x2df: {  	v3 =	vand.u32 $0x7, v3;
	v4 =	vand.u32 $0xFFFFFFF0, v51  }
0x2e0: {  	v3 =	vor.u32 v3, v4  }
0x2e1: {  	v4 =	vperm.xlane v3, v0;
	_ =	sdelay $0x1  }
0x2e2: {  	v3 =	vperm.xlane v3, v2;
	v4 =	vadd.s32 v1, v4;
	_ =	sdelay $0x1  }
0x2e3: {  	v3 =	vadd.s32 v1, v3;
	_ =	sdelay $0x2  }
0x2e4: {  	[tilespmem:s11], [sflag:$0x2] =	stream.indirect_vreg.gather [hbm4b:s1+s21], $0x80, v4, vm0, $0xb8;
	[tilespmem:$0x1A400] =	vst v63  }
0x2e5: {  	s22 =	simm.s32 $0xE400  }
0x2e6: {  	[tilespmem:s22], [sflag:$0x2] =	stream.indirect_vreg.gather [hbm4b:s1+s21], $0x80, v3, vm0, $0xb8;
	[tilespmem:$0x1A400] =	vst v63  }
0x2e7: {  	v3 =	vld [tilespmem:$0xD8];
	_ =	sdelay $0x4  }
0x2e8: {  	v52 =	vshll.u32 v3, $0x1  }
0x2e9: {  	v3 =	vand.u32 $0x7, v3;
	v4 =	vand.u32 $0xFFFFFFF0, v52  }
0x2ea: {  	v3 =	vor.u32 v3, v4  }
0x2eb: {  	v4 =	vperm.xlane v3, v0;
	_ =	sdelay $0x1  }
0x2ec: {  	v3 =	vperm.xlane v3, v2;
	v4 =	vadd.s32 v1, v4;
	_ =	sdelay $0x1  }
0x2ed: {  	v3 =	vadd.s32 v1, v3;
	_ =	sdelay $0x1  }
0x2ee: {  	s17 =	simm.s32 $0xEC00  }
0x2ef: {  	[tilespmem:s17], [sflag:$0x2] =	stream.indirect_vreg.gather [hbm4b:s1+s21], $0x80, v4, vm0, $0xb8;
	[tilespmem:$0x1A400] =	vst v63  }
0x2f0: {  	s22 =	simm.s32 $0xF400  }
0x2f1: {  	[tilespmem:s22], [sflag:$0x2] =	stream.indirect_vreg.gather [hbm4b:s1+s21], $0x80, v3, vm0, $0xb8;
	[tilespmem:$0x1A400] =	vst v63  }
0x2f2: {  	v3 =	vld [tilespmem:$0xE8];
	_ =	sdelay $0x4  }
0x2f3: {  	v53 =	vshll.u32 v3, $0x1  }
0x2f4: {  	v3 =	vand.u32 $0x7, v3;
	v4 =	vand.u32 $0xFFFFFFF0, v53  }
0x2f5: {  	v3 =	vor.u32 v3, v4  }
0x2f6: {  	v4 =	vperm.xlane v3, v0;
	_ =	sdelay $0x1  }
0x2f7: {  	v3 =	vperm.xlane v3, v2;
	v4 =	vadd.s32 v1, v4;
	_ =	sdelay $0x1  }
0x2f8: {  	v3 =	vadd.s32 v1, v3;
	_ =	sdelay $0x1  }
0x2f9: {  	s17 =	simm.s32 $0xFC00  }
0x2fa: {  	[tilespmem:s17], [sflag:$0x2] =	stream.indirect_vreg.gather [hbm4b:s1+s21], $0x80, v4, vm0, $0xb8;
	[tilespmem:$0x1A400] =	vst v63  }
0x2fb: {  	s22 =	simm.s32 $0x10400  }
0x2fc: {  	[tilespmem:s22], [sflag:$0x2] =	stream.indirect_vreg.gather [hbm4b:s1+s21], $0x80, v3, vm0, $0xb8;
	[tilespmem:$0x1A400] =	vst v63  }
0x2fd: {  	v3 =	vld [tilespmem:$0xF8];
	_ =	sdelay $0x4  }
0x2fe: {  	v54 =	vshll.u32 v3, $0x1  }
0x2ff: {  	v3 =	vand.u32 $0x7, v3;
	v4 =	vand.u32 $0xFFFFFFF0, v54  }
0x300: {  	v3 =	vor.u32 v3, v4  }
0x301: {  	v4 =	vperm.xlane v3, v0;
	_ =	sdelay $0x1  }
0x302: {  	v3 =	vperm.xlane v3, v2;
	v4 =	vadd.s32 v1, v4;
	_ =	sdelay $0x1  }
0x303: {  	v3 =	vadd.s32 v1, v3;
	_ =	sdelay $0x1  }
0x304: {  	s17 =	simm.s32 $0x10C00  }
0x305: {  	[tilespmem:s17], [sflag:$0x2] =	stream.indirect_vreg.gather [hbm4b:s1+s21], $0x80, v4, vm0, $0xb8;
	[tilespmem:$0x1A400] =	vst v63  }
0x306: {  	s22 =	simm.s32 $0x11400  }
0x307: {  	[tilespmem:s22], [sflag:$0x2] =	stream.indirect_vreg.gather [hbm4b:s1+s21], $0x80, v3, vm0, $0xb8;
	[tilespmem:$0x1A400] =	vst v63  }
0x308: {  	v3 =	vld [tilespmem:$0x108];
	_ =	sdelay $0x4  }
0x309: {  	v55 =	vshll.u32 v3, $0x1  }
0x30a: {  	v3 =	vand.u32 $0x7, v3;
	v4 =	vand.u32 $0xFFFFFFF0, v55  }
0x30b: {  	v3 =	vor.u32 v3, v4  }
0x30c: {  	v4 =	vperm.xlane v3, v0;
	_ =	sdelay $0x1  }
0x30d: {  	v3 =	vperm.xlane v3, v2;
	v4 =	vadd.s32 v1, v4;
	_ =	sdelay $0x1  }
0x30e: {  	v3 =	vadd.s32 v1, v3;
	_ =	sdelay $0x1  }
0x30f: {  	s17 =	simm.s32 $0x11C00  }
0x310: {  	[tilespmem:s17], [sflag:$0x2] =	stream.indirect_vreg.gather [hbm4b:s1+s21], $0x80, v4, vm0, $0xb8;
	[tilespmem:$0x1A400] =	vst v63  }
0x311: {  	s22 =	simm.s32 $0x12400  }
0x312: {  	[tilespmem:s22], [sflag:$0x2] =	stream.indirect_vreg.gather [hbm4b:s1+s21], $0x80, v3, vm0, $0xb8;
	[tilespmem:$0x1A400] =	vst v63  }
0x313: {  	v3 =	vld [tilespmem:$0x118];
	_ =	sdelay $0x4  }
0x314: {  	v56 =	vshll.u32 v3, $0x1  }
0x315: {  	v3 =	vand.u32 $0x7, v3;
	v4 =	vand.u32 $0xFFFFFFF0, v56  }
0x316: {  	v3 =	vor.u32 v3, v4  }
0x317: {  	v4 =	vperm.xlane v3, v0;
	_ =	sdelay $0x1  }
0x318: {  	v3 =	vperm.xlane v3, v2;
	v4 =	vadd.s32 v1, v4;
	_ =	sdelay $0x1  }
0x319: {  	v3 =	vadd.s32 v1, v3;
	_ =	sdelay $0x1  }
0x31a: {  	s17 =	simm.s32 $0x12C00  }
0x31b: {  	[tilespmem:s17], [sflag:$0x2] =	stream.indirect_vreg.gather [hbm4b:s1+s21], $0x80, v4, vm0, $0xb8;
	[tilespmem:$0x1A400] =	vst v63  }
0x31c: {  	s22 =	simm.s32 $0x13400  }
0x31d: {  	[tilespmem:s22], [sflag:$0x2] =	stream.indirect_vreg.gather [hbm4b:s1+s21], $0x80, v3, vm0, $0xb8;
	[tilespmem:$0x1A400] =	vst v63  }
0x31e: {  	v3 =	vld [tilespmem:$0x128];
	_ =	sdelay $0x4  }
0x31f: {  	v57 =	vshll.u32 v3, $0x1  }
0x320: {  	v3 =	vand.u32 $0x7, v3;
	v4 =	vand.u32 $0xFFFFFFF0, v57  }
0x321: {  	v3 =	vor.u32 v3, v4  }
0x322: {  	v4 =	vperm.xlane v3, v0;
	_ =	sdelay $0x1  }
0x323: {  	v3 =	vperm.xlane v3, v2;
	v4 =	vadd.s32 v1, v4;
	_ =	sdelay $0x1  }
0x324: {  	v3 =	vadd.s32 v1, v3;
	_ =	sdelay $0x1  }
0x325: {  	s17 =	simm.s32 $0x13C00  }
0x326: {  	[tilespmem:s17], [sflag:$0x2] =	stream.indirect_vreg.gather [hbm4b:s1+s21], $0x80, v4, vm0, $0xb8;
	[tilespmem:$0x1A400] =	vst v63  }
0x327: {  	s22 =	simm.s32 $0x14400  }
0x328: {  	[tilespmem:s22], [sflag:$0x2] =	stream.indirect_vreg.gather [hbm4b:s1+s21], $0x80, v3, vm0, $0xb8;
	[tilespmem:$0x1A400] =	vst v63  }
0x329: {  	v3 =	vld [tilespmem:$0x138];
	_ =	sdelay $0x4  }
0x32a: {  	v58 =	vshll.u32 v3, $0x1  }
0x32b: {  	v3 =	vand.u32 $0x7, v3;
	v4 =	vand.u32 $0xFFFFFFF0, v58  }
0x32c: {  	v3 =	vor.u32 v3, v4  }
0x32d: {  	v4 =	vperm.xlane v3, v0;
	_ =	sdelay $0x1  }
0x32e: {  	v3 =	vperm.xlane v3, v2;
	v4 =	vadd.s32 v1, v4;
	_ =	sdelay $0x1  }
0x32f: {  	v3 =	vadd.s32 v1, v3;
	_ =	sdelay $0x1  }
0x330: {  	s17 =	simm.s32 $0x14C00  }
0x331: {  	[tilespmem:s17], [sflag:$0x2] =	stream.indirect_vreg.gather [hbm4b:s1+s21], $0x80, v4, vm0, $0xb8;
	[tilespmem:$0x1A400] =	vst v63  }
0x332: {  	s22 =	simm.s32 $0x15400  }
0x333: {  	[tilespmem:s22], [sflag:$0x2] =	stream.indirect_vreg.gather [hbm4b:s1+s21], $0x80, v3, vm0, $0xb8;
	[tilespmem:$0x1A400] =	vst v63  }
0x334: {  	v3 =	vld [tilespmem:$0x148];
	_ =	sdelay $0x4  }
0x335: {  	v59 =	vshll.u32 v3, $0x1  }
0x336: {  	v3 =	vand.u32 $0x7, v3;
	v4 =	vand.u32 $0xFFFFFFF0, v59  }
0x337: {  	v3 =	vor.u32 v3, v4  }
0x338: {  	v4 =	vperm.xlane v3, v0;
	_ =	sdelay $0x1  }
0x339: {  	v3 =	vperm.xlane v3, v2;
	v4 =	vadd.s32 v1, v4;
	_ =	sdelay $0x1  }
0x33a: {  	v3 =	vadd.s32 v1, v3;
	_ =	sdelay $0x1  }
0x33b: {  	s17 =	simm.s32 $0x15C00  }
0x33c: {  	[tilespmem:s17], [sflag:$0x2] =	stream.indirect_vreg.gather [hbm4b:s1+s21], $0x80, v4, vm0, $0xb8;
	[tilespmem:$0x1A400] =	vst v63  }
0x33d: {  	s22 =	simm.s32 $0x16400  }
0x33e: {  	[tilespmem:s22], [sflag:$0x2] =	stream.indirect_vreg.gather [hbm4b:s1+s21], $0x80, v3, vm0, $0xb8;
	[tilespmem:$0x1A400] =	vst v63  }
0x33f: {  	v3 =	vld [tilespmem:$0x158];
	_ =	sdelay $0x4  }
0x340: {  	v60 =	vshll.u32 v3, $0x1  }
0x341: {  	v3 =	vand.u32 $0x7, v3;
	v4 =	vand.u32 $0xFFFFFFF0, v60  }
0x342: {  	v3 =	vor.u32 v3, v4  }
0x343: {  	v4 =	vperm.xlane v3, v0;
	_ =	sdelay $0x1  }
0x344: {  	v3 =	vperm.xlane v3, v2;
	v4 =	vadd.s32 v1, v4;
	_ =	sdelay $0x1  }
0x345: {  	v3 =	vadd.s32 v1, v3;
	_ =	sdelay $0x1  }
0x346: {  	s17 =	simm.s32 $0x16C00  }
0x347: {  	[tilespmem:s17], [sflag:$0x2] =	stream.indirect_vreg.gather [hbm4b:s1+s21], $0x80, v4, vm0, $0xb8;
	[tilespmem:$0x1A400] =	vst v63  }
0x348: {  	s22 =	simm.s32 $0x17400  }
0x349: {  	[tilespmem:s22], [sflag:$0x2] =	stream.indirect_vreg.gather [hbm4b:s1+s21], $0x80, v3, vm0, $0xb8;
	[tilespmem:$0x1A400] =	vst v63  }
0x34a: {  	v3 =	vld [tilespmem:$0x168];
	_ =	sdelay $0x4  }
0x34b: {  	v61 =	vshll.u32 v3, $0x1  }
0x34c: {  	v3 =	vand.u32 $0x7, v3;
	v4 =	vand.u32 $0xFFFFFFF0, v61  }
0x34d: {  	v3 =	vor.u32 v3, v4  }
0x34e: {  	v4 =	vperm.xlane v3, v0;
	_ =	sdelay $0x1  }
0x34f: {  	v3 =	vperm.xlane v3, v2;
	v4 =	vadd.s32 v1, v4;
	_ =	sdelay $0x1  }
0x350: {  	v3 =	vadd.s32 v1, v3;
	_ =	sdelay $0x1  }
0x351: {  	s17 =	simm.s32 $0x17C00  }
0x352: {  	[tilespmem:s17], [sflag:$0x2] =	stream.indirect_vreg.gather [hbm4b:s1+s21], $0x80, v4, vm0, $0xb8;
	[tilespmem:$0x1A400] =	vst v63  }
0x353: {  	s22 =	simm.s32 $0x18400  }
0x354: {  	[tilespmem:s22], [sflag:$0x2] =	stream.indirect_vreg.gather [hbm4b:s1+s21], $0x80, v3, vm0, $0xb8;
	[tilespmem:$0x1A400] =	vst v63  }
0x355: {  	v3 =	vld [tilespmem:$0x178];
	_ =	sdelay $0x4  }
0x356: {  	v62 =	vshll.u32 v3, $0x1  }
0x357: {  	v3 =	vand.u32 $0x7, v3;
	v4 =	vand.u32 $0xFFFFFFF0, v62  }
0x358: {  	v3 =	vor.u32 v3, v4  }
0x359: {  	v4 =	vperm.xlane v3, v0;
	_ =	sdelay $0x1  }
0x35a: {  	v3 =	vperm.xlane v3, v2;
	v4 =	vadd.s32 v1, v4;
	_ =	sdelay $0x1  }
0x35b: {  	v3 =	vadd.s32 v1, v3;
	_ =	sdelay $0x2  }
0x35c: {  	[tilespmem:s18], [sflag:$0x2] =	stream.indirect_vreg.gather [hbm4b:s1+s21], $0x80, v4, vm0, $0xb8;
	[tilespmem:$0x1A400] =	vst v63  }
0x35d: {  	_ = 	snop  }
0x35e: {  	[tilespmem:s16], [sflag:$0x2] =	stream.indirect_vreg.gather [hbm4b:s1+s21], $0x80, v3, vm0, $0xb8;
	[tilespmem:$0x1A400] =	vst v63  }
0x35f: {  	v3 =	vld.msk [tilespmem:$0x188], $0xff;
	_ =	sdelay $0x4  }
0x360: {  	v63 =	vshll.u32 v3, $0x1  }
0x361: {  	v3 =	vand.u32 $0x7, v3;
	v4 =	vand.u32 $0xFFFFFFF0, v63  }
0x362: {  	v3 =	vor.u32 v3, v4  }
0x363: {  	v3 =	vperm.xlane v3, v0;
	_ =	sdelay $0x1  }
0x364: {  	v3 =	vadd.s32 v1, v3;
	_ =	sdelay $0x3  }
0x365: {  	s17 =	simm.s32 $0x318  }
0x366: {  	[tilespmem:s19], [sflag:$0x2] =	stream.indirect_vreg.gather [hbm4b:s1+s21], $0x80, v3, vm0, $0xb8;
	[tilespmem:$0x1A400] =	vst v63  }
.LBB2_3:
0x367: {  	_ =	swait.ge [sflag:s20], $0xC800  }
0x368: {  	[sflag:s20] =	ssyncset.done $0x0;
	s22 =	rddreg [dreg:$0x9]  }
0x369: {  	[sflag:s20] =	ssyncadd.s32 $0xFFFF3800;
	s22 =	sadd.s32 s21, s22  }
0x36a: {  	[hbm4b:s22+s3] =	stream.linear.scatter [tilespmem:s14], [sflag:$0x3], $0xC800, $0x38;
	[tilespmem:$0x1A400] =	vst v63  }
0x36b: {  	_ =	swait.ge [sflag:s13], $0xC800  }
0x36c: {  	[sflag:s13] =	ssyncset.done $0x0  }
0x36d: {  	[sflag:s13] =	ssyncadd.s32 $0xFFFF3800  }
0x36e: {  	v3 =	vld [tilespmem:s17+$0xFFFFFE78];
	_ =	sdelay $0x4  }
0x36f: {  	v4 =	vshll.u32 v3, $0x1  }
0x370: {  	v3 =	vand.u32 $0x7, v3;
	v4 =	vand.u32 $0xFFFFFFF0, v4  }
0x371: {  	v3 =	vor.u32 v3, v4  }
0x372: {  	v4 =	vperm.xlane v3, v0;
	_ =	sdelay $0x1  }
0x373: {  	v3 =	vperm.xlane v3, v2;
	v4 =	vadd.s32 v1, v4;
	_ =	sdelay $0x1  }
0x374: {  	v3 =	vadd.s32 v1, v3;
	_ =	sdelay $0x2  }
0x375: {  	[tilespmem:s14], [sflag:$0x1] =	stream.indirect_vreg.gather [hbm4b:s1+s3], $0x80, v4, vm0, $0xb8;
	[tilespmem:$0x1A400] =	vst v63  }
0x376: {  	s12 =	simm.s32 $0x1C00  }
0x377: {  	[tilespmem:s12], [sflag:$0x1] =	stream.indirect_vreg.gather [hbm4b:s1+s3], $0x80, v3, vm0, $0xb8;
	[tilespmem:$0x1A400] =	vst v63  }
0x378: {  	v3 =	vld [tilespmem:s17+$0xFFFFFE88];
	_ =	sdelay $0x4  }
0x379: {  	v52 =	vshll.u32 v3, $0x1  }
0x37a: {  	v3 =	vand.u32 $0x7, v3;
	v4 =	vand.u32 $0xFFFFFFF0, v52  }
0x37b: {  	v3 =	vor.u32 v3, v4  }
0x37c: {  	v4 =	vperm.xlane v3, v0;
	_ =	sdelay $0x1  }
0x37d: {  	v3 =	vperm.xlane v3, v2;
	v4 =	vadd.s32 v1, v4;
	_ =	sdelay $0x1  }
0x37e: {  	v3 =	vadd.s32 v1, v3;
	_ =	sdelay $0x1  }
0x37f: {  	s12 =	simm.s32 $0x2400  }
0x380: {  	[tilespmem:s12], [sflag:$0x1] =	stream.indirect_vreg.gather [hbm4b:s1+s3], $0x80, v4, vm0, $0xb8;
	[tilespmem:$0x1A400] =	vst v63  }
0x381: {  	s12 =	simm.s32 $0x2C00  }
0x382: {  	[tilespmem:s12], [sflag:$0x1] =	stream.indirect_vreg.gather [hbm4b:s1+s3], $0x80, v3, vm0, $0xb8;
	[tilespmem:$0x1A400] =	vst v63  }
0x383: {  	v3 =	vld [tilespmem:s17+$0xFFFFFE98];
	_ =	sdelay $0x4  }
0x384: {  	v53 =	vshll.u32 v3, $0x1  }
0x385: {  	v3 =	vand.u32 $0x7, v3;
	v4 =	vand.u32 $0xFFFFFFF0, v53  }
0x386: {  	v3 =	vor.u32 v3, v4  }
0x387: {  	v4 =	vperm.xlane v3, v0;
	_ =	sdelay $0x1  }
0x388: {  	v3 =	vperm.xlane v3, v2;
	v4 =	vadd.s32 v1, v4;
	_ =	sdelay $0x1  }
0x389: {  	v3 =	vadd.s32 v1, v3;
	_ =	sdelay $0x1  }
0x38a: {  	s12 =	simm.s32 $0x3400  }
0x38b: {  	[tilespmem:s12], [sflag:$0x1] =	stream.indirect_vreg.gather [hbm4b:s1+s3], $0x80, v4, vm0, $0xb8;
	[tilespmem:$0x1A400] =	vst v63  }
0x38c: {  	s12 =	simm.s32 $0x3C00  }
0x38d: {  	[tilespmem:s12], [sflag:$0x1] =	stream.indirect_vreg.gather [hbm4b:s1+s3], $0x80, v3, vm0, $0xb8;
	[tilespmem:$0x1A400] =	vst v63  }
0x38e: {  	v3 =	vld [tilespmem:s17+$0xFFFFFEA8];
	_ =	sdelay $0x4  }
0x38f: {  	v54 =	vshll.u32 v3, $0x1  }
0x390: {  	v3 =	vand.u32 $0x7, v3;
	v4 =	vand.u32 $0xFFFFFFF0, v54  }
0x391: {  	v3 =	vor.u32 v3, v4  }
0x392: {  	v4 =	vperm.xlane v3, v0;
	_ =	sdelay $0x1  }
0x393: {  	v3 =	vperm.xlane v3, v2;
	v4 =	vadd.s32 v1, v4;
	_ =	sdelay $0x1  }
0x394: {  	v3 =	vadd.s32 v1, v3;
	_ =	sdelay $0x1  }
0x395: {  	s12 =	simm.s32 $0x4400  }
0x396: {  	[tilespmem:s12], [sflag:$0x1] =	stream.indirect_vreg.gather [hbm4b:s1+s3], $0x80, v4, vm0, $0xb8;
	[tilespmem:$0x1A400] =	vst v63  }
0x397: {  	s12 =	simm.s32 $0x4C00  }
0x398: {  	[tilespmem:s12], [sflag:$0x1] =	stream.indirect_vreg.gather [hbm4b:s1+s3], $0x80, v3, vm0, $0xb8;
	[tilespmem:$0x1A400] =	vst v63  }
0x399: {  	v3 =	vld [tilespmem:s17+$0xFFFFFEB8];
	_ =	sdelay $0x4  }
0x39a: {  	v55 =	vshll.u32 v3, $0x1  }
0x39b: {  	v3 =	vand.u32 $0x7, v3;
	v4 =	vand.u32 $0xFFFFFFF0, v55  }
0x39c: {  	v3 =	vor.u32 v3, v4  }
0x39d: {  	v4 =	vperm.xlane v3, v0;
	_ =	sdelay $0x1  }
0x39e: {  	v3 =	vperm.xlane v3, v2;
	v4 =	vadd.s32 v1, v4;
	_ =	sdelay $0x1  }
0x39f: {  	v3 =	vadd.s32 v1, v3;
	_ =	sdelay $0x1  }
0x3a0: {  	s12 =	simm.s32 $0x5400  }
0x3a1: {  	[tilespmem:s12], [sflag:$0x1] =	stream.indirect_vreg.gather [hbm4b:s1+s3], $0x80, v4, vm0, $0xb8;
	[tilespmem:$0x1A400] =	vst v63  }
0x3a2: {  	_ = 	snop  }
0x3a3: {  	[tilespmem:s23], [sflag:$0x1] =	stream.indirect_vreg.gather [hbm4b:s1+s3], $0x80, v3, vm0, $0xb8;
	[tilespmem:$0x1A400] =	vst v63  }
0x3a4: {  	v3 =	vld [tilespmem:s17+$0xFFFFFEC8];
	_ =	sdelay $0x4  }
0x3a5: {  	v56 =	vshll.u32 v3, $0x1  }
0x3a6: {  	v3 =	vand.u32 $0x7, v3;
	v4 =	vand.u32 $0xFFFFFFF0, v56  }
0x3a7: {  	v3 =	vor.u32 v3, v4  }
0x3a8: {  	v4 =	vperm.xlane v3, v0;
	_ =	sdelay $0x1  }
0x3a9: {  	v3 =	vperm.xlane v3, v2;
	v4 =	vadd.s32 v1, v4;
	_ =	sdelay $0x1  }
0x3aa: {  	v3 =	vadd.s32 v1, v3;
	_ =	sdelay $0x2  }
0x3ab: {  	[tilespmem:s24], [sflag:$0x1] =	stream.indirect_vreg.gather [hbm4b:s1+s3], $0x80, v4, vm0, $0xb8;
	[tilespmem:$0x1A400] =	vst v63  }
0x3ac: {  	_ = 	snop  }
0x3ad: {  	[tilespmem:s25], [sflag:$0x1] =	stream.indirect_vreg.gather [hbm4b:s1+s3], $0x80, v3, vm0, $0xb8;
	[tilespmem:$0x1A400] =	vst v63  }
0x3ae: {  	v3 =	vld [tilespmem:s17+$0xFFFFFED8];
	_ =	sdelay $0x4  }
0x3af: {  	v57 =	vshll.u32 v3, $0x1  }
0x3b0: {  	v3 =	vand.u32 $0x7, v3;
	v4 =	vand.u32 $0xFFFFFFF0, v57  }
0x3b1: {  	v3 =	vor.u32 v3, v4  }
0x3b2: {  	v4 =	vperm.xlane v3, v0;
	_ =	sdelay $0x1  }
0x3b3: {  	v3 =	vperm.xlane v3, v2;
	v4 =	vadd.s32 v1, v4;
	_ =	sdelay $0x1  }
0x3b4: {  	v3 =	vadd.s32 v1, v3;
	_ =	sdelay $0x2  }
0x3b5: {  	[tilespmem:s26], [sflag:$0x1] =	stream.indirect_vreg.gather [hbm4b:s1+s3], $0x80, v4, vm0, $0xb8;
	[tilespmem:$0x1A400] =	vst v63  }
0x3b6: {  	_ = 	snop  }
0x3b7: {  	[tilespmem:s28], [sflag:$0x1] =	stream.indirect_vreg.gather [hbm4b:s1+s3], $0x80, v3, vm0, $0xb8;
	[tilespmem:$0x1A400] =	vst v63  }
0x3b8: {  	v3 =	vld [tilespmem:s17+$0xFFFFFEE8];
	_ =	sdelay $0x4  }
0x3b9: {  	v58 =	vshll.u32 v3, $0x1  }
0x3ba: {  	v3 =	vand.u32 $0x7, v3;
	v4 =	vand.u32 $0xFFFFFFF0, v58  }
0x3bb: {  	v3 =	vor.u32 v3, v4  }
0x3bc: {  	v4 =	vperm.xlane v3, v0;
	_ =	sdelay $0x1  }
0x3bd: {  	v3 =	vperm.xlane v3, v2;
	v4 =	vadd.s32 v1, v4;
	_ =	sdelay $0x1  }
0x3be: {  	v3 =	vadd.s32 v1, v3;
	_ =	sdelay $0x2  }
0x3bf: {  	[tilespmem:s29], [sflag:$0x1] =	stream.indirect_vreg.gather [hbm4b:s1+s3], $0x80, v4, vm0, $0xb8;
	[tilespmem:$0x1A400] =	vst v63  }
0x3c0: {  	_ = 	snop  }
0x3c1: {  	[tilespmem:s30], [sflag:$0x1] =	stream.indirect_vreg.gather [hbm4b:s1+s3], $0x80, v3, vm0, $0xb8;
	[tilespmem:$0x1A400] =	vst v63  }
0x3c2: {  	v3 =	vld [tilespmem:s17+$0xFFFFFEF8];
	_ =	sdelay $0x4  }
0x3c3: {  	v59 =	vshll.u32 v3, $0x1  }
0x3c4: {  	v3 =	vand.u32 $0x7, v3;
	v4 =	vand.u32 $0xFFFFFFF0, v59  }
0x3c5: {  	v3 =	vor.u32 v3, v4  }
0x3c6: {  	v4 =	vperm.xlane v3, v0;
	_ =	sdelay $0x1  }
0x3c7: {  	v3 =	vperm.xlane v3, v2;
	v4 =	vadd.s32 v1, v4;
	_ =	sdelay $0x1  }
0x3c8: {  	v3 =	vadd.s32 v1, v3;
	_ =	sdelay $0x2  }
0x3c9: {  	[tilespmem:s31], [sflag:$0x1] =	stream.indirect_vreg.gather [hbm4b:s1+s3], $0x80, v4, vm0, $0xb8;
	[tilespmem:$0x1A400] =	vst v63  }
0x3ca: {  	_ = 	snop  }
0x3cb: {  	[tilespmem:s0], [sflag:$0x1] =	stream.indirect_vreg.gather [hbm4b:s1+s3], $0x80, v3, vm0, $0xb8;
	[tilespmem:$0x1A400] =	vst v63  }
0x3cc: {  	v3 =	vld [tilespmem:s17+$0xFFFFFF08];
	_ =	sdelay $0x4  }
0x3cd: {  	v60 =	vshll.u32 v3, $0x1  }
0x3ce: {  	v3 =	vand.u32 $0x7, v3;
	v4 =	vand.u32 $0xFFFFFFF0, v60  }
0x3cf: {  	v3 =	vor.u32 v3, v4  }
0x3d0: {  	v4 =	vperm.xlane v3, v0;
	_ =	sdelay $0x1  }
0x3d1: {  	v3 =	vperm.xlane v3, v2;
	v4 =	vadd.s32 v1, v4;
	_ =	sdelay $0x1  }
0x3d2: {  	v3 =	vadd.s32 v1, v3;
	_ =	sdelay $0x2  }
0x3d3: {  	[tilespmem:s2], [sflag:$0x1] =	stream.indirect_vreg.gather [hbm4b:s1+s3], $0x80, v4, vm0, $0xb8;
	[tilespmem:$0x1A400] =	vst v63  }
0x3d4: {  	_ = 	snop  }
0x3d5: {  	[tilespmem:s7], [sflag:$0x1] =	stream.indirect_vreg.gather [hbm4b:s1+s3], $0x80, v3, vm0, $0xb8;
	[tilespmem:$0x1A400] =	vst v63  }
0x3d6: {  	v3 =	vld [tilespmem:s17+$0xFFFFFF18];
	_ =	sdelay $0x4  }
0x3d7: {  	v61 =	vshll.u32 v3, $0x1  }
0x3d8: {  	v3 =	vand.u32 $0x7, v3;
	v4 =	vand.u32 $0xFFFFFFF0, v61  }
0x3d9: {  	v3 =	vor.u32 v3, v4  }
0x3da: {  	v4 =	vperm.xlane v3, v0;
	_ =	sdelay $0x1  }
0x3db: {  	v3 =	vperm.xlane v3, v2;
	v4 =	vadd.s32 v1, v4;
	_ =	sdelay $0x1  }
0x3dc: {  	v3 =	vadd.s32 v1, v3;
	_ =	sdelay $0x2  }
0x3dd: {  	[tilespmem:s9], [sflag:$0x1] =	stream.indirect_vreg.gather [hbm4b:s1+s3], $0x80, v4, vm0, $0xb8;
	[tilespmem:$0x1A400] =	vst v63  }
0x3de: {  	_ = 	snop  }
0x3df: {  	[tilespmem:s5], [sflag:$0x1] =	stream.indirect_vreg.gather [hbm4b:s1+s3], $0x80, v3, vm0, $0xb8;
	[tilespmem:$0x1A400] =	vst v63  }
0x3e0: {  	v3 =	vld [tilespmem:s17+$0xFFFFFF28];
	_ =	sdelay $0x4  }
0x3e1: {  	v62 =	vshll.u32 v3, $0x1  }
0x3e2: {  	v3 =	vand.u32 $0x7, v3;
	v4 =	vand.u32 $0xFFFFFFF0, v62  }
0x3e3: {  	v3 =	vor.u32 v3, v4  }
0x3e4: {  	v4 =	vperm.xlane v3, v0;
	_ =	sdelay $0x1  }
0x3e5: {  	v3 =	vperm.xlane v3, v2;
	v4 =	vadd.s32 v1, v4;
	_ =	sdelay $0x1  }
0x3e6: {  	v3 =	vadd.s32 v1, v3;
	_ =	sdelay $0x2  }
0x3e7: {  	[tilespmem:s6], [sflag:$0x1] =	stream.indirect_vreg.gather [hbm4b:s1+s3], $0x80, v4, vm0, $0xb8;
	[tilespmem:$0x1A400] =	vst v63  }
0x3e8: {  	_ = 	snop  }
0x3e9: {  	[tilespmem:s8], [sflag:$0x1] =	stream.indirect_vreg.gather [hbm4b:s1+s3], $0x80, v3, vm0, $0xb8;
	[tilespmem:$0x1A400] =	vst v63  }
0x3ea: {  	v3 =	vld.msk [tilespmem:s17+$0xFFFFFF38], $0xff;
	_ =	sdelay $0x4  }
0x3eb: {  	v63 =	vshll.u32 v3, $0x1  }
0x3ec: {  	v3 =	vand.u32 $0x7, v3;
	v4 =	vand.u32 $0xFFFFFFF0, v63  }
0x3ed: {  	v3 =	vor.u32 v3, v4  }
0x3ee: {  	v3 =	vperm.xlane v3, v0;
	_ =	sdelay $0x1  }
0x3ef: {  	v3 =	vadd.s32 v1, v3;
	_ =	sdelay $0x4  }
0x3f0: {  	[tilespmem:s10], [sflag:$0x1] =	stream.indirect_vreg.gather [hbm4b:s1+s3], $0x80, v3, vm0, $0xb8;
	[tilespmem:$0x1A400] =	vst v63  }
0x3f1: {  	_ =	swait.ge [sflag:s15], $0xC800  }
0x3f2: {  	p1 =	seq.s32 s21, $0x22600;
	[sflag:s15] =	ssyncset.done $0x0  }
.Ltmp5:
0x3f3: {  	s22 =	sadd.s32 $0x1900, s22;
	[sflag:s15] =	ssyncadd.s32 $0xFFFF3800;
	(pc) =	sbr.rel @p1 .LBB2_4-.Ltmp5, $4  }
0x3f4: {  	[hbm4b:s22+s3] =	stream.linear.scatter [tilespmem:s11], [sflag:$0x3], $0xC800, $0x38;
	[tilespmem:$0x1A400] =	vst v63  }
0x3f5: {  	_ =	swait.ge [sflag:s13], $0xC800  }
0x3f6: {  	[sflag:s13] =	ssyncset.done $0x0  }
0x3f7: {  	[sflag:s13] =	ssyncadd.s32 $0xFFFF3800  }
0x3f8: {  	v3 =	vld [tilespmem:s17+$0xFFFFFF40];
	_ =	sdelay $0x4  }
0x3f9: {  	v4 =	vshll.u32 v3, $0x1  }
0x3fa: {  	v3 =	vand.u32 $0x7, v3;
	v4 =	vand.u32 $0xFFFFFFF0, v4  }
0x3fb: {  	v3 =	vor.u32 v3, v4  }
0x3fc: {  	v4 =	vperm.xlane v3, v0;
	_ =	sdelay $0x1  }
0x3fd: {  	v3 =	vperm.xlane v3, v2;
	v4 =	vadd.s32 v1, v4;
	_ =	sdelay $0x1  }
0x3fe: {  	v3 =	vadd.s32 v1, v3;
	_ =	sdelay $0x2  }
0x3ff: {  	[tilespmem:s11], [sflag:$0x2] =	stream.indirect_vreg.gather [hbm4b:s1+s3], $0x80, v4, vm0, $0xb8;
	[tilespmem:$0x1A400] =	vst v63  }
0x400: {  	s12 =	simm.s32 $0xE400  }
0x401: {  	[tilespmem:s12], [sflag:$0x2] =	stream.indirect_vreg.gather [hbm4b:s1+s3], $0x80, v3, vm0, $0xb8;
	[tilespmem:$0x1A400] =	vst v63  }
0x402: {  	v3 =	vld [tilespmem:s17+$0xFFFFFF50];
	_ =	sdelay $0x4  }
0x403: {  	v52 =	vshll.u32 v3, $0x1  }
0x404: {  	v3 =	vand.u32 $0x7, v3;
	v4 =	vand.u32 $0xFFFFFFF0, v52  }
0x405: {  	v3 =	vor.u32 v3, v4  }
0x406: {  	v4 =	vperm.xlane v3, v0;
	_ =	sdelay $0x1  }
0x407: {  	v3 =	vperm.xlane v3, v2;
	v4 =	vadd.s32 v1, v4;
	_ =	sdelay $0x1  }
0x408: {  	v3 =	vadd.s32 v1, v3;
	_ =	sdelay $0x1  }
0x409: {  	s22 =	simm.s32 $0xEC00  }
0x40a: {  	[tilespmem:s22], [sflag:$0x2] =	stream.indirect_vreg.gather [hbm4b:s1+s3], $0x80, v4, vm0, $0xb8;
	[tilespmem:$0x1A400] =	vst v63  }
0x40b: {  	s22 =	simm.s32 $0xF400  }
0x40c: {  	[tilespmem:s22], [sflag:$0x2] =	stream.indirect_vreg.gather [hbm4b:s1+s3], $0x80, v3, vm0, $0xb8;
	[tilespmem:$0x1A400] =	vst v63  }
0x40d: {  	v3 =	vld [tilespmem:s17+$0xFFFFFF60];
	_ =	sdelay $0x4  }
0x40e: {  	v53 =	vshll.u32 v3, $0x1  }
0x40f: {  	v3 =	vand.u32 $0x7, v3;
	v4 =	vand.u32 $0xFFFFFFF0, v53  }
0x410: {  	v3 =	vor.u32 v3, v4  }
0x411: {  	v4 =	vperm.xlane v3, v0;
	_ =	sdelay $0x1  }
0x412: {  	v3 =	vperm.xlane v3, v2;
	v4 =	vadd.s32 v1, v4;
	_ =	sdelay $0x1  }
0x413: {  	v3 =	vadd.s32 v1, v3;
	_ =	sdelay $0x1  }
0x414: {  	s22 =	simm.s32 $0xFC00  }
0x415: {  	[tilespmem:s22], [sflag:$0x2] =	stream.indirect_vreg.gather [hbm4b:s1+s3], $0x80, v4, vm0, $0xb8;
	[tilespmem:$0x1A400] =	vst v63  }
0x416: {  	s22 =	simm.s32 $0x10400  }
0x417: {  	[tilespmem:s22], [sflag:$0x2] =	stream.indirect_vreg.gather [hbm4b:s1+s3], $0x80, v3, vm0, $0xb8;
	[tilespmem:$0x1A400] =	vst v63  }
0x418: {  	v3 =	vld [tilespmem:s17+$0xFFFFFF70];
	_ =	sdelay $0x4  }
0x419: {  	v54 =	vshll.u32 v3, $0x1  }
0x41a: {  	v3 =	vand.u32 $0x7, v3;
	v4 =	vand.u32 $0xFFFFFFF0, v54  }
0x41b: {  	v3 =	vor.u32 v3, v4  }
0x41c: {  	v4 =	vperm.xlane v3, v0;
	_ =	sdelay $0x1  }
0x41d: {  	v3 =	vperm.xlane v3, v2;
	v4 =	vadd.s32 v1, v4;
	_ =	sdelay $0x1  }
0x41e: {  	v3 =	vadd.s32 v1, v3;
	_ =	sdelay $0x1  }
0x41f: {  	s22 =	simm.s32 $0x10C00  }
0x420: {  	[tilespmem:s22], [sflag:$0x2] =	stream.indirect_vreg.gather [hbm4b:s1+s3], $0x80, v4, vm0, $0xb8;
	[tilespmem:$0x1A400] =	vst v63  }
0x421: {  	s22 =	simm.s32 $0x11400  }
0x422: {  	[tilespmem:s22], [sflag:$0x2] =	stream.indirect_vreg.gather [hbm4b:s1+s3], $0x80, v3, vm0, $0xb8;
	[tilespmem:$0x1A400] =	vst v63  }
0x423: {  	v3 =	vld [tilespmem:s17+$0xFFFFFF80];
	_ =	sdelay $0x4  }
0x424: {  	v55 =	vshll.u32 v3, $0x1  }
0x425: {  	v3 =	vand.u32 $0x7, v3;
	v4 =	vand.u32 $0xFFFFFFF0, v55  }
0x426: {  	v3 =	vor.u32 v3, v4  }
0x427: {  	v4 =	vperm.xlane v3, v0;
	_ =	sdelay $0x1  }
0x428: {  	v3 =	vperm.xlane v3, v2;
	v4 =	vadd.s32 v1, v4;
	_ =	sdelay $0x1  }
0x429: {  	v3 =	vadd.s32 v1, v3;
	_ =	sdelay $0x1  }
0x42a: {  	s22 =	simm.s32 $0x11C00  }
0x42b: {  	[tilespmem:s22], [sflag:$0x2] =	stream.indirect_vreg.gather [hbm4b:s1+s3], $0x80, v4, vm0, $0xb8;
	[tilespmem:$0x1A400] =	vst v63  }
0x42c: {  	s22 =	simm.s32 $0x12400  }
0x42d: {  	[tilespmem:s22], [sflag:$0x2] =	stream.indirect_vreg.gather [hbm4b:s1+s3], $0x80, v3, vm0, $0xb8;
	[tilespmem:$0x1A400] =	vst v63  }
0x42e: {  	v3 =	vld [tilespmem:s17+$0xFFFFFF90];
	_ =	sdelay $0x4  }
0x42f: {  	v56 =	vshll.u32 v3, $0x1  }
0x430: {  	v3 =	vand.u32 $0x7, v3;
	v4 =	vand.u32 $0xFFFFFFF0, v56  }
0x431: {  	v3 =	vor.u32 v3, v4  }
0x432: {  	v4 =	vperm.xlane v3, v0;
	_ =	sdelay $0x1  }
0x433: {  	v3 =	vperm.xlane v3, v2;
	v4 =	vadd.s32 v1, v4;
	_ =	sdelay $0x1  }
0x434: {  	v3 =	vadd.s32 v1, v3;
	_ =	sdelay $0x1  }
0x435: {  	s22 =	simm.s32 $0x12C00  }
0x436: {  	[tilespmem:s22], [sflag:$0x2] =	stream.indirect_vreg.gather [hbm4b:s1+s3], $0x80, v4, vm0, $0xb8;
	[tilespmem:$0x1A400] =	vst v63  }
0x437: {  	s22 =	simm.s32 $0x13400  }
0x438: {  	[tilespmem:s22], [sflag:$0x2] =	stream.indirect_vreg.gather [hbm4b:s1+s3], $0x80, v3, vm0, $0xb8;
	[tilespmem:$0x1A400] =	vst v63  }
0x439: {  	v3 =	vld [tilespmem:s17+$0xFFFFFFA0];
	_ =	sdelay $0x4  }
0x43a: {  	v57 =	vshll.u32 v3, $0x1  }
0x43b: {  	v3 =	vand.u32 $0x7, v3;
	v4 =	vand.u32 $0xFFFFFFF0, v57  }
0x43c: {  	v3 =	vor.u32 v3, v4  }
0x43d: {  	v4 =	vperm.xlane v3, v0;
	_ =	sdelay $0x1  }
0x43e: {  	v3 =	vperm.xlane v3, v2;
	v4 =	vadd.s32 v1, v4;
	_ =	sdelay $0x1  }
0x43f: {  	v3 =	vadd.s32 v1, v3;
	_ =	sdelay $0x1  }
0x440: {  	s22 =	simm.s32 $0x13C00  }
0x441: {  	[tilespmem:s22], [sflag:$0x2] =	stream.indirect_vreg.gather [hbm4b:s1+s3], $0x80, v4, vm0, $0xb8;
	[tilespmem:$0x1A400] =	vst v63  }
0x442: {  	s22 =	simm.s32 $0x14400  }
0x443: {  	[tilespmem:s22], [sflag:$0x2] =	stream.indirect_vreg.gather [hbm4b:s1+s3], $0x80, v3, vm0, $0xb8;
	[tilespmem:$0x1A400] =	vst v63  }
0x444: {  	v3 =	vld [tilespmem:s17+$0xFFFFFFB0];
	_ =	sdelay $0x4  }
0x445: {  	v58 =	vshll.u32 v3, $0x1  }
0x446: {  	v3 =	vand.u32 $0x7, v3;
	v4 =	vand.u32 $0xFFFFFFF0, v58  }
0x447: {  	v3 =	vor.u32 v3, v4  }
0x448: {  	v4 =	vperm.xlane v3, v0;
	_ =	sdelay $0x1  }
0x449: {  	v3 =	vperm.xlane v3, v2;
	v4 =	vadd.s32 v1, v4;
	_ =	sdelay $0x1  }
0x44a: {  	v3 =	vadd.s32 v1, v3;
	_ =	sdelay $0x1  }
0x44b: {  	s22 =	simm.s32 $0x14C00  }
0x44c: {  	[tilespmem:s22], [sflag:$0x2] =	stream.indirect_vreg.gather [hbm4b:s1+s3], $0x80, v4, vm0, $0xb8;
	[tilespmem:$0x1A400] =	vst v63  }
0x44d: {  	s22 =	simm.s32 $0x15400  }
0x44e: {  	[tilespmem:s22], [sflag:$0x2] =	stream.indirect_vreg.gather [hbm4b:s1+s3], $0x80, v3, vm0, $0xb8;
	[tilespmem:$0x1A400] =	vst v63  }
0x44f: {  	v3 =	vld [tilespmem:s17+$0xFFFFFFC0];
	_ =	sdelay $0x4  }
0x450: {  	v59 =	vshll.u32 v3, $0x1  }
0x451: {  	v3 =	vand.u32 $0x7, v3;
	v4 =	vand.u32 $0xFFFFFFF0, v59  }
0x452: {  	v3 =	vor.u32 v3, v4  }
0x453: {  	v4 =	vperm.xlane v3, v0;
	_ =	sdelay $0x1  }
0x454: {  	v3 =	vperm.xlane v3, v2;
	v4 =	vadd.s32 v1, v4;
	_ =	sdelay $0x1  }
0x455: {  	v3 =	vadd.s32 v1, v3;
	_ =	sdelay $0x1  }
0x456: {  	s22 =	simm.s32 $0x15C00  }
0x457: {  	[tilespmem:s22], [sflag:$0x2] =	stream.indirect_vreg.gather [hbm4b:s1+s3], $0x80, v4, vm0, $0xb8;
	[tilespmem:$0x1A400] =	vst v63  }
0x458: {  	s22 =	simm.s32 $0x16400  }
0x459: {  	[tilespmem:s22], [sflag:$0x2] =	stream.indirect_vreg.gather [hbm4b:s1+s3], $0x80, v3, vm0, $0xb8;
	[tilespmem:$0x1A400] =	vst v63  }
0x45a: {  	v3 =	vld [tilespmem:s17+$0xFFFFFFD0];
	_ =	sdelay $0x4  }
0x45b: {  	v60 =	vshll.u32 v3, $0x1  }
0x45c: {  	v3 =	vand.u32 $0x7, v3;
	v4 =	vand.u32 $0xFFFFFFF0, v60  }
0x45d: {  	v3 =	vor.u32 v3, v4  }
0x45e: {  	v4 =	vperm.xlane v3, v0;
	_ =	sdelay $0x1  }
0x45f: {  	v3 =	vperm.xlane v3, v2;
	v4 =	vadd.s32 v1, v4;
	_ =	sdelay $0x1  }
0x460: {  	v3 =	vadd.s32 v1, v3;
	_ =	sdelay $0x1  }
0x461: {  	s22 =	simm.s32 $0x16C00  }
0x462: {  	[tilespmem:s22], [sflag:$0x2] =	stream.indirect_vreg.gather [hbm4b:s1+s3], $0x80, v4, vm0, $0xb8;
	[tilespmem:$0x1A400] =	vst v63  }
0x463: {  	s22 =	simm.s32 $0x17400  }
0x464: {  	[tilespmem:s22], [sflag:$0x2] =	stream.indirect_vreg.gather [hbm4b:s1+s3], $0x80, v3, vm0, $0xb8;
	[tilespmem:$0x1A400] =	vst v63  }
0x465: {  	v3 =	vld [tilespmem:s17+$0xFFFFFFE0];
	_ =	sdelay $0x4  }
0x466: {  	v61 =	vshll.u32 v3, $0x1  }
0x467: {  	v3 =	vand.u32 $0x7, v3;
	v4 =	vand.u32 $0xFFFFFFF0, v61  }
0x468: {  	v3 =	vor.u32 v3, v4  }
0x469: {  	v4 =	vperm.xlane v3, v0;
	_ =	sdelay $0x1  }
0x46a: {  	v3 =	vperm.xlane v3, v2;
	v4 =	vadd.s32 v1, v4;
	_ =	sdelay $0x1  }
0x46b: {  	v3 =	vadd.s32 v1, v3;
	_ =	sdelay $0x1  }
0x46c: {  	s22 =	simm.s32 $0x17C00  }
0x46d: {  	[tilespmem:s22], [sflag:$0x2] =	stream.indirect_vreg.gather [hbm4b:s1+s3], $0x80, v4, vm0, $0xb8;
	[tilespmem:$0x1A400] =	vst v63  }
0x46e: {  	s22 =	simm.s32 $0x18400  }
0x46f: {  	[tilespmem:s22], [sflag:$0x2] =	stream.indirect_vreg.gather [hbm4b:s1+s3], $0x80, v3, vm0, $0xb8;
	[tilespmem:$0x1A400] =	vst v63  }
0x470: {  	v3 =	vld [tilespmem:s17+$0xFFFFFFF0];
	_ =	sdelay $0x4  }
0x471: {  	v62 =	vshll.u32 v3, $0x1  }
0x472: {  	v3 =	vand.u32 $0x7, v3;
	v4 =	vand.u32 $0xFFFFFFF0, v62  }
0x473: {  	v3 =	vor.u32 v3, v4  }
0x474: {  	v4 =	vperm.xlane v3, v0;
	_ =	sdelay $0x1  }
0x475: {  	v3 =	vperm.xlane v3, v2;
	v4 =	vadd.s32 v1, v4;
	_ =	sdelay $0x1  }
0x476: {  	v3 =	vadd.s32 v1, v3;
	_ =	sdelay $0x2  }
0x477: {  	[tilespmem:s18], [sflag:$0x2] =	stream.indirect_vreg.gather [hbm4b:s1+s3], $0x80, v4, vm0, $0xb8;
	[tilespmem:$0x1A400] =	vst v63  }
0x478: {  	_ = 	snop  }
0x479: {  	[tilespmem:s16], [sflag:$0x2] =	stream.indirect_vreg.gather [hbm4b:s1+s3], $0x80, v3, vm0, $0xb8;
	[tilespmem:$0x1A400] =	vst v63  }
0x47a: {  	v3 =	vld.msk [tilespmem:s17+$0x0], $0xff;
	_ =	sdelay $0x4  }
0x47b: {  	v63 =	vshll.u32 v3, $0x1  }
0x47c: {  	v3 =	vand.u32 $0x7, v3;
	v4 =	vand.u32 $0xFFFFFFF0, v63  }
0x47d: {  	v3 =	vor.u32 v3, v4  }
0x47e: {  	v3 =	vperm.xlane v3, v0;
	_ =	sdelay $0x1  }
0x47f: {  	v3 =	vadd.s32 v1, v3  }
.Ltmp6:
0x480: {  	_ = 	snop;
	(pc) =	sbr.rel .LBB2_3-.Ltmp6, $3  }
0x481: {  	_ =	sdelay $0x1  }
0x482: {  	s21 =	sadd.s32 $0x3200, s21;
	s17 =	sadd.s32 $0x190, s17  }
0x483: {  	[tilespmem:s19], [sflag:$0x2] =	stream.indirect_vreg.gather [hbm4b:s1+s3], $0x80, v3, vm0, $0xb8;
	[tilespmem:$0x1A400] =	vst v63  }
.LBB2_4:
.Ltmp7:
0x484: {  	(pc) =	sbr.rel .LBB2_9-.Ltmp7, $3  }
0x485: {  	_ =	sdelay $0x1  }
0x486: {  	s17 =	rddreg [dreg:$0x3]  }
0x487: {  	s12 =	rddreg [dreg:$0xb]  }
.LBB2_10:
0x488: {  	_ =	sfence.sel $0x180000  }
0x489: {  	[bflag:$0x0] =	sbarrier.arrive $0xFFFF  }
0x48a: {  	_ =	strace $0x90000047  }
0x48b: {  	s0 =	stileid.u32;
	[bflag:$0x2] =	sbarrier.arrive $0xFFFF  }
0x48c: {  	p0 =	sne.s32 s0, $0x0;
	s0 =	rddreg [dreg:$0x2]  }
0x48d: {  	s0 =	sadd.s32 @!p0 $0x100000, s0  }
0x48e: {  	[sflag:s0] =	ssyncadd.tile.s32 @!p0 $0x1;
	_ =	shalt  }
.Lfunc_end2:
_tile_overlayer_lowered:
.L_overlay_start_2:
0x48f: {  	(tag) =	ssettag $0x2  }
0x490: {  	s0 =	rddreg [dreg:$0x0];
	s2 =	stileid.u32  }
0x491: {  	s1 =	rddreg [dreg:$0x1];
	p0 =	sne.s32 s2, $0x0  }
0x492: {  	s3 =	rddreg [dreg:$0x2];
	[bflag:$0x3] =	sbarrier.arrive $0xFFFF;
	s2 =	simm.s32 @!p0 $0x1C03  }
0x493: {  	[timem:s3], [sflag:s2] =	dma.local @!p0 [hbm:s0], s1  }
0x494: {  	s0 =	simm.s32 @!p0 $0x3  }
0x495: {  	_ =	swait.ge @!p0 [sflag:s0], s1  }
0x496: {  	s1 =	ssub.s32 @!p0 $0x0, s1;
	[sflag:s0] =	ssyncset.done @!p0 $0x0  }
0x497: {  	[sflag:s0] =	ssyncadd.s32 @!p0 s1  }
0x498: {  	[bflag:$0x3] =	sbarrier.arrive $0xFFFF  }
0x499: {  	_ =	shalt  }

// kernel: kernel.13.cloned.1.call-start
scs
__scs_entry_jumppad:
0x0: {  	(pc) =	sbr.rel $0x88, $3  }
0x1: {  	(tag) =	ssettag $0x0;
	lr =	simm.s32 $0x1  }
0x2: {  	[smem:$0x3F96] =	sst lr;
	_ =	strace $0xD0000000  }
0x3: {  	_ = 	snop  }
0x4: {  	_ = 	snop  }
0x5: {  	_ = 	snop  }
0x6: {  	_ = 	snop  }
0x7: {  	_ = 	snop  }
__scs_overlays_trampoline_lowered:
0x8: {  	[smem:$0x3FA5] =	sst s0  }
0x9: {  	[smem:$0x3FA6] =	sst s1  }
0xa: {  	[smem:$0x3FA7] =	sst s2  }
0xb: {  	[smem:$0x3FA8] =	sst s3  }
0xc: {  	[smem:$0x3FA9] =	sst s4  }
0xd: {  	[smem:$0x3FAA] =	sst s5  }
0xe: {  	[smem:$0x3FAB] =	sst s6  }
0xf: {  	[smem:$0x3FAC] =	sst s7  }
0x10: {  	[smem:$0x3FAD] =	sst s8  }
0x11: {  	[smem:$0x3FAE] =	sst s9;
	s0 =	simm.s32 @!p0 $0x0  }
0x12: {  	s1 =	sld [smem:$0x3F94];
	s0 =	simm.s32 @p0 $0x1  }
0x13: {  	[smem:$0x3FAF] =	sst s0;
	s0 =	simm.s32 @!p1 $0x0  }
0x14: {  	s2 =	sld [smem:$0x3F93];
	s0 =	simm.s32 @p1 $0x1  }
0x15: {  	[smem:$0x3FB0] =	sst s0;
	s0 =	simm.s32 @!p2 $0x0  }
0x16: {  	s3 =	sld [smem:$0x3FDB];
	s0 =	simm.s32 @p2 $0x1  }
0x17: {  	s4 =	simm.s32 $0x1BF5;
	[smem:$0x3FB2] =	sst s0  }
0x18: {  	s0 =	sld [smem:$0x3F95];
	_ =	swait.ge [sflag:s4], $0x0  }
0x19: {  	s7 =	sld [smem:$0x3F96]  }
0x1a: {  	s8 =	sadd.s32 $0xFFFFE003, lr  }
0x1b: {  	s9 =	sadd.s32 $0xFFFFFEF7, lr;
	s5 =	simm.s32 $0xFFFFFFFF;
	p2 =	slt.u32 s8, $0xFFFFF086  }
0x1c: {  	p1 =	slt.u32 s9, $0xF7A;
	s5 =	simm.s32 @!p2 $0x0  }
0x1d: {  	s5 =	simm.s32 @p1 $0x1;
	p0 =	seq.s32 s7, s2  }
0x1e: {  	s7 =	smul.u32 @!p0 $0xF7A, s2;
	p2 =	seq.s32 @!p0 s5, $0x0  }
0x1f: {  	s9 =	smul.u32 $0xF7A, s1;
	s8 =	simm.s32 @!p0 $0x1BF5;
	p2 =	por !p2, p0  }
0x20: {  	[sflag:s8] =	ssyncset.s32 @!p0 $0xFFFFF086;
	s6 =	sadd.s32 @!p0 s3, s7;
	s7 =	simm.s32 @!p0 $0x108  }
0x21: {  	s3 =	sadd.s32 s3, s9;
	s6 =	sadd.s32 @!p0 $0x88, s6;
	s7 =	simm.s32 @p2 $0x1082  }
0x22: {  	[simem:s7], [sflag:s8] =	dma.local @!p0 [hbm:s6], $0xF7A  }
0x23: {  	s9 =	sor.u32 $0xD0000000, s2;
	s6 =	simm.s32 $0x108;
	_ =	swait.ge @!p0 [sflag:s8], $0x0  }
0x24: {  	s3 =	sadd.s32 $0x88, s3;
	s6 =	simm.s32 @!p1 $0x1082;
	[sflag:s4] =	ssyncset.s32 $0xFFFFF086  }
0x25: {  	[simem:s6], [sflag:s4] =	dma.local [hbm:s3], $0xF7A  }
0x26: {  	[smem:$0x3F96] =	sst s1;
	(tag) =	ssettag s2;
	_ =	strace s9  }
0x27: {  	s1 =	sld [smem:$0x3FA6]  }
0x28: {  	s2 =	sld [smem:$0x3FA7]  }
0x29: {  	s4 =	sld [smem:$0x3FA9]  }
0x2a: {  	p0 =	seq.s32 s5, $0x0;
	s5 =	sld [smem:$0x3FAA]  }
0x2b: {  	s6 =	sld [smem:$0x3FAB]  }
0x2c: {  	s7 =	sld [smem:$0x3FAC]  }
0x2d: {  	s3 =	simm.s32 $0x108;
	s8 =	sld [smem:$0x3FAD]  }
0x2e: {  	s3 =	simm.s32 @!p0 $0x1082;
	s9 =	sld [smem:$0x3FAE]  }
0x2f: {  	lr =	sadd.s32 s0, s3;
	s0 =	sld [smem:$0x3FA5]  }
0x30: {  	s3 =	sld [smem:$0x3FA8]  }
0x31: {  	[smem:$0x3FB1] =	sst s10  }
0x32: {  	s10 =	sld [smem:$0x3FAF];
	_ =	sdelay $0x3  }
0x33: {  	p0 =	seq.s32 s10, $0x1;
	s10 =	sld [smem:$0x3FB1];
	_ =	sdelay $0x3  }
0x34: {  	[smem:$0x3FB1] =	sst s10  }
0x35: {  	s10 =	sld [smem:$0x3FB0];
	_ =	sdelay $0x3  }
0x36: {  	p1 =	seq.s32 s10, $0x1;
	s10 =	sld [smem:$0x3FB1];
	_ =	sdelay $0x3  }
0x37: {  	[smem:$0x3FB1] =	sst s10  }
0x38: {  	s10 =	sld [smem:$0x3FB2]  }
0x39: {  	_ = 	snop;
	(pc) =	sbr.ind lr, $3  }
0x3a: {  	_ = 	snop  }
0x3b: {  	_ = 	snop  }
0x3c: {  	p2 =	seq.s32 s10, $0x1;
	s10 =	sld [smem:$0x3FB1]  }
0x3d: {  	_ =	shalt  }
0x3e: {  	_ =	shalt  }
0x3f: {  	_ =	shalt  }
0x40: {  	_ =	shalt  }
0x41: {  	_ =	shalt  }
0x42: {  	_ =	shalt  }
0x43: {  	_ =	shalt  }
0x44: {  	_ =	shalt  }
0x45: {  	_ =	shalt  }
0x46: {  	_ =	shalt  }
0x47: {  	_ =	shalt  }
0x48: {  	_ =	shalt  }
0x49: {  	_ =	shalt  }
0x4a: {  	_ =	shalt  }
0x4b: {  	_ =	shalt  }
0x4c: {  	_ =	shalt  }
0x4d: {  	_ =	shalt  }
0x4e: {  	_ =	shalt  }
0x4f: {  	_ =	shalt  }
0x50: {  	_ =	shalt  }
0x51: {  	_ =	shalt  }
0x52: {  	_ =	shalt  }
0x53: {  	_ =	shalt  }
0x54: {  	_ =	shalt  }
0x55: {  	_ =	shalt  }
0x56: {  	_ =	shalt  }
0x57: {  	_ =	shalt  }
0x58: {  	_ =	shalt  }
0x59: {  	_ =	shalt  }
0x5a: {  	_ =	shalt  }
0x5b: {  	_ =	shalt  }
0x5c: {  	_ =	shalt  }
0x5d: {  	_ =	shalt  }
0x5e: {  	_ =	shalt  }
0x5f: {  	_ =	shalt  }
0x60: {  	_ =	shalt  }
0x61: {  	_ =	shalt  }
0x62: {  	_ =	shalt  }
0x63: {  	_ =	shalt  }
0x64: {  	_ =	shalt  }
0x65: {  	_ =	shalt  }
0x66: {  	_ =	shalt  }
0x67: {  	_ =	shalt  }
0x68: {  	_ =	shalt  }
0x69: {  	_ =	shalt  }
0x6a: {  	_ =	shalt  }
0x6b: {  	_ =	shalt  }
0x6c: {  	_ =	shalt  }
0x6d: {  	_ =	shalt  }
0x6e: {  	_ =	shalt  }
0x6f: {  	_ =	shalt  }
0x70: {  	_ =	shalt  }
0x71: {  	_ =	shalt  }
0x72: {  	_ =	shalt  }
0x73: {  	_ =	shalt  }
0x74: {  	_ =	shalt  }
0x75: {  	_ =	shalt  }
0x76: {  	_ =	shalt  }
0x77: {  	_ =	shalt  }
0x78: {  	_ =	shalt  }
0x79: {  	_ =	shalt  }
0x7a: {  	_ =	shalt  }
0x7b: {  	_ =	shalt  }
0x7c: {  	_ =	shalt  }
0x7d: {  	_ =	shalt  }
0x7e: {  	_ =	shalt  }
0x7f: {  	_ =	shalt  }
0x80: {  	_ =	shalt  }
0x81: {  	_ =	shalt  }
0x82: {  	_ =	shalt  }
0x83: {  	_ =	shalt  }
0x84: {  	_ =	shalt  }
0x85: {  	_ =	shalt  }
0x86: {  	_ =	shalt  }
0x87: {  	_ =	shalt  }
.Lfunc_end0:
.L_simem_size_0:
called_computation.1_lowered:
.L_overlay_start_0:
0x88: {  	s2 =	sld [smem:$0x3FD9]  }
0x89: {  	s3 =	sld [smem:$0x3FFE];
	_ =	sdelay $0x1  }
0x8a: {  	s1 =	srdreg.scid  }
0x8b: {  	s0 =	sand.u32 $0x1, s1  }
0x8c: {  	s17 =	sshll.u32 s0, $0xA;
	s2 =	sadd.s32 s3, s2  }
0x8d: {  	s2 =	sadd.s32 s2, s17  }
0x8e: {  	[smem:$0x3FBD] =	sst s2  }
0x8f: {  	_ = 	snop  }
0x90: {  	s18 =	sld [smem:$0x3FD0];
	(tm) =	ssettm $0x1  }
0x91: {  	s19 =	sld [smem:$0x3FFB];
	_ =	sdelay $0x3  }
0x92: {  	_ =	strace s19  }
0x93: {  	s2 =	sld [smem:$0x3FFC];
	_ =	sdelay $0x3  }
0x94: {  	_ =	strace s2  }
0x95: {  	s2 =	sld [smem:$0x3FFD];
	_ =	sdelay $0x3  }
0x96: {  	_ =	strace s2  }
0x97: {  	_ =	strace $0x8FFFFFFF  }
0x98: {  	s20 =	sld [smem:$0x3FDB];
	_ =	sdelay $0x1  }
0x99: {  	s4 =	simm.s32 $_scs_section_size  }
0x9a: {  	s5 =	simm.s32 $_size__tile_overlayer_lowered;
	s6 =	simm.s32 $_tile_overlayer_lowered  }
0x9b: {  	s7 =	simm.s32 $0x1BFF;
	s21 =	sshll.u32 s6, $0x1;
	s4 =	sadd.s32 s4, s20  }
0x9c: {  	s22 =	simm.s32 $0x0;
	s5 =	sshll.u32 s5, $0x1;
	s6 =	sadd.s32 s21, s4  }
0x9d: {  	[timem:s22], [sflag:s7] =	dma.local [hbm:s6], s5  }
0x9e: {  	_ =	swait.ge [sflag:s7], s5  }
0x9f: {  	s5 =	ssub.s32 $0x0, s5;
	[sflag:s7] =	ssyncset.done $0x0  }
0xa0: {  	[sflag:s7] =	ssyncadd.s32 s5;
	_ =	sdelay $0x1  }
0xa1: {  	s23 =	simm.s32 $0x1B8B  }
0xa2: {  	_ =	swait.ge [sflag:s23], $0x1  }
0xa3: {  	[sflag:s23] =	ssyncset.done $0x0  }
0xa4: {  	[sflag:s23] =	ssyncadd.s32 $0xFFFFFFFF  }
0xa5: {  	s5 =	sld [smem:$0x0]  }
0xa6: {  	s6 =	sand.u32 $0xFFFFFFFE, s1  }
0xa7: {  	p0 =	sne.s32 s1, s6  }
0xa8: {  	s6 =	sshll.u32 @p0 s6, $0xE  }
0xa9: {  	s6 =	sadd.s32 @p0 $0x11B8D, s6;
	s7 =	sshll.u32 @p0 s5, $0x11  }
0xaa: {  	s6 =	sor.u32 @p0 s7, s6  }
0xab: {  	[sflag:s6] =	ssyncadd.remote.s32 @p0 $0x1;
	_ =	sdelay $0x1  }
0xac: {  	s6 =	simm.s32 @p0 $0x1B8D  }
0xad: {  	_ =	swait.eq @p0 [sflag:s6], $0x1  }
0xae: {  	[sflag:s6] =	ssyncadd.s32 @p0 $0xFFFFFFFF  }
0xaf: {  	s7 =	sshll.u32 @!p0 s1, $0xE  }
0xb0: {  	s7 =	sor.u32 @!p0 $0x4000, s7;
	s6 =	simm.s32 @!p0 $0x1B8D  }
0xb1: {  	s5 =	sshll.u32 @!p0 s5, $0x11;
	s7 =	sadd.s32 @!p0 $0x11B8D, s7;
	_ =	swait.eq @!p0 [sflag:s6], $0x1  }
0xb2: {  	s5 =	sor.u32 @!p0 s5, s7;
	[sflag:s6] =	ssyncadd.s32 @!p0 $0xFFFFFFFF  }
0xb3: {  	s25 =	simm.s32 $0x1B8E;
	s24 =	sld [smem:$0x3FFE];
	[sflag:s5] =	ssyncadd.remote.s32 @!p0 $0x1  }
0xb4: {  	s26 =	simm.s32 $execute0_lowered;
	[smem:$0x3FD2] =	sst s25  }
0xb5: {  	s6 =	sshll.u32 s26, $0x1;
	_ =	strace $0x80000049;
	[dreg:$0x1] =	wrdreg $0xFFFFFFFF  }
0xb6: {  	s28 =	simm.s32 $_size_execute0_lowered;
	s4 =	sadd.s32 s4, s6;
	[dreg:$0x0] =	wrdreg $0x0  }
0xb7: {  	s6 =	sshll.u32 s28, $0x1;
	[dreg:$0x2] =	wrdreg s4  }
0xb8: {  	[dreg:$0x3] =	wrdreg s6  }
0xb9: {  	[dreg:$0x4] =	wrdreg $0xC0  }
0xba: {  	_ =	task [dreg:s22], $0x5FFFF  }
0xbb: {  	[dreg:$0x1] =	wrdreg $0xFFFFFFFF  }
0xbc: {  	[dreg:$0x0] =	wrdreg $0x60  }
0xbd: {  	[dreg:$0x2] =	wrdreg s18  }
0xbe: {  	[dreg:$0x3] =	wrdreg s24  }
0xbf: {  	[dreg:$0x4] =	wrdreg $0x9  }
0xc0: {  	_ =	task.clear_ibuf [dreg:s22], $0x5FFFF;
	_ =	strace $0x90000049  }
0xc1: {  	s29 =	simm.s32 $0x9;
	_ =	strace $0x8000004B  }
0xc2: {  	_ =	swait.ge [sflag:s29], $0x1  }
0xc3: {  	[sflag:s29] =	ssyncadd.s32 $0xFFFFFFFF  }
0xc4: {  	_ =	strace $0x9000004B  }
0xc5: {  	_ =	sfence  }
0xc6: {  	s30 =	sld [smem:$0x0];
	_ =	sdelay $0x2  }
0xc7: {  	s31 =	sshll.u32 s1, $0xD;
	s1 =	sshrl.u32 s1, $0x2  }
0xc8: {  	s4 =	sand.u32 $0x4000, s31;
	s1 =	sadd.s32 s1, s30  }
0xc9: {  	s0 =	sor.u32 s4, s0;
	s1 =	sshll.u32 s1, $0x11  }
0xca: {  	s0 =	sor.u32 s1, s0  }
0xcb: {  	s0 =	sadd.s32 $0x8F2B, s0  }
0xcc: {  	[sflag:s0] =	ssyncadd.remote.s32 $0x1  }
0xcd: {  	_ =	sfence.sel $0xFFFF  }
0xce: {  	[dreg:$0x0] =	wrdreg $0xFFFFFFFF;
	(pc) =	sbr.abs _section_cstart, $3  }
0xcf: {  	[dreg:$0x1] =	wrdreg $0xFFFFFFFF  }
0xd0: {  	_ =	task.clear_ibuf [dreg:s22], $0x2FFFF;
	_ =	strace $0x9FFFFFFF  }
0xd1: {  	(tm) =	ssettm $0x7FFFFFFF  }
tec
execute0_lowered:
.L_overlay_start_1:
0x0: {  	(tag) =	ssettag $0x1  }
0x1: {  	s1 =	rddreg [dreg:$0x0]  }
0x2: {  	s0 =	rddreg [dreg:$0x1];
	s3 =	simm.s32 $0x0;
	s9 =	stileid.u32  }
0x3: {  	s4 =	srdreg.scid;
	s13 =	simm.s32 $0x3;
	s14 =	simm.s32 $0x1400  }
0x4: {  	s28 =	simm.s32 $0x7C00;
	s29 =	simm.s32 $0x8400;
	s30 =	simm.s32 $0x8C00  }
0x5: {  	s31 =	simm.s32 $0x9400;
	s18 =	simm.s32 $0x18C00;
	s16 =	simm.s32 $0x19400  }
0x6: {  	s19 =	simm.s32 $0x19C00;
	s15 =	simm.s32 $0x2;
	[smem:$0x7FF] =	sst s3  }
0x7: {  	s2 =	smul.u32 $0x1388, s9;
	s5 =	sand.u32 $0x1, s4;
	s4 =	sadd.s32 $0x9A00, s0  }
0x8: {  	s12 =	simm.s32 $0x0;
	s8 =	smul.u32 $0x138800, s9;
	s10 =	sadd.s32 $0x543C00, s0  }
0x9: {  	s11 =	sadd.s32 $0x7B4C00, s0;
	s23 =	smul.u32 $0x27100, s9;
	s9 =	simm.s32 $0xB400  }
0xa: {  	_ =	strace $0x8000004A;
	s6 =	ssub.s32 $0x2, s5;
	[dreg:$0x3] =	wrdreg s10  }
0xb: {  	p0 =	seq.s32 s5, $0x1;
	[dreg:$0x4] =	wrdreg s11;
	s5 =	simm.s32 $0xBC00  }
0xc: {  	s2 =	sshrl.u32 s2, $0x3;
	s7 =	sshrl.u32 s6, $0x1;
	s22 =	sshrl.u32 s8, $0x3  }
0xd: {  	s25 =	sadd.s32 s23, s10;
	s26 =	sadd.s32 s23, s11;
	s23 =	simm.s32 $0x5C00  }
0xe: {  	s8 =	simm.s32 $0xCC00;
	s10 =	simm.s32 $0xD400;
	s11 =	simm.s32 $0xDC00  }
0xf: {  	s2 =	sadd.s32 s2, s0;
	s20 =	ssub.s32 s6, s7;
	[dreg:$0x9] =	wrdreg s25  }
0x10: {  	s24 =	sadd.s32 $0x25800, s22;
	[dreg:$0xa] =	wrdreg s26;
	s25 =	simm.s32 $0x6C00  }
.Ltmp0:
0x11: {  	s26 =	simm.s32 $0x7400;
	s7 =	simm.s32 $0xAC00;
	(pc) =	sbr.rel .LBB2_1-.Ltmp0, $4  }
0x12: {  	s6 =	simm.s32 $0xC400;
	s21 =	sadd.s32 $0x53EC00, s2;
	[dreg:$0x6] =	wrdreg s24  }
0x13: {  	v2 =	vlaneseq.u32;
	s2 =	sadd.s32 $0x541400, s2;
	s0 =	smax.u32 s20, $0x1;
	[dreg:$0x5] =	wrdreg s21  }
0x14: {  	vm0 =	vmmov $0xffff;
	v1 =	vshrl.u32 v2, $0x3;
	s24 =	simm.s32 $0x6400;
	s20 =	simm.s32 $0x1;
	[dreg:$0x7] =	wrdreg s2  }
0x15: {  	v0 =	vand.u32 $0x7, v2;
	v2 =	vor.u32 $0x8, v2;
	v1 =	vmul.u32 $0x8, v1;
	[dreg:$0x8] =	wrdreg s0;
	s0 =	simm.s32 $0x9C00;
	s2 =	simm.s32 $0xA400  }
.LBB2_8:
0x16: {  	s17 =	rddreg [dreg:$0x4]  }
0x17: {  	s12 =	rddreg [dreg:$0xb]  }
.LBB2_9:
0x18: {  	_ =	swait.ge [sflag:s20], $0xC800  }
0x19: {  	[sflag:s20] =	ssyncset.done $0x0;
	s21 =	rddreg [dreg:$0x6]  }
0x1a: {  	s17 =	sadd.s32 s17, s21;
	[sflag:s20] =	ssyncadd.s32 $0xFFFF3800  }
0x1b: {  	[hbm4b:s17+s3] =	stream.linear.scatter [tilespmem:s14], [sflag:$0x3], $0xC800, $0x38;
	[tilespmem:$0x1A400] =	vst v63  }
0x1c: {  	_ =	swait.ge [sflag:s13], $0xC800  }
0x1d: {  	s12 =	sadd.s32 $0x1, s12;
	s22 =	rddreg [dreg:$0x8]  }
0x1e: {  	p1 =	sne.s32 s12, s22  }
.Ltmp1:
0x1f: {  	_ = 	snop;
	(pc) =	sbr.rel @!p1 .LBB2_10-.Ltmp1, $3  }
0x20: {  	_ =	sdelay $0x1  }
0x21: {  	[sflag:s13] =	ssyncset.done $0x0  }
0x22: {  	[sflag:s13] =	ssyncadd.s32 $0xFFFF3800  }
.LBB2_1:
.Ltmp2:
0x23: {  	(pc) =	sbr.rel @!p0 .LBB2_2-.Ltmp2, $2  }
0x24: {  	_ =	sdelay $0x2  }
0x25: {  	[dreg:$0xb] =	wrdreg s12;
	s21 =	simm.s32 $0x0  }
0x26: {  	s17 =	rddreg [dreg:$0x7]  }
0x27: {  	[tilespmem:s21], [sflag:$0x3] =	stream.linear.gather [hbm4b:s17+s21], $0x1388, $0x38;
	[tilespmem:$0x1A400] =	vst v63  }
0x28: {  	_ =	swait.ge [sflag:s13], $0x1388  }
0x29: {  	[sflag:s13] =	ssyncset.done $0x0  }
0x2a: {  	[sflag:s13] =	ssyncadd.s32 $0xFFFFEC78  }
0x2b: {  	v3 =	vld [tilespmem:$0x0];
	_ =	sdelay $0x4  }
0x2c: {  	v4 =	vshll.u32 v3, $0x1  }
0x2d: {  	v3 =	vand.u32 $0x7, v3;
	v4 =	vand.u32 $0xFFFFFFF0, v4  }
0x2e: {  	v3 =	vor.u32 v3, v4  }
0x2f: {  	v4 =	vperm.xlane v3, v0;
	_ =	sdelay $0x1  }
0x30: {  	v3 =	vperm.xlane v3, v2;
	v4 =	vadd.s32 v1, v4;
	_ =	sdelay $0x1  }
0x31: {  	v3 =	vadd.s32 v1, v3;
	_ =	sdelay $0x2  }
0x32: {  	[tilespmem:s14], [sflag:$0x1] =	stream.indirect_vreg.gather [hbm4b:s4+s21], $0x80, v4, vm0, $0xb8;
	[tilespmem:$0x1A400] =	vst v63  }
0x33: {  	s12 =	simm.s32 $0x1C00  }
0x34: {  	[tilespmem:s12], [sflag:$0x1] =	stream.indirect_vreg.gather [hbm4b:s4+s21], $0x80, v3, vm0, $0xb8;
	[tilespmem:$0x1A400] =	vst v63  }
0x35: {  	v3 =	vld [tilespmem:$0x10];
	_ =	sdelay $0x4  }
0x36: {  	v39 =	vshll.u32 v3, $0x1  }
0x37: {  	v3 =	vand.u32 $0x7, v3;
	v4 =	vand.u32 $0xFFFFFFF0, v39  }
0x38: {  	v3 =	vor.u32 v3, v4  }
0x39: {  	v4 =	vperm.xlane v3, v0;
	_ =	sdelay $0x1  }
0x3a: {  	v3 =	vperm.xlane v3, v2;
	v4 =	vadd.s32 v1, v4;
	_ =	sdelay $0x1  }
0x3b: {  	v3 =	vadd.s32 v1, v3;
	_ =	sdelay $0x1  }
0x3c: {  	s12 =	simm.s32 $0x2400  }
0x3d: {  	[tilespmem:s12], [sflag:$0x1] =	stream.indirect_vreg.gather [hbm4b:s4+s21], $0x80, v4, vm0, $0xb8;
	[tilespmem:$0x1A400] =	vst v63  }
0x3e: {  	s22 =	simm.s32 $0x2C00  }
0x3f: {  	[tilespmem:s22], [sflag:$0x1] =	stream.indirect_vreg.gather [hbm4b:s4+s21], $0x80, v3, vm0, $0xb8;
	[tilespmem:$0x1A400] =	vst v63  }
0x40: {  	v3 =	vld [tilespmem:$0x20];
	_ =	sdelay $0x4  }
0x41: {  	v40 =	vshll.u32 v3, $0x1  }
0x42: {  	v3 =	vand.u32 $0x7, v3;
	v4 =	vand.u32 $0xFFFFFFF0, v40  }
0x43: {  	v3 =	vor.u32 v3, v4  }
0x44: {  	v4 =	vperm.xlane v3, v0;
	_ =	sdelay $0x1  }
0x45: {  	v3 =	vperm.xlane v3, v2;
	v4 =	vadd.s32 v1, v4;
	_ =	sdelay $0x1  }
0x46: {  	v3 =	vadd.s32 v1, v3;
	_ =	sdelay $0x1  }
0x47: {  	s17 =	simm.s32 $0x3400  }
0x48: {  	[tilespmem:s17], [sflag:$0x1] =	stream.indirect_vreg.gather [hbm4b:s4+s21], $0x80, v4, vm0, $0xb8;
	[tilespmem:$0x1A400] =	vst v63  }
0x49: {  	s22 =	simm.s32 $0x3C00  }
0x4a: {  	[tilespmem:s22], [sflag:$0x1] =	stream.indirect_vreg.gather [hbm4b:s4+s21], $0x80, v3, vm0, $0xb8;
	[tilespmem:$0x1A400] =	vst v63  }
0x4b: {  	v3 =	vld [tilespmem:$0x30];
	_ =	sdelay $0x4  }
0x4c: {  	v41 =	vshll.u32 v3, $0x1  }
0x4d: {  	v3 =	vand.u32 $0x7, v3;
	v4 =	vand.u32 $0xFFFFFFF0, v41  }
0x4e: {  	v3 =	vor.u32 v3, v4  }
0x4f: {  	v4 =	vperm.xlane v3, v0;
	_ =	sdelay $0x1  }
0x50: {  	v3 =	vperm.xlane v3, v2;
	v4 =	vadd.s32 v1, v4;
	_ =	sdelay $0x1  }
0x51: {  	v3 =	vadd.s32 v1, v3;
	_ =	sdelay $0x1  }
0x52: {  	s17 =	simm.s32 $0x4400  }
0x53: {  	[tilespmem:s17], [sflag:$0x1] =	stream.indirect_vreg.gather [hbm4b:s4+s21], $0x80, v4, vm0, $0xb8;
	[tilespmem:$0x1A400] =	vst v63  }
0x54: {  	s22 =	simm.s32 $0x4C00  }
0x55: {  	[tilespmem:s22], [sflag:$0x1] =	stream.indirect_vreg.gather [hbm4b:s4+s21], $0x80, v3, vm0, $0xb8;
	[tilespmem:$0x1A400] =	vst v63  }
0x56: {  	v3 =	vld [tilespmem:$0x40];
	_ =	sdelay $0x4  }
0x57: {  	v42 =	vshll.u32 v3, $0x1  }
0x58: {  	v3 =	vand.u32 $0x7, v3;
	v4 =	vand.u32 $0xFFFFFFF0, v42  }
0x59: {  	v3 =	vor.u32 v3, v4  }
0x5a: {  	v4 =	vperm.xlane v3, v0;
	_ =	sdelay $0x1  }
0x5b: {  	v3 =	vperm.xlane v3, v2;
	v4 =	vadd.s32 v1, v4;
	_ =	sdelay $0x1  }
0x5c: {  	v3 =	vadd.s32 v1, v3;
	_ =	sdelay $0x1  }
0x5d: {  	s17 =	simm.s32 $0x5400  }
0x5e: {  	[tilespmem:s17], [sflag:$0x1] =	stream.indirect_vreg.gather [hbm4b:s4+s21], $0x80, v4, vm0, $0xb8;
	[tilespmem:$0x1A400] =	vst v63  }
0x5f: {  	_ = 	snop  }
0x60: {  	[tilespmem:s23], [sflag:$0x1] =	stream.indirect_vreg.gather [hbm4b:s4+s21], $0x80, v3, vm0, $0xb8;
	[tilespmem:$0x1A400] =	vst v63  }
0x61: {  	v3 =	vld [tilespmem:$0x50];
	_ =	sdelay $0x4  }
0x62: {  	v43 =	vshll.u32 v3, $0x1  }
0x63: {  	v3 =	vand.u32 $0x7, v3;
	v4 =	vand.u32 $0xFFFFFFF0, v43  }
0x64: {  	v3 =	vor.u32 v3, v4  }
0x65: {  	v4 =	vperm.xlane v3, v0;
	_ =	sdelay $0x1  }
0x66: {  	v3 =	vperm.xlane v3, v2;
	v4 =	vadd.s32 v1, v4;
	_ =	sdelay $0x1  }
0x67: {  	v3 =	vadd.s32 v1, v3;
	_ =	sdelay $0x2  }
0x68: {  	[tilespmem:s24], [sflag:$0x1] =	stream.indirect_vreg.gather [hbm4b:s4+s21], $0x80, v4, vm0, $0xb8;
	[tilespmem:$0x1A400] =	vst v63  }
0x69: {  	_ = 	snop  }
0x6a: {  	[tilespmem:s25], [sflag:$0x1] =	stream.indirect_vreg.gather [hbm4b:s4+s21], $0x80, v3, vm0, $0xb8;
	[tilespmem:$0x1A400] =	vst v63  }
0x6b: {  	v3 =	vld [tilespmem:$0x60];
	_ =	sdelay $0x4  }
0x6c: {  	v44 =	vshll.u32 v3, $0x1  }
0x6d: {  	v3 =	vand.u32 $0x7, v3;
	v4 =	vand.u32 $0xFFFFFFF0, v44  }
0x6e: {  	v3 =	vor.u32 v3, v4  }
0x6f: {  	v4 =	vperm.xlane v3, v0;
	_ =	sdelay $0x1  }
0x70: {  	v3 =	vperm.xlane v3, v2;
	v4 =	vadd.s32 v1, v4;
	_ =	sdelay $0x1  }
0x71: {  	v3 =	vadd.s32 v1, v3;
	_ =	sdelay $0x2  }
0x72: {  	[tilespmem:s26], [sflag:$0x1] =	stream.indirect_vreg.gather [hbm4b:s4+s21], $0x80, v4, vm0, $0xb8;
	[tilespmem:$0x1A400] =	vst v63  }
0x73: {  	_ = 	snop  }
0x74: {  	[tilespmem:s28], [sflag:$0x1] =	stream.indirect_vreg.gather [hbm4b:s4+s21], $0x80, v3, vm0, $0xb8;
	[tilespmem:$0x1A400] =	vst v63  }
0x75: {  	v3 =	vld [tilespmem:$0x70];
	_ =	sdelay $0x4  }
0x76: {  	v45 =	vshll.u32 v3, $0x1  }
0x77: {  	v3 =	vand.u32 $0x7, v3;
	v4 =	vand.u32 $0xFFFFFFF0, v45  }
0x78: {  	v3 =	vor.u32 v3, v4  }
0x79: {  	v4 =	vperm.xlane v3, v0;
	_ =	sdelay $0x1  }
0x7a: {  	v3 =	vperm.xlane v3, v2;
	v4 =	vadd.s32 v1, v4;
	_ =	sdelay $0x1  }
0x7b: {  	v3 =	vadd.s32 v1, v3;
	_ =	sdelay $0x2  }
0x7c: {  	[tilespmem:s29], [sflag:$0x1] =	stream.indirect_vreg.gather [hbm4b:s4+s21], $0x80, v4, vm0, $0xb8;
	[tilespmem:$0x1A400] =	vst v63  }
0x7d: {  	_ = 	snop  }
0x7e: {  	[tilespmem:s30], [sflag:$0x1] =	stream.indirect_vreg.gather [hbm4b:s4+s21], $0x80, v3, vm0, $0xb8;
	[tilespmem:$0x1A400] =	vst v63  }
0x7f: {  	v3 =	vld [tilespmem:$0x80];
	_ =	sdelay $0x4  }
0x80: {  	v46 =	vshll.u32 v3, $0x1  }
0x81: {  	v3 =	vand.u32 $0x7, v3;
	v4 =	vand.u32 $0xFFFFFFF0, v46  }
0x82: {  	v3 =	vor.u32 v3, v4  }
0x83: {  	v4 =	vperm.xlane v3, v0;
	_ =	sdelay $0x1  }
0x84: {  	v3 =	vperm.xlane v3, v2;
	v4 =	vadd.s32 v1, v4;
	_ =	sdelay $0x1  }
0x85: {  	v3 =	vadd.s32 v1, v3;
	_ =	sdelay $0x2  }
0x86: {  	[tilespmem:s31], [sflag:$0x1] =	stream.indirect_vreg.gather [hbm4b:s4+s21], $0x80, v4, vm0, $0xb8;
	[tilespmem:$0x1A400] =	vst v63  }
0x87: {  	_ = 	snop  }
0x88: {  	[tilespmem:s0], [sflag:$0x1] =	stream.indirect_vreg.gather [hbm4b:s4+s21], $0x80, v3, vm0, $0xb8;
	[tilespmem:$0x1A400] =	vst v63  }
0x89: {  	v3 =	vld [tilespmem:$0x90];
	_ =	sdelay $0x4  }
0x8a: {  	v47 =	vshll.u32 v3, $0x1  }
0x8b: {  	v3 =	vand.u32 $0x7, v3;
	v4 =	vand.u32 $0xFFFFFFF0, v47  }
0x8c: {  	v3 =	vor.u32 v3, v4  }
0x8d: {  	v4 =	vperm.xlane v3, v0;
	_ =	sdelay $0x1  }
0x8e: {  	v3 =	vperm.xlane v3, v2;
	v4 =	vadd.s32 v1, v4;
	_ =	sdelay $0x1  }
0x8f: {  	v3 =	vadd.s32 v1, v3;
	_ =	sdelay $0x2  }
0x90: {  	[tilespmem:s2], [sflag:$0x1] =	stream.indirect_vreg.gather [hbm4b:s4+s21], $0x80, v4, vm0, $0xb8;
	[tilespmem:$0x1A400] =	vst v63  }
0x91: {  	_ = 	snop  }
0x92: {  	[tilespmem:s7], [sflag:$0x1] =	stream.indirect_vreg.gather [hbm4b:s4+s21], $0x80, v3, vm0, $0xb8;
	[tilespmem:$0x1A400] =	vst v63  }
0x93: {  	v3 =	vld [tilespmem:$0xA0];
	_ =	sdelay $0x4  }
0x94: {  	v48 =	vshll.u32 v3, $0x1  }
0x95: {  	v3 =	vand.u32 $0x7, v3;
	v4 =	vand.u32 $0xFFFFFFF0, v48  }
0x96: {  	v3 =	vor.u32 v3, v4  }
0x97: {  	v4 =	vperm.xlane v3, v0;
	_ =	sdelay $0x1  }
0x98: {  	v3 =	vperm.xlane v3, v2;
	v4 =	vadd.s32 v1, v4;
	_ =	sdelay $0x1  }
0x99: {  	v3 =	vadd.s32 v1, v3;
	_ =	sdelay $0x2  }
0x9a: {  	[tilespmem:s9], [sflag:$0x1] =	stream.indirect_vreg.gather [hbm4b:s4+s21], $0x80, v4, vm0, $0xb8;
	[tilespmem:$0x1A400] =	vst v63  }
0x9b: {  	_ = 	snop  }
0x9c: {  	[tilespmem:s5], [sflag:$0x1] =	stream.indirect_vreg.gather [hbm4b:s4+s21], $0x80, v3, vm0, $0xb8;
	[tilespmem:$0x1A400] =	vst v63  }
0x9d: {  	v3 =	vld [tilespmem:$0xB0];
	_ =	sdelay $0x4  }
0x9e: {  	v49 =	vshll.u32 v3, $0x1  }
0x9f: {  	v3 =	vand.u32 $0x7, v3;
	v4 =	vand.u32 $0xFFFFFFF0, v49  }
0xa0: {  	v3 =	vor.u32 v3, v4  }
0xa1: {  	v4 =	vperm.xlane v3, v0;
	_ =	sdelay $0x1  }
0xa2: {  	v3 =	vperm.xlane v3, v2;
	v4 =	vadd.s32 v1, v4;
	_ =	sdelay $0x1  }
0xa3: {  	v3 =	vadd.s32 v1, v3;
	_ =	sdelay $0x2  }
0xa4: {  	[tilespmem:s6], [sflag:$0x1] =	stream.indirect_vreg.gather [hbm4b:s4+s21], $0x80, v4, vm0, $0xb8;
	[tilespmem:$0x1A400] =	vst v63  }
0xa5: {  	_ = 	snop  }
0xa6: {  	[tilespmem:s8], [sflag:$0x1] =	stream.indirect_vreg.gather [hbm4b:s4+s21], $0x80, v3, vm0, $0xb8;
	[tilespmem:$0x1A400] =	vst v63  }
0xa7: {  	v3 =	vld.msk [tilespmem:$0xC0], $0xff;
	_ =	sdelay $0x4  }
0xa8: {  	v50 =	vshll.u32 v3, $0x1  }
0xa9: {  	v3 =	vand.u32 $0x7, v3;
	v4 =	vand.u32 $0xFFFFFFF0, v50  }
0xaa: {  	v3 =	vor.u32 v3, v4  }
0xab: {  	v3 =	vperm.xlane v3, v0;
	_ =	sdelay $0x1  }
0xac: {  	v3 =	vadd.s32 v1, v3;
	_ =	sdelay $0x4  }
0xad: {  	[tilespmem:s10], [sflag:$0x1] =	stream.indirect_vreg.gather [hbm4b:s4+s21], $0x80, v3, vm0, $0xb8;
	[tilespmem:$0x1A400] =	vst v63  }
0xae: {  	v3 =	vld [tilespmem:$0xC8];
	_ =	sdelay $0x4  }
0xaf: {  	v51 =	vshll.u32 v3, $0x1  }
0xb0: {  	v3 =	vand.u32 $0x7, v3;
	v4 =	vand.u32 $0xFFFFFFF0, v51  }
0xb1: {  	v3 =	vor.u32 v3, v4  }
0xb2: {  	v4 =	vperm.xlane v3, v0;
	_ =	sdelay $0x1  }
0xb3: {  	v3 =	vperm.xlane v3, v2;
	v4 =	vadd.s32 v1, v4;
	_ =	sdelay $0x1  }
0xb4: {  	v3 =	vadd.s32 v1, v3;
	_ =	sdelay $0x2  }
0xb5: {  	[tilespmem:s11], [sflag:$0x2] =	stream.indirect_vreg.gather [hbm4b:s4+s21], $0x80, v4, vm0, $0xb8;
	[tilespmem:$0x1A400] =	vst v63  }
0xb6: {  	s22 =	simm.s32 $0xE400  }
0xb7: {  	[tilespmem:s22], [sflag:$0x2] =	stream.indirect_vreg.gather [hbm4b:s4+s21], $0x80, v3, vm0, $0xb8;
	[tilespmem:$0x1A400] =	vst v63  }
0xb8: {  	v3 =	vld [tilespmem:$0xD8];
	_ =	sdelay $0x4  }
0xb9: {  	v52 =	vshll.u32 v3, $0x1  }
0xba: {  	v3 =	vand.u32 $0x7, v3;
	v4 =	vand.u32 $0xFFFFFFF0, v52  }
0xbb: {  	v3 =	vor.u32 v3, v4  }
0xbc: {  	v4 =	vperm.xlane v3, v0;
	_ =	sdelay $0x1  }
0xbd: {  	v3 =	vperm.xlane v3, v2;
	v4 =	vadd.s32 v1, v4;
	_ =	sdelay $0x1  }
0xbe: {  	v3 =	vadd.s32 v1, v3;
	_ =	sdelay $0x1  }
0xbf: {  	s17 =	simm.s32 $0xEC00  }
0xc0: {  	[tilespmem:s17], [sflag:$0x2] =	stream.indirect_vreg.gather [hbm4b:s4+s21], $0x80, v4, vm0, $0xb8;
	[tilespmem:$0x1A400] =	vst v63  }
0xc1: {  	s22 =	simm.s32 $0xF400  }
0xc2: {  	[tilespmem:s22], [sflag:$0x2] =	stream.indirect_vreg.gather [hbm4b:s4+s21], $0x80, v3, vm0, $0xb8;
	[tilespmem:$0x1A400] =	vst v63  }
0xc3: {  	v3 =	vld [tilespmem:$0xE8];
	_ =	sdelay $0x4  }
0xc4: {  	v53 =	vshll.u32 v3, $0x1  }
0xc5: {  	v3 =	vand.u32 $0x7, v3;
	v4 =	vand.u32 $0xFFFFFFF0, v53  }
0xc6: {  	v3 =	vor.u32 v3, v4  }
0xc7: {  	v4 =	vperm.xlane v3, v0;
	_ =	sdelay $0x1  }
0xc8: {  	v3 =	vperm.xlane v3, v2;
	v4 =	vadd.s32 v1, v4;
	_ =	sdelay $0x1  }
0xc9: {  	v3 =	vadd.s32 v1, v3;
	_ =	sdelay $0x1  }
0xca: {  	s17 =	simm.s32 $0xFC00  }
0xcb: {  	[tilespmem:s17], [sflag:$0x2] =	stream.indirect_vreg.gather [hbm4b:s4+s21], $0x80, v4, vm0, $0xb8;
	[tilespmem:$0x1A400] =	vst v63  }
0xcc: {  	s22 =	simm.s32 $0x10400  }
0xcd: {  	[tilespmem:s22], [sflag:$0x2] =	stream.indirect_vreg.gather [hbm4b:s4+s21], $0x80, v3, vm0, $0xb8;
	[tilespmem:$0x1A400] =	vst v63  }
0xce: {  	v3 =	vld [tilespmem:$0xF8];
	_ =	sdelay $0x4  }
0xcf: {  	v54 =	vshll.u32 v3, $0x1  }
0xd0: {  	v3 =	vand.u32 $0x7, v3;
	v4 =	vand.u32 $0xFFFFFFF0, v54  }
0xd1: {  	v3 =	vor.u32 v3, v4  }
0xd2: {  	v4 =	vperm.xlane v3, v0;
	_ =	sdelay $0x1  }
0xd3: {  	v3 =	vperm.xlane v3, v2;
	v4 =	vadd.s32 v1, v4;
	_ =	sdelay $0x1  }
0xd4: {  	v3 =	vadd.s32 v1, v3;
	_ =	sdelay $0x1  }
0xd5: {  	s17 =	simm.s32 $0x10C00  }
0xd6: {  	[tilespmem:s17], [sflag:$0x2] =	stream.indirect_vreg.gather [hbm4b:s4+s21], $0x80, v4, vm0, $0xb8;
	[tilespmem:$0x1A400] =	vst v63  }
0xd7: {  	s22 =	simm.s32 $0x11400  }
0xd8: {  	[tilespmem:s22], [sflag:$0x2] =	stream.indirect_vreg.gather [hbm4b:s4+s21], $0x80, v3, vm0, $0xb8;
	[tilespmem:$0x1A400] =	vst v63  }
0xd9: {  	v3 =	vld [tilespmem:$0x108];
	_ =	sdelay $0x4  }
0xda: {  	v55 =	vshll.u32 v3, $0x1  }
0xdb: {  	v3 =	vand.u32 $0x7, v3;
	v4 =	vand.u32 $0xFFFFFFF0, v55  }
0xdc: {  	v3 =	vor.u32 v3, v4  }
0xdd: {  	v4 =	vperm.xlane v3, v0;
	_ =	sdelay $0x1  }
0xde: {  	v3 =	vperm.xlane v3, v2;
	v4 =	vadd.s32 v1, v4;
	_ =	sdelay $0x1  }
0xdf: {  	v3 =	vadd.s32 v1, v3;
	_ =	sdelay $0x1  }
0xe0: {  	s17 =	simm.s32 $0x11C00  }
0xe1: {  	[tilespmem:s17], [sflag:$0x2] =	stream.indirect_vreg.gather [hbm4b:s4+s21], $0x80, v4, vm0, $0xb8;
	[tilespmem:$0x1A400] =	vst v63  }
0xe2: {  	s22 =	simm.s32 $0x12400  }
0xe3: {  	[tilespmem:s22], [sflag:$0x2] =	stream.indirect_vreg.gather [hbm4b:s4+s21], $0x80, v3, vm0, $0xb8;
	[tilespmem:$0x1A400] =	vst v63  }
0xe4: {  	v3 =	vld [tilespmem:$0x118];
	_ =	sdelay $0x4  }
0xe5: {  	v56 =	vshll.u32 v3, $0x1  }
0xe6: {  	v3 =	vand.u32 $0x7, v3;
	v4 =	vand.u32 $0xFFFFFFF0, v56  }
0xe7: {  	v3 =	vor.u32 v3, v4  }
0xe8: {  	v4 =	vperm.xlane v3, v0;
	_ =	sdelay $0x1  }
0xe9: {  	v3 =	vperm.xlane v3, v2;
	v4 =	vadd.s32 v1, v4;
	_ =	sdelay $0x1  }
0xea: {  	v3 =	vadd.s32 v1, v3;
	_ =	sdelay $0x1  }
0xeb: {  	s17 =	simm.s32 $0x12C00  }
0xec: {  	[tilespmem:s17], [sflag:$0x2] =	stream.indirect_vreg.gather [hbm4b:s4+s21], $0x80, v4, vm0, $0xb8;
	[tilespmem:$0x1A400] =	vst v63  }
0xed: {  	s22 =	simm.s32 $0x13400  }
0xee: {  	[tilespmem:s22], [sflag:$0x2] =	stream.indirect_vreg.gather [hbm4b:s4+s21], $0x80, v3, vm0, $0xb8;
	[tilespmem:$0x1A400] =	vst v63  }
0xef: {  	v3 =	vld [tilespmem:$0x128];
	_ =	sdelay $0x4  }
0xf0: {  	v57 =	vshll.u32 v3, $0x1  }
0xf1: {  	v3 =	vand.u32 $0x7, v3;
	v4 =	vand.u32 $0xFFFFFFF0, v57  }
0xf2: {  	v3 =	vor.u32 v3, v4  }
0xf3: {  	v4 =	vperm.xlane v3, v0;
	_ =	sdelay $0x1  }
0xf4: {  	v3 =	vperm.xlane v3, v2;
	v4 =	vadd.s32 v1, v4;
	_ =	sdelay $0x1  }
0xf5: {  	v3 =	vadd.s32 v1, v3;
	_ =	sdelay $0x1  }
0xf6: {  	s17 =	simm.s32 $0x13C00  }
0xf7: {  	[tilespmem:s17], [sflag:$0x2] =	stream.indirect_vreg.gather [hbm4b:s4+s21], $0x80, v4, vm0, $0xb8;
	[tilespmem:$0x1A400] =	vst v63  }
0xf8: {  	s22 =	simm.s32 $0x14400  }
0xf9: {  	[tilespmem:s22], [sflag:$0x2] =	stream.indirect_vreg.gather [hbm4b:s4+s21], $0x80, v3, vm0, $0xb8;
	[tilespmem:$0x1A400] =	vst v63  }
0xfa: {  	v3 =	vld [tilespmem:$0x138];
	_ =	sdelay $0x4  }
0xfb: {  	v58 =	vshll.u32 v3, $0x1  }
0xfc: {  	v3 =	vand.u32 $0x7, v3;
	v4 =	vand.u32 $0xFFFFFFF0, v58  }
0xfd: {  	v3 =	vor.u32 v3, v4  }
0xfe: {  	v4 =	vperm.xlane v3, v0;
	_ =	sdelay $0x1  }
0xff: {  	v3 =	vperm.xlane v3, v2;
	v4 =	vadd.s32 v1, v4;
	_ =	sdelay $0x1  }
0x100: {  	v3 =	vadd.s32 v1, v3;
	_ =	sdelay $0x1  }
0x101: {  	s17 =	simm.s32 $0x14C00  }
0x102: {  	[tilespmem:s17], [sflag:$0x2] =	stream.indirect_vreg.gather [hbm4b:s4+s21], $0x80, v4, vm0, $0xb8;
	[tilespmem:$0x1A400] =	vst v63  }
0x103: {  	s22 =	simm.s32 $0x15400  }
0x104: {  	[tilespmem:s22], [sflag:$0x2] =	stream.indirect_vreg.gather [hbm4b:s4+s21], $0x80, v3, vm0, $0xb8;
	[tilespmem:$0x1A400] =	vst v63  }
0x105: {  	v3 =	vld [tilespmem:$0x148];
	_ =	sdelay $0x4  }
0x106: {  	v59 =	vshll.u32 v3, $0x1  }
0x107: {  	v3 =	vand.u32 $0x7, v3;
	v4 =	vand.u32 $0xFFFFFFF0, v59  }
0x108: {  	v3 =	vor.u32 v3, v4  }
0x109: {  	v4 =	vperm.xlane v3, v0;
	_ =	sdelay $0x1  }
0x10a: {  	v3 =	vperm.xlane v3, v2;
	v4 =	vadd.s32 v1, v4;
	_ =	sdelay $0x1  }
0x10b: {  	v3 =	vadd.s32 v1, v3;
	_ =	sdelay $0x1  }
0x10c: {  	s17 =	simm.s32 $0x15C00  }
0x10d: {  	[tilespmem:s17], [sflag:$0x2] =	stream.indirect_vreg.gather [hbm4b:s4+s21], $0x80, v4, vm0, $0xb8;
	[tilespmem:$0x1A400] =	vst v63  }
0x10e: {  	s22 =	simm.s32 $0x16400  }
0x10f: {  	[tilespmem:s22], [sflag:$0x2] =	stream.indirect_vreg.gather [hbm4b:s4+s21], $0x80, v3, vm0, $0xb8;
	[tilespmem:$0x1A400] =	vst v63  }
0x110: {  	v3 =	vld [tilespmem:$0x158];
	_ =	sdelay $0x4  }
0x111: {  	v60 =	vshll.u32 v3, $0x1  }
0x112: {  	v3 =	vand.u32 $0x7, v3;
	v4 =	vand.u32 $0xFFFFFFF0, v60  }
0x113: {  	v3 =	vor.u32 v3, v4  }
0x114: {  	v4 =	vperm.xlane v3, v0;
	_ =	sdelay $0x1  }
0x115: {  	v3 =	vperm.xlane v3, v2;
	v4 =	vadd.s32 v1, v4;
	_ =	sdelay $0x1  }
0x116: {  	v3 =	vadd.s32 v1, v3;
	_ =	sdelay $0x1  }
0x117: {  	s17 =	simm.s32 $0x16C00  }
0x118: {  	[tilespmem:s17], [sflag:$0x2] =	stream.indirect_vreg.gather [hbm4b:s4+s21], $0x80, v4, vm0, $0xb8;
	[tilespmem:$0x1A400] =	vst v63  }
0x119: {  	s22 =	simm.s32 $0x17400  }
0x11a: {  	[tilespmem:s22], [sflag:$0x2] =	stream.indirect_vreg.gather [hbm4b:s4+s21], $0x80, v3, vm0, $0xb8;
	[tilespmem:$0x1A400] =	vst v63  }
0x11b: {  	v3 =	vld [tilespmem:$0x168];
	_ =	sdelay $0x4  }
0x11c: {  	v61 =	vshll.u32 v3, $0x1  }
0x11d: {  	v3 =	vand.u32 $0x7, v3;
	v4 =	vand.u32 $0xFFFFFFF0, v61  }
0x11e: {  	v3 =	vor.u32 v3, v4  }
0x11f: {  	v4 =	vperm.xlane v3, v0;
	_ =	sdelay $0x1  }
0x120: {  	v3 =	vperm.xlane v3, v2;
	v4 =	vadd.s32 v1, v4;
	_ =	sdelay $0x1  }
0x121: {  	v3 =	vadd.s32 v1, v3;
	_ =	sdelay $0x1  }
0x122: {  	s17 =	simm.s32 $0x17C00  }
0x123: {  	[tilespmem:s17], [sflag:$0x2] =	stream.indirect_vreg.gather [hbm4b:s4+s21], $0x80, v4, vm0, $0xb8;
	[tilespmem:$0x1A400] =	vst v63  }
0x124: {  	s22 =	simm.s32 $0x18400  }
0x125: {  	[tilespmem:s22], [sflag:$0x2] =	stream.indirect_vreg.gather [hbm4b:s4+s21], $0x80, v3, vm0, $0xb8;
	[tilespmem:$0x1A400] =	vst v63  }
0x126: {  	v3 =	vld [tilespmem:$0x178];
	_ =	sdelay $0x4  }
0x127: {  	v62 =	vshll.u32 v3, $0x1  }
0x128: {  	v3 =	vand.u32 $0x7, v3;
	v4 =	vand.u32 $0xFFFFFFF0, v62  }
0x129: {  	v3 =	vor.u32 v3, v4  }
0x12a: {  	v4 =	vperm.xlane v3, v0;
	_ =	sdelay $0x1  }
0x12b: {  	v3 =	vperm.xlane v3, v2;
	v4 =	vadd.s32 v1, v4;
	_ =	sdelay $0x1  }
0x12c: {  	v3 =	vadd.s32 v1, v3;
	_ =	sdelay $0x2  }
0x12d: {  	[tilespmem:s18], [sflag:$0x2] =	stream.indirect_vreg.gather [hbm4b:s4+s21], $0x80, v4, vm0, $0xb8;
	[tilespmem:$0x1A400] =	vst v63  }
0x12e: {  	_ = 	snop  }
0x12f: {  	[tilespmem:s16], [sflag:$0x2] =	stream.indirect_vreg.gather [hbm4b:s4+s21], $0x80, v3, vm0, $0xb8;
	[tilespmem:$0x1A400] =	vst v63  }
0x130: {  	v3 =	vld.msk [tilespmem:$0x188], $0xff;
	_ =	sdelay $0x4  }
0x131: {  	v63 =	vshll.u32 v3, $0x1  }
0x132: {  	v3 =	vand.u32 $0x7, v3;
	v4 =	vand.u32 $0xFFFFFFF0, v63  }
0x133: {  	v3 =	vor.u32 v3, v4  }
0x134: {  	v3 =	vperm.xlane v3, v0;
	_ =	sdelay $0x1  }
0x135: {  	v3 =	vadd.s32 v1, v3;
	_ =	sdelay $0x3  }
0x136: {  	s17 =	simm.s32 $0x318  }
0x137: {  	[tilespmem:s19], [sflag:$0x2] =	stream.indirect_vreg.gather [hbm4b:s4+s21], $0x80, v3, vm0, $0xb8;
	[tilespmem:$0x1A400] =	vst v63  }
.LBB2_7:
0x138: {  	_ =	swait.ge [sflag:s20], $0xC800  }
0x139: {  	[sflag:s20] =	ssyncset.done $0x0;
	s22 =	rddreg [dreg:$0xa]  }
0x13a: {  	[sflag:s20] =	ssyncadd.s32 $0xFFFF3800;
	s22 =	sadd.s32 s21, s22  }
0x13b: {  	[hbm4b:s22+s3] =	stream.linear.scatter [tilespmem:s14], [sflag:$0x3], $0xC800, $0x38;
	[tilespmem:$0x1A400] =	vst v63  }
0x13c: {  	_ =	swait.ge [sflag:s13], $0xC800  }
0x13d: {  	[sflag:s13] =	ssyncset.done $0x0  }
0x13e: {  	[sflag:s13] =	ssyncadd.s32 $0xFFFF3800  }
0x13f: {  	v3 =	vld [tilespmem:s17+$0xFFFFFE78];
	_ =	sdelay $0x4  }
0x140: {  	v4 =	vshll.u32 v3, $0x1  }
0x141: {  	v3 =	vand.u32 $0x7, v3;
	v4 =	vand.u32 $0xFFFFFFF0, v4  }
0x142: {  	v3 =	vor.u32 v3, v4  }
0x143: {  	v4 =	vperm.xlane v3, v0;
	_ =	sdelay $0x1  }
0x144: {  	v3 =	vperm.xlane v3, v2;
	v4 =	vadd.s32 v1, v4;
	_ =	sdelay $0x1  }
0x145: {  	v3 =	vadd.s32 v1, v3;
	_ =	sdelay $0x2  }
0x146: {  	[tilespmem:s14], [sflag:$0x1] =	stream.indirect_vreg.gather [hbm4b:s4+s3], $0x80, v4, vm0, $0xb8;
	[tilespmem:$0x1A400] =	vst v63  }
0x147: {  	s12 =	simm.s32 $0x1C00  }
0x148: {  	[tilespmem:s12], [sflag:$0x1] =	stream.indirect_vreg.gather [hbm4b:s4+s3], $0x80, v3, vm0, $0xb8;
	[tilespmem:$0x1A400] =	vst v63  }
0x149: {  	v3 =	vld [tilespmem:s17+$0xFFFFFE88];
	_ =	sdelay $0x4  }
0x14a: {  	v52 =	vshll.u32 v3, $0x1  }
0x14b: {  	v3 =	vand.u32 $0x7, v3;
	v4 =	vand.u32 $0xFFFFFFF0, v52  }
0x14c: {  	v3 =	vor.u32 v3, v4  }
0x14d: {  	v4 =	vperm.xlane v3, v0;
	_ =	sdelay $0x1  }
0x14e: {  	v3 =	vperm.xlane v3, v2;
	v4 =	vadd.s32 v1, v4;
	_ =	sdelay $0x1  }
0x14f: {  	v3 =	vadd.s32 v1, v3;
	_ =	sdelay $0x1  }
0x150: {  	s12 =	simm.s32 $0x2400  }
0x151: {  	[tilespmem:s12], [sflag:$0x1] =	stream.indirect_vreg.gather [hbm4b:s4+s3], $0x80, v4, vm0, $0xb8;
	[tilespmem:$0x1A400] =	vst v63  }
0x152: {  	s12 =	simm.s32 $0x2C00  }
0x153: {  	[tilespmem:s12], [sflag:$0x1] =	stream.indirect_vreg.gather [hbm4b:s4+s3], $0x80, v3, vm0, $0xb8;
	[tilespmem:$0x1A400] =	vst v63  }
0x154: {  	v3 =	vld [tilespmem:s17+$0xFFFFFE98];
	_ =	sdelay $0x4  }
0x155: {  	v53 =	vshll.u32 v3, $0x1  }
0x156: {  	v3 =	vand.u32 $0x7, v3;
	v4 =	vand.u32 $0xFFFFFFF0, v53  }
0x157: {  	v3 =	vor.u32 v3, v4  }
0x158: {  	v4 =	vperm.xlane v3, v0;
	_ =	sdelay $0x1  }
0x159: {  	v3 =	vperm.xlane v3, v2;
	v4 =	vadd.s32 v1, v4;
	_ =	sdelay $0x1  }
0x15a: {  	v3 =	vadd.s32 v1, v3;
	_ =	sdelay $0x1  }
0x15b: {  	s12 =	simm.s32 $0x3400  }
0x15c: {  	[tilespmem:s12], [sflag:$0x1] =	stream.indirect_vreg.gather [hbm4b:s4+s3], $0x80, v4, vm0, $0xb8;
	[tilespmem:$0x1A400] =	vst v63  }
0x15d: {  	s12 =	simm.s32 $0x3C00  }
0x15e: {  	[tilespmem:s12], [sflag:$0x1] =	stream.indirect_vreg.gather [hbm4b:s4+s3], $0x80, v3, vm0, $0xb8;
	[tilespmem:$0x1A400] =	vst v63  }
0x15f: {  	v3 =	vld [tilespmem:s17+$0xFFFFFEA8];
	_ =	sdelay $0x4  }
0x160: {  	v54 =	vshll.u32 v3, $0x1  }
0x161: {  	v3 =	vand.u32 $0x7, v3;
	v4 =	vand.u32 $0xFFFFFFF0, v54  }
0x162: {  	v3 =	vor.u32 v3, v4  }
0x163: {  	v4 =	vperm.xlane v3, v0;
	_ =	sdelay $0x1  }
0x164: {  	v3 =	vperm.xlane v3, v2;
	v4 =	vadd.s32 v1, v4;
	_ =	sdelay $0x1  }
0x165: {  	v3 =	vadd.s32 v1, v3;
	_ =	sdelay $0x1  }
0x166: {  	s12 =	simm.s32 $0x4400  }
0x167: {  	[tilespmem:s12], [sflag:$0x1] =	stream.indirect_vreg.gather [hbm4b:s4+s3], $0x80, v4, vm0, $0xb8;
	[tilespmem:$0x1A400] =	vst v63  }
0x168: {  	s12 =	simm.s32 $0x4C00  }
0x169: {  	[tilespmem:s12], [sflag:$0x1] =	stream.indirect_vreg.gather [hbm4b:s4+s3], $0x80, v3, vm0, $0xb8;
	[tilespmem:$0x1A400] =	vst v63  }
0x16a: {  	v3 =	vld [tilespmem:s17+$0xFFFFFEB8];
	_ =	sdelay $0x4  }
0x16b: {  	v55 =	vshll.u32 v3, $0x1  }
0x16c: {  	v3 =	vand.u32 $0x7, v3;
	v4 =	vand.u32 $0xFFFFFFF0, v55  }
0x16d: {  	v3 =	vor.u32 v3, v4  }
0x16e: {  	v4 =	vperm.xlane v3, v0;
	_ =	sdelay $0x1  }
0x16f: {  	v3 =	vperm.xlane v3, v2;
	v4 =	vadd.s32 v1, v4;
	_ =	sdelay $0x1  }
0x170: {  	v3 =	vadd.s32 v1, v3;
	_ =	sdelay $0x1  }
0x171: {  	s12 =	simm.s32 $0x5400  }
0x172: {  	[tilespmem:s12], [sflag:$0x1] =	stream.indirect_vreg.gather [hbm4b:s4+s3], $0x80, v4, vm0, $0xb8;
	[tilespmem:$0x1A400] =	vst v63  }
0x173: {  	_ = 	snop  }
0x174: {  	[tilespmem:s23], [sflag:$0x1] =	stream.indirect_vreg.gather [hbm4b:s4+s3], $0x80, v3, vm0, $0xb8;
	[tilespmem:$0x1A400] =	vst v63  }
0x175: {  	v3 =	vld [tilespmem:s17+$0xFFFFFEC8];
	_ =	sdelay $0x4  }
0x176: {  	v56 =	vshll.u32 v3, $0x1  }
0x177: {  	v3 =	vand.u32 $0x7, v3;
	v4 =	vand.u32 $0xFFFFFFF0, v56  }
0x178: {  	v3 =	vor.u32 v3, v4  }
0x179: {  	v4 =	vperm.xlane v3, v0;
	_ =	sdelay $0x1  }
0x17a: {  	v3 =	vperm.xlane v3, v2;
	v4 =	vadd.s32 v1, v4;
	_ =	sdelay $0x1  }
0x17b: {  	v3 =	vadd.s32 v1, v3;
	_ =	sdelay $0x2  }
0x17c: {  	[tilespmem:s24], [sflag:$0x1] =	stream.indirect_vreg.gather [hbm4b:s4+s3], $0x80, v4, vm0, $0xb8;
	[tilespmem:$0x1A400] =	vst v63  }
0x17d: {  	_ = 	snop  }
0x17e: {  	[tilespmem:s25], [sflag:$0x1] =	stream.indirect_vreg.gather [hbm4b:s4+s3], $0x80, v3, vm0, $0xb8;
	[tilespmem:$0x1A400] =	vst v63  }
0x17f: {  	v3 =	vld [tilespmem:s17+$0xFFFFFED8];
	_ =	sdelay $0x4  }
0x180: {  	v57 =	vshll.u32 v3, $0x1  }
0x181: {  	v3 =	vand.u32 $0x7, v3;
	v4 =	vand.u32 $0xFFFFFFF0, v57  }
0x182: {  	v3 =	vor.u32 v3, v4  }
0x183: {  	v4 =	vperm.xlane v3, v0;
	_ =	sdelay $0x1  }
0x184: {  	v3 =	vperm.xlane v3, v2;
	v4 =	vadd.s32 v1, v4;
	_ =	sdelay $0x1  }
0x185: {  	v3 =	vadd.s32 v1, v3;
	_ =	sdelay $0x2  }
0x186: {  	[tilespmem:s26], [sflag:$0x1] =	stream.indirect_vreg.gather [hbm4b:s4+s3], $0x80, v4, vm0, $0xb8;
	[tilespmem:$0x1A400] =	vst v63  }
0x187: {  	_ = 	snop  }
0x188: {  	[tilespmem:s28], [sflag:$0x1] =	stream.indirect_vreg.gather [hbm4b:s4+s3], $0x80, v3, vm0, $0xb8;
	[tilespmem:$0x1A400] =	vst v63  }
0x189: {  	v3 =	vld [tilespmem:s17+$0xFFFFFEE8];
	_ =	sdelay $0x4  }
0x18a: {  	v58 =	vshll.u32 v3, $0x1  }
0x18b: {  	v3 =	vand.u32 $0x7, v3;
	v4 =	vand.u32 $0xFFFFFFF0, v58  }
0x18c: {  	v3 =	vor.u32 v3, v4  }
0x18d: {  	v4 =	vperm.xlane v3, v0;
	_ =	sdelay $0x1  }
0x18e: {  	v3 =	vperm.xlane v3, v2;
	v4 =	vadd.s32 v1, v4;
	_ =	sdelay $0x1  }
0x18f: {  	v3 =	vadd.s32 v1, v3;
	_ =	sdelay $0x2  }
0x190: {  	[tilespmem:s29], [sflag:$0x1] =	stream.indirect_vreg.gather [hbm4b:s4+s3], $0x80, v4, vm0, $0xb8;
	[tilespmem:$0x1A400] =	vst v63  }
0x191: {  	_ = 	snop  }
0x192: {  	[tilespmem:s30], [sflag:$0x1] =	stream.indirect_vreg.gather [hbm4b:s4+s3], $0x80, v3, vm0, $0xb8;
	[tilespmem:$0x1A400] =	vst v63  }
0x193: {  	v3 =	vld [tilespmem:s17+$0xFFFFFEF8];
	_ =	sdelay $0x4  }
0x194: {  	v59 =	vshll.u32 v3, $0x1  }
0x195: {  	v3 =	vand.u32 $0x7, v3;
	v4 =	vand.u32 $0xFFFFFFF0, v59  }
0x196: {  	v3 =	vor.u32 v3, v4  }
0x197: {  	v4 =	vperm.xlane v3, v0;
	_ =	sdelay $0x1  }
0x198: {  	v3 =	vperm.xlane v3, v2;
	v4 =	vadd.s32 v1, v4;
	_ =	sdelay $0x1  }
0x199: {  	v3 =	vadd.s32 v1, v3;
	_ =	sdelay $0x2  }
0x19a: {  	[tilespmem:s31], [sflag:$0x1] =	stream.indirect_vreg.gather [hbm4b:s4+s3], $0x80, v4, vm0, $0xb8;
	[tilespmem:$0x1A400] =	vst v63  }
0x19b: {  	_ = 	snop  }
0x19c: {  	[tilespmem:s0], [sflag:$0x1] =	stream.indirect_vreg.gather [hbm4b:s4+s3], $0x80, v3, vm0, $0xb8;
	[tilespmem:$0x1A400] =	vst v63  }
0x19d: {  	v3 =	vld [tilespmem:s17+$0xFFFFFF08];
	_ =	sdelay $0x4  }
0x19e: {  	v60 =	vshll.u32 v3, $0x1  }
0x19f: {  	v3 =	vand.u32 $0x7, v3;
	v4 =	vand.u32 $0xFFFFFFF0, v60  }
0x1a0: {  	v3 =	vor.u32 v3, v4  }
0x1a1: {  	v4 =	vperm.xlane v3, v0;
	_ =	sdelay $0x1  }
0x1a2: {  	v3 =	vperm.xlane v3, v2;
	v4 =	vadd.s32 v1, v4;
	_ =	sdelay $0x1  }
0x1a3: {  	v3 =	vadd.s32 v1, v3;
	_ =	sdelay $0x2  }
0x1a4: {  	[tilespmem:s2], [sflag:$0x1] =	stream.indirect_vreg.gather [hbm4b:s4+s3], $0x80, v4, vm0, $0xb8;
	[tilespmem:$0x1A400] =	vst v63  }
0x1a5: {  	_ = 	snop  }
0x1a6: {  	[tilespmem:s7], [sflag:$0x1] =	stream.indirect_vreg.gather [hbm4b:s4+s3], $0x80, v3, vm0, $0xb8;
	[tilespmem:$0x1A400] =	vst v63  }
0x1a7: {  	v3 =	vld [tilespmem:s17+$0xFFFFFF18];
	_ =	sdelay $0x4  }
0x1a8: {  	v61 =	vshll.u32 v3, $0x1  }
0x1a9: {  	v3 =	vand.u32 $0x7, v3;
	v4 =	vand.u32 $0xFFFFFFF0, v61  }
0x1aa: {  	v3 =	vor.u32 v3, v4  }
0x1ab: {  	v4 =	vperm.xlane v3, v0;
	_ =	sdelay $0x1  }
0x1ac: {  	v3 =	vperm.xlane v3, v2;
	v4 =	vadd.s32 v1, v4;
	_ =	sdelay $0x1  }
0x1ad: {  	v3 =	vadd.s32 v1, v3;
	_ =	sdelay $0x2  }
0x1ae: {  	[tilespmem:s9], [sflag:$0x1] =	stream.indirect_vreg.gather [hbm4b:s4+s3], $0x80, v4, vm0, $0xb8;
	[tilespmem:$0x1A400] =	vst v63  }
0x1af: {  	_ = 	snop  }
0x1b0: {  	[tilespmem:s5], [sflag:$0x1] =	stream.indirect_vreg.gather [hbm4b:s4+s3], $0x80, v3, vm0, $0xb8;
	[tilespmem:$0x1A400] =	vst v63  }
0x1b1: {  	v3 =	vld [tilespmem:s17+$0xFFFFFF28];
	_ =	sdelay $0x4  }
0x1b2: {  	v62 =	vshll.u32 v3, $0x1  }
0x1b3: {  	v3 =	vand.u32 $0x7, v3;
	v4 =	vand.u32 $0xFFFFFFF0, v62  }
0x1b4: {  	v3 =	vor.u32 v3, v4  }
0x1b5: {  	v4 =	vperm.xlane v3, v0;
	_ =	sdelay $0x1  }
0x1b6: {  	v3 =	vperm.xlane v3, v2;
	v4 =	vadd.s32 v1, v4;
	_ =	sdelay $0x1  }
0x1b7: {  	v3 =	vadd.s32 v1, v3;
	_ =	sdelay $0x2  }
0x1b8: {  	[tilespmem:s6], [sflag:$0x1] =	stream.indirect_vreg.gather [hbm4b:s4+s3], $0x80, v4, vm0, $0xb8;
	[tilespmem:$0x1A400] =	vst v63  }
0x1b9: {  	_ = 	snop  }
0x1ba: {  	[tilespmem:s8], [sflag:$0x1] =	stream.indirect_vreg.gather [hbm4b:s4+s3], $0x80, v3, vm0, $0xb8;
	[tilespmem:$0x1A400] =	vst v63  }
0x1bb: {  	v3 =	vld.msk [tilespmem:s17+$0xFFFFFF38], $0xff;
	_ =	sdelay $0x4  }
0x1bc: {  	v63 =	vshll.u32 v3, $0x1  }
0x1bd: {  	v3 =	vand.u32 $0x7, v3;
	v4 =	vand.u32 $0xFFFFFFF0, v63  }
0x1be: {  	v3 =	vor.u32 v3, v4  }
0x1bf: {  	v3 =	vperm.xlane v3, v0;
	_ =	sdelay $0x1  }
0x1c0: {  	v3 =	vadd.s32 v1, v3;
	_ =	sdelay $0x4  }
0x1c1: {  	[tilespmem:s10], [sflag:$0x1] =	stream.indirect_vreg.gather [hbm4b:s4+s3], $0x80, v3, vm0, $0xb8;
	[tilespmem:$0x1A400] =	vst v63  }
0x1c2: {  	_ =	swait.ge [sflag:s15], $0xC800  }
0x1c3: {  	p1 =	seq.s32 s21, $0x22600;
	[sflag:s15] =	ssyncset.done $0x0  }
.Ltmp3:
0x1c4: {  	s22 =	sadd.s32 $0x1900, s22;
	[sflag:s15] =	ssyncadd.s32 $0xFFFF3800;
	(pc) =	sbr.rel @p1 .LBB2_8-.Ltmp3, $4  }
0x1c5: {  	[hbm4b:s22+s3] =	stream.linear.scatter [tilespmem:s11], [sflag:$0x3], $0xC800, $0x38;
	[tilespmem:$0x1A400] =	vst v63  }
0x1c6: {  	_ =	swait.ge [sflag:s13], $0xC800  }
0x1c7: {  	[sflag:s13] =	ssyncset.done $0x0  }
0x1c8: {  	[sflag:s13] =	ssyncadd.s32 $0xFFFF3800  }
0x1c9: {  	v3 =	vld [tilespmem:s17+$0xFFFFFF40];
	_ =	sdelay $0x4  }
0x1ca: {  	v4 =	vshll.u32 v3, $0x1  }
0x1cb: {  	v3 =	vand.u32 $0x7, v3;
	v4 =	vand.u32 $0xFFFFFFF0, v4  }
0x1cc: {  	v3 =	vor.u32 v3, v4  }
0x1cd: {  	v4 =	vperm.xlane v3, v0;
	_ =	sdelay $0x1  }
0x1ce: {  	v3 =	vperm.xlane v3, v2;
	v4 =	vadd.s32 v1, v4;
	_ =	sdelay $0x1  }
0x1cf: {  	v3 =	vadd.s32 v1, v3;
	_ =	sdelay $0x2  }
0x1d0: {  	[tilespmem:s11], [sflag:$0x2] =	stream.indirect_vreg.gather [hbm4b:s4+s3], $0x80, v4, vm0, $0xb8;
	[tilespmem:$0x1A400] =	vst v63  }
0x1d1: {  	s12 =	simm.s32 $0xE400  }
0x1d2: {  	[tilespmem:s12], [sflag:$0x2] =	stream.indirect_vreg.gather [hbm4b:s4+s3], $0x80, v3, vm0, $0xb8;
	[tilespmem:$0x1A400] =	vst v63  }
0x1d3: {  	v3 =	vld [tilespmem:s17+$0xFFFFFF50];
	_ =	sdelay $0x4  }
0x1d4: {  	v52 =	vshll.u32 v3, $0x1  }
0x1d5: {  	v3 =	vand.u32 $0x7, v3;
	v4 =	vand.u32 $0xFFFFFFF0, v52  }
0x1d6: {  	v3 =	vor.u32 v3, v4  }
0x1d7: {  	v4 =	vperm.xlane v3, v0;
	_ =	sdelay $0x1  }
0x1d8: {  	v3 =	vperm.xlane v3, v2;
	v4 =	vadd.s32 v1, v4;
	_ =	sdelay $0x1  }
0x1d9: {  	v3 =	vadd.s32 v1, v3;
	_ =	sdelay $0x1  }
0x1da: {  	s22 =	simm.s32 $0xEC00  }
0x1db: {  	[tilespmem:s22], [sflag:$0x2] =	stream.indirect_vreg.gather [hbm4b:s4+s3], $0x80, v4, vm0, $0xb8;
	[tilespmem:$0x1A400] =	vst v63  }
0x1dc: {  	s22 =	simm.s32 $0xF400  }
0x1dd: {  	[tilespmem:s22], [sflag:$0x2] =	stream.indirect_vreg.gather [hbm4b:s4+s3], $0x80, v3, vm0, $0xb8;
	[tilespmem:$0x1A400] =	vst v63  }
0x1de: {  	v3 =	vld [tilespmem:s17+$0xFFFFFF60];
	_ =	sdelay $0x4  }
0x1df: {  	v53 =	vshll.u32 v3, $0x1  }
0x1e0: {  	v3 =	vand.u32 $0x7, v3;
	v4 =	vand.u32 $0xFFFFFFF0, v53  }
0x1e1: {  	v3 =	vor.u32 v3, v4  }
0x1e2: {  	v4 =	vperm.xlane v3, v0;
	_ =	sdelay $0x1  }
0x1e3: {  	v3 =	vperm.xlane v3, v2;
	v4 =	vadd.s32 v1, v4;
	_ =	sdelay $0x1  }
0x1e4: {  	v3 =	vadd.s32 v1, v3;
	_ =	sdelay $0x1  }
0x1e5: {  	s22 =	simm.s32 $0xFC00  }
0x1e6: {  	[tilespmem:s22], [sflag:$0x2] =	stream.indirect_vreg.gather [hbm4b:s4+s3], $0x80, v4, vm0, $0xb8;
	[tilespmem:$0x1A400] =	vst v63  }
0x1e7: {  	s22 =	simm.s32 $0x10400  }
0x1e8: {  	[tilespmem:s22], [sflag:$0x2] =	stream.indirect_vreg.gather [hbm4b:s4+s3], $0x80, v3, vm0, $0xb8;
	[tilespmem:$0x1A400] =	vst v63  }
0x1e9: {  	v3 =	vld [tilespmem:s17+$0xFFFFFF70];
	_ =	sdelay $0x4  }
0x1ea: {  	v54 =	vshll.u32 v3, $0x1  }
0x1eb: {  	v3 =	vand.u32 $0x7, v3;
	v4 =	vand.u32 $0xFFFFFFF0, v54  }
0x1ec: {  	v3 =	vor.u32 v3, v4  }
0x1ed: {  	v4 =	vperm.xlane v3, v0;
	_ =	sdelay $0x1  }
0x1ee: {  	v3 =	vperm.xlane v3, v2;
	v4 =	vadd.s32 v1, v4;
	_ =	sdelay $0x1  }
0x1ef: {  	v3 =	vadd.s32 v1, v3;
	_ =	sdelay $0x1  }
0x1f0: {  	s22 =	simm.s32 $0x10C00  }
0x1f1: {  	[tilespmem:s22], [sflag:$0x2] =	stream.indirect_vreg.gather [hbm4b:s4+s3], $0x80, v4, vm0, $0xb8;
	[tilespmem:$0x1A400] =	vst v63  }
0x1f2: {  	s22 =	simm.s32 $0x11400  }
0x1f3: {  	[tilespmem:s22], [sflag:$0x2] =	stream.indirect_vreg.gather [hbm4b:s4+s3], $0x80, v3, vm0, $0xb8;
	[tilespmem:$0x1A400] =	vst v63  }
0x1f4: {  	v3 =	vld [tilespmem:s17+$0xFFFFFF80];
	_ =	sdelay $0x4  }
0x1f5: {  	v55 =	vshll.u32 v3, $0x1  }
0x1f6: {  	v3 =	vand.u32 $0x7, v3;
	v4 =	vand.u32 $0xFFFFFFF0, v55  }
0x1f7: {  	v3 =	vor.u32 v3, v4  }
0x1f8: {  	v4 =	vperm.xlane v3, v0;
	_ =	sdelay $0x1  }
0x1f9: {  	v3 =	vperm.xlane v3, v2;
	v4 =	vadd.s32 v1, v4;
	_ =	sdelay $0x1  }
0x1fa: {  	v3 =	vadd.s32 v1, v3;
	_ =	sdelay $0x1  }
0x1fb: {  	s22 =	simm.s32 $0x11C00  }
0x1fc: {  	[tilespmem:s22], [sflag:$0x2] =	stream.indirect_vreg.gather [hbm4b:s4+s3], $0x80, v4, vm0, $0xb8;
	[tilespmem:$0x1A400] =	vst v63  }
0x1fd: {  	s22 =	simm.s32 $0x12400  }
0x1fe: {  	[tilespmem:s22], [sflag:$0x2] =	stream.indirect_vreg.gather [hbm4b:s4+s3], $0x80, v3, vm0, $0xb8;
	[tilespmem:$0x1A400] =	vst v63  }
0x1ff: {  	v3 =	vld [tilespmem:s17+$0xFFFFFF90];
	_ =	sdelay $0x4  }
0x200: {  	v56 =	vshll.u32 v3, $0x1  }
0x201: {  	v3 =	vand.u32 $0x7, v3;
	v4 =	vand.u32 $0xFFFFFFF0, v56  }
0x202: {  	v3 =	vor.u32 v3, v4  }
0x203: {  	v4 =	vperm.xlane v3, v0;
	_ =	sdelay $0x1  }
0x204: {  	v3 =	vperm.xlane v3, v2;
	v4 =	vadd.s32 v1, v4;
	_ =	sdelay $0x1  }
0x205: {  	v3 =	vadd.s32 v1, v3;
	_ =	sdelay $0x1  }
0x206: {  	s22 =	simm.s32 $0x12C00  }
0x207: {  	[tilespmem:s22], [sflag:$0x2] =	stream.indirect_vreg.gather [hbm4b:s4+s3], $0x80, v4, vm0, $0xb8;
	[tilespmem:$0x1A400] =	vst v63  }
0x208: {  	s22 =	simm.s32 $0x13400  }
0x209: {  	[tilespmem:s22], [sflag:$0x2] =	stream.indirect_vreg.gather [hbm4b:s4+s3], $0x80, v3, vm0, $0xb8;
	[tilespmem:$0x1A400] =	vst v63  }
0x20a: {  	v3 =	vld [tilespmem:s17+$0xFFFFFFA0];
	_ =	sdelay $0x4  }
0x20b: {  	v57 =	vshll.u32 v3, $0x1  }
0x20c: {  	v3 =	vand.u32 $0x7, v3;
	v4 =	vand.u32 $0xFFFFFFF0, v57  }
0x20d: {  	v3 =	vor.u32 v3, v4  }
0x20e: {  	v4 =	vperm.xlane v3, v0;
	_ =	sdelay $0x1  }
0x20f: {  	v3 =	vperm.xlane v3, v2;
	v4 =	vadd.s32 v1, v4;
	_ =	sdelay $0x1  }
0x210: {  	v3 =	vadd.s32 v1, v3;
	_ =	sdelay $0x1  }
0x211: {  	s22 =	simm.s32 $0x13C00  }
0x212: {  	[tilespmem:s22], [sflag:$0x2] =	stream.indirect_vreg.gather [hbm4b:s4+s3], $0x80, v4, vm0, $0xb8;
	[tilespmem:$0x1A400] =	vst v63  }
0x213: {  	s22 =	simm.s32 $0x14400  }
0x214: {  	[tilespmem:s22], [sflag:$0x2] =	stream.indirect_vreg.gather [hbm4b:s4+s3], $0x80, v3, vm0, $0xb8;
	[tilespmem:$0x1A400] =	vst v63  }
0x215: {  	v3 =	vld [tilespmem:s17+$0xFFFFFFB0];
	_ =	sdelay $0x4  }
0x216: {  	v58 =	vshll.u32 v3, $0x1  }
0x217: {  	v3 =	vand.u32 $0x7, v3;
	v4 =	vand.u32 $0xFFFFFFF0, v58  }
0x218: {  	v3 =	vor.u32 v3, v4  }
0x219: {  	v4 =	vperm.xlane v3, v0;
	_ =	sdelay $0x1  }
0x21a: {  	v3 =	vperm.xlane v3, v2;
	v4 =	vadd.s32 v1, v4;
	_ =	sdelay $0x1  }
0x21b: {  	v3 =	vadd.s32 v1, v3;
	_ =	sdelay $0x1  }
0x21c: {  	s22 =	simm.s32 $0x14C00  }
0x21d: {  	[tilespmem:s22], [sflag:$0x2] =	stream.indirect_vreg.gather [hbm4b:s4+s3], $0x80, v4, vm0, $0xb8;
	[tilespmem:$0x1A400] =	vst v63  }
0x21e: {  	s22 =	simm.s32 $0x15400  }
0x21f: {  	[tilespmem:s22], [sflag:$0x2] =	stream.indirect_vreg.gather [hbm4b:s4+s3], $0x80, v3, vm0, $0xb8;
	[tilespmem:$0x1A400] =	vst v63  }
0x220: {  	v3 =	vld [tilespmem:s17+$0xFFFFFFC0];
	_ =	sdelay $0x4  }
0x221: {  	v59 =	vshll.u32 v3, $0x1  }
0x222: {  	v3 =	vand.u32 $0x7, v3;
	v4 =	vand.u32 $0xFFFFFFF0, v59  }
0x223: {  	v3 =	vor.u32 v3, v4  }
0x224: {  	v4 =	vperm.xlane v3, v0;
	_ =	sdelay $0x1  }
0x225: {  	v3 =	vperm.xlane v3, v2;
	v4 =	vadd.s32 v1, v4;
	_ =	sdelay $0x1  }
0x226: {  	v3 =	vadd.s32 v1, v3;
	_ =	sdelay $0x1  }
0x227: {  	s22 =	simm.s32 $0x15C00  }
0x228: {  	[tilespmem:s22], [sflag:$0x2] =	stream.indirect_vreg.gather [hbm4b:s4+s3], $0x80, v4, vm0, $0xb8;
	[tilespmem:$0x1A400] =	vst v63  }
0x229: {  	s22 =	simm.s32 $0x16400  }
0x22a: {  	[tilespmem:s22], [sflag:$0x2] =	stream.indirect_vreg.gather [hbm4b:s4+s3], $0x80, v3, vm0, $0xb8;
	[tilespmem:$0x1A400] =	vst v63  }
0x22b: {  	v3 =	vld [tilespmem:s17+$0xFFFFFFD0];
	_ =	sdelay $0x4  }
0x22c: {  	v60 =	vshll.u32 v3, $0x1  }
0x22d: {  	v3 =	vand.u32 $0x7, v3;
	v4 =	vand.u32 $0xFFFFFFF0, v60  }
0x22e: {  	v3 =	vor.u32 v3, v4  }
0x22f: {  	v4 =	vperm.xlane v3, v0;
	_ =	sdelay $0x1  }
0x230: {  	v3 =	vperm.xlane v3, v2;
	v4 =	vadd.s32 v1, v4;
	_ =	sdelay $0x1  }
0x231: {  	v3 =	vadd.s32 v1, v3;
	_ =	sdelay $0x1  }
0x232: {  	s22 =	simm.s32 $0x16C00  }
0x233: {  	[tilespmem:s22], [sflag:$0x2] =	stream.indirect_vreg.gather [hbm4b:s4+s3], $0x80, v4, vm0, $0xb8;
	[tilespmem:$0x1A400] =	vst v63  }
0x234: {  	s22 =	simm.s32 $0x17400  }
0x235: {  	[tilespmem:s22], [sflag:$0x2] =	stream.indirect_vreg.gather [hbm4b:s4+s3], $0x80, v3, vm0, $0xb8;
	[tilespmem:$0x1A400] =	vst v63  }
0x236: {  	v3 =	vld [tilespmem:s17+$0xFFFFFFE0];
	_ =	sdelay $0x4  }
0x237: {  	v61 =	vshll.u32 v3, $0x1  }
0x238: {  	v3 =	vand.u32 $0x7, v3;
	v4 =	vand.u32 $0xFFFFFFF0, v61  }
0x239: {  	v3 =	vor.u32 v3, v4  }
0x23a: {  	v4 =	vperm.xlane v3, v0;
	_ =	sdelay $0x1  }
0x23b: {  	v3 =	vperm.xlane v3, v2;
	v4 =	vadd.s32 v1, v4;
	_ =	sdelay $0x1  }
0x23c: {  	v3 =	vadd.s32 v1, v3;
	_ =	sdelay $0x1  }
0x23d: {  	s22 =	simm.s32 $0x17C00  }
0x23e: {  	[tilespmem:s22], [sflag:$0x2] =	stream.indirect_vreg.gather [hbm4b:s4+s3], $0x80, v4, vm0, $0xb8;
	[tilespmem:$0x1A400] =	vst v63  }
0x23f: {  	s22 =	simm.s32 $0x18400  }
0x240: {  	[tilespmem:s22], [sflag:$0x2] =	stream.indirect_vreg.gather [hbm4b:s4+s3], $0x80, v3, vm0, $0xb8;
	[tilespmem:$0x1A400] =	vst v63  }
0x241: {  	v3 =	vld [tilespmem:s17+$0xFFFFFFF0];
	_ =	sdelay $0x4  }
0x242: {  	v62 =	vshll.u32 v3, $0x1  }
0x243: {  	v3 =	vand.u32 $0x7, v3;
	v4 =	vand.u32 $0xFFFFFFF0, v62  }
0x244: {  	v3 =	vor.u32 v3, v4  }
0x245: {  	v4 =	vperm.xlane v3, v0;
	_ =	sdelay $0x1  }
0x246: {  	v3 =	vperm.xlane v3, v2;
	v4 =	vadd.s32 v1, v4;
	_ =	sdelay $0x1  }
0x247: {  	v3 =	vadd.s32 v1, v3;
	_ =	sdelay $0x2  }
0x248: {  	[tilespmem:s18], [sflag:$0x2] =	stream.indirect_vreg.gather [hbm4b:s4+s3], $0x80, v4, vm0, $0xb8;
	[tilespmem:$0x1A400] =	vst v63  }
0x249: {  	_ = 	snop  }
0x24a: {  	[tilespmem:s16], [sflag:$0x2] =	stream.indirect_vreg.gather [hbm4b:s4+s3], $0x80, v3, vm0, $0xb8;
	[tilespmem:$0x1A400] =	vst v63  }
0x24b: {  	v3 =	vld.msk [tilespmem:s17+$0x0], $0xff;
	_ =	sdelay $0x4  }
0x24c: {  	v63 =	vshll.u32 v3, $0x1  }
0x24d: {  	v3 =	vand.u32 $0x7, v3;
	v4 =	vand.u32 $0xFFFFFFF0, v63  }
0x24e: {  	v3 =	vor.u32 v3, v4  }
0x24f: {  	v3 =	vperm.xlane v3, v0;
	_ =	sdelay $0x1  }
0x250: {  	v3 =	vadd.s32 v1, v3  }
.Ltmp4:
0x251: {  	_ = 	snop;
	(pc) =	sbr.rel .LBB2_7-.Ltmp4, $3  }
0x252: {  	_ =	sdelay $0x1  }
0x253: {  	s21 =	sadd.s32 $0x3200, s21;
	s17 =	sadd.s32 $0x190, s17  }
0x254: {  	[tilespmem:s19], [sflag:$0x2] =	stream.indirect_vreg.gather [hbm4b:s4+s3], $0x80, v3, vm0, $0xb8;
	[tilespmem:$0x1A400] =	vst v63  }
.LBB2_2:
0x255: {  	s17 =	rddreg [dreg:$0x5]  }
0x256: {  	[tilespmem:s21], [sflag:$0x3] =	stream.linear.gather [hbm4b:s17+s21], $0x1388, $0x38;
	[tilespmem:$0x1A400] =	vst v63  }
0x257: {  	_ =	swait.ge [sflag:s13], $0x1388  }
0x258: {  	[sflag:s13] =	ssyncset.done $0x0  }
0x259: {  	[sflag:s13] =	ssyncadd.s32 $0xFFFFEC78  }
0x25a: {  	v3 =	vld [tilespmem:$0x0];
	_ =	sdelay $0x4  }
0x25b: {  	v4 =	vshll.u32 v3, $0x1  }
0x25c: {  	v3 =	vand.u32 $0x7, v3;
	v4 =	vand.u32 $0xFFFFFFF0, v4  }
0x25d: {  	v3 =	vor.u32 v3, v4  }
0x25e: {  	v4 =	vperm.xlane v3, v0;
	_ =	sdelay $0x1  }
0x25f: {  	v3 =	vperm.xlane v3, v2;
	v4 =	vadd.s32 v1, v4;
	_ =	sdelay $0x1  }
0x260: {  	v3 =	vadd.s32 v1, v3;
	_ =	sdelay $0x2  }
0x261: {  	[tilespmem:s14], [sflag:$0x1] =	stream.indirect_vreg.gather [hbm4b:s1+s21], $0x80, v4, vm0, $0xb8;
	[tilespmem:$0x1A400] =	vst v63  }
0x262: {  	s12 =	simm.s32 $0x1C00  }
0x263: {  	[tilespmem:s12], [sflag:$0x1] =	stream.indirect_vreg.gather [hbm4b:s1+s21], $0x80, v3, vm0, $0xb8;
	[tilespmem:$0x1A400] =	vst v63  }
0x264: {  	v3 =	vld [tilespmem:$0x10];
	_ =	sdelay $0x4  }
0x265: {  	v39 =	vshll.u32 v3, $0x1  }
0x266: {  	v3 =	vand.u32 $0x7, v3;
	v4 =	vand.u32 $0xFFFFFFF0, v39  }
0x267: {  	v3 =	vor.u32 v3, v4  }
0x268: {  	v4 =	vperm.xlane v3, v0;
	_ =	sdelay $0x1  }
0x269: {  	v3 =	vperm.xlane v3, v2;
	v4 =	vadd.s32 v1, v4;
	_ =	sdelay $0x1  }
0x26a: {  	v3 =	vadd.s32 v1, v3;
	_ =	sdelay $0x1  }
0x26b: {  	s17 =	simm.s32 $0x2400  }
0x26c: {  	[tilespmem:s17], [sflag:$0x1] =	stream.indirect_vreg.gather [hbm4b:s1+s21], $0x80, v4, vm0, $0xb8;
	[tilespmem:$0x1A400] =	vst v63  }
0x26d: {  	s22 =	simm.s32 $0x2C00  }
0x26e: {  	[tilespmem:s22], [sflag:$0x1] =	stream.indirect_vreg.gather [hbm4b:s1+s21], $0x80, v3, vm0, $0xb8;
	[tilespmem:$0x1A400] =	vst v63  }
0x26f: {  	v3 =	vld [tilespmem:$0x20];
	_ =	sdelay $0x4  }
0x270: {  	v40 =	vshll.u32 v3, $0x1  }
0x271: {  	v3 =	vand.u32 $0x7, v3;
	v4 =	vand.u32 $0xFFFFFFF0, v40  }
0x272: {  	v3 =	vor.u32 v3, v4  }
0x273: {  	v4 =	vperm.xlane v3, v0;
	_ =	sdelay $0x1  }
0x274: {  	v3 =	vperm.xlane v3, v2;
	v4 =	vadd.s32 v1, v4;
	_ =	sdelay $0x1  }
0x275: {  	v3 =	vadd.s32 v1, v3;
	_ =	sdelay $0x1  }
0x276: {  	s17 =	simm.s32 $0x3400  }
0x277: {  	[tilespmem:s17], [sflag:$0x1] =	stream.indirect_vreg.gather [hbm4b:s1+s21], $0x80, v4, vm0, $0xb8;
	[tilespmem:$0x1A400] =	vst v63  }
0x278: {  	s22 =	simm.s32 $0x3C00  }
0x279: {  	[tilespmem:s22], [sflag:$0x1] =	stream.indirect_vreg.gather [hbm4b:s1+s21], $0x80, v3, vm0, $0xb8;
	[tilespmem:$0x1A400] =	vst v63  }
0x27a: {  	v3 =	vld [tilespmem:$0x30];
	_ =	sdelay $0x4  }
0x27b: {  	v41 =	vshll.u32 v3, $0x1  }
0x27c: {  	v3 =	vand.u32 $0x7, v3;
	v4 =	vand.u32 $0xFFFFFFF0, v41  }
0x27d: {  	v3 =	vor.u32 v3, v4  }
0x27e: {  	v4 =	vperm.xlane v3, v0;
	_ =	sdelay $0x1  }
0x27f: {  	v3 =	vperm.xlane v3, v2;
	v4 =	vadd.s32 v1, v4;
	_ =	sdelay $0x1  }
0x280: {  	v3 =	vadd.s32 v1, v3;
	_ =	sdelay $0x1  }
0x281: {  	s17 =	simm.s32 $0x4400  }
0x282: {  	[tilespmem:s17], [sflag:$0x1] =	stream.indirect_vreg.gather [hbm4b:s1+s21], $0x80, v4, vm0, $0xb8;
	[tilespmem:$0x1A400] =	vst v63  }
0x283: {  	s22 =	simm.s32 $0x4C00  }
0x284: {  	[tilespmem:s22], [sflag:$0x1] =	stream.indirect_vreg.gather [hbm4b:s1+s21], $0x80, v3, vm0, $0xb8;
	[tilespmem:$0x1A400] =	vst v63  }
0x285: {  	v3 =	vld [tilespmem:$0x40];
	_ =	sdelay $0x4  }
0x286: {  	v42 =	vshll.u32 v3, $0x1  }
0x287: {  	v3 =	vand.u32 $0x7, v3;
	v4 =	vand.u32 $0xFFFFFFF0, v42  }
0x288: {  	v3 =	vor.u32 v3, v4  }
0x289: {  	v4 =	vperm.xlane v3, v0;
	_ =	sdelay $0x1  }
0x28a: {  	v3 =	vperm.xlane v3, v2;
	v4 =	vadd.s32 v1, v4;
	_ =	sdelay $0x1  }
0x28b: {  	v3 =	vadd.s32 v1, v3;
	_ =	sdelay $0x1  }
0x28c: {  	s17 =	simm.s32 $0x5400  }
0x28d: {  	[tilespmem:s17], [sflag:$0x1] =	stream.indirect_vreg.gather [hbm4b:s1+s21], $0x80, v4, vm0, $0xb8;
	[tilespmem:$0x1A400] =	vst v63  }
0x28e: {  	_ = 	snop  }
0x28f: {  	[tilespmem:s23], [sflag:$0x1] =	stream.indirect_vreg.gather [hbm4b:s1+s21], $0x80, v3, vm0, $0xb8;
	[tilespmem:$0x1A400] =	vst v63  }
0x290: {  	v3 =	vld [tilespmem:$0x50];
	_ =	sdelay $0x4  }
0x291: {  	v43 =	vshll.u32 v3, $0x1  }
0x292: {  	v3 =	vand.u32 $0x7, v3;
	v4 =	vand.u32 $0xFFFFFFF0, v43  }
0x293: {  	v3 =	vor.u32 v3, v4  }
0x294: {  	v4 =	vperm.xlane v3, v0;
	_ =	sdelay $0x1  }
0x295: {  	v3 =	vperm.xlane v3, v2;
	v4 =	vadd.s32 v1, v4;
	_ =	sdelay $0x1  }
0x296: {  	v3 =	vadd.s32 v1, v3;
	_ =	sdelay $0x2  }
0x297: {  	[tilespmem:s24], [sflag:$0x1] =	stream.indirect_vreg.gather [hbm4b:s1+s21], $0x80, v4, vm0, $0xb8;
	[tilespmem:$0x1A400] =	vst v63  }
0x298: {  	_ = 	snop  }
0x299: {  	[tilespmem:s25], [sflag:$0x1] =	stream.indirect_vreg.gather [hbm4b:s1+s21], $0x80, v3, vm0, $0xb8;
	[tilespmem:$0x1A400] =	vst v63  }
0x29a: {  	v3 =	vld [tilespmem:$0x60];
	_ =	sdelay $0x4  }
0x29b: {  	v44 =	vshll.u32 v3, $0x1  }
0x29c: {  	v3 =	vand.u32 $0x7, v3;
	v4 =	vand.u32 $0xFFFFFFF0, v44  }
0x29d: {  	v3 =	vor.u32 v3, v4  }
0x29e: {  	v4 =	vperm.xlane v3, v0;
	_ =	sdelay $0x1  }
0x29f: {  	v3 =	vperm.xlane v3, v2;
	v4 =	vadd.s32 v1, v4;
	_ =	sdelay $0x1  }
0x2a0: {  	v3 =	vadd.s32 v1, v3;
	_ =	sdelay $0x2  }
0x2a1: {  	[tilespmem:s26], [sflag:$0x1] =	stream.indirect_vreg.gather [hbm4b:s1+s21], $0x80, v4, vm0, $0xb8;
	[tilespmem:$0x1A400] =	vst v63  }
0x2a2: {  	_ = 	snop  }
0x2a3: {  	[tilespmem:s28], [sflag:$0x1] =	stream.indirect_vreg.gather [hbm4b:s1+s21], $0x80, v3, vm0, $0xb8;
	[tilespmem:$0x1A400] =	vst v63  }
0x2a4: {  	v3 =	vld [tilespmem:$0x70];
	_ =	sdelay $0x4  }
0x2a5: {  	v45 =	vshll.u32 v3, $0x1  }
0x2a6: {  	v3 =	vand.u32 $0x7, v3;
	v4 =	vand.u32 $0xFFFFFFF0, v45  }
0x2a7: {  	v3 =	vor.u32 v3, v4  }
0x2a8: {  	v4 =	vperm.xlane v3, v0;
	_ =	sdelay $0x1  }
0x2a9: {  	v3 =	vperm.xlane v3, v2;
	v4 =	vadd.s32 v1, v4;
	_ =	sdelay $0x1  }
0x2aa: {  	v3 =	vadd.s32 v1, v3;
	_ =	sdelay $0x2  }
0x2ab: {  	[tilespmem:s29], [sflag:$0x1] =	stream.indirect_vreg.gather [hbm4b:s1+s21], $0x80, v4, vm0, $0xb8;
	[tilespmem:$0x1A400] =	vst v63  }
0x2ac: {  	_ = 	snop  }
0x2ad: {  	[tilespmem:s30], [sflag:$0x1] =	stream.indirect_vreg.gather [hbm4b:s1+s21], $0x80, v3, vm0, $0xb8;
	[tilespmem:$0x1A400] =	vst v63  }
0x2ae: {  	v3 =	vld [tilespmem:$0x80];
	_ =	sdelay $0x4  }
0x2af: {  	v46 =	vshll.u32 v3, $0x1  }
0x2b0: {  	v3 =	vand.u32 $0x7, v3;
	v4 =	vand.u32 $0xFFFFFFF0, v46  }
0x2b1: {  	v3 =	vor.u32 v3, v4  }
0x2b2: {  	v4 =	vperm.xlane v3, v0;
	_ =	sdelay $0x1  }
0x2b3: {  	v3 =	vperm.xlane v3, v2;
	v4 =	vadd.s32 v1, v4;
	_ =	sdelay $0x1  }
0x2b4: {  	v3 =	vadd.s32 v1, v3;
	_ =	sdelay $0x2  }
0x2b5: {  	[tilespmem:s31], [sflag:$0x1] =	stream.indirect_vreg.gather [hbm4b:s1+s21], $0x80, v4, vm0, $0xb8;
	[tilespmem:$0x1A400] =	vst v63  }
0x2b6: {  	_ = 	snop  }
0x2b7: {  	[tilespmem:s0], [sflag:$0x1] =	stream.indirect_vreg.gather [hbm4b:s1+s21], $0x80, v3, vm0, $0xb8;
	[tilespmem:$0x1A400] =	vst v63  }
0x2b8: {  	v3 =	vld [tilespmem:$0x90];
	_ =	sdelay $0x4  }
0x2b9: {  	v47 =	vshll.u32 v3, $0x1  }
0x2ba: {  	v3 =	vand.u32 $0x7, v3;
	v4 =	vand.u32 $0xFFFFFFF0, v47  }
0x2bb: {  	v3 =	vor.u32 v3, v4  }
0x2bc: {  	v4 =	vperm.xlane v3, v0;
	_ =	sdelay $0x1  }
0x2bd: {  	v3 =	vperm.xlane v3, v2;
	v4 =	vadd.s32 v1, v4;
	_ =	sdelay $0x1  }
0x2be: {  	v3 =	vadd.s32 v1, v3;
	_ =	sdelay $0x2  }
0x2bf: {  	[tilespmem:s2], [sflag:$0x1] =	stream.indirect_vreg.gather [hbm4b:s1+s21], $0x80, v4, vm0, $0xb8;
	[tilespmem:$0x1A400] =	vst v63  }
0x2c0: {  	_ = 	snop  }
0x2c1: {  	[tilespmem:s7], [sflag:$0x1] =	stream.indirect_vreg.gather [hbm4b:s1+s21], $0x80, v3, vm0, $0xb8;
	[tilespmem:$0x1A400] =	vst v63  }
0x2c2: {  	v3 =	vld [tilespmem:$0xA0];
	_ =	sdelay $0x4  }
0x2c3: {  	v48 =	vshll.u32 v3, $0x1  }
0x2c4: {  	v3 =	vand.u32 $0x7, v3;
	v4 =	vand.u32 $0xFFFFFFF0, v48  }
0x2c5: {  	v3 =	vor.u32 v3, v4  }
0x2c6: {  	v4 =	vperm.xlane v3, v0;
	_ =	sdelay $0x1  }
0x2c7: {  	v3 =	vperm.xlane v3, v2;
	v4 =	vadd.s32 v1, v4;
	_ =	sdelay $0x1  }
0x2c8: {  	v3 =	vadd.s32 v1, v3;
	_ =	sdelay $0x2  }
0x2c9: {  	[tilespmem:s9], [sflag:$0x1] =	stream.indirect_vreg.gather [hbm4b:s1+s21], $0x80, v4, vm0, $0xb8;
	[tilespmem:$0x1A400] =	vst v63  }
0x2ca: {  	_ = 	snop  }
0x2cb: {  	[tilespmem:s5], [sflag:$0x1] =	stream.indirect_vreg.gather [hbm4b:s1+s21], $0x80, v3, vm0, $0xb8;
	[tilespmem:$0x1A400] =	vst v63  }
0x2cc: {  	v3 =	vld [tilespmem:$0xB0];
	_ =	sdelay $0x4  }
0x2cd: {  	v49 =	vshll.u32 v3, $0x1  }
0x2ce: {  	v3 =	vand.u32 $0x7, v3;
	v4 =	vand.u32 $0xFFFFFFF0, v49  }
0x2cf: {  	v3 =	vor.u32 v3, v4  }
0x2d0: {  	v4 =	vperm.xlane v3, v0;
	_ =	sdelay $0x1  }
0x2d1: {  	v3 =	vperm.xlane v3, v2;
	v4 =	vadd.s32 v1, v4;
	_ =	sdelay $0x1  }
0x2d2: {  	v3 =	vadd.s32 v1, v3;
	_ =	sdelay $0x2  }
0x2d3: {  	[tilespmem:s6], [sflag:$0x1] =	stream.indirect_vreg.gather [hbm4b:s1+s21], $0x80, v4, vm0, $0xb8;
	[tilespmem:$0x1A400] =	vst v63  }
0x2d4: {  	_ = 	snop  }
0x2d5: {  	[tilespmem:s8], [sflag:$0x1] =	stream.indirect_vreg.gather [hbm4b:s1+s21], $0x80, v3, vm0, $0xb8;
	[tilespmem:$0x1A400] =	vst v63  }
0x2d6: {  	v3 =	vld.msk [tilespmem:$0xC0], $0xff;
	_ =	sdelay $0x4  }
0x2d7: {  	v50 =	vshll.u32 v3, $0x1  }
0x2d8: {  	v3 =	vand.u32 $0x7, v3;
	v4 =	vand.u32 $0xFFFFFFF0, v50  }
0x2d9: {  	v3 =	vor.u32 v3, v4  }
0x2da: {  	v3 =	vperm.xlane v3, v0;
	_ =	sdelay $0x1  }
0x2db: {  	v3 =	vadd.s32 v1, v3;
	_ =	sdelay $0x4  }
0x2dc: {  	[tilespmem:s10], [sflag:$0x1] =	stream.indirect_vreg.gather [hbm4b:s1+s21], $0x80, v3, vm0, $0xb8;
	[tilespmem:$0x1A400] =	vst v63  }
0x2dd: {  	v3 =	vld [tilespmem:$0xC8];
	_ =	sdelay $0x4  }
0x2de: {  	v51 =	vshll.u32 v3, $0x1  }
0x2df: {  	v3 =	vand.u32 $0x7, v3;
	v4 =	vand.u32 $0xFFFFFFF0, v51  }
0x2e0: {  	v3 =	vor.u32 v3, v4  }
0x2e1: {  	v4 =	vperm.xlane v3, v0;
	_ =	sdelay $0x1  }
0x2e2: {  	v3 =	vperm.xlane v3, v2;
	v4 =	vadd.s32 v1, v4;
	_ =	sdelay $0x1  }
0x2e3: {  	v3 =	vadd.s32 v1, v3;
	_ =	sdelay $0x2  }
0x2e4: {  	[tilespmem:s11], [sflag:$0x2] =	stream.indirect_vreg.gather [hbm4b:s1+s21], $0x80, v4, vm0, $0xb8;
	[tilespmem:$0x1A400] =	vst v63  }
0x2e5: {  	s22 =	simm.s32 $0xE400  }
0x2e6: {  	[tilespmem:s22], [sflag:$0x2] =	stream.indirect_vreg.gather [hbm4b:s1+s21], $0x80, v3, vm0, $0xb8;
	[tilespmem:$0x1A400] =	vst v63  }
0x2e7: {  	v3 =	vld [tilespmem:$0xD8];
	_ =	sdelay $0x4  }
0x2e8: {  	v52 =	vshll.u32 v3, $0x1  }
0x2e9: {  	v3 =	vand.u32 $0x7, v3;
	v4 =	vand.u32 $0xFFFFFFF0, v52  }
0x2ea: {  	v3 =	vor.u32 v3, v4  }
0x2eb: {  	v4 =	vperm.xlane v3, v0;
	_ =	sdelay $0x1  }
0x2ec: {  	v3 =	vperm.xlane v3, v2;
	v4 =	vadd.s32 v1, v4;
	_ =	sdelay $0x1  }
0x2ed: {  	v3 =	vadd.s32 v1, v3;
	_ =	sdelay $0x1  }
0x2ee: {  	s17 =	simm.s32 $0xEC00  }
0x2ef: {  	[tilespmem:s17], [sflag:$0x2] =	stream.indirect_vreg.gather [hbm4b:s1+s21], $0x80, v4, vm0, $0xb8;
	[tilespmem:$0x1A400] =	vst v63  }
0x2f0: {  	s22 =	simm.s32 $0xF400  }
0x2f1: {  	[tilespmem:s22], [sflag:$0x2] =	stream.indirect_vreg.gather [hbm4b:s1+s21], $0x80, v3, vm0, $0xb8;
	[tilespmem:$0x1A400] =	vst v63  }
0x2f2: {  	v3 =	vld [tilespmem:$0xE8];
	_ =	sdelay $0x4  }
0x2f3: {  	v53 =	vshll.u32 v3, $0x1  }
0x2f4: {  	v3 =	vand.u32 $0x7, v3;
	v4 =	vand.u32 $0xFFFFFFF0, v53  }
0x2f5: {  	v3 =	vor.u32 v3, v4  }
0x2f6: {  	v4 =	vperm.xlane v3, v0;
	_ =	sdelay $0x1  }
0x2f7: {  	v3 =	vperm.xlane v3, v2;
	v4 =	vadd.s32 v1, v4;
	_ =	sdelay $0x1  }
0x2f8: {  	v3 =	vadd.s32 v1, v3;
	_ =	sdelay $0x1  }
0x2f9: {  	s17 =	simm.s32 $0xFC00  }
0x2fa: {  	[tilespmem:s17], [sflag:$0x2] =	stream.indirect_vreg.gather [hbm4b:s1+s21], $0x80, v4, vm0, $0xb8;
	[tilespmem:$0x1A400] =	vst v63  }
0x2fb: {  	s22 =	simm.s32 $0x10400  }
0x2fc: {  	[tilespmem:s22], [sflag:$0x2] =	stream.indirect_vreg.gather [hbm4b:s1+s21], $0x80, v3, vm0, $0xb8;
	[tilespmem:$0x1A400] =	vst v63  }
0x2fd: {  	v3 =	vld [tilespmem:$0xF8];
	_ =	sdelay $0x4  }
0x2fe: {  	v54 =	vshll.u32 v3, $0x1  }
0x2ff: {  	v3 =	vand.u32 $0x7, v3;
	v4 =	vand.u32 $0xFFFFFFF0, v54  }
0x300: {  	v3 =	vor.u32 v3, v4  }
0x301: {  	v4 =	vperm.xlane v3, v0;
	_ =	sdelay $0x1  }
0x302: {  	v3 =	vperm.xlane v3, v2;
	v4 =	vadd.s32 v1, v4;
	_ =	sdelay $0x1  }
0x303: {  	v3 =	vadd.s32 v1, v3;
	_ =	sdelay $0x1  }
0x304: {  	s17 =	simm.s32 $0x10C00  }
0x305: {  	[tilespmem:s17], [sflag:$0x2] =	stream.indirect_vreg.gather [hbm4b:s1+s21], $0x80, v4, vm0, $0xb8;
	[tilespmem:$0x1A400] =	vst v63  }
0x306: {  	s22 =	simm.s32 $0x11400  }
0x307: {  	[tilespmem:s22], [sflag:$0x2] =	stream.indirect_vreg.gather [hbm4b:s1+s21], $0x80, v3, vm0, $0xb8;
	[tilespmem:$0x1A400] =	vst v63  }
0x308: {  	v3 =	vld [tilespmem:$0x108];
	_ =	sdelay $0x4  }
0x309: {  	v55 =	vshll.u32 v3, $0x1  }
0x30a: {  	v3 =	vand.u32 $0x7, v3;
	v4 =	vand.u32 $0xFFFFFFF0, v55  }
0x30b: {  	v3 =	vor.u32 v3, v4  }
0x30c: {  	v4 =	vperm.xlane v3, v0;
	_ =	sdelay $0x1  }
0x30d: {  	v3 =	vperm.xlane v3, v2;
	v4 =	vadd.s32 v1, v4;
	_ =	sdelay $0x1  }
0x30e: {  	v3 =	vadd.s32 v1, v3;
	_ =	sdelay $0x1  }
0x30f: {  	s17 =	simm.s32 $0x11C00  }
0x310: {  	[tilespmem:s17], [sflag:$0x2] =	stream.indirect_vreg.gather [hbm4b:s1+s21], $0x80, v4, vm0, $0xb8;
	[tilespmem:$0x1A400] =	vst v63  }
0x311: {  	s22 =	simm.s32 $0x12400  }
0x312: {  	[tilespmem:s22], [sflag:$0x2] =	stream.indirect_vreg.gather [hbm4b:s1+s21], $0x80, v3, vm0, $0xb8;
	[tilespmem:$0x1A400] =	vst v63  }
0x313: {  	v3 =	vld [tilespmem:$0x118];
	_ =	sdelay $0x4  }
0x314: {  	v56 =	vshll.u32 v3, $0x1  }
0x315: {  	v3 =	vand.u32 $0x7, v3;
	v4 =	vand.u32 $0xFFFFFFF0, v56  }
0x316: {  	v3 =	vor.u32 v3, v4  }
0x317: {  	v4 =	vperm.xlane v3, v0;
	_ =	sdelay $0x1  }
0x318: {  	v3 =	vperm.xlane v3, v2;
	v4 =	vadd.s32 v1, v4;
	_ =	sdelay $0x1  }
0x319: {  	v3 =	vadd.s32 v1, v3;
	_ =	sdelay $0x1  }
0x31a: {  	s17 =	simm.s32 $0x12C00  }
0x31b: {  	[tilespmem:s17], [sflag:$0x2] =	stream.indirect_vreg.gather [hbm4b:s1+s21], $0x80, v4, vm0, $0xb8;
	[tilespmem:$0x1A400] =	vst v63  }
0x31c: {  	s22 =	simm.s32 $0x13400  }
0x31d: {  	[tilespmem:s22], [sflag:$0x2] =	stream.indirect_vreg.gather [hbm4b:s1+s21], $0x80, v3, vm0, $0xb8;
	[tilespmem:$0x1A400] =	vst v63  }
0x31e: {  	v3 =	vld [tilespmem:$0x128];
	_ =	sdelay $0x4  }
0x31f: {  	v57 =	vshll.u32 v3, $0x1  }
0x320: {  	v3 =	vand.u32 $0x7, v3;
	v4 =	vand.u32 $0xFFFFFFF0, v57  }
0x321: {  	v3 =	vor.u32 v3, v4  }
0x322: {  	v4 =	vperm.xlane v3, v0;
	_ =	sdelay $0x1  }
0x323: {  	v3 =	vperm.xlane v3, v2;
	v4 =	vadd.s32 v1, v4;
	_ =	sdelay $0x1  }
0x324: {  	v3 =	vadd.s32 v1, v3;
	_ =	sdelay $0x1  }
0x325: {  	s17 =	simm.s32 $0x13C00  }
0x326: {  	[tilespmem:s17], [sflag:$0x2] =	stream.indirect_vreg.gather [hbm4b:s1+s21], $0x80, v4, vm0, $0xb8;
	[tilespmem:$0x1A400] =	vst v63  }
0x327: {  	s22 =	simm.s32 $0x14400  }
0x328: {  	[tilespmem:s22], [sflag:$0x2] =	stream.indirect_vreg.gather [hbm4b:s1+s21], $0x80, v3, vm0, $0xb8;
	[tilespmem:$0x1A400] =	vst v63  }
0x329: {  	v3 =	vld [tilespmem:$0x138];
	_ =	sdelay $0x4  }
0x32a: {  	v58 =	vshll.u32 v3, $0x1  }
0x32b: {  	v3 =	vand.u32 $0x7, v3;
	v4 =	vand.u32 $0xFFFFFFF0, v58  }
0x32c: {  	v3 =	vor.u32 v3, v4  }
0x32d: {  	v4 =	vperm.xlane v3, v0;
	_ =	sdelay $0x1  }
0x32e: {  	v3 =	vperm.xlane v3, v2;
	v4 =	vadd.s32 v1, v4;
	_ =	sdelay $0x1  }
0x32f: {  	v3 =	vadd.s32 v1, v3;
	_ =	sdelay $0x1  }
0x330: {  	s17 =	simm.s32 $0x14C00  }
0x331: {  	[tilespmem:s17], [sflag:$0x2] =	stream.indirect_vreg.gather [hbm4b:s1+s21], $0x80, v4, vm0, $0xb8;
	[tilespmem:$0x1A400] =	vst v63  }
0x332: {  	s22 =	simm.s32 $0x15400  }
0x333: {  	[tilespmem:s22], [sflag:$0x2] =	stream.indirect_vreg.gather [hbm4b:s1+s21], $0x80, v3, vm0, $0xb8;
	[tilespmem:$0x1A400] =	vst v63  }
0x334: {  	v3 =	vld [tilespmem:$0x148];
	_ =	sdelay $0x4  }
0x335: {  	v59 =	vshll.u32 v3, $0x1  }
0x336: {  	v3 =	vand.u32 $0x7, v3;
	v4 =	vand.u32 $0xFFFFFFF0, v59  }
0x337: {  	v3 =	vor.u32 v3, v4  }
0x338: {  	v4 =	vperm.xlane v3, v0;
	_ =	sdelay $0x1  }
0x339: {  	v3 =	vperm.xlane v3, v2;
	v4 =	vadd.s32 v1, v4;
	_ =	sdelay $0x1  }
0x33a: {  	v3 =	vadd.s32 v1, v3;
	_ =	sdelay $0x1  }
0x33b: {  	s17 =	simm.s32 $0x15C00  }
0x33c: {  	[tilespmem:s17], [sflag:$0x2] =	stream.indirect_vreg.gather [hbm4b:s1+s21], $0x80, v4, vm0, $0xb8;
	[tilespmem:$0x1A400] =	vst v63  }
0x33d: {  	s22 =	simm.s32 $0x16400  }
0x33e: {  	[tilespmem:s22], [sflag:$0x2] =	stream.indirect_vreg.gather [hbm4b:s1+s21], $0x80, v3, vm0, $0xb8;
	[tilespmem:$0x1A400] =	vst v63  }
0x33f: {  	v3 =	vld [tilespmem:$0x158];
	_ =	sdelay $0x4  }
0x340: {  	v60 =	vshll.u32 v3, $0x1  }
0x341: {  	v3 =	vand.u32 $0x7, v3;
	v4 =	vand.u32 $0xFFFFFFF0, v60  }
0x342: {  	v3 =	vor.u32 v3, v4  }
0x343: {  	v4 =	vperm.xlane v3, v0;
	_ =	sdelay $0x1  }
0x344: {  	v3 =	vperm.xlane v3, v2;
	v4 =	vadd.s32 v1, v4;
	_ =	sdelay $0x1  }
0x345: {  	v3 =	vadd.s32 v1, v3;
	_ =	sdelay $0x1  }
0x346: {  	s17 =	simm.s32 $0x16C00  }
0x347: {  	[tilespmem:s17], [sflag:$0x2] =	stream.indirect_vreg.gather [hbm4b:s1+s21], $0x80, v4, vm0, $0xb8;
	[tilespmem:$0x1A400] =	vst v63  }
0x348: {  	s22 =	simm.s32 $0x17400  }
0x349: {  	[tilespmem:s22], [sflag:$0x2] =	stream.indirect_vreg.gather [hbm4b:s1+s21], $0x80, v3, vm0, $0xb8;
	[tilespmem:$0x1A400] =	vst v63  }
0x34a: {  	v3 =	vld [tilespmem:$0x168];
	_ =	sdelay $0x4  }
0x34b: {  	v61 =	vshll.u32 v3, $0x1  }
0x34c: {  	v3 =	vand.u32 $0x7, v3;
	v4 =	vand.u32 $0xFFFFFFF0, v61  }
0x34d: {  	v3 =	vor.u32 v3, v4  }
0x34e: {  	v4 =	vperm.xlane v3, v0;
	_ =	sdelay $0x1  }
0x34f: {  	v3 =	vperm.xlane v3, v2;
	v4 =	vadd.s32 v1, v4;
	_ =	sdelay $0x1  }
0x350: {  	v3 =	vadd.s32 v1, v3;
	_ =	sdelay $0x1  }
0x351: {  	s17 =	simm.s32 $0x17C00  }
0x352: {  	[tilespmem:s17], [sflag:$0x2] =	stream.indirect_vreg.gather [hbm4b:s1+s21], $0x80, v4, vm0, $0xb8;
	[tilespmem:$0x1A400] =	vst v63  }
0x353: {  	s22 =	simm.s32 $0x18400  }
0x354: {  	[tilespmem:s22], [sflag:$0x2] =	stream.indirect_vreg.gather [hbm4b:s1+s21], $0x80, v3, vm0, $0xb8;
	[tilespmem:$0x1A400] =	vst v63  }
0x355: {  	v3 =	vld [tilespmem:$0x178];
	_ =	sdelay $0x4  }
0x356: {  	v62 =	vshll.u32 v3, $0x1  }
0x357: {  	v3 =	vand.u32 $0x7, v3;
	v4 =	vand.u32 $0xFFFFFFF0, v62  }
0x358: {  	v3 =	vor.u32 v3, v4  }
0x359: {  	v4 =	vperm.xlane v3, v0;
	_ =	sdelay $0x1  }
0x35a: {  	v3 =	vperm.xlane v3, v2;
	v4 =	vadd.s32 v1, v4;
	_ =	sdelay $0x1  }
0x35b: {  	v3 =	vadd.s32 v1, v3;
	_ =	sdelay $0x2  }
0x35c: {  	[tilespmem:s18], [sflag:$0x2] =	stream.indirect_vreg.gather [hbm4b:s1+s21], $0x80, v4, vm0, $0xb8;
	[tilespmem:$0x1A400] =	vst v63  }
0x35d: {  	_ = 	snop  }
0x35e: {  	[tilespmem:s16], [sflag:$0x2] =	stream.indirect_vreg.gather [hbm4b:s1+s21], $0x80, v3, vm0, $0xb8;
	[tilespmem:$0x1A400] =	vst v63  }
0x35f: {  	v3 =	vld.msk [tilespmem:$0x188], $0xff;
	_ =	sdelay $0x4  }
0x360: {  	v63 =	vshll.u32 v3, $0x1  }
0x361: {  	v3 =	vand.u32 $0x7, v3;
	v4 =	vand.u32 $0xFFFFFFF0, v63  }
0x362: {  	v3 =	vor.u32 v3, v4  }
0x363: {  	v3 =	vperm.xlane v3, v0;
	_ =	sdelay $0x1  }
0x364: {  	v3 =	vadd.s32 v1, v3;
	_ =	sdelay $0x3  }
0x365: {  	s17 =	simm.s32 $0x318  }
0x366: {  	[tilespmem:s19], [sflag:$0x2] =	stream.indirect_vreg.gather [hbm4b:s1+s21], $0x80, v3, vm0, $0xb8;
	[tilespmem:$0x1A400] =	vst v63  }
.LBB2_3:
0x367: {  	_ =	swait.ge [sflag:s20], $0xC800  }
0x368: {  	[sflag:s20] =	ssyncset.done $0x0;
	s22 =	rddreg [dreg:$0x9]  }
0x369: {  	[sflag:s20] =	ssyncadd.s32 $0xFFFF3800;
	s22 =	sadd.s32 s21, s22  }
0x36a: {  	[hbm4b:s22+s3] =	stream.linear.scatter [tilespmem:s14], [sflag:$0x3], $0xC800, $0x38;
	[tilespmem:$0x1A400] =	vst v63  }
0x36b: {  	_ =	swait.ge [sflag:s13], $0xC800  }
0x36c: {  	[sflag:s13] =	ssyncset.done $0x0  }
0x36d: {  	[sflag:s13] =	ssyncadd.s32 $0xFFFF3800  }
0x36e: {  	v3 =	vld [tilespmem:s17+$0xFFFFFE78];
	_ =	sdelay $0x4  }
0x36f: {  	v4 =	vshll.u32 v3, $0x1  }
0x370: {  	v3 =	vand.u32 $0x7, v3;
	v4 =	vand.u32 $0xFFFFFFF0, v4  }
0x371: {  	v3 =	vor.u32 v3, v4  }
0x372: {  	v4 =	vperm.xlane v3, v0;
	_ =	sdelay $0x1  }
0x373: {  	v3 =	vperm.xlane v3, v2;
	v4 =	vadd.s32 v1, v4;
	_ =	sdelay $0x1  }
0x374: {  	v3 =	vadd.s32 v1, v3;
	_ =	sdelay $0x2  }
0x375: {  	[tilespmem:s14], [sflag:$0x1] =	stream.indirect_vreg.gather [hbm4b:s1+s3], $0x80, v4, vm0, $0xb8;
	[tilespmem:$0x1A400] =	vst v63  }
0x376: {  	s12 =	simm.s32 $0x1C00  }
0x377: {  	[tilespmem:s12], [sflag:$0x1] =	stream.indirect_vreg.gather [hbm4b:s1+s3], $0x80, v3, vm0, $0xb8;
	[tilespmem:$0x1A400] =	vst v63  }
0x378: {  	v3 =	vld [tilespmem:s17+$0xFFFFFE88];
	_ =	sdelay $0x4  }
0x379: {  	v52 =	vshll.u32 v3, $0x1  }
0x37a: {  	v3 =	vand.u32 $0x7, v3;
	v4 =	vand.u32 $0xFFFFFFF0, v52  }
0x37b: {  	v3 =	vor.u32 v3, v4  }
0x37c: {  	v4 =	vperm.xlane v3, v0;
	_ =	sdelay $0x1  }
0x37d: {  	v3 =	vperm.xlane v3, v2;
	v4 =	vadd.s32 v1, v4;
	_ =	sdelay $0x1  }
0x37e: {  	v3 =	vadd.s32 v1, v3;
	_ =	sdelay $0x1  }
0x37f: {  	s12 =	simm.s32 $0x2400  }
0x380: {  	[tilespmem:s12], [sflag:$0x1] =	stream.indirect_vreg.gather [hbm4b:s1+s3], $0x80, v4, vm0, $0xb8;
	[tilespmem:$0x1A400] =	vst v63  }
0x381: {  	s12 =	simm.s32 $0x2C00  }
0x382: {  	[tilespmem:s12], [sflag:$0x1] =	stream.indirect_vreg.gather [hbm4b:s1+s3], $0x80, v3, vm0, $0xb8;
	[tilespmem:$0x1A400] =	vst v63  }
0x383: {  	v3 =	vld [tilespmem:s17+$0xFFFFFE98];
	_ =	sdelay $0x4  }
0x384: {  	v53 =	vshll.u32 v3, $0x1  }
0x385: {  	v3 =	vand.u32 $0x7, v3;
	v4 =	vand.u32 $0xFFFFFFF0, v53  }
0x386: {  	v3 =	vor.u32 v3, v4  }
0x387: {  	v4 =	vperm.xlane v3, v0;
	_ =	sdelay $0x1  }
0x388: {  	v3 =	vperm.xlane v3, v2;
	v4 =	vadd.s32 v1, v4;
	_ =	sdelay $0x1  }
0x389: {  	v3 =	vadd.s32 v1, v3;
	_ =	sdelay $0x1  }
0x38a: {  	s12 =	simm.s32 $0x3400  }
0x38b: {  	[tilespmem:s12], [sflag:$0x1] =	stream.indirect_vreg.gather [hbm4b:s1+s3], $0x80, v4, vm0, $0xb8;
	[tilespmem:$0x1A400] =	vst v63  }
0x38c: {  	s12 =	simm.s32 $0x3C00  }
0x38d: {  	[tilespmem:s12], [sflag:$0x1] =	stream.indirect_vreg.gather [hbm4b:s1+s3], $0x80, v3, vm0, $0xb8;
	[tilespmem:$0x1A400] =	vst v63  }
0x38e: {  	v3 =	vld [tilespmem:s17+$0xFFFFFEA8];
	_ =	sdelay $0x4  }
0x38f: {  	v54 =	vshll.u32 v3, $0x1  }
0x390: {  	v3 =	vand.u32 $0x7, v3;
	v4 =	vand.u32 $0xFFFFFFF0, v54  }
0x391: {  	v3 =	vor.u32 v3, v4  }
0x392: {  	v4 =	vperm.xlane v3, v0;
	_ =	sdelay $0x1  }
0x393: {  	v3 =	vperm.xlane v3, v2;
	v4 =	vadd.s32 v1, v4;
	_ =	sdelay $0x1  }
0x394: {  	v3 =	vadd.s32 v1, v3;
	_ =	sdelay $0x1  }
0x395: {  	s12 =	simm.s32 $0x4400  }
0x396: {  	[tilespmem:s12], [sflag:$0x1] =	stream.indirect_vreg.gather [hbm4b:s1+s3], $0x80, v4, vm0, $0xb8;
	[tilespmem:$0x1A400] =	vst v63  }
0x397: {  	s12 =	simm.s32 $0x4C00  }
0x398: {  	[tilespmem:s12], [sflag:$0x1] =	stream.indirect_vreg.gather [hbm4b:s1+s3], $0x80, v3, vm0, $0xb8;
	[tilespmem:$0x1A400] =	vst v63  }
0x399: {  	v3 =	vld [tilespmem:s17+$0xFFFFFEB8];
	_ =	sdelay $0x4  }
0x39a: {  	v55 =	vshll.u32 v3, $0x1  }
0x39b: {  	v3 =	vand.u32 $0x7, v3;
	v4 =	vand.u32 $0xFFFFFFF0, v55  }
0x39c: {  	v3 =	vor.u32 v3, v4  }
0x39d: {  	v4 =	vperm.xlane v3, v0;
	_ =	sdelay $0x1  }
0x39e: {  	v3 =	vperm.xlane v3, v2;
	v4 =	vadd.s32 v1, v4;
	_ =	sdelay $0x1  }
0x39f: {  	v3 =	vadd.s32 v1, v3;
	_ =	sdelay $0x1  }
0x3a0: {  	s12 =	simm.s32 $0x5400  }
0x3a1: {  	[tilespmem:s12], [sflag:$0x1] =	stream.indirect_vreg.gather [hbm4b:s1+s3], $0x80, v4, vm0, $0xb8;
	[tilespmem:$0x1A400] =	vst v63  }
0x3a2: {  	_ = 	snop  }
0x3a3: {  	[tilespmem:s23], [sflag:$0x1] =	stream.indirect_vreg.gather [hbm4b:s1+s3], $0x80, v3, vm0, $0xb8;
	[tilespmem:$0x1A400] =	vst v63  }
0x3a4: {  	v3 =	vld [tilespmem:s17+$0xFFFFFEC8];
	_ =	sdelay $0x4  }
0x3a5: {  	v56 =	vshll.u32 v3, $0x1  }
0x3a6: {  	v3 =	vand.u32 $0x7, v3;
	v4 =	vand.u32 $0xFFFFFFF0, v56  }
0x3a7: {  	v3 =	vor.u32 v3, v4  }
0x3a8: {  	v4 =	vperm.xlane v3, v0;
	_ =	sdelay $0x1  }
0x3a9: {  	v3 =	vperm.xlane v3, v2;
	v4 =	vadd.s32 v1, v4;
	_ =	sdelay $0x1  }
0x3aa: {  	v3 =	vadd.s32 v1, v3;
	_ =	sdelay $0x2  }
0x3ab: {  	[tilespmem:s24], [sflag:$0x1] =	stream.indirect_vreg.gather [hbm4b:s1+s3], $0x80, v4, vm0, $0xb8;
	[tilespmem:$0x1A400] =	vst v63  }
0x3ac: {  	_ = 	snop  }
0x3ad: {  	[tilespmem:s25], [sflag:$0x1] =	stream.indirect_vreg.gather [hbm4b:s1+s3], $0x80, v3, vm0, $0xb8;
	[tilespmem:$0x1A400] =	vst v63  }
0x3ae: {  	v3 =	vld [tilespmem:s17+$0xFFFFFED8];
	_ =	sdelay $0x4  }
0x3af: {  	v57 =	vshll.u32 v3, $0x1  }
0x3b0: {  	v3 =	vand.u32 $0x7, v3;
	v4 =	vand.u32 $0xFFFFFFF0, v57  }
0x3b1: {  	v3 =	vor.u32 v3, v4  }
0x3b2: {  	v4 =	vperm.xlane v3, v0;
	_ =	sdelay $0x1  }
0x3b3: {  	v3 =	vperm.xlane v3, v2;
	v4 =	vadd.s32 v1, v4;
	_ =	sdelay $0x1  }
0x3b4: {  	v3 =	vadd.s32 v1, v3;
	_ =	sdelay $0x2  }
0x3b5: {  	[tilespmem:s26], [sflag:$0x1] =	stream.indirect_vreg.gather [hbm4b:s1+s3], $0x80, v4, vm0, $0xb8;
	[tilespmem:$0x1A400] =	vst v63  }
0x3b6: {  	_ = 	snop  }
0x3b7: {  	[tilespmem:s28], [sflag:$0x1] =	stream.indirect_vreg.gather [hbm4b:s1+s3], $0x80, v3, vm0, $0xb8;
	[tilespmem:$0x1A400] =	vst v63  }
0x3b8: {  	v3 =	vld [tilespmem:s17+$0xFFFFFEE8];
	_ =	sdelay $0x4  }
0x3b9: {  	v58 =	vshll.u32 v3, $0x1  }
0x3ba: {  	v3 =	vand.u32 $0x7, v3;
	v4 =	vand.u32 $0xFFFFFFF0, v58  }
0x3bb: {  	v3 =	vor.u32 v3, v4  }
0x3bc: {  	v4 =	vperm.xlane v3, v0;
	_ =	sdelay $0x1  }
0x3bd: {  	v3 =	vperm.xlane v3, v2;
	v4 =	vadd.s32 v1, v4;
	_ =	sdelay $0x1  }
0x3be: {  	v3 =	vadd.s32 v1, v3;
	_ =	sdelay $0x2  }
0x3bf: {  	[tilespmem:s29], [sflag:$0x1] =	stream.indirect_vreg.gather [hbm4b:s1+s3], $0x80, v4, vm0, $0xb8;
	[tilespmem:$0x1A400] =	vst v63  }
0x3c0: {  	_ = 	snop  }
0x3c1: {  	[tilespmem:s30], [sflag:$0x1] =	stream.indirect_vreg.gather [hbm4b:s1+s3], $0x80, v3, vm0, $0xb8;
	[tilespmem:$0x1A400] =	vst v63  }
0x3c2: {  	v3 =	vld [tilespmem:s17+$0xFFFFFEF8];
	_ =	sdelay $0x4  }
0x3c3: {  	v59 =	vshll.u32 v3, $0x1  }
0x3c4: {  	v3 =	vand.u32 $0x7, v3;
	v4 =	vand.u32 $0xFFFFFFF0, v59  }
0x3c5: {  	v3 =	vor.u32 v3, v4  }
0x3c6: {  	v4 =	vperm.xlane v3, v0;
	_ =	sdelay $0x1  }
0x3c7: {  	v3 =	vperm.xlane v3, v2;
	v4 =	vadd.s32 v1, v4;
	_ =	sdelay $0x1  }
0x3c8: {  	v3 =	vadd.s32 v1, v3;
	_ =	sdelay $0x2  }
0x3c9: {  	[tilespmem:s31], [sflag:$0x1] =	stream.indirect_vreg.gather [hbm4b:s1+s3], $0x80, v4, vm0, $0xb8;
	[tilespmem:$0x1A400] =	vst v63  }
0x3ca: {  	_ = 	snop  }
0x3cb: {  	[tilespmem:s0], [sflag:$0x1] =	stream.indirect_vreg.gather [hbm4b:s1+s3], $0x80, v3, vm0, $0xb8;
	[tilespmem:$0x1A400] =	vst v63  }
0x3cc: {  	v3 =	vld [tilespmem:s17+$0xFFFFFF08];
	_ =	sdelay $0x4  }
0x3cd: {  	v60 =	vshll.u32 v3, $0x1  }
0x3ce: {  	v3 =	vand.u32 $0x7, v3;
	v4 =	vand.u32 $0xFFFFFFF0, v60  }
0x3cf: {  	v3 =	vor.u32 v3, v4  }
0x3d0: {  	v4 =	vperm.xlane v3, v0;
	_ =	sdelay $0x1  }
0x3d1: {  	v3 =	vperm.xlane v3, v2;
	v4 =	vadd.s32 v1, v4;
	_ =	sdelay $0x1  }
0x3d2: {  	v3 =	vadd.s32 v1, v3;
	_ =	sdelay $0x2  }
0x3d3: {  	[tilespmem:s2], [sflag:$0x1] =	stream.indirect_vreg.gather [hbm4b:s1+s3], $0x80, v4, vm0, $0xb8;
	[tilespmem:$0x1A400] =	vst v63  }
0x3d4: {  	_ = 	snop  }
0x3d5: {  	[tilespmem:s7], [sflag:$0x1] =	stream.indirect_vreg.gather [hbm4b:s1+s3], $0x80, v3, vm0, $0xb8;
	[tilespmem:$0x1A400] =	vst v63  }
0x3d6: {  	v3 =	vld [tilespmem:s17+$0xFFFFFF18];
	_ =	sdelay $0x4  }
0x3d7: {  	v61 =	vshll.u32 v3, $0x1  }
0x3d8: {  	v3 =	vand.u32 $0x7, v3;
	v4 =	vand.u32 $0xFFFFFFF0, v61  }
0x3d9: {  	v3 =	vor.u32 v3, v4  }
0x3da: {  	v4 =	vperm.xlane v3, v0;
	_ =	sdelay $0x1  }
0x3db: {  	v3 =	vperm.xlane v3, v2;
	v4 =	vadd.s32 v1, v4;
	_ =	sdelay $0x1  }
0x3dc: {  	v3 =	vadd.s32 v1, v3;
	_ =	sdelay $0x2  }
0x3dd: {  	[tilespmem:s9], [sflag:$0x1] =	stream.indirect_vreg.gather [hbm4b:s1+s3], $0x80, v4, vm0, $0xb8;
	[tilespmem:$0x1A400] =	vst v63  }
0x3de: {  	_ = 	snop  }
0x3df: {  	[tilespmem:s5], [sflag:$0x1] =	stream.indirect_vreg.gather [hbm4b:s1+s3], $0x80, v3, vm0, $0xb8;
	[tilespmem:$0x1A400] =	vst v63  }
0x3e0: {  	v3 =	vld [tilespmem:s17+$0xFFFFFF28];
	_ =	sdelay $0x4  }
0x3e1: {  	v62 =	vshll.u32 v3, $0x1  }
0x3e2: {  	v3 =	vand.u32 $0x7, v3;
	v4 =	vand.u32 $0xFFFFFFF0, v62  }
0x3e3: {  	v3 =	vor.u32 v3, v4  }
0x3e4: {  	v4 =	vperm.xlane v3, v0;
	_ =	sdelay $0x1  }
0x3e5: {  	v3 =	vperm.xlane v3, v2;
	v4 =	vadd.s32 v1, v4;
	_ =	sdelay $0x1  }
0x3e6: {  	v3 =	vadd.s32 v1, v3;
	_ =	sdelay $0x2  }
0x3e7: {  	[tilespmem:s6], [sflag:$0x1] =	stream.indirect_vreg.gather [hbm4b:s1+s3], $0x80, v4, vm0, $0xb8;
	[tilespmem:$0x1A400] =	vst v63  }
0x3e8: {  	_ = 	snop  }
0x3e9: {  	[tilespmem:s8], [sflag:$0x1] =	stream.indirect_vreg.gather [hbm4b:s1+s3], $0x80, v3, vm0, $0xb8;
	[tilespmem:$0x1A400] =	vst v63  }
0x3ea: {  	v3 =	vld.msk [tilespmem:s17+$0xFFFFFF38], $0xff;
	_ =	sdelay $0x4  }
0x3eb: {  	v63 =	vshll.u32 v3, $0x1  }
0x3ec: {  	v3 =	vand.u32 $0x7, v3;
	v4 =	vand.u32 $0xFFFFFFF0, v63  }
0x3ed: {  	v3 =	vor.u32 v3, v4  }
0x3ee: {  	v3 =	vperm.xlane v3, v0;
	_ =	sdelay $0x1  }
0x3ef: {  	v3 =	vadd.s32 v1, v3;
	_ =	sdelay $0x4  }
0x3f0: {  	[tilespmem:s10], [sflag:$0x1] =	stream.indirect_vreg.gather [hbm4b:s1+s3], $0x80, v3, vm0, $0xb8;
	[tilespmem:$0x1A400] =	vst v63  }
0x3f1: {  	_ =	swait.ge [sflag:s15], $0xC800  }
0x3f2: {  	p1 =	seq.s32 s21, $0x22600;
	[sflag:s15] =	ssyncset.done $0x0  }
.Ltmp5:
0x3f3: {  	s22 =	sadd.s32 $0x1900, s22;
	[sflag:s15] =	ssyncadd.s32 $0xFFFF3800;
	(pc) =	sbr.rel @p1 .LBB2_4-.Ltmp5, $4  }
0x3f4: {  	[hbm4b:s22+s3] =	stream.linear.scatter [tilespmem:s11], [sflag:$0x3], $0xC800, $0x38;
	[tilespmem:$0x1A400] =	vst v63  }
0x3f5: {  	_ =	swait.ge [sflag:s13], $0xC800  }
0x3f6: {  	[sflag:s13] =	ssyncset.done $0x0  }
0x3f7: {  	[sflag:s13] =	ssyncadd.s32 $0xFFFF3800  }
0x3f8: {  	v3 =	vld [tilespmem:s17+$0xFFFFFF40];
	_ =	sdelay $0x4  }
0x3f9: {  	v4 =	vshll.u32 v3, $0x1  }
0x3fa: {  	v3 =	vand.u32 $0x7, v3;
	v4 =	vand.u32 $0xFFFFFFF0, v4  }
0x3fb: {  	v3 =	vor.u32 v3, v4  }
0x3fc: {  	v4 =	vperm.xlane v3, v0;
	_ =	sdelay $0x1  }
0x3fd: {  	v3 =	vperm.xlane v3, v2;
	v4 =	vadd.s32 v1, v4;
	_ =	sdelay $0x1  }
0x3fe: {  	v3 =	vadd.s32 v1, v3;
	_ =	sdelay $0x2  }
0x3ff: {  	[tilespmem:s11], [sflag:$0x2] =	stream.indirect_vreg.gather [hbm4b:s1+s3], $0x80, v4, vm0, $0xb8;
	[tilespmem:$0x1A400] =	vst v63  }
0x400: {  	s12 =	simm.s32 $0xE400  }
0x401: {  	[tilespmem:s12], [sflag:$0x2] =	stream.indirect_vreg.gather [hbm4b:s1+s3], $0x80, v3, vm0, $0xb8;
	[tilespmem:$0x1A400] =	vst v63  }
0x402: {  	v3 =	vld [tilespmem:s17+$0xFFFFFF50];
	_ =	sdelay $0x4  }
0x403: {  	v52 =	vshll.u32 v3, $0x1  }
0x404: {  	v3 =	vand.u32 $0x7, v3;
	v4 =	vand.u32 $0xFFFFFFF0, v52  }
0x405: {  	v3 =	vor.u32 v3, v4  }
0x406: {  	v4 =	vperm.xlane v3, v0;
	_ =	sdelay $0x1  }
0x407: {  	v3 =	vperm.xlane v3, v2;
	v4 =	vadd.s32 v1, v4;
	_ =	sdelay $0x1  }
0x408: {  	v3 =	vadd.s32 v1, v3;
	_ =	sdelay $0x1  }
0x409: {  	s22 =	simm.s32 $0xEC00  }
0x40a: {  	[tilespmem:s22], [sflag:$0x2] =	stream.indirect_vreg.gather [hbm4b:s1+s3], $0x80, v4, vm0, $0xb8;
	[tilespmem:$0x1A400] =	vst v63  }
0x40b: {  	s22 =	simm.s32 $0xF400  }
0x40c: {  	[tilespmem:s22], [sflag:$0x2] =	stream.indirect_vreg.gather [hbm4b:s1+s3], $0x80, v3, vm0, $0xb8;
	[tilespmem:$0x1A400] =	vst v63  }
0x40d: {  	v3 =	vld [tilespmem:s17+$0xFFFFFF60];
	_ =	sdelay $0x4  }
0x40e: {  	v53 =	vshll.u32 v3, $0x1  }
0x40f: {  	v3 =	vand.u32 $0x7, v3;
	v4 =	vand.u32 $0xFFFFFFF0, v53  }
0x410: {  	v3 =	vor.u32 v3, v4  }
0x411: {  	v4 =	vperm.xlane v3, v0;
	_ =	sdelay $0x1  }
0x412: {  	v3 =	vperm.xlane v3, v2;
	v4 =	vadd.s32 v1, v4;
	_ =	sdelay $0x1  }
0x413: {  	v3 =	vadd.s32 v1, v3;
	_ =	sdelay $0x1  }
0x414: {  	s22 =	simm.s32 $0xFC00  }
0x415: {  	[tilespmem:s22], [sflag:$0x2] =	stream.indirect_vreg.gather [hbm4b:s1+s3], $0x80, v4, vm0, $0xb8;
	[tilespmem:$0x1A400] =	vst v63  }
0x416: {  	s22 =	simm.s32 $0x10400  }
0x417: {  	[tilespmem:s22], [sflag:$0x2] =	stream.indirect_vreg.gather [hbm4b:s1+s3], $0x80, v3, vm0, $0xb8;
	[tilespmem:$0x1A400] =	vst v63  }
0x418: {  	v3 =	vld [tilespmem:s17+$0xFFFFFF70];
	_ =	sdelay $0x4  }
0x419: {  	v54 =	vshll.u32 v3, $0x1  }
0x41a: {  	v3 =	vand.u32 $0x7, v3;
	v4 =	vand.u32 $0xFFFFFFF0, v54  }
0x41b: {  	v3 =	vor.u32 v3, v4  }
0x41c: {  	v4 =	vperm.xlane v3, v0;
	_ =	sdelay $0x1  }
0x41d: {  	v3 =	vperm.xlane v3, v2;
	v4 =	vadd.s32 v1, v4;
	_ =	sdelay $0x1  }
0x41e: {  	v3 =	vadd.s32 v1, v3;
	_ =	sdelay $0x1  }
0x41f: {  	s22 =	simm.s32 $0x10C00  }
0x420: {  	[tilespmem:s22], [sflag:$0x2] =	stream.indirect_vreg.gather [hbm4b:s1+s3], $0x80, v4, vm0, $0xb8;
	[tilespmem:$0x1A400] =	vst v63  }
0x421: {  	s22 =	simm.s32 $0x11400  }
0x422: {  	[tilespmem:s22], [sflag:$0x2] =	stream.indirect_vreg.gather [hbm4b:s1+s3], $0x80, v3, vm0, $0xb8;
	[tilespmem:$0x1A400] =	vst v63  }
0x423: {  	v3 =	vld [tilespmem:s17+$0xFFFFFF80];
	_ =	sdelay $0x4  }
0x424: {  	v55 =	vshll.u32 v3, $0x1  }
0x425: {  	v3 =	vand.u32 $0x7, v3;
	v4 =	vand.u32 $0xFFFFFFF0, v55  }
0x426: {  	v3 =	vor.u32 v3, v4  }
0x427: {  	v4 =	vperm.xlane v3, v0;
	_ =	sdelay $0x1  }
0x428: {  	v3 =	vperm.xlane v3, v2;
	v4 =	vadd.s32 v1, v4;
	_ =	sdelay $0x1  }
0x429: {  	v3 =	vadd.s32 v1, v3;
	_ =	sdelay $0x1  }
0x42a: {  	s22 =	simm.s32 $0x11C00  }
0x42b: {  	[tilespmem:s22], [sflag:$0x2] =	stream.indirect_vreg.gather [hbm4b:s1+s3], $0x80, v4, vm0, $0xb8;
	[tilespmem:$0x1A400] =	vst v63  }
0x42c: {  	s22 =	simm.s32 $0x12400  }
0x42d: {  	[tilespmem:s22], [sflag:$0x2] =	stream.indirect_vreg.gather [hbm4b:s1+s3], $0x80, v3, vm0, $0xb8;
	[tilespmem:$0x1A400] =	vst v63  }
0x42e: {  	v3 =	vld [tilespmem:s17+$0xFFFFFF90];
	_ =	sdelay $0x4  }
0x42f: {  	v56 =	vshll.u32 v3, $0x1  }
0x430: {  	v3 =	vand.u32 $0x7, v3;
	v4 =	vand.u32 $0xFFFFFFF0, v56  }
0x431: {  	v3 =	vor.u32 v3, v4  }
0x432: {  	v4 =	vperm.xlane v3, v0;
	_ =	sdelay $0x1  }
0x433: {  	v3 =	vperm.xlane v3, v2;
	v4 =	vadd.s32 v1, v4;
	_ =	sdelay $0x1  }
0x434: {  	v3 =	vadd.s32 v1, v3;
	_ =	sdelay $0x1  }
0x435: {  	s22 =	simm.s32 $0x12C00  }
0x436: {  	[tilespmem:s22], [sflag:$0x2] =	stream.indirect_vreg.gather [hbm4b:s1+s3], $0x80, v4, vm0, $0xb8;
	[tilespmem:$0x1A400] =	vst v63  }
0x437: {  	s22 =	simm.s32 $0x13400  }
0x438: {  	[tilespmem:s22], [sflag:$0x2] =	stream.indirect_vreg.gather [hbm4b:s1+s3], $0x80, v3, vm0, $0xb8;
	[tilespmem:$0x1A400] =	vst v63  }
0x439: {  	v3 =	vld [tilespmem:s17+$0xFFFFFFA0];
	_ =	sdelay $0x4  }
0x43a: {  	v57 =	vshll.u32 v3, $0x1  }
0x43b: {  	v3 =	vand.u32 $0x7, v3;
	v4 =	vand.u32 $0xFFFFFFF0, v57  }
0x43c: {  	v3 =	vor.u32 v3, v4  }
0x43d: {  	v4 =	vperm.xlane v3, v0;
	_ =	sdelay $0x1  }
0x43e: {  	v3 =	vperm.xlane v3, v2;
	v4 =	vadd.s32 v1, v4;
	_ =	sdelay $0x1  }
0x43f: {  	v3 =	vadd.s32 v1, v3;
	_ =	sdelay $0x1  }
0x440: {  	s22 =	simm.s32 $0x13C00  }
0x441: {  	[tilespmem:s22], [sflag:$0x2] =	stream.indirect_vreg.gather [hbm4b:s1+s3], $0x80, v4, vm0, $0xb8;
	[tilespmem:$0x1A400] =	vst v63  }
0x442: {  	s22 =	simm.s32 $0x14400  }
0x443: {  	[tilespmem:s22], [sflag:$0x2] =	stream.indirect_vreg.gather [hbm4b:s1+s3], $0x80, v3, vm0, $0xb8;
	[tilespmem:$0x1A400] =	vst v63  }
0x444: {  	v3 =	vld [tilespmem:s17+$0xFFFFFFB0];
	_ =	sdelay $0x4  }
0x445: {  	v58 =	vshll.u32 v3, $0x1  }
0x446: {  	v3 =	vand.u32 $0x7, v3;
	v4 =	vand.u32 $0xFFFFFFF0, v58  }
0x447: {  	v3 =	vor.u32 v3, v4  }
0x448: {  	v4 =	vperm.xlane v3, v0;
	_ =	sdelay $0x1  }
0x449: {  	v3 =	vperm.xlane v3, v2;
	v4 =	vadd.s32 v1, v4;
	_ =	sdelay $0x1  }
0x44a: {  	v3 =	vadd.s32 v1, v3;
	_ =	sdelay $0x1  }
0x44b: {  	s22 =	simm.s32 $0x14C00  }
0x44c: {  	[tilespmem:s22], [sflag:$0x2] =	stream.indirect_vreg.gather [hbm4b:s1+s3], $0x80, v4, vm0, $0xb8;
	[tilespmem:$0x1A400] =	vst v63  }
0x44d: {  	s22 =	simm.s32 $0x15400  }
0x44e: {  	[tilespmem:s22], [sflag:$0x2] =	stream.indirect_vreg.gather [hbm4b:s1+s3], $0x80, v3, vm0, $0xb8;
	[tilespmem:$0x1A400] =	vst v63  }
0x44f: {  	v3 =	vld [tilespmem:s17+$0xFFFFFFC0];
	_ =	sdelay $0x4  }
0x450: {  	v59 =	vshll.u32 v3, $0x1  }
0x451: {  	v3 =	vand.u32 $0x7, v3;
	v4 =	vand.u32 $0xFFFFFFF0, v59  }
0x452: {  	v3 =	vor.u32 v3, v4  }
0x453: {  	v4 =	vperm.xlane v3, v0;
	_ =	sdelay $0x1  }
0x454: {  	v3 =	vperm.xlane v3, v2;
	v4 =	vadd.s32 v1, v4;
	_ =	sdelay $0x1  }
0x455: {  	v3 =	vadd.s32 v1, v3;
	_ =	sdelay $0x1  }
0x456: {  	s22 =	simm.s32 $0x15C00  }
0x457: {  	[tilespmem:s22], [sflag:$0x2] =	stream.indirect_vreg.gather [hbm4b:s1+s3], $0x80, v4, vm0, $0xb8;
	[tilespmem:$0x1A400] =	vst v63  }
0x458: {  	s22 =	simm.s32 $0x16400  }
0x459: {  	[tilespmem:s22], [sflag:$0x2] =	stream.indirect_vreg.gather [hbm4b:s1+s3], $0x80, v3, vm0, $0xb8;
	[tilespmem:$0x1A400] =	vst v63  }
0x45a: {  	v3 =	vld [tilespmem:s17+$0xFFFFFFD0];
	_ =	sdelay $0x4  }
0x45b: {  	v60 =	vshll.u32 v3, $0x1  }
0x45c: {  	v3 =	vand.u32 $0x7, v3;
	v4 =	vand.u32 $0xFFFFFFF0, v60  }
0x45d: {  	v3 =	vor.u32 v3, v4  }
0x45e: {  	v4 =	vperm.xlane v3, v0;
	_ =	sdelay $0x1  }
0x45f: {  	v3 =	vperm.xlane v3, v2;
	v4 =	vadd.s32 v1, v4;
	_ =	sdelay $0x1  }
0x460: {  	v3 =	vadd.s32 v1, v3;
	_ =	sdelay $0x1  }
0x461: {  	s22 =	simm.s32 $0x16C00  }
0x462: {  	[tilespmem:s22], [sflag:$0x2] =	stream.indirect_vreg.gather [hbm4b:s1+s3], $0x80, v4, vm0, $0xb8;
	[tilespmem:$0x1A400] =	vst v63  }
0x463: {  	s22 =	simm.s32 $0x17400  }
0x464: {  	[tilespmem:s22], [sflag:$0x2] =	stream.indirect_vreg.gather [hbm4b:s1+s3], $0x80, v3, vm0, $0xb8;
	[tilespmem:$0x1A400] =	vst v63  }
0x465: {  	v3 =	vld [tilespmem:s17+$0xFFFFFFE0];
	_ =	sdelay $0x4  }
0x466: {  	v61 =	vshll.u32 v3, $0x1  }
0x467: {  	v3 =	vand.u32 $0x7, v3;
	v4 =	vand.u32 $0xFFFFFFF0, v61  }
0x468: {  	v3 =	vor.u32 v3, v4  }
0x469: {  	v4 =	vperm.xlane v3, v0;
	_ =	sdelay $0x1  }
0x46a: {  	v3 =	vperm.xlane v3, v2;
	v4 =	vadd.s32 v1, v4;
	_ =	sdelay $0x1  }
0x46b: {  	v3 =	vadd.s32 v1, v3;
	_ =	sdelay $0x1  }
0x46c: {  	s22 =	simm.s32 $0x17C00  }
0x46d: {  	[tilespmem:s22], [sflag:$0x2] =	stream.indirect_vreg.gather [hbm4b:s1+s3], $0x80, v4, vm0, $0xb8;
	[tilespmem:$0x1A400] =	vst v63  }
0x46e: {  	s22 =	simm.s32 $0x18400  }
0x46f: {  	[tilespmem:s22], [sflag:$0x2] =	stream.indirect_vreg.gather [hbm4b:s1+s3], $0x80, v3, vm0, $0xb8;
	[tilespmem:$0x1A400] =	vst v63  }
0x470: {  	v3 =	vld [tilespmem:s17+$0xFFFFFFF0];
	_ =	sdelay $0x4  }
0x471: {  	v62 =	vshll.u32 v3, $0x1  }
0x472: {  	v3 =	vand.u32 $0x7, v3;
	v4 =	vand.u32 $0xFFFFFFF0, v62  }
0x473: {  	v3 =	vor.u32 v3, v4  }
0x474: {  	v4 =	vperm.xlane v3, v0;
	_ =	sdelay $0x1  }
0x475: {  	v3 =	vperm.xlane v3, v2;
	v4 =	vadd.s32 v1, v4;
	_ =	sdelay $0x1  }
0x476: {  	v3 =	vadd.s32 v1, v3;
	_ =	sdelay $0x2  }
0x477: {  	[tilespmem:s18], [sflag:$0x2] =	stream.indirect_vreg.gather [hbm4b:s1+s3], $0x80, v4, vm0, $0xb8;
	[tilespmem:$0x1A400] =	vst v63  }
0x478: {  	_ = 	snop  }
0x479: {  	[tilespmem:s16], [sflag:$0x2] =	stream.indirect_vreg.gather [hbm4b:s1+s3], $0x80, v3, vm0, $0xb8;
	[tilespmem:$0x1A400] =	vst v63  }
0x47a: {  	v3 =	vld.msk [tilespmem:s17+$0x0], $0xff;
	_ =	sdelay $0x4  }
0x47b: {  	v63 =	vshll.u32 v3, $0x1  }
0x47c: {  	v3 =	vand.u32 $0x7, v3;
	v4 =	vand.u32 $0xFFFFFFF0, v63  }
0x47d: {  	v3 =	vor.u32 v3, v4  }
0x47e: {  	v3 =	vperm.xlane v3, v0;
	_ =	sdelay $0x1  }
0x47f: {  	v3 =	vadd.s32 v1, v3  }
.Ltmp6:
0x480: {  	_ = 	snop;
	(pc) =	sbr.rel .LBB2_3-.Ltmp6, $3  }
0x481: {  	_ =	sdelay $0x1  }
0x482: {  	s21 =	sadd.s32 $0x3200, s21;
	s17 =	sadd.s32 $0x190, s17  }
0x483: {  	[tilespmem:s19], [sflag:$0x2] =	stream.indirect_vreg.gather [hbm4b:s1+s3], $0x80, v3, vm0, $0xb8;
	[tilespmem:$0x1A400] =	vst v63  }
.LBB2_4:
.Ltmp7:
0x484: {  	(pc) =	sbr.rel .LBB2_9-.Ltmp7, $3  }
0x485: {  	_ =	sdelay $0x1  }
0x486: {  	s17 =	rddreg [dreg:$0x3]  }
0x487: {  	s12 =	rddreg [dreg:$0xb]  }
.LBB2_10:
0x488: {  	_ =	sfence.sel $0x180000  }
0x489: {  	[bflag:$0x0] =	sbarrier.arrive $0xFFFF  }
0x48a: {  	_ =	strace $0x9000004A  }
0x48b: {  	s0 =	stileid.u32;
	[bflag:$0x2] =	sbarrier.arrive $0xFFFF  }
0x48c: {  	p0 =	sne.s32 s0, $0x0;
	s0 =	rddreg [dreg:$0x2]  }
0x48d: {  	s0 =	sadd.s32 @!p0 $0x100000, s0  }
0x48e: {  	[sflag:s0] =	ssyncadd.tile.s32 @!p0 $0x1;
	_ =	shalt  }
.Lfunc_end2:
_tile_overlayer_lowered:
.L_overlay_start_2:
0x48f: {  	(tag) =	ssettag $0x2  }
0x490: {  	s0 =	rddreg [dreg:$0x0];
	s2 =	stileid.u32  }
0x491: {  	s1 =	rddreg [dreg:$0x1];
	p0 =	sne.s32 s2, $0x0  }
0x492: {  	s3 =	rddreg [dreg:$0x2];
	[bflag:$0x3] =	sbarrier.arrive $0xFFFF;
	s2 =	simm.s32 @!p0 $0x1C03  }
0x493: {  	[timem:s3], [sflag:s2] =	dma.local @!p0 [hbm:s0], s1  }
0x494: {  	s0 =	simm.s32 @!p0 $0x3  }
0x495: {  	_ =	swait.ge @!p0 [sflag:s0], s1  }
0x496: {  	s1 =	ssub.s32 @!p0 $0x0, s1;
	[sflag:s0] =	ssyncset.done @!p0 $0x0  }
0x497: {  	[sflag:s0] =	ssyncadd.s32 @!p0 s1  }
0x498: {  	[bflag:$0x3] =	sbarrier.arrive $0xFFFF  }
0x499: {  	_ =	shalt  }

// kernel: kernel.16.cloned.1.call-start
scs
__scs_entry_jumppad:
0x0: {  	(pc) =	sbr.rel $0x88, $3  }
0x1: {  	(tag) =	ssettag $0x0;
	lr =	simm.s32 $0x1  }
0x2: {  	[smem:$0x3F96] =	sst lr;
	_ =	strace $0xD0000000  }
0x3: {  	_ = 	snop  }
0x4: {  	_ = 	snop  }
0x5: {  	_ = 	snop  }
0x6: {  	_ = 	snop  }
0x7: {  	_ = 	snop  }
__scs_overlays_trampoline_lowered:
0x8: {  	[smem:$0x3FA5] =	sst s0  }
0x9: {  	[smem:$0x3FA6] =	sst s1  }
0xa: {  	[smem:$0x3FA7] =	sst s2  }
0xb: {  	[smem:$0x3FA8] =	sst s3  }
0xc: {  	[smem:$0x3FA9] =	sst s4  }
0xd: {  	[smem:$0x3FAA] =	sst s5  }
0xe: {  	[smem:$0x3FAB] =	sst s6  }
0xf: {  	[smem:$0x3FAC] =	sst s7  }
0x10: {  	[smem:$0x3FAD] =	sst s8  }
0x11: {  	[smem:$0x3FAE] =	sst s9;
	s0 =	simm.s32 @!p0 $0x0  }
0x12: {  	s1 =	sld [smem:$0x3F94];
	s0 =	simm.s32 @p0 $0x1  }
0x13: {  	[smem:$0x3FAF] =	sst s0;
	s0 =	simm.s32 @!p1 $0x0  }
0x14: {  	s2 =	sld [smem:$0x3F93];
	s0 =	simm.s32 @p1 $0x1  }
0x15: {  	[smem:$0x3FB0] =	sst s0;
	s0 =	simm.s32 @!p2 $0x0  }
0x16: {  	s3 =	sld [smem:$0x3FDB];
	s0 =	simm.s32 @p2 $0x1  }
0x17: {  	s4 =	simm.s32 $0x1BF5;
	[smem:$0x3FB2] =	sst s0  }
0x18: {  	s0 =	sld [smem:$0x3F95];
	_ =	swait.ge [sflag:s4], $0x0  }
0x19: {  	s7 =	sld [smem:$0x3F96]  }
0x1a: {  	s8 =	sadd.s32 $0xFFFFE003, lr  }
0x1b: {  	s9 =	sadd.s32 $0xFFFFFEF7, lr;
	s5 =	simm.s32 $0xFFFFFFFF;
	p2 =	slt.u32 s8, $0xFFFFF086  }
0x1c: {  	p1 =	slt.u32 s9, $0xF7A;
	s5 =	simm.s32 @!p2 $0x0  }
0x1d: {  	s5 =	simm.s32 @p1 $0x1;
	p0 =	seq.s32 s7, s2  }
0x1e: {  	s7 =	smul.u32 @!p0 $0xF7A, s2;
	p2 =	seq.s32 @!p0 s5, $0x0  }
0x1f: {  	s9 =	smul.u32 $0xF7A, s1;
	s8 =	simm.s32 @!p0 $0x1BF5;
	p2 =	por !p2, p0  }
0x20: {  	[sflag:s8] =	ssyncset.s32 @!p0 $0xFFFFF086;
	s6 =	sadd.s32 @!p0 s3, s7;
	s7 =	simm.s32 @!p0 $0x108  }
0x21: {  	s3 =	sadd.s32 s3, s9;
	s6 =	sadd.s32 @!p0 $0x88, s6;
	s7 =	simm.s32 @p2 $0x1082  }
0x22: {  	[simem:s7], [sflag:s8] =	dma.local @!p0 [hbm:s6], $0xF7A  }
0x23: {  	s9 =	sor.u32 $0xD0000000, s2;
	s6 =	simm.s32 $0x108;
	_ =	swait.ge @!p0 [sflag:s8], $0x0  }
0x24: {  	s3 =	sadd.s32 $0x88, s3;
	s6 =	simm.s32 @!p1 $0x1082;
	[sflag:s4] =	ssyncset.s32 $0xFFFFF086  }
0x25: {  	[simem:s6], [sflag:s4] =	dma.local [hbm:s3], $0xF7A  }
0x26: {  	[smem:$0x3F96] =	sst s1;
	(tag) =	ssettag s2;
	_ =	strace s9  }
0x27: {  	s1 =	sld [smem:$0x3FA6]  }
0x28: {  	s2 =	sld [smem:$0x3FA7]  }
0x29: {  	s4 =	sld [smem:$0x3FA9]  }
0x2a: {  	p0 =	seq.s32 s5, $0x0;
	s5 =	sld [smem:$0x3FAA]  }
0x2b: {  	s6 =	sld [smem:$0x3FAB]  }
0x2c: {  	s7 =	sld [smem:$0x3FAC]  }
0x2d: {  	s3 =	simm.s32 $0x108;
	s8 =	sld [smem:$0x3FAD]  }
0x2e: {  	s3 =	simm.s32 @!p0 $0x1082;
	s9 =	sld [smem:$0x3FAE]  }
0x2f: {  	lr =	sadd.s32 s0, s3;
	s0 =	sld [smem:$0x3FA5]  }
0x30: {  	s3 =	sld [smem:$0x3FA8]  }
0x31: {  	[smem:$0x3FB1] =	sst s10  }
0x32: {  	s10 =	sld [smem:$0x3FAF];
	_ =	sdelay $0x3  }
0x33: {  	p0 =	seq.s32 s10, $0x1;
	s10 =	sld [smem:$0x3FB1];
	_ =	sdelay $0x3  }
0x34: {  	[smem:$0x3FB1] =	sst s10  }
0x35: {  	s10 =	sld [smem:$0x3FB0];
	_ =	sdelay $0x3  }
0x36: {  	p1 =	seq.s32 s10, $0x1;
	s10 =	sld [smem:$0x3FB1];
	_ =	sdelay $0x3  }
0x37: {  	[smem:$0x3FB1] =	sst s10  }
0x38: {  	s10 =	sld [smem:$0x3FB2]  }
0x39: {  	_ = 	snop;
	(pc) =	sbr.ind lr, $3  }
0x3a: {  	_ = 	snop  }
0x3b: {  	_ = 	snop  }
0x3c: {  	p2 =	seq.s32 s10, $0x1;
	s10 =	sld [smem:$0x3FB1]  }
0x3d: {  	_ =	shalt  }
0x3e: {  	_ =	shalt  }
0x3f: {  	_ =	shalt  }
0x40: {  	_ =	shalt  }
0x41: {  	_ =	shalt  }
0x42: {  	_ =	shalt  }
0x43: {  	_ =	shalt  }
0x44: {  	_ =	shalt  }
0x45: {  	_ =	shalt  }
0x46: {  	_ =	shalt  }
0x47: {  	_ =	shalt  }
0x48: {  	_ =	shalt  }
0x49: {  	_ =	shalt  }
0x4a: {  	_ =	shalt  }
0x4b: {  	_ =	shalt  }
0x4c: {  	_ =	shalt  }
0x4d: {  	_ =	shalt  }
0x4e: {  	_ =	shalt  }
0x4f: {  	_ =	shalt  }
0x50: {  	_ =	shalt  }
0x51: {  	_ =	shalt  }
0x52: {  	_ =	shalt  }
0x53: {  	_ =	shalt  }
0x54: {  	_ =	shalt  }
0x55: {  	_ =	shalt  }
0x56: {  	_ =	shalt  }
0x57: {  	_ =	shalt  }
0x58: {  	_ =	shalt  }
0x59: {  	_ =	shalt  }
0x5a: {  	_ =	shalt  }
0x5b: {  	_ =	shalt  }
0x5c: {  	_ =	shalt  }
0x5d: {  	_ =	shalt  }
0x5e: {  	_ =	shalt  }
0x5f: {  	_ =	shalt  }
0x60: {  	_ =	shalt  }
0x61: {  	_ =	shalt  }
0x62: {  	_ =	shalt  }
0x63: {  	_ =	shalt  }
0x64: {  	_ =	shalt  }
0x65: {  	_ =	shalt  }
0x66: {  	_ =	shalt  }
0x67: {  	_ =	shalt  }
0x68: {  	_ =	shalt  }
0x69: {  	_ =	shalt  }
0x6a: {  	_ =	shalt  }
0x6b: {  	_ =	shalt  }
0x6c: {  	_ =	shalt  }
0x6d: {  	_ =	shalt  }
0x6e: {  	_ =	shalt  }
0x6f: {  	_ =	shalt  }
0x70: {  	_ =	shalt  }
0x71: {  	_ =	shalt  }
0x72: {  	_ =	shalt  }
0x73: {  	_ =	shalt  }
0x74: {  	_ =	shalt  }
0x75: {  	_ =	shalt  }
0x76: {  	_ =	shalt  }
0x77: {  	_ =	shalt  }
0x78: {  	_ =	shalt  }
0x79: {  	_ =	shalt  }
0x7a: {  	_ =	shalt  }
0x7b: {  	_ =	shalt  }
0x7c: {  	_ =	shalt  }
0x7d: {  	_ =	shalt  }
0x7e: {  	_ =	shalt  }
0x7f: {  	_ =	shalt  }
0x80: {  	_ =	shalt  }
0x81: {  	_ =	shalt  }
0x82: {  	_ =	shalt  }
0x83: {  	_ =	shalt  }
0x84: {  	_ =	shalt  }
0x85: {  	_ =	shalt  }
0x86: {  	_ =	shalt  }
0x87: {  	_ =	shalt  }
.Lfunc_end0:
.L_simem_size_0:
called_computation.2_lowered:
.L_overlay_start_0:
0x88: {  	s2 =	sld [smem:$0x3FD9]  }
0x89: {  	s3 =	sld [smem:$0x3FFE];
	_ =	sdelay $0x1  }
0x8a: {  	s1 =	srdreg.scid  }
0x8b: {  	s0 =	sand.u32 $0x1, s1  }
0x8c: {  	s17 =	sshll.u32 s0, $0xA;
	s2 =	sadd.s32 s3, s2  }
0x8d: {  	s2 =	sadd.s32 s2, s17  }
0x8e: {  	[smem:$0x3FBD] =	sst s2  }
0x8f: {  	_ = 	snop  }
0x90: {  	(tm) =	ssettm $0x1  }
0x91: {  	s18 =	sld [smem:$0x3FFB];
	_ =	sdelay $0x3  }
0x92: {  	_ =	strace s18  }
0x93: {  	s2 =	sld [smem:$0x3FFC];
	_ =	sdelay $0x3  }
0x94: {  	_ =	strace s2  }
0x95: {  	s2 =	sld [smem:$0x3FFD];
	_ =	sdelay $0x3  }
0x96: {  	_ =	strace s2  }
0x97: {  	_ =	strace $0x8FFFFFFF  }
0x98: {  	s19 =	sld [smem:$0x3FDB];
	_ =	sdelay $0x1  }
0x99: {  	s20 =	simm.s32 $_scs_section_size  }
0x9a: {  	s4 =	simm.s32 $_size__tile_overlayer_lowered;
	s5 =	simm.s32 $_tile_overlayer_lowered  }
0x9b: {  	s6 =	simm.s32 $0x1BFF;
	s21 =	sshll.u32 s5, $0x1;
	s3 =	sadd.s32 s20, s19  }
0x9c: {  	s22 =	simm.s32 $0x0;
	s4 =	sshll.u32 s4, $0x1;
	s5 =	sadd.s32 s21, s3  }
0x9d: {  	[timem:s22], [sflag:s6] =	dma.local [hbm:s5], s4  }
0x9e: {  	_ =	swait.ge [sflag:s6], s4  }
0x9f: {  	s4 =	ssub.s32 $0x0, s4;
	[sflag:s6] =	ssyncset.done $0x0  }
0xa0: {  	[sflag:s6] =	ssyncadd.s32 s4;
	_ =	sdelay $0x1  }
0xa1: {  	s23 =	simm.s32 $0x1B8B  }
0xa2: {  	_ =	swait.ge [sflag:s23], $0x1  }
0xa3: {  	[sflag:s23] =	ssyncset.done $0x0  }
0xa4: {  	[sflag:s23] =	ssyncadd.s32 $0xFFFFFFFF  }
0xa5: {  	s4 =	sld [smem:$0x0]  }
0xa6: {  	s5 =	sand.u32 $0xFFFFFFFE, s1  }
0xa7: {  	p0 =	sne.s32 s1, s5  }
0xa8: {  	s5 =	sshll.u32 @p0 s5, $0xE  }
0xa9: {  	s5 =	sadd.s32 @p0 $0x11B8D, s5;
	s6 =	sshll.u32 @p0 s4, $0x11  }
0xaa: {  	s5 =	sor.u32 @p0 s6, s5  }
0xab: {  	[sflag:s5] =	ssyncadd.remote.s32 @p0 $0x1;
	_ =	sdelay $0x1  }
0xac: {  	s5 =	simm.s32 @p0 $0x1B8D  }
0xad: {  	_ =	swait.eq @p0 [sflag:s5], $0x1  }
0xae: {  	[sflag:s5] =	ssyncadd.s32 @p0 $0xFFFFFFFF  }
0xaf: {  	s6 =	sshll.u32 @!p0 s1, $0xE  }
0xb0: {  	s6 =	sor.u32 @!p0 $0x4000, s6;
	s5 =	simm.s32 @!p0 $0x1B8D  }
0xb1: {  	s4 =	sshll.u32 @!p0 s4, $0x11;
	s6 =	sadd.s32 @!p0 $0x11B8D, s6;
	_ =	swait.eq @!p0 [sflag:s5], $0x1  }
0xb2: {  	s4 =	sor.u32 @!p0 s4, s6;
	[sflag:s5] =	ssyncadd.s32 @!p0 $0xFFFFFFFF  }
0xb3: {  	s25 =	simm.s32 $0x1B8E;
	s24 =	sld [smem:$0x3FFE];
	[sflag:s4] =	ssyncadd.remote.s32 @!p0 $0x1  }
0xb4: {  	s26 =	simm.s32 $execute0_lowered;
	[smem:$0x3FD2] =	sst s25  }
0xb5: {  	s5 =	sshll.u32 s26, $0x1;
	_ =	strace $0x8000004C;
	[dreg:$0x1] =	wrdreg $0xFFFFFFFF  }
0xb6: {  	s28 =	simm.s32 $_size_execute0_lowered;
	s3 =	sadd.s32 s3, s5;
	[dreg:$0x0] =	wrdreg $0x0  }
0xb7: {  	s5 =	sshll.u32 s28, $0x1;
	[dreg:$0x2] =	wrdreg s3  }
0xb8: {  	[dreg:$0x3] =	wrdreg s5  }
0xb9: {  	[dreg:$0x4] =	wrdreg $0xC0  }
0xba: {  	_ =	task [dreg:s22], $0x5FFFF  }
0xbb: {  	[dreg:$0x1] =	wrdreg $0xFFFFFFFF  }
0xbc: {  	[dreg:$0x0] =	wrdreg $0x60  }
0xbd: {  	[dreg:$0x2] =	wrdreg s24  }
0xbe: {  	[dreg:$0x3] =	wrdreg $0x68000  }
0xbf: {  	[dreg:$0x4] =	wrdreg $0xA  }
0xc0: {  	_ =	task.clear_ibuf [dreg:s22], $0x5FFFF;
	_ =	strace $0x9000004C  }
0xc1: {  	s29 =	simm.s32 $0xA;
	_ =	strace $0x8000004E  }
0xc2: {  	_ =	swait.ge [sflag:s29], $0x1  }
0xc3: {  	[sflag:s29] =	ssyncadd.s32 $0xFFFFFFFF  }
0xc4: {  	_ =	strace $0x9000004E  }
0xc5: {  	_ =	sfence  }
0xc6: {  	s30 =	sld [smem:$0x0];
	_ =	sdelay $0x2  }
0xc7: {  	s31 =	sshll.u32 s1, $0xD;
	s1 =	sshrl.u32 s1, $0x2  }
0xc8: {  	s4 =	sand.u32 $0x4000, s31;
	s1 =	sadd.s32 s1, s30  }
0xc9: {  	s0 =	sor.u32 s4, s0;
	s1 =	sshll.u32 s1, $0x11  }
0xca: {  	s0 =	sor.u32 s1, s0  }
0xcb: {  	s0 =	sadd.s32 $0x8F2B, s0  }
0xcc: {  	[sflag:s0] =	ssyncadd.remote.s32 $0x1  }
0xcd: {  	_ =	sfence.sel $0xFFFF  }
0xce: {  	[dreg:$0x0] =	wrdreg $0xFFFFFFFF;
	(pc) =	sbr.abs _section_cstart, $3  }
0xcf: {  	[dreg:$0x1] =	wrdreg $0xFFFFFFFF  }
0xd0: {  	_ =	task.clear_ibuf [dreg:s22], $0x2FFFF;
	_ =	strace $0x9FFFFFFF  }
0xd1: {  	(tm) =	ssettm $0x7FFFFFFF  }
tec
execute0_lowered:
.L_overlay_start_1:
0x0: {  	(tag) =	ssettag $0x1  }
0x1: {  	s0 =	rddreg [dreg:$0x0]  }
0x2: {  	s1 =	rddreg [dreg:$0x1];
	s2 =	simm.s32 $0x0;
	s3 =	srdreg.scid  }
0x3: {  	s16 =	stileid.u32;
	s28 =	simm.s32 $0x2;
	s29 =	simm.s32 $0x4  }
0x4: {  	s30 =	simm.s32 $0x3D00;
	s31 =	simm.s32 $0x3D80;
	s19 =	smul.u32 $0x3E80, s16  }
0x5: {  	[smem:$0x7FF] =	sst s2;
	s8 =	sadd.s32 $0xC9EC00, s0;
	s9 =	smul.u32 $0x7D000, s16  }
0x6: {  	s3 =	sand.u32 $0x1, s3;
	s10 =	sadd.s32 $0xDD7400, s0;
	s21 =	smul.u32 $0x9C400, s16  }
0x7: {  	s4 =	sshll.u32 s16, $0xB;
	p2 =	slt.u32 s16, $0xA;
	s12 =	smul.u32 $0x13880, s16  }
0x8: {  	_ =	strace $0x8000004D;
	s5 =	ssub.s32 $0x2, s3;
	s6 =	sadd.s32 s4, s0  }
0x9: {  	p0 =	seq.s32 s3, $0x0;
	p1 =	seq.s32 s3, $0x1;
	p3 =	sne.s32 s3, $0x0  }
0xa: {  	s3 =	simm.s32 $0x0;
	s7 =	sshrl.u32 s5, $0x1;
	s0 =	sadd.s32 s19, s0  }
0xb: {  	p0 =	por !p0, !p2;
	s20 =	sshrl.u32 s9, $0x2;
	p2 =	por !p2, !p1  }
0xc: {  	s6 =	sadd.s32 $0xA25C00, s6;
	s22 =	sadd.s32 s8, s12;
	s24 =	sadd.s32 s10, s12  }
0xd: {  	s14 =	sadd.s32 $0x13600, s12;
	s13 =	ssub.s32 s5, s7;
	p0 =	por !p0, !p0  }
0xe: {  	s4 =	sadd.s32 s20, s1;
	s5 =	sadd.s32 $0x57C00, s0;
	s7 =	sshrl.u32 s21, $0x3  }
0xf: {  	p2 =	por !p2, !p2;
	s12 =	sadd.s32 $0xA6000, s0;
	s25 =	sadd.s32 s8, s14  }
0x10: {  	s26 =	sadd.s32 s10, s14;
	[dreg:$0x3] =	wrdreg s22;
	s15 =	sadd.s32 $0x780, s22  }
0x11: {  	[dreg:$0x5] =	wrdreg s24;
	s17 =	sadd.s32 $0x780, s24;
	s21 =	simm.s32 $0x5  }
0x12: {  	s22 =	simm.s32 $0x4000;
	s24 =	simm.s32 $0x1;
	[dreg:$0x7] =	wrdreg s25  }
0x13: {  	s11 =	sadd.s32 $0x280, s7;
	s13 =	smax.u32 s13, $0x1;
	[dreg:$0x8] =	wrdreg s26  }
.Ltmp0:
0x14: {  	s19 =	sshrl.u32 @p0 s4, $0x3;
	s25 =	simm.s32 $0x28;
	(pc) =	sbr.rel .LBB2_1-.Ltmp0, $4  }
0x15: {  	s26 =	simm.s32 $0x3;
	s23 =	sadd.s32 s8, s11;
	s11 =	sadd.s32 s10, s11  }
0x16: {  	[dreg:$0x6] =	wrdreg s11;
	s11 =	sadd.s32 $0x7EE00, s0;
	s0 =	sshll.u32 @p0 s16, $0x6  }
0x17: {  	[dreg:$0x4] =	wrdreg s23;
	s18 =	sor.u32 @p0 $0x1C05, s0;
	s0 =	sshll.u32 @p2 s16, $0x6  }
0x18: {  	s23 =	simm.s32 $0x5400;
	s20 =	sor.u32 @p2 $0x1C05, s0;
	s0 =	simm.s32 $0x3E00  }
.LBB2_8:
0x19: {  	[tilespmem:s23], [sflag:$0x2] =	stream.linear.gather [hbm4b:s16+s2], $0x1400, $0x38;
	[tilespmem:$0x1A080] =	vst v63  }
0x1a: {  	_ =	swait.ge [sflag:s24], $0x1400  }
0x1b: {  	[sflag:s24] =	ssyncset.done $0x0  }
0x1c: {  	[sflag:s24] =	ssyncadd.s32 $0xFFFFEC00  }
0x1d: {  	[spmem:s1] =	stream.indirect.scatter.add.f32 [tilespmem:s22], [sflag:$0x3], $0x80, s30, s25, $0xb8;
	[tilespmem:$0x1A080] =	vst v63  }
0x1e: {  	_ =	swait.ge [sflag:s26], $0x1400  }
0x1f: {  	[sflag:s26] =	ssyncset.done $0x0  }
0x20: {  	s7 =	rddreg [dreg:$0x8];
	[sflag:s26] =	ssyncadd.s32 $0xFFFFEC00  }
0x21: {  	[tilespmem:s22], [sflag:$0x1] =	stream.linear.gather [hbm4b:s7+s2], $0x1400, $0x38;
	[tilespmem:$0x1A080] =	vst v63  }
0x22: {  	_ =	swait.ge [sflag:s28], $0x1400  }
0x23: {  	[sflag:s28] =	ssyncset.done $0x0  }
0x24: {  	[sflag:s28] =	ssyncadd.s32 $0xFFFFEC00  }
0x25: {  	[spmem:s1] =	stream.indirect.scatter.add.f32 [tilespmem:s23], [sflag:$0x4], $0x80, s31, s25, $0xb8;
	[tilespmem:$0x1A080] =	vst v63  }
0x26: {  	_ =	swait.ge [sflag:s29], $0x1400  }
0x27: {  	[sflag:s29] =	ssyncset.done $0x0  }
0x28: {  	[sflag:s29] =	ssyncadd.s32 $0xFFFFEC00  }
0x29: {  	_ =	swait.ge [sflag:s24], $0x1400  }
0x2a: {  	[sflag:s24] =	ssyncset.done $0x0  }
0x2b: {  	[sflag:s24] =	ssyncadd.s32 $0xFFFFEC00  }
0x2c: {  	[spmem:s1] =	stream.indirect.scatter.add.f32 [tilespmem:s22], [sflag:$0x3], $0x80, s0, s25, $0xb8;
	[tilespmem:$0x1A080] =	vst v63  }
0x2d: {  	_ =	swait.ge [sflag:s26], $0x1400  }
0x2e: {  	[sflag:s26] =	ssyncset.done $0x0  }
0x2f: {  	[sflag:s26] =	ssyncadd.s32 $0xFFFFEC00  }
.LBB2_9:
0x30: {  	[bflag:$0x0] =	sbarrier.arrive $0xFFFF;
	s7 =	simm.s32 @p0 $0x5  }
0x31: {  	[hbm:s11], [sflag:s18] =	dma.local @p0 [spmem:s19], $0x3E80  }
0x32: {  	s3 =	sadd.s32 $0x1, s3;
	_ =	swait.ge @p0 [sflag:s7], $0x3E80  }
0x33: {  	p4 =	sne.s32 s3, s13;
	[sflag:s7] =	ssyncset.done @p0 $0x0  }
.Ltmp1:
0x34: {  	[sflag:s7] =	ssyncadd.s32 @p0 $0xFFFFC180;
	s7 =	simm.s32 @p2 $0x5;
	(pc) =	sbr.rel @!p4 .LBB2_10-.Ltmp1, $4  }
0x35: {  	[hbm:s12], [sflag:s20] =	dma.local @p2 [spmem:s8], $0x3E80  }
0x36: {  	_ =	swait.ge @p2 [sflag:s7], $0x3E80  }
0x37: {  	[sflag:s7] =	ssyncset.done @p2 $0x0  }
0x38: {  	[sflag:s7] =	ssyncadd.s32 @p2 $0xFFFFC180  }
.LBB2_1:
0x39: {  	[spmem:s19], [sflag:s18] =	dma.local @p0 [hbm:s5], $0x3E80  }
0x3a: {  	s8 =	simm.s32 @p0 $0x5  }
0x3b: {  	_ =	swait.ge @p0 [sflag:s8], $0x3E80  }
0x3c: {  	[sflag:s8] =	ssyncset.done @p0 $0x0  }
0x3d: {  	s10 =	simm.s32 @p2 $0x5;
	[sflag:s8] =	ssyncadd.s32 @p0 $0xFFFFC180;
	s8 =	sshrl.u32 @p2 s4, $0x3  }
0x3e: {  	[spmem:s8], [sflag:s20] =	dma.local @p2 [hbm:s5], $0x3E80  }
0x3f: {  	_ =	swait.ge @p2 [sflag:s10], $0x3E80  }
0x40: {  	[sflag:s10] =	ssyncset.done @p2 $0x0  }
0x41: {  	[sflag:s10] =	ssyncadd.s32 @p2 $0xFFFFC180  }
.Ltmp2:
0x42: {  	[bflag:$0x0] =	sbarrier.arrive $0xFFFF;
	(pc) =	sbr.rel @p3 .LBB2_5-.Ltmp2, $4  }
0x43: {  	[tilespmem:s2], [sflag:$0x5] =	stream.linear.gather [hbm4b:s6+s2], $0x3E80, $0x38;
	[tilespmem:$0x1A080] =	vst v63  }
0x44: {  	_ =	swait.ge [sflag:s21], $0x3E80  }
0x45: {  	[sflag:s21] =	ssyncset.done $0x0  }
0x46: {  	[sflag:s21] =	ssyncadd.s32 $0xFFFFC180  }
0x47: {  	s10 =	simm.s32 $0x0;
	s7 =	rddreg [dreg:$0x3]  }
0x48: {  	[tilespmem:s22], [sflag:$0x1] =	stream.linear.gather [hbm4b:s7+s10], $0x1400, $0x38;
	[tilespmem:$0x1A080] =	vst v63  }
0x49: {  	s16 =	rddreg [dreg:$0x4]  }
0x4a: {  	[tilespmem:s23], [sflag:$0x2] =	stream.linear.gather [hbm4b:s16+s10], $0x1400, $0x38;
	[tilespmem:$0x1A080] =	vst v63  }
0x4b: {  	_ =	swait.ge [sflag:s24], $0x1400  }
0x4c: {  	[sflag:s24] =	ssyncset.done $0x0  }
0x4d: {  	s9 =	simm.s32 $0x0;
	[sflag:s24] =	ssyncadd.s32 $0xFFFFEC00  }
0x4e: {  	[spmem:s1] =	stream.indirect.scatter.add.f32 [tilespmem:s22], [sflag:$0x3], $0x80, s9, s25, $0xb8;
	[tilespmem:$0x1A080] =	vst v63  }
0x4f: {  	_ =	swait.ge [sflag:s26], $0x1400  }
0x50: {  	[sflag:s26] =	ssyncset.done $0x0  }
0x51: {  	s14 =	sadd.s32 $0xFFFFFD80, s15;
	[sflag:s26] =	ssyncadd.s32 $0xFFFFEC00  }
0x52: {  	[tilespmem:s22], [sflag:$0x1] =	stream.linear.gather [hbm4b:s14+s2], $0x1400, $0x38;
	[tilespmem:$0x1A080] =	vst v63  }
0x53: {  	_ =	swait.ge [sflag:s28], $0x1400  }
0x54: {  	[sflag:s28] =	ssyncset.done $0x0  }
0x55: {  	s16 =	simm.s32 $0x80;
	[sflag:s28] =	ssyncadd.s32 $0xFFFFEC00  }
0x56: {  	[spmem:s1] =	stream.indirect.scatter.add.f32 [tilespmem:s23], [sflag:$0x4], $0x80, s16, s25, $0xb8;
	[tilespmem:$0x1A080] =	vst v63  }
0x57: {  	_ =	swait.ge [sflag:s29], $0x1400  }
0x58: {  	s10 =	simm.s32 $0x400;
	[sflag:s29] =	ssyncset.done $0x0  }
0x59: {  	s14 =	sadd.s32 $0x500, s15;
	s16 =	smov.u32 s15;
	[sflag:s29] =	ssyncadd.s32 $0xFFFFEC00  }
.LBB2_3:
0x5a: {  	[tilespmem:s23], [sflag:$0x2] =	stream.linear.gather [hbm4b:s16+s2], $0x1400, $0x38;
	[tilespmem:$0x1A080] =	vst v63  }
0x5b: {  	s7 =	smov.u32 s10;
	s16 =	smov.u32 s14  }
0x5c: {  	p4 =	sne.s32 s10, $0xF000;
	s10 =	sadd.s32 $0x400, s10;
	_ =	swait.ge [sflag:s24], $0x1400  }
0x5d: {  	[sflag:s24] =	ssyncset.done $0x0  }
0x5e: {  	s7 =	sshra.s32 s7, $0x2;
	[sflag:s24] =	ssyncadd.s32 $0xFFFFEC00  }
0x5f: {  	[spmem:s1] =	stream.indirect.scatter.add.f32 [tilespmem:s22], [sflag:$0x3], $0x80, s7, s25, $0xb8;
	[tilespmem:$0x1A080] =	vst v63  }
0x60: {  	_ =	swait.ge [sflag:s26], $0x1400  }
0x61: {  	[sflag:s26] =	ssyncset.done $0x0  }
0x62: {  	s9 =	sadd.s32 $0xFFFFFD80, s14;
	[sflag:s26] =	ssyncadd.s32 $0xFFFFEC00  }
0x63: {  	[tilespmem:s22], [sflag:$0x1] =	stream.linear.gather [hbm4b:s9+s2], $0x1400, $0x38;
	[tilespmem:$0x1A080] =	vst v63  }
0x64: {  	_ =	swait.ge [sflag:s28], $0x1400  }
0x65: {  	[sflag:s28] =	ssyncset.done $0x0  }
.Ltmp3:
0x66: {  	s7 =	sadd.s32 $0x80, s7;
	[sflag:s28] =	ssyncadd.s32 $0xFFFFEC00;
	(pc) =	sbr.rel @p4 .LBB2_3-.Ltmp3, $4  }
0x67: {  	[spmem:s1] =	stream.indirect.scatter.add.f32 [tilespmem:s23], [sflag:$0x4], $0x80, s7, s25, $0xb8;
	[tilespmem:$0x1A080] =	vst v63  }
0x68: {  	_ =	swait.ge [sflag:s29], $0x1400  }
0x69: {  	[sflag:s29] =	ssyncset.done $0x0  }
0x6a: {  	s14 =	sadd.s32 $0x500, s14;
	[sflag:s29] =	ssyncadd.s32 $0xFFFFEC00  }
0x6b: {  	[tilespmem:s23], [sflag:$0x2] =	stream.linear.gather [hbm4b:s16+s2], $0x1400, $0x38;
	[tilespmem:$0x1A080] =	vst v63  }
0x6c: {  	_ =	swait.ge [sflag:s24], $0x1400  }
0x6d: {  	[sflag:s24] =	ssyncset.done $0x0  }
0x6e: {  	[sflag:s24] =	ssyncadd.s32 $0xFFFFEC00  }
0x6f: {  	[spmem:s1] =	stream.indirect.scatter.add.f32 [tilespmem:s22], [sflag:$0x3], $0x80, s30, s25, $0xb8;
	[tilespmem:$0x1A080] =	vst v63  }
0x70: {  	_ =	swait.ge [sflag:s26], $0x1400  }
0x71: {  	[sflag:s26] =	ssyncset.done $0x0  }
0x72: {  	s7 =	rddreg [dreg:$0x7];
	[sflag:s26] =	ssyncadd.s32 $0xFFFFEC00  }
0x73: {  	[tilespmem:s22], [sflag:$0x1] =	stream.linear.gather [hbm4b:s7+s2], $0x1400, $0x38;
	[tilespmem:$0x1A080] =	vst v63  }
0x74: {  	_ =	swait.ge [sflag:s28], $0x1400  }
0x75: {  	[sflag:s28] =	ssyncset.done $0x0  }
0x76: {  	[sflag:s28] =	ssyncadd.s32 $0xFFFFEC00  }
0x77: {  	[spmem:s1] =	stream.indirect.scatter.add.f32 [tilespmem:s23], [sflag:$0x4], $0x80, s31, s25, $0xb8;
	[tilespmem:$0x1A080] =	vst v63  }
0x78: {  	_ =	swait.ge [sflag:s29], $0x1400  }
0x79: {  	[sflag:s29] =	ssyncset.done $0x0  }
0x7a: {  	[sflag:s29] =	ssyncadd.s32 $0xFFFFEC00  }
0x7b: {  	_ =	swait.ge [sflag:s24], $0x1400  }
0x7c: {  	[sflag:s24] =	ssyncset.done $0x0  }
0x7d: {  	[sflag:s24] =	ssyncadd.s32 $0xFFFFEC00  }
0x7e: {  	[spmem:s1] =	stream.indirect.scatter.add.f32 [tilespmem:s22], [sflag:$0x3], $0x80, s0, s25, $0xb8;
	[tilespmem:$0x1A080] =	vst v63  }
0x7f: {  	_ =	swait.ge [sflag:s26], $0x1400  }
0x80: {  	[sflag:s26] =	ssyncset.done $0x0  }
0x81: {  	[sflag:s26] =	ssyncadd.s32 $0xFFFFEC00  }
.LBB2_5:
.Ltmp4:
0x82: {  	(pc) =	sbr.rel @!p1 .LBB2_9-.Ltmp4, $1  }
0x83: {  	_ =	sdelay $0x3  }
0x84: {  	s7 =	simm.s32 $0x0;
	s9 =	rddreg [dreg:$0x5]  }
0x85: {  	[tilespmem:s22], [sflag:$0x1] =	stream.linear.gather [hbm4b:s9+s7], $0x1400, $0x38;
	[tilespmem:$0x1A080] =	vst v63  }
0x86: {  	s16 =	rddreg [dreg:$0x6]  }
0x87: {  	[tilespmem:s23], [sflag:$0x2] =	stream.linear.gather [hbm4b:s16+s7], $0x1400, $0x38;
	[tilespmem:$0x1A080] =	vst v63  }
0x88: {  	_ =	swait.ge [sflag:s24], $0x1400  }
0x89: {  	[sflag:s24] =	ssyncset.done $0x0  }
0x8a: {  	s10 =	simm.s32 $0x0;
	[sflag:s24] =	ssyncadd.s32 $0xFFFFEC00  }
0x8b: {  	[spmem:s1] =	stream.indirect.scatter.add.f32 [tilespmem:s22], [sflag:$0x3], $0x80, s10, s25, $0xb8;
	[tilespmem:$0x1A080] =	vst v63  }
0x8c: {  	_ =	swait.ge [sflag:s26], $0x1400  }
0x8d: {  	[sflag:s26] =	ssyncset.done $0x0  }
0x8e: {  	s14 =	sadd.s32 $0xFFFFFD80, s17;
	[sflag:s26] =	ssyncadd.s32 $0xFFFFEC00  }
0x8f: {  	[tilespmem:s22], [sflag:$0x1] =	stream.linear.gather [hbm4b:s14+s2], $0x1400, $0x38;
	[tilespmem:$0x1A080] =	vst v63  }
0x90: {  	_ =	swait.ge [sflag:s28], $0x1400  }
0x91: {  	[sflag:s28] =	ssyncset.done $0x0  }
0x92: {  	s16 =	simm.s32 $0x80;
	[sflag:s28] =	ssyncadd.s32 $0xFFFFEC00  }
0x93: {  	[spmem:s1] =	stream.indirect.scatter.add.f32 [tilespmem:s23], [sflag:$0x4], $0x80, s16, s25, $0xb8;
	[tilespmem:$0x1A080] =	vst v63  }
0x94: {  	_ =	swait.ge [sflag:s29], $0x1400  }
0x95: {  	s10 =	simm.s32 $0x400;
	[sflag:s29] =	ssyncset.done $0x0  }
0x96: {  	s14 =	sadd.s32 $0x500, s17;
	s16 =	smov.u32 s17;
	[sflag:s29] =	ssyncadd.s32 $0xFFFFEC00  }
.LBB2_7:
0x97: {  	[tilespmem:s23], [sflag:$0x2] =	stream.linear.gather [hbm4b:s16+s2], $0x1400, $0x38;
	[tilespmem:$0x1A080] =	vst v63  }
0x98: {  	s7 =	smov.u32 s10;
	s16 =	smov.u32 s14  }
0x99: {  	p4 =	sne.s32 s10, $0xF000;
	s10 =	sadd.s32 $0x400, s10;
	_ =	swait.ge [sflag:s24], $0x1400  }
0x9a: {  	[sflag:s24] =	ssyncset.done $0x0  }
0x9b: {  	s7 =	sshra.s32 s7, $0x2;
	[sflag:s24] =	ssyncadd.s32 $0xFFFFEC00  }
0x9c: {  	[spmem:s1] =	stream.indirect.scatter.add.f32 [tilespmem:s22], [sflag:$0x3], $0x80, s7, s25, $0xb8;
	[tilespmem:$0x1A080] =	vst v63  }
0x9d: {  	_ =	swait.ge [sflag:s26], $0x1400  }
0x9e: {  	[sflag:s26] =	ssyncset.done $0x0  }
0x9f: {  	s9 =	sadd.s32 $0xFFFFFD80, s14;
	[sflag:s26] =	ssyncadd.s32 $0xFFFFEC00  }
0xa0: {  	[tilespmem:s22], [sflag:$0x1] =	stream.linear.gather [hbm4b:s9+s2], $0x1400, $0x38;
	[tilespmem:$0x1A080] =	vst v63  }
0xa1: {  	_ =	swait.ge [sflag:s28], $0x1400  }
0xa2: {  	[sflag:s28] =	ssyncset.done $0x0  }
.Ltmp5:
0xa3: {  	s7 =	sadd.s32 $0x80, s7;
	[sflag:s28] =	ssyncadd.s32 $0xFFFFEC00;
	(pc) =	sbr.rel @p4 .LBB2_7-.Ltmp5, $4  }
0xa4: {  	[spmem:s1] =	stream.indirect.scatter.add.f32 [tilespmem:s23], [sflag:$0x4], $0x80, s7, s25, $0xb8;
	[tilespmem:$0x1A080] =	vst v63  }
0xa5: {  	_ =	swait.ge [sflag:s29], $0x1400  }
0xa6: {  	[sflag:s29] =	ssyncset.done $0x0  }
0xa7: {  	s14 =	sadd.s32 $0x500, s14;
	[sflag:s29] =	ssyncadd.s32 $0xFFFFEC00  }
.Ltmp6:
0xa8: {  	_ = 	snop;
	(pc) =	sbr.rel .LBB2_8-.Ltmp6, $1  }
0xa9: {  	_ =	sdelay $0x3  }
.LBB2_10:
0xaa: {  	_ =	sfence.sel $0x180000  }
0xab: {  	[bflag:$0x0] =	sbarrier.arrive $0xFFFF  }
0xac: {  	_ =	strace $0x9000004D  }
0xad: {  	s0 =	stileid.u32;
	[bflag:$0x2] =	sbarrier.arrive $0xFFFF  }
0xae: {  	p0 =	sne.s32 s0, $0x0;
	s0 =	rddreg [dreg:$0x2]  }
0xaf: {  	s0 =	sadd.s32 @!p0 $0x100000, s0  }
0xb0: {  	[sflag:s0] =	ssyncadd.tile.s32 @!p0 $0x1;
	_ =	shalt  }
.Lfunc_end2:
_tile_overlayer_lowered:
.L_overlay_start_2:
0xb1: {  	(tag) =	ssettag $0x2  }
0xb2: {  	s0 =	rddreg [dreg:$0x0];
	s2 =	stileid.u32  }
0xb3: {  	s1 =	rddreg [dreg:$0x1];
	p0 =	sne.s32 s2, $0x0  }
0xb4: {  	s3 =	rddreg [dreg:$0x2];
	[bflag:$0x3] =	sbarrier.arrive $0xFFFF;
	s2 =	simm.s32 @!p0 $0x1C05  }
0xb5: {  	[timem:s3], [sflag:s2] =	dma.local @!p0 [hbm:s0], s1  }
0xb6: {  	s0 =	simm.s32 @!p0 $0x5  }
0xb7: {  	_ =	swait.ge @!p0 [sflag:s0], s1  }
0xb8: {  	s1 =	ssub.s32 @!p0 $0x0, s1;
	[sflag:s0] =	ssyncset.done @!p0 $0x0  }
0xb9: {  	[sflag:s0] =	ssyncadd.s32 @!p0 s1  }
0xba: {  	[bflag:$0x3] =	sbarrier.arrive $0xFFFF  }
0xbb: {  	_ =	shalt  }

// kernel: kernel.19.cloned.1.call-start
scs
__scs_entry_jumppad:
0x0: {  	(pc) =	sbr.rel $0x88, $3  }
0x1: {  	(tag) =	ssettag $0x0;
	lr =	simm.s32 $0x1  }
0x2: {  	[smem:$0x3F96] =	sst lr;
	_ =	strace $0xD0000000  }
0x3: {  	_ = 	snop  }
0x4: {  	_ = 	snop  }
0x5: {  	_ = 	snop  }
0x6: {  	_ = 	snop  }
0x7: {  	_ = 	snop  }
__scs_overlays_trampoline_lowered:
0x8: {  	[smem:$0x3FA5] =	sst s0  }
0x9: {  	[smem:$0x3FA6] =	sst s1  }
0xa: {  	[smem:$0x3FA7] =	sst s2  }
0xb: {  	[smem:$0x3FA8] =	sst s3  }
0xc: {  	[smem:$0x3FA9] =	sst s4  }
0xd: {  	[smem:$0x3FAA] =	sst s5  }
0xe: {  	[smem:$0x3FAB] =	sst s6  }
0xf: {  	[smem:$0x3FAC] =	sst s7  }
0x10: {  	[smem:$0x3FAD] =	sst s8  }
0x11: {  	[smem:$0x3FAE] =	sst s9;
	s0 =	simm.s32 @!p0 $0x0  }
0x12: {  	s1 =	sld [smem:$0x3F94];
	s0 =	simm.s32 @p0 $0x1  }
0x13: {  	[smem:$0x3FAF] =	sst s0;
	s0 =	simm.s32 @!p1 $0x0  }
0x14: {  	s2 =	sld [smem:$0x3F93];
	s0 =	simm.s32 @p1 $0x1  }
0x15: {  	[smem:$0x3FB0] =	sst s0;
	s0 =	simm.s32 @!p2 $0x0  }
0x16: {  	s3 =	sld [smem:$0x3FDB];
	s0 =	simm.s32 @p2 $0x1  }
0x17: {  	s4 =	simm.s32 $0x1BF5;
	[smem:$0x3FB2] =	sst s0  }
0x18: {  	s0 =	sld [smem:$0x3F95];
	_ =	swait.ge [sflag:s4], $0x0  }
0x19: {  	s7 =	sld [smem:$0x3F96]  }
0x1a: {  	s8 =	sadd.s32 $0xFFFFE003, lr  }
0x1b: {  	s9 =	sadd.s32 $0xFFFFFEF7, lr;
	s5 =	simm.s32 $0xFFFFFFFF;
	p2 =	slt.u32 s8, $0xFFFFF086  }
0x1c: {  	p1 =	slt.u32 s9, $0xF7A;
	s5 =	simm.s32 @!p2 $0x0  }
0x1d: {  	s5 =	simm.s32 @p1 $0x1;
	p0 =	seq.s32 s7, s2  }
0x1e: {  	s7 =	smul.u32 @!p0 $0xF7A, s2;
	p2 =	seq.s32 @!p0 s5, $0x0  }
0x1f: {  	s9 =	smul.u32 $0xF7A, s1;
	s8 =	simm.s32 @!p0 $0x1BF5;
	p2 =	por !p2, p0  }
0x20: {  	[sflag:s8] =	ssyncset.s32 @!p0 $0xFFFFF086;
	s6 =	sadd.s32 @!p0 s3, s7;
	s7 =	simm.s32 @!p0 $0x108  }
0x21: {  	s3 =	sadd.s32 s3, s9;
	s6 =	sadd.s32 @!p0 $0x88, s6;
	s7 =	simm.s32 @p2 $0x1082  }
0x22: {  	[simem:s7], [sflag:s8] =	dma.local @!p0 [hbm:s6], $0xF7A  }
0x23: {  	s9 =	sor.u32 $0xD0000000, s2;
	s6 =	simm.s32 $0x108;
	_ =	swait.ge @!p0 [sflag:s8], $0x0  }
0x24: {  	s3 =	sadd.s32 $0x88, s3;
	s6 =	simm.s32 @!p1 $0x1082;
	[sflag:s4] =	ssyncset.s32 $0xFFFFF086  }
0x25: {  	[simem:s6], [sflag:s4] =	dma.local [hbm:s3], $0xF7A  }
0x26: {  	[smem:$0x3F96] =	sst s1;
	(tag) =	ssettag s2;
	_ =	strace s9  }
0x27: {  	s1 =	sld [smem:$0x3FA6]  }
0x28: {  	s2 =	sld [smem:$0x3FA7]  }
0x29: {  	s4 =	sld [smem:$0x3FA9]  }
0x2a: {  	p0 =	seq.s32 s5, $0x0;
	s5 =	sld [smem:$0x3FAA]  }
0x2b: {  	s6 =	sld [smem:$0x3FAB]  }
0x2c: {  	s7 =	sld [smem:$0x3FAC]  }
0x2d: {  	s3 =	simm.s32 $0x108;
	s8 =	sld [smem:$0x3FAD]  }
0x2e: {  	s3 =	simm.s32 @!p0 $0x1082;
	s9 =	sld [smem:$0x3FAE]  }
0x2f: {  	lr =	sadd.s32 s0, s3;
	s0 =	sld [smem:$0x3FA5]  }
0x30: {  	s3 =	sld [smem:$0x3FA8]  }
0x31: {  	[smem:$0x3FB1] =	sst s10  }
0x32: {  	s10 =	sld [smem:$0x3FAF];
	_ =	sdelay $0x3  }
0x33: {  	p0 =	seq.s32 s10, $0x1;
	s10 =	sld [smem:$0x3FB1];
	_ =	sdelay $0x3  }
0x34: {  	[smem:$0x3FB1] =	sst s10  }
0x35: {  	s10 =	sld [smem:$0x3FB0];
	_ =	sdelay $0x3  }
0x36: {  	p1 =	seq.s32 s10, $0x1;
	s10 =	sld [smem:$0x3FB1];
	_ =	sdelay $0x3  }
0x37: {  	[smem:$0x3FB1] =	sst s10  }
0x38: {  	s10 =	sld [smem:$0x3FB2]  }
0x39: {  	_ = 	snop;
	(pc) =	sbr.ind lr, $3  }
0x3a: {  	_ = 	snop  }
0x3b: {  	_ = 	snop  }
0x3c: {  	p2 =	seq.s32 s10, $0x1;
	s10 =	sld [smem:$0x3FB1]  }
0x3d: {  	_ =	shalt  }
0x3e: {  	_ =	shalt  }
0x3f: {  	_ =	shalt  }
0x40: {  	_ =	shalt  }
0x41: {  	_ =	shalt  }
0x42: {  	_ =	shalt  }
0x43: {  	_ =	shalt  }
0x44: {  	_ =	shalt  }
0x45: {  	_ =	shalt  }
0x46: {  	_ =	shalt  }
0x47: {  	_ =	shalt  }
0x48: {  	_ =	shalt  }
0x49: {  	_ =	shalt  }
0x4a: {  	_ =	shalt  }
0x4b: {  	_ =	shalt  }
0x4c: {  	_ =	shalt  }
0x4d: {  	_ =	shalt  }
0x4e: {  	_ =	shalt  }
0x4f: {  	_ =	shalt  }
0x50: {  	_ =	shalt  }
0x51: {  	_ =	shalt  }
0x52: {  	_ =	shalt  }
0x53: {  	_ =	shalt  }
0x54: {  	_ =	shalt  }
0x55: {  	_ =	shalt  }
0x56: {  	_ =	shalt  }
0x57: {  	_ =	shalt  }
0x58: {  	_ =	shalt  }
0x59: {  	_ =	shalt  }
0x5a: {  	_ =	shalt  }
0x5b: {  	_ =	shalt  }
0x5c: {  	_ =	shalt  }
0x5d: {  	_ =	shalt  }
0x5e: {  	_ =	shalt  }
0x5f: {  	_ =	shalt  }
0x60: {  	_ =	shalt  }
0x61: {  	_ =	shalt  }
0x62: {  	_ =	shalt  }
0x63: {  	_ =	shalt  }
0x64: {  	_ =	shalt  }
0x65: {  	_ =	shalt  }
0x66: {  	_ =	shalt  }
0x67: {  	_ =	shalt  }
0x68: {  	_ =	shalt  }
0x69: {  	_ =	shalt  }
0x6a: {  	_ =	shalt  }
0x6b: {  	_ =	shalt  }
0x6c: {  	_ =	shalt  }
0x6d: {  	_ =	shalt  }
0x6e: {  	_ =	shalt  }
0x6f: {  	_ =	shalt  }
0x70: {  	_ =	shalt  }
0x71: {  	_ =	shalt  }
0x72: {  	_ =	shalt  }
0x73: {  	_ =	shalt  }
0x74: {  	_ =	shalt  }
0x75: {  	_ =	shalt  }
0x76: {  	_ =	shalt  }
0x77: {  	_ =	shalt  }
0x78: {  	_ =	shalt  }
0x79: {  	_ =	shalt  }
0x7a: {  	_ =	shalt  }
0x7b: {  	_ =	shalt  }
0x7c: {  	_ =	shalt  }
0x7d: {  	_ =	shalt  }
0x7e: {  	_ =	shalt  }
0x7f: {  	_ =	shalt  }
0x80: {  	_ =	shalt  }
0x81: {  	_ =	shalt  }
0x82: {  	_ =	shalt  }
0x83: {  	_ =	shalt  }
0x84: {  	_ =	shalt  }
0x85: {  	_ =	shalt  }
0x86: {  	_ =	shalt  }
0x87: {  	_ =	shalt  }
.Lfunc_end0:
.L_simem_size_0:
called_computation.3_lowered:
.L_overlay_start_0:
0x88: {  	s2 =	sld [smem:$0x3FD9]  }
0x89: {  	s3 =	sld [smem:$0x3FFE];
	_ =	sdelay $0x1  }
0x8a: {  	s1 =	srdreg.scid  }
0x8b: {  	s0 =	sand.u32 $0x1, s1  }
0x8c: {  	s17 =	sshll.u32 s0, $0xA;
	s2 =	sadd.s32 s3, s2  }
0x8d: {  	s2 =	sadd.s32 s2, s17  }
0x8e: {  	[smem:$0x3FBD] =	sst s2  }
0x8f: {  	_ = 	snop  }
0x90: {  	s2 =	sld [smem:$0x3FD0];
	(tm) =	ssettm $0x1  }
0x91: {  	s18 =	sld [smem:$0x3FFB];
	_ =	sdelay $0x3  }
0x92: {  	_ =	strace s18  }
0x93: {  	s3 =	sld [smem:$0x3FFC];
	_ =	sdelay $0x3  }
0x94: {  	_ =	strace s3  }
0x95: {  	s3 =	sld [smem:$0x3FFD];
	_ =	sdelay $0x3  }
0x96: {  	_ =	strace s3  }
0x97: {  	_ =	strace $0x8FFFFFFF  }
0x98: {  	s19 =	sld [smem:$0x3FDB];
	_ =	sdelay $0x1  }
0x99: {  	s4 =	simm.s32 $_scs_section_size  }
0x9a: {  	s5 =	simm.s32 $_size__tile_overlayer_lowered;
	s6 =	simm.s32 $_tile_overlayer_lowered  }
0x9b: {  	s22 =	simm.s32 $0x1BFF;
	s21 =	sshll.u32 s6, $0x1;
	s3 =	sadd.s32 s4, s19  }
0x9c: {  	s7 =	simm.s32 $0x0;
	s20 =	sshll.u32 s5, $0x1;
	s5 =	sadd.s32 s21, s3  }
0x9d: {  	[timem:s7], [sflag:s22] =	dma.local [hbm:s5], s20  }
0x9e: {  	_ =	swait.ge [sflag:s22], s20  }
0x9f: {  	s4 =	ssub.s32 $0x0, s20;
	[sflag:s22] =	ssyncset.done $0x0  }
0xa0: {  	[sflag:s22] =	ssyncadd.s32 s4;
	_ =	sdelay $0x1  }
0xa1: {  	s23 =	simm.s32 $0x1B8B  }
0xa2: {  	_ =	swait.ge [sflag:s23], $0x1  }
0xa3: {  	[sflag:s23] =	ssyncset.done $0x0  }
0xa4: {  	s25 =	simm.s32 $0x1B8E;
	s24 =	sld [smem:$0x3FFE];
	[sflag:s23] =	ssyncadd.s32 $0xFFFFFFFF  }
0xa5: {  	s26 =	simm.s32 $execute0_lowered;
	[smem:$0x3FD2] =	sst s25  }
0xa6: {  	s5 =	sshll.u32 s26, $0x1;
	_ =	strace $0x8000004F;
	[dreg:$0x1] =	wrdreg $0xFFFFFFFF  }
0xa7: {  	s28 =	simm.s32 $_size_execute0_lowered;
	s3 =	sadd.s32 s3, s5;
	[dreg:$0x0] =	wrdreg $0x0  }
0xa8: {  	s5 =	sshll.u32 s28, $0x1;
	[dreg:$0x2] =	wrdreg s3  }
0xa9: {  	[dreg:$0x3] =	wrdreg s5  }
0xaa: {  	[dreg:$0x4] =	wrdreg $0xC0  }
0xab: {  	_ =	task [dreg:s7], $0x5FFFF  }
0xac: {  	[dreg:$0x1] =	wrdreg $0xFFFFFFFF  }
0xad: {  	[dreg:$0x0] =	wrdreg $0x60  }
0xae: {  	[dreg:$0x2] =	wrdreg s24  }
0xaf: {  	[dreg:$0x3] =	wrdreg s2  }
0xb0: {  	[dreg:$0x4] =	wrdreg $0x68000  }
0xb1: {  	[dreg:$0x5] =	wrdreg $0x9  }
0xb2: {  	_ =	task.clear_ibuf [dreg:s7], $0x6FFFF;
	_ =	strace $0x9000004F  }
0xb3: {  	s29 =	simm.s32 $0x9;
	_ =	strace $0x80000051  }
0xb4: {  	_ =	swait.ge [sflag:s29], $0x1  }
0xb5: {  	[sflag:s29] =	ssyncadd.s32 $0xFFFFFFFF  }
0xb6: {  	_ =	strace $0x90000051  }
0xb7: {  	_ =	sfence  }
0xb8: {  	s30 =	sld [smem:$0x0];
	_ =	sdelay $0x2  }
0xb9: {  	s31 =	sshll.u32 s1, $0xD;
	s1 =	sshrl.u32 s1, $0x2  }
0xba: {  	s3 =	sand.u32 $0x4000, s31;
	s1 =	sadd.s32 s1, s30  }
0xbb: {  	s0 =	sor.u32 s3, s0;
	s1 =	sshll.u32 s1, $0x11  }
0xbc: {  	s0 =	sor.u32 s1, s0  }
0xbd: {  	s0 =	sadd.s32 $0x8F2B, s0  }
0xbe: {  	[sflag:s0] =	ssyncadd.remote.s32 $0x1  }
0xbf: {  	_ =	sfence.sel $0xFFFF  }
0xc0: {  	[dreg:$0x0] =	wrdreg $0xFFFFFFFF;
	(pc) =	sbr.abs _section_cstart, $3  }
0xc1: {  	[dreg:$0x1] =	wrdreg $0xFFFFFFFF  }
0xc2: {  	_ =	task.clear_ibuf [dreg:s7], $0x2FFFF;
	_ =	strace $0x9FFFFFFF  }
0xc3: {  	(tm) =	ssettm $0x7FFFFFFF  }
tec
execute0_lowered:
.L_overlay_start_1:
0x0: {  	(tag) =	ssettag $0x1  }
0x1: {  	s0 =	rddreg [dreg:$0x0]  }
0x2: {  	s8 =	rddreg [dreg:$0x1]  }
0x3: {  	s1 =	rddreg [dreg:$0x2];
	s3 =	simm.s32 $0x0  }
0x4: {  	s2 =	stileid.u32;
	s5 =	srdreg.scid;
	s28 =	simm.s32 $0x4  }
0x5: {  	s31 =	simm.s32 $0x3E00;
	[smem:$0x7FF] =	sst s3;
	s12 =	smul.u32 $0x3E80, s2  }
0x6: {  	s9 =	sadd.s32 $0xD5200, s0;
	s11 =	sadd.s32 $0x20DA00, s0;
	s6 =	smul.u32 $0x7D000, s2  }
0x7: {  	s4 =	sshll.u32 s2, $0xB;
	s15 =	sand.u32 $0x1, s5;
	s23 =	smul.u32 $0x9C400, s2  }
0x8: {  	p2 =	slt.u32 s2, $0xA;
	s13 =	smul.u32 $0x13880, s2;
	_ =	strace $0x80000050  }
0x9: {  	s7 =	sadd.s32 s4, s0;
	s20 =	ssub.s32 $0x2, s15;
	p0 =	seq.s32 s15, $0x0  }
0xa: {  	p1 =	seq.s32 s15, $0x1;
	p3 =	sne.s32 s15, $0x0;
	s21 =	sshrl.u32 s20, $0x1  }
0xb: {  	p0 =	por !p0, !p2;
	s0 =	sadd.s32 s12, s0;
	s22 =	sshrl.u32 s6, $0x2  }
0xc: {  	p2 =	por !p2, !p1;
	s10 =	sshrl.u32 s23, $0x3;
	s7 =	sadd.s32 $0xCD200, s7  }
0xd: {  	s24 =	sadd.s32 s9, s13;
	s25 =	sadd.s32 s11, s13;
	s12 =	sadd.s32 s8, s12  }
0xe: {  	s26 =	sadd.s32 $0x13600, s13;
	s23 =	simm.s32 $0x1;
	s14 =	ssub.s32 s20, s21  }
0xf: {  	p0 =	por !p0, !p0;
	s4 =	sadd.s32 s22, s1;
	s5 =	sadd.s32 $0x7EE00, s0  }
0x10: {  	p2 =	por !p2, !p2;
	s6 =	sadd.s32 $0xA6000, s0;
	s16 =	sadd.s32 $0x280, s10  }
0x11: {  	s13 =	sadd.s32 $0x4A00, s0;
	s29 =	sadd.s32 s9, s26;
	[dreg:$0x4] =	wrdreg s24  }
0x12: {  	s30 =	sadd.s32 s11, s26;
	s8 =	sadd.s32 $0x780, s24;
	[dreg:$0x6] =	wrdreg s25  }
0x13: {  	s18 =	sadd.s32 $0x780, s25;
	s20 =	simm.s32 $0x5;
	s21 =	simm.s32 $0x4000  }
.Ltmp0:
0x14: {  	s22 =	simm.s32 $0x5400;
	s24 =	simm.s32 $0x28;
	(pc) =	sbr.rel .LBB2_1-.Ltmp0, $4  }
0x15: {  	s25 =	simm.s32 $0x3;
	s26 =	simm.s32 $0x2;
	[dreg:$0x8] =	wrdreg s29  }
0x16: {  	s17 =	sadd.s32 s9, s16;
	s16 =	sadd.s32 s11, s16;
	[dreg:$0x9] =	wrdreg s30  }
0x17: {  	s14 =	smax.u32 s14, $0x1;
	s0 =	sshll.u32 @p0 s2, $0x6;
	[dreg:$0x5] =	wrdreg s17  }
0x18: {  	[dreg:$0x7] =	wrdreg s16;
	s19 =	sor.u32 @p0 $0x1C05, s0;
	s0 =	simm.s32 $0x0  }
.LBB2_8:
0x19: {  	[tilespmem:s22], [sflag:$0x2] =	stream.linear.gather [hbm4b:s17+s3], $0x1400, $0x38;
	[tilespmem:$0x1A080] =	vst v63  }
0x1a: {  	_ =	swait.ge [sflag:s23], $0x1400  }
0x1b: {  	[sflag:s23] =	ssyncset.done $0x0  }
0x1c: {  	s10 =	simm.s32 $0x3D00;
	[sflag:s23] =	ssyncadd.s32 $0xFFFFEC00  }
0x1d: {  	[spmem:s1] =	stream.indirect.scatter.add.f32 [tilespmem:s21], [sflag:$0x3], $0x80, s10, s24, $0xb8;
	[tilespmem:$0x1A080] =	vst v63  }
0x1e: {  	_ =	swait.ge [sflag:s25], $0x1400  }
0x1f: {  	[sflag:s25] =	ssyncset.done $0x0  }
0x20: {  	s29 =	rddreg [dreg:$0x9];
	[sflag:s25] =	ssyncadd.s32 $0xFFFFEC00  }
0x21: {  	[tilespmem:s21], [sflag:$0x1] =	stream.linear.gather [hbm4b:s29+s3], $0x1400, $0x38;
	[tilespmem:$0x1A080] =	vst v63  }
0x22: {  	_ =	swait.ge [sflag:s26], $0x1400  }
0x23: {  	[sflag:s26] =	ssyncset.done $0x0  }
0x24: {  	s30 =	simm.s32 $0x3D80;
	[sflag:s26] =	ssyncadd.s32 $0xFFFFEC00  }
0x25: {  	[spmem:s1] =	stream.indirect.scatter.add.f32 [tilespmem:s22], [sflag:$0x4], $0x80, s30, s24, $0xb8;
	[tilespmem:$0x1A080] =	vst v63  }
0x26: {  	_ =	swait.ge [sflag:s28], $0x1400  }
0x27: {  	[sflag:s28] =	ssyncset.done $0x0  }
0x28: {  	[sflag:s28] =	ssyncadd.s32 $0xFFFFEC00  }
0x29: {  	_ =	swait.ge [sflag:s23], $0x1400  }
0x2a: {  	[sflag:s23] =	ssyncset.done $0x0  }
0x2b: {  	[sflag:s23] =	ssyncadd.s32 $0xFFFFEC00  }
0x2c: {  	[spmem:s1] =	stream.indirect.scatter.add.f32 [tilespmem:s21], [sflag:$0x3], $0x80, s31, s24, $0xb8;
	[tilespmem:$0x1A080] =	vst v63  }
0x2d: {  	_ =	swait.ge [sflag:s25], $0x1400  }
0x2e: {  	[sflag:s25] =	ssyncset.done $0x0  }
0x2f: {  	[sflag:s25] =	ssyncadd.s32 $0xFFFFEC00  }
.LBB2_9:
0x30: {  	[bflag:$0x0] =	sbarrier.arrive $0xFFFF  }
0x31: {  	[hbm:s12], [sflag:s19] =	dma.local @p0 [spmem:s9], $0x3E80  }
0x32: {  	s9 =	simm.s32 @p0 $0x5  }
0x33: {  	s0 =	sadd.s32 $0x1, s0;
	_ =	swait.ge @p0 [sflag:s9], $0x3E80  }
0x34: {  	p4 =	sne.s32 s0, s14;
	[sflag:s9] =	ssyncset.done @p0 $0x0  }
.Ltmp1:
0x35: {  	[sflag:s9] =	ssyncadd.s32 @p0 $0xFFFFC180;
	s9 =	simm.s32 @p2 $0x5;
	(pc) =	sbr.rel @!p4 .LBB2_10-.Ltmp1, $4  }
0x36: {  	[hbm:s13], [sflag:s11] =	dma.local @p2 [spmem:s15], $0x3E80  }
0x37: {  	_ =	swait.ge @p2 [sflag:s9], $0x3E80  }
0x38: {  	[sflag:s9] =	ssyncset.done @p2 $0x0  }
0x39: {  	[sflag:s9] =	ssyncadd.s32 @p2 $0xFFFFC180  }
.LBB2_1:
0x3a: {  	s9 =	sshrl.u32 @p0 s4, $0x3;
	s11 =	simm.s32 @p0 $0x5  }
0x3b: {  	[spmem:s9], [sflag:s19] =	dma.local @p0 [hbm:s5], $0x3E80  }
0x3c: {  	_ =	swait.ge @p0 [sflag:s11], $0x3E80  }
0x3d: {  	s15 =	sshll.u32 @p2 s2, $0x6;
	s16 =	simm.s32 @p2 $0x5;
	[sflag:s11] =	ssyncset.done @p0 $0x0  }
0x3e: {  	[sflag:s11] =	ssyncadd.s32 @p0 $0xFFFFC180;
	s11 =	sor.u32 @p2 $0x1C05, s15;
	s15 =	sshrl.u32 @p2 s4, $0x3  }
0x3f: {  	[spmem:s15], [sflag:s11] =	dma.local @p2 [hbm:s6], $0x3E80  }
0x40: {  	_ =	swait.ge @p2 [sflag:s16], $0x3E80  }
0x41: {  	[sflag:s16] =	ssyncset.done @p2 $0x0  }
0x42: {  	[sflag:s16] =	ssyncadd.s32 @p2 $0xFFFFC180  }
.Ltmp2:
0x43: {  	[bflag:$0x0] =	sbarrier.arrive $0xFFFF;
	(pc) =	sbr.rel @p3 .LBB2_5-.Ltmp2, $4  }
0x44: {  	[tilespmem:s3], [sflag:$0x5] =	stream.linear.gather [hbm4b:s7+s3], $0x3E80, $0x38;
	[tilespmem:$0x1A080] =	vst v63  }
0x45: {  	_ =	swait.ge [sflag:s20], $0x3E80  }
0x46: {  	[sflag:s20] =	ssyncset.done $0x0  }
0x47: {  	[sflag:s20] =	ssyncadd.s32 $0xFFFFC180  }
0x48: {  	s16 =	simm.s32 $0x0;
	s10 =	rddreg [dreg:$0x4]  }
0x49: {  	[tilespmem:s21], [sflag:$0x1] =	stream.linear.gather [hbm4b:s10+s16], $0x1400, $0x38;
	[tilespmem:$0x1A080] =	vst v63  }
0x4a: {  	s30 =	rddreg [dreg:$0x5]  }
0x4b: {  	[tilespmem:s22], [sflag:$0x2] =	stream.linear.gather [hbm4b:s30+s16], $0x1400, $0x38;
	[tilespmem:$0x1A080] =	vst v63  }
0x4c: {  	_ =	swait.ge [sflag:s23], $0x1400  }
0x4d: {  	[sflag:s23] =	ssyncset.done $0x0  }
0x4e: {  	s10 =	simm.s32 $0x0;
	[sflag:s23] =	ssyncadd.s32 $0xFFFFEC00  }
0x4f: {  	[spmem:s1] =	stream.indirect.scatter.add.f32 [tilespmem:s21], [sflag:$0x3], $0x80, s10, s24, $0xb8;
	[tilespmem:$0x1A080] =	vst v63  }
0x50: {  	_ =	swait.ge [sflag:s25], $0x1400  }
0x51: {  	[sflag:s25] =	ssyncset.done $0x0  }
0x52: {  	s17 =	sadd.s32 $0xFFFFFD80, s8;
	[sflag:s25] =	ssyncadd.s32 $0xFFFFEC00  }
0x53: {  	[tilespmem:s21], [sflag:$0x1] =	stream.linear.gather [hbm4b:s17+s3], $0x1400, $0x38;
	[tilespmem:$0x1A080] =	vst v63  }
0x54: {  	_ =	swait.ge [sflag:s26], $0x1400  }
0x55: {  	[sflag:s26] =	ssyncset.done $0x0  }
0x56: {  	s30 =	simm.s32 $0x80;
	[sflag:s26] =	ssyncadd.s32 $0xFFFFEC00  }
0x57: {  	[spmem:s1] =	stream.indirect.scatter.add.f32 [tilespmem:s22], [sflag:$0x4], $0x80, s30, s24, $0xb8;
	[tilespmem:$0x1A080] =	vst v63  }
0x58: {  	_ =	swait.ge [sflag:s28], $0x1400  }
0x59: {  	s29 =	sadd.s32 $0x500, s8;
	[sflag:s28] =	ssyncset.done $0x0  }
0x5a: {  	s16 =	simm.s32 $0x400;
	s17 =	smov.u32 s8;
	[sflag:s28] =	ssyncadd.s32 $0xFFFFEC00  }
.LBB2_3:
0x5b: {  	[tilespmem:s22], [sflag:$0x2] =	stream.linear.gather [hbm4b:s17+s3], $0x1400, $0x38;
	[tilespmem:$0x1A080] =	vst v63  }
0x5c: {  	s30 =	smov.u32 s16;
	s17 =	smov.u32 s29  }
0x5d: {  	p4 =	sne.s32 s16, $0xF000;
	s16 =	sadd.s32 $0x400, s16;
	_ =	swait.ge [sflag:s23], $0x1400  }
0x5e: {  	[sflag:s23] =	ssyncset.done $0x0  }
0x5f: {  	s30 =	sshra.s32 s30, $0x2;
	[sflag:s23] =	ssyncadd.s32 $0xFFFFEC00  }
0x60: {  	[spmem:s1] =	stream.indirect.scatter.add.f32 [tilespmem:s21], [sflag:$0x3], $0x80, s30, s24, $0xb8;
	[tilespmem:$0x1A080] =	vst v63  }
0x61: {  	_ =	swait.ge [sflag:s25], $0x1400  }
0x62: {  	[sflag:s25] =	ssyncset.done $0x0  }
0x63: {  	s10 =	sadd.s32 $0xFFFFFD80, s29;
	[sflag:s25] =	ssyncadd.s32 $0xFFFFEC00  }
0x64: {  	[tilespmem:s21], [sflag:$0x1] =	stream.linear.gather [hbm4b:s10+s3], $0x1400, $0x38;
	[tilespmem:$0x1A080] =	vst v63  }
0x65: {  	_ =	swait.ge [sflag:s26], $0x1400  }
0x66: {  	[sflag:s26] =	ssyncset.done $0x0  }
.Ltmp3:
0x67: {  	s10 =	sadd.s32 $0x80, s30;
	[sflag:s26] =	ssyncadd.s32 $0xFFFFEC00;
	(pc) =	sbr.rel @p4 .LBB2_3-.Ltmp3, $4  }
0x68: {  	[spmem:s1] =	stream.indirect.scatter.add.f32 [tilespmem:s22], [sflag:$0x4], $0x80, s10, s24, $0xb8;
	[tilespmem:$0x1A080] =	vst v63  }
0x69: {  	_ =	swait.ge [sflag:s28], $0x1400  }
0x6a: {  	[sflag:s28] =	ssyncset.done $0x0  }
0x6b: {  	s29 =	sadd.s32 $0x500, s29;
	[sflag:s28] =	ssyncadd.s32 $0xFFFFEC00  }
0x6c: {  	[tilespmem:s22], [sflag:$0x2] =	stream.linear.gather [hbm4b:s17+s3], $0x1400, $0x38;
	[tilespmem:$0x1A080] =	vst v63  }
0x6d: {  	_ =	swait.ge [sflag:s23], $0x1400  }
0x6e: {  	[sflag:s23] =	ssyncset.done $0x0  }
0x6f: {  	s10 =	simm.s32 $0x3D00;
	[sflag:s23] =	ssyncadd.s32 $0xFFFFEC00  }
0x70: {  	[spmem:s1] =	stream.indirect.scatter.add.f32 [tilespmem:s21], [sflag:$0x3], $0x80, s10, s24, $0xb8;
	[tilespmem:$0x1A080] =	vst v63  }
0x71: {  	_ =	swait.ge [sflag:s25], $0x1400  }
0x72: {  	[sflag:s25] =	ssyncset.done $0x0  }
0x73: {  	s29 =	rddreg [dreg:$0x8];
	[sflag:s25] =	ssyncadd.s32 $0xFFFFEC00  }
0x74: {  	[tilespmem:s21], [sflag:$0x1] =	stream.linear.gather [hbm4b:s29+s3], $0x1400, $0x38;
	[tilespmem:$0x1A080] =	vst v63  }
0x75: {  	_ =	swait.ge [sflag:s26], $0x1400  }
0x76: {  	[sflag:s26] =	ssyncset.done $0x0  }
0x77: {  	s30 =	simm.s32 $0x3D80;
	[sflag:s26] =	ssyncadd.s32 $0xFFFFEC00  }
0x78: {  	[spmem:s1] =	stream.indirect.scatter.add.f32 [tilespmem:s22], [sflag:$0x4], $0x80, s30, s24, $0xb8;
	[tilespmem:$0x1A080] =	vst v63  }
0x79: {  	_ =	swait.ge [sflag:s28], $0x1400  }
0x7a: {  	[sflag:s28] =	ssyncset.done $0x0  }
0x7b: {  	[sflag:s28] =	ssyncadd.s32 $0xFFFFEC00  }
0x7c: {  	_ =	swait.ge [sflag:s23], $0x1400  }
0x7d: {  	[sflag:s23] =	ssyncset.done $0x0  }
0x7e: {  	[sflag:s23] =	ssyncadd.s32 $0xFFFFEC00  }
0x7f: {  	[spmem:s1] =	stream.indirect.scatter.add.f32 [tilespmem:s21], [sflag:$0x3], $0x80, s31, s24, $0xb8;
	[tilespmem:$0x1A080] =	vst v63  }
0x80: {  	_ =	swait.ge [sflag:s25], $0x1400  }
0x81: {  	[sflag:s25] =	ssyncset.done $0x0  }
0x82: {  	[sflag:s25] =	ssyncadd.s32 $0xFFFFEC00  }
.LBB2_5:
.Ltmp4:
0x83: {  	(pc) =	sbr.rel @!p1 .LBB2_9-.Ltmp4, $1  }
0x84: {  	_ =	sdelay $0x3  }
0x85: {  	s10 =	simm.s32 $0x0;
	s16 =	rddreg [dreg:$0x6]  }
0x86: {  	[tilespmem:s21], [sflag:$0x1] =	stream.linear.gather [hbm4b:s16+s10], $0x1400, $0x38;
	[tilespmem:$0x1A080] =	vst v63  }
0x87: {  	s30 =	rddreg [dreg:$0x7]  }
0x88: {  	[tilespmem:s22], [sflag:$0x2] =	stream.linear.gather [hbm4b:s30+s10], $0x1400, $0x38;
	[tilespmem:$0x1A080] =	vst v63  }
0x89: {  	_ =	swait.ge [sflag:s23], $0x1400  }
0x8a: {  	[sflag:s23] =	ssyncset.done $0x0  }
0x8b: {  	s16 =	simm.s32 $0x0;
	[sflag:s23] =	ssyncadd.s32 $0xFFFFEC00  }
0x8c: {  	[spmem:s1] =	stream.indirect.scatter.add.f32 [tilespmem:s21], [sflag:$0x3], $0x80, s16, s24, $0xb8;
	[tilespmem:$0x1A080] =	vst v63  }
0x8d: {  	_ =	swait.ge [sflag:s25], $0x1400  }
0x8e: {  	[sflag:s25] =	ssyncset.done $0x0  }
0x8f: {  	s17 =	sadd.s32 $0xFFFFFD80, s18;
	[sflag:s25] =	ssyncadd.s32 $0xFFFFEC00  }
0x90: {  	[tilespmem:s21], [sflag:$0x1] =	stream.linear.gather [hbm4b:s17+s3], $0x1400, $0x38;
	[tilespmem:$0x1A080] =	vst v63  }
0x91: {  	_ =	swait.ge [sflag:s26], $0x1400  }
0x92: {  	[sflag:s26] =	ssyncset.done $0x0  }
0x93: {  	s30 =	simm.s32 $0x80;
	[sflag:s26] =	ssyncadd.s32 $0xFFFFEC00  }
0x94: {  	[spmem:s1] =	stream.indirect.scatter.add.f32 [tilespmem:s22], [sflag:$0x4], $0x80, s30, s24, $0xb8;
	[tilespmem:$0x1A080] =	vst v63  }
0x95: {  	_ =	swait.ge [sflag:s28], $0x1400  }
0x96: {  	s29 =	sadd.s32 $0x500, s18;
	[sflag:s28] =	ssyncset.done $0x0  }
0x97: {  	s16 =	simm.s32 $0x400;
	s17 =	smov.u32 s18;
	[sflag:s28] =	ssyncadd.s32 $0xFFFFEC00  }
.LBB2_7:
0x98: {  	[tilespmem:s22], [sflag:$0x2] =	stream.linear.gather [hbm4b:s17+s3], $0x1400, $0x38;
	[tilespmem:$0x1A080] =	vst v63  }
0x99: {  	s10 =	smov.u32 s16;
	s17 =	smov.u32 s29  }
0x9a: {  	p4 =	sne.s32 s16, $0xF000;
	s16 =	sadd.s32 $0x400, s16;
	_ =	swait.ge [sflag:s23], $0x1400  }
0x9b: {  	[sflag:s23] =	ssyncset.done $0x0  }
0x9c: {  	s10 =	sshra.s32 s10, $0x2;
	[sflag:s23] =	ssyncadd.s32 $0xFFFFEC00  }
0x9d: {  	[spmem:s1] =	stream.indirect.scatter.add.f32 [tilespmem:s21], [sflag:$0x3], $0x80, s10, s24, $0xb8;
	[tilespmem:$0x1A080] =	vst v63  }
0x9e: {  	_ =	swait.ge [sflag:s25], $0x1400  }
0x9f: {  	[sflag:s25] =	ssyncset.done $0x0  }
0xa0: {  	s30 =	sadd.s32 $0xFFFFFD80, s29;
	[sflag:s25] =	ssyncadd.s32 $0xFFFFEC00  }
0xa1: {  	[tilespmem:s21], [sflag:$0x1] =	stream.linear.gather [hbm4b:s30+s3], $0x1400, $0x38;
	[tilespmem:$0x1A080] =	vst v63  }
0xa2: {  	_ =	swait.ge [sflag:s26], $0x1400  }
0xa3: {  	[sflag:s26] =	ssyncset.done $0x0  }
.Ltmp5:
0xa4: {  	s10 =	sadd.s32 $0x80, s10;
	[sflag:s26] =	ssyncadd.s32 $0xFFFFEC00;
	(pc) =	sbr.rel @p4 .LBB2_7-.Ltmp5, $4  }
0xa5: {  	[spmem:s1] =	stream.indirect.scatter.add.f32 [tilespmem:s22], [sflag:$0x4], $0x80, s10, s24, $0xb8;
	[tilespmem:$0x1A080] =	vst v63  }
0xa6: {  	_ =	swait.ge [sflag:s28], $0x1400  }
0xa7: {  	[sflag:s28] =	ssyncset.done $0x0  }
0xa8: {  	s29 =	sadd.s32 $0x500, s29;
	[sflag:s28] =	ssyncadd.s32 $0xFFFFEC00  }
.Ltmp6:
0xa9: {  	_ = 	snop;
	(pc) =	sbr.rel .LBB2_8-.Ltmp6, $1  }
0xaa: {  	_ =	sdelay $0x3  }
.LBB2_10:
0xab: {  	_ =	sfence.sel $0x180000  }
0xac: {  	[bflag:$0x0] =	sbarrier.arrive $0xFFFF  }
0xad: {  	_ =	strace $0x90000050  }
0xae: {  	[bflag:$0x2] =	sbarrier.arrive $0xFFFF  }
0xaf: {  	p0 =	sne.s32 s2, $0x0;
	s0 =	rddreg [dreg:$0x3]  }
0xb0: {  	s0 =	sadd.s32 @!p0 $0x100000, s0  }
0xb1: {  	[sflag:s0] =	ssyncadd.tile.s32 @!p0 $0x1;
	_ =	shalt  }
.Lfunc_end2:
_tile_overlayer_lowered:
.L_overlay_start_2:
0xb2: {  	(tag) =	ssettag $0x2  }
0xb3: {  	s0 =	rddreg [dreg:$0x0];
	s2 =	stileid.u32  }
0xb4: {  	s1 =	rddreg [dreg:$0x1];
	p0 =	sne.s32 s2, $0x0  }
0xb5: {  	s3 =	rddreg [dreg:$0x2];
	[bflag:$0x3] =	sbarrier.arrive $0xFFFF;
	s2 =	simm.s32 @!p0 $0x1C05  }
0xb6: {  	[timem:s3], [sflag:s2] =	dma.local @!p0 [hbm:s0], s1  }
0xb7: {  	s0 =	simm.s32 @!p0 $0x5  }
0xb8: {  	_ =	swait.ge @!p0 [sflag:s0], s1  }
0xb9: {  	s1 =	ssub.s32 @!p0 $0x0, s1;
	[sflag:s0] =	ssyncset.done @!p0 $0x0  }
0xba: {  	[sflag:s0] =	ssyncadd.s32 @!p0 s1  }
0xbb: {  	[bflag:$0x3] =	sbarrier.arrive $0xFFFF  }
0xbc: {  	_ =	shalt  }

</sc_bundles>
